<compile_context>
chip_gen: v7x
topology: tpu7x:2x2x1
jax: 0.10.2.dev20260603
libtpu: 0.0.44.dev20260713+nightly
codegen_flags: <defaults>
</compile_context>

<pallas_src>
import functools

import jax
import jax.numpy as jnp
from jax import lax
from jax.experimental import pallas as pl
from jax.experimental.pallas import tpu as pltpu
from jax.experimental.pallas import tpu_sc as plsc

_NTYPES = 4
_N_DIM = 128
_E_DIM = 64
_AXIS = 4
_NLAYERS = 3
_RCUT = 6.0
_RCUT_SMTH = 5.0
_EPS = 1e-6

_BA = 80
_BE = _BA * 32
_CH = 128
_NCH = _BE // _CH
_CK = 80
_NBUF = 5



@functools.lru_cache(maxsize=None)
def _make_sc_gather(V, D, B):
    info = plsc.get_sparse_core_info()
    nc, ns = info.num_cores, info.num_subcores
    nw = nc * ns
    per_w = B // nw
    assert per_w * nw == B and per_w % _CK == 0
    nch = per_w // _CK
    nbuf = _NBUF
    assert nch % nbuf == 0
    rounds = nch // nbuf
    mesh = plsc.VectorSubcoreMesh(core_axis_name="c", subcore_axis_name="s")

    @functools.partial(
        pl.kernel,
        mesh=mesh,
        compiler_params=pltpu.CompilerParams(use_tc_tiling_on_sc=False),
        out_type=jax.ShapeDtypeStruct((B, D), jnp.float32),
        scratch_types=(
            [pltpu.VMEM((per_w,), jnp.int32)]
            + [pltpu.VMEM((_CK, D), jnp.float32) for _ in range(nbuf)]
            + [pltpu.SemaphoreType.DMA for _ in range(nbuf)]
        ),
    )
    def gather(table_hbm, idx_hbm, out_hbm, idx_v, *rest):
        bufs = rest[:nbuf]
        sems = rest[nbuf:]
        wid = lax.axis_index("s") * nc + lax.axis_index("c")
        row0 = wid * per_w
        pltpu.sync_copy(idx_hbm.at[pl.ds(row0, per_w)], idx_v)

        @pl.loop(0, rounds)
        def _(g):
            base = g * nbuf
            ds = [
                pltpu.async_copy(
                    table_hbm.at[idx_v.at[pl.ds((base + b) * _CK, _CK)]],
                    bufs[b], sems[b])
                for b in range(nbuf)
            ]
            for b in range(nbuf):
                ds[b].wait()
                pltpu.sync_copy(
                    bufs[b], out_hbm.at[pl.ds(row0 + (base + b) * _CK, _CK)]
                )

    return gather


def _sc_gather(table, idx):
    V, D = table.shape
    B = idx.shape[0]
    return _make_sc_gather(V, D, B)(table, idx)



def _silu(x):
    return x * (1.0 / (1.0 + jnp.exp(-x)))


def _band_mask(nrows):
    row = lax.broadcasted_iota(jnp.int32, (nrows, _CH), 0)
    lane = lax.broadcasted_iota(jnp.int32, (nrows, _CH), 1)
    return (lane // 32) == (row % 4)


def _chunk_reduce(fields, edge_flat):
    nb = len(fields)
    mask = _band_mask(4 * nb)
    outs = []
    for c in range(_NCH):
        fc = jnp.stack([f[c * _CH:(c + 1) * _CH] for f in fields])
        fcr = jnp.repeat(fc, 4, axis=0)
        wc = jnp.where(mask, fcr, 0.0)
        outs.append(jnp.dot(wc, edge_flat[c * _CH:(c + 1) * _CH, :],
                            preferred_element_type=jnp.float32))
    r = jnp.stack(outs)
    return [r[:, 4 * b:4 * b + 4, :].reshape(_BA, _E_DIM) for b in range(nb)]


def _tc_init_body(cnb_ref, coordp_ref, atype_ref, temb_ref, we_ref, be_ref,
                  w3e_ref, fld_ref, edge_ref, node_ref, p_ref):
    cn = cnb_ref[...]
    cp = coordp_ref[...]
    fx = (cn[:, :, 0] - cp[:, 0:1]).reshape(_BE)
    fy = (cn[:, :, 1] - cp[:, 1:2]).reshape(_BE)
    fz = (cn[:, :, 2] - cp[:, 2:3]).reshape(_BE)
    r2 = fx * fx + fy * fy + fz * fz + 1e-12
    dist = jnp.sqrt(r2)
    uu = jnp.clip((dist - _RCUT_SMTH) / (_RCUT - _RCUT_SMTH), 0.0, 1.0)
    swf = uu ** 3 * (-6.0 * uu ** 2 + 15.0 * uu - 10.0) + 1.0
    f0 = swf / (dist + _EPS)
    inv2 = f0 / (dist + _EPS)
    f1 = inv2 * fx
    f2 = inv2 * fy
    f3 = inv2 * fz

    fld = jnp.concatenate(
        [swf.reshape(1, _BE), (f0 * swf).reshape(1, _BE),
         (f1 * swf).reshape(1, _BE), (f2 * swf).reshape(1, _BE),
         (f3 * swf).reshape(1, _BE), f1.reshape(1, _BE),
         f2.reshape(1, _BE), f3.reshape(1, _BE)], axis=0)
    fld_ref[...] = fld.reshape(1, 8, _BE)

    wt = jnp.concatenate([we_ref[...], be_ref[...]], axis=0)
    ones = jnp.ones((_CH,), jnp.float32)
    for c in range(_NCH):
        s = jnp.stack([f0[c * _CH:(c + 1) * _CH], f1[c * _CH:(c + 1) * _CH],
                       f2[c * _CH:(c + 1) * _CH], f3[c * _CH:(c + 1) * _CH],
                       ones])
        t = lax.dot_general(s, wt, (((0,), (0,)), ((), ())),
                            preferred_element_type=jnp.float32)
        edge_ref[pl.ds(c * _CH, _CH), :] = _silu(t)

    at = atype_ref[...]
    ids = lax.broadcasted_iota(jnp.int32, (at.shape[0], _NTYPES), 1)
    onehot = (ids == at).astype(jnp.float32)
    node0 = jnp.dot(onehot, temb_ref[...], preferred_element_type=jnp.float32)
    node_ref[...] = node0
    p_ref[...] = jnp.dot(node0, w3e_ref[...], preferred_element_type=jnp.float32)


def _tc_layer_body(last, edge_ref, pg_ref, fld_ref, node_ref, wn1_ref,
                   wn2_ref, wn3_ref, w1e_ref, w2e_ref, w3n_ref,
                   edge1_ref, node1_ref, *outs):
    edge = edge_ref[...]
    fld = fld_ref[...]
    fields = [fld[0, k, :] for k in range(5)]
    inv_n = 1.0 / 32.0
    red = _chunk_reduce(fields, edge)
    ea = red[0] * inv_n
    grs = [red[a + 1] * inv_n for a in range(_AXIS)]

    gparts = []
    for a in range(_AXIS):
        sel = (lax.broadcasted_iota(jnp.int32, (_E_DIM, _E_DIM), 0) == a
               ).astype(jnp.float32)
        acc = None
        for d in range(_AXIS):
            col = jnp.dot(grs[d], sel, preferred_element_type=jnp.float32)
            t = col * grs[d]
            acc = t if acc is None else acc + t
        gparts.append(acc)
    grrg = jnp.concatenate(gparts, axis=1)

    node = node_ref[...]
    pre = jnp.dot(node, wn1_ref[...], preferred_element_type=jnp.float32)
    pre = pre + jnp.dot(ea, wn2_ref[...], preferred_element_type=jnp.float32)
    pre = pre + jnp.dot(grrg, wn3_ref[...], preferred_element_type=jnp.float32)
    node1 = node + _silu(pre)
    node1_ref[...] = node1

    e1m = jnp.dot(edge, w1e_ref[...], preferred_element_type=jnp.float32)
    q = jnp.dot(node1, w2e_ref[...], preferred_element_type=jnp.float32)
    qexp = jnp.repeat(q, 32, axis=0)
    epre = e1m + qexp + pg_ref[...]
    edge1 = edge + _silu(epre)

    if last:
        rot1_ref, rot2_ref, rot3_ref = outs
        edge1_ref[...] = edge1.reshape(_BA, 32, _E_DIM)
        rot = _chunk_reduce(fields[2:], edge1)
        rot1_ref[...] = rot[0] * inv_n
        rot2_ref[...] = rot[1] * inv_n
        rot3_ref[...] = rot[2] * inv_n
    else:
        edge1_ref[...] = edge1
        (p_ref,) = outs
        p_ref[...] = jnp.dot(node1, w3n_ref[...],
                             preferred_element_type=jnp.float32)



def _full(shape):
    return pl.BlockSpec(shape, lambda i: (0,) * len(shape))


def _tc_init(cnb3, coordp, atype2, temb, we, be2, w3e0, nall, nnei):
    nb = nall // _BA
    bs_f = pl.BlockSpec((1, 8, _BE), lambda i: (i, 0, 0))
    out_shapes = (
        [jax.ShapeDtypeStruct((nb, 8, _BE), jnp.float32),
         jax.ShapeDtypeStruct((nall * nnei, _E_DIM), jnp.float32),
         jax.ShapeDtypeStruct((nall, _N_DIM), jnp.float32),
         jax.ShapeDtypeStruct((nall, _E_DIM), jnp.float32)]
    )
    out_specs = (
        [bs_f,
         pl.BlockSpec((_BE, _E_DIM), lambda i: (i, 0)),
         pl.BlockSpec((_BA, _N_DIM), lambda i: (i, 0)),
         pl.BlockSpec((_BA, _E_DIM), lambda i: (i, 0))]
    )
    return pl.pallas_call(
        _tc_init_body,
        grid=(nb,),
        in_specs=[
            pl.BlockSpec((_BA, nnei, 16), lambda i: (i, 0, 0)),
            pl.BlockSpec((_BA, 16), lambda i: (i, 0)),
            pl.BlockSpec((_BA, 1), lambda i: (i, 0)),
            _full((_NTYPES, _N_DIM)),
            _full((4, _E_DIM)),
            _full((1, _E_DIM)),
            _full((_N_DIM, _E_DIM)),
        ],
        out_specs=tuple(out_specs),
        out_shape=tuple(out_shapes),
    )(cnb3, coordp, atype2, temb, we, be2, w3e0)


def _tc_layer(last, edge, pg, fld, node, wn1, wn2, wn3, w1e, w2e, w3n,
              nall, nnei):
    nb = nall // _BA
    bs_f = pl.BlockSpec((1, 8, _BE), lambda i: (i, 0, 0))
    bs_e = pl.BlockSpec((_BE, _E_DIM), lambda i: (i, 0))
    bs_n = pl.BlockSpec((_BA, _N_DIM), lambda i: (i, 0))
    bs_p = pl.BlockSpec((_BA, _E_DIM), lambda i: (i, 0))
    if last:
        out_shapes = [jax.ShapeDtypeStruct((nall, nnei, _E_DIM), jnp.float32)]
        out_specs = [pl.BlockSpec((_BA, nnei, _E_DIM), lambda i: (i, 0, 0))]
    else:
        out_shapes = [jax.ShapeDtypeStruct((nall * nnei, _E_DIM), jnp.float32)]
        out_specs = [bs_e]
    out_shapes += [jax.ShapeDtypeStruct((nall, _N_DIM), jnp.float32)]
    out_specs += [bs_n]
    if last:
        out_shapes += [jax.ShapeDtypeStruct((nall, _E_DIM), jnp.float32)] * 3
        out_specs += [bs_p] * 3
    else:
        out_shapes += [jax.ShapeDtypeStruct((nall, _E_DIM), jnp.float32)]
        out_specs += [bs_p]
    return pl.pallas_call(
        functools.partial(_tc_layer_body, last),
        grid=(nb,),
        in_specs=[
            bs_e, bs_e, bs_f, bs_n,
            _full((_N_DIM, _N_DIM)),
            _full((_E_DIM, _N_DIM)),
            _full((_E_DIM * _AXIS, _N_DIM)),
            _full((_E_DIM, _E_DIM)),
            _full((_N_DIM, _E_DIM)),
            _full((_N_DIM, _E_DIM)),
        ],
        out_specs=tuple(out_specs),
        out_shape=tuple(out_shapes),
    )(edge, pg, fld, node, wn1, wn2, wn3, w1e, w2e, w3n)



def _one_frame(coord, atype, nl, type_embedding, W_e_init, b_e_init, W_node,
               W_edge):
    nall, nnei = nl.shape
    nl = nl.astype(jnp.int32)
    idx_flat = nl.reshape(-1)

    coordp = jnp.concatenate(
        [coord.astype(jnp.float32),
         jnp.zeros((nall, 13), jnp.float32)], axis=1)
    cnb = _sc_gather(coordp, idx_flat)
    cnb3 = cnb.reshape(nall, nnei, 16)
    atype2 = atype.astype(jnp.int32).reshape(nall, 1)

    w3e = [W_edge[l][_E_DIM + _N_DIM:] for l in range(_NLAYERS)]
    be2 = b_e_init.reshape(1, _E_DIM)

    (fld, edge, node, p) = _tc_init(
        cnb3, coordp, atype2, type_embedding, W_e_init, be2, w3e[0],
        nall, nnei)

    rot = None
    for l in range(_NLAYERS):
        pg = _sc_gather(p, idx_flat)
        wn = W_node[l]
        wn1, wn2 = wn[:_N_DIM], wn[_N_DIM:_N_DIM + _E_DIM]
        wn3 = (wn[_N_DIM + _E_DIM:]
               .reshape(_E_DIM, _AXIS, _N_DIM)
               .transpose(1, 0, 2)
               .reshape(_E_DIM * _AXIS, _N_DIM))
        w1e = W_edge[l][:_E_DIM]
        w2e = W_edge[l][_E_DIM:_E_DIM + _N_DIM]
        last = l == _NLAYERS - 1
        w3n = w3e[l + 1] if not last else w3e[l]
        res = _tc_layer(last, edge, pg, fld, node,
                        wn1, wn2, wn3, w1e, w2e, w3n, nall, nnei)
        if last:
            edge, node, r1, r2, r3 = res
            rot = jnp.stack([r1, r2, r3], axis=1)
        else:
            edge, node, p = res

    nb = nall // _BA
    h2 = (fld[:, 5:8, :]
          .reshape(nb, 3, _BA, nnei)
          .transpose(0, 2, 3, 1)
          .reshape(nall, nnei, 3))
    sw = fld[:, 0, :].reshape(nall, nnei)
    return node, edge, h2, rot, sw


def kernel(extended_coord, extended_atype, nlist, type_embedding, W_e_init,
           b_e_init, W_node, W_edge):
    nf = extended_coord.shape[0]
    outs = [
        _one_frame(extended_coord[f], extended_atype[f], nlist[f],
                   type_embedding, W_e_init, b_e_init, W_node, W_edge)
        for f in range(nf)
    ]
    return tuple(jnp.stack([o[i] for o in outs], axis=0) for i in range(5))

# --- scband reference (transcript-rebuilt; emitter-appended) ---
"""Pipeline reference for scband-descrpt-dpa3-89593017794976 (READ-ONLY COPY).

The authoritative reference and input builder live on the scoring server;
editing this copy changes nothing except your own understanding.
"""

import jax, jax.numpy as jnp
import numpy as np

NTYPES = 4
N_DIM = 128
E_DIM = 64
AXIS = 4
NLAYERS = 3
RCUT = 6.0
RCUT_SMTH = 5.0
EPS = 1e-6


def _switch(r, rs, rc):
    uu = jnp.clip((r - rs) / (rc - rs), 0.0, 1.0)
    return uu ** 3 * (-6.0 * uu ** 2 + 15.0 * uu - 10.0) + 1.0


def setup_inputs(seed: int = 0) -> dict:
    key = jax.random.key(seed)
    ks = [jax.random.fold_in(key, i) for i in range(8)]
    nf, nall, nnei = 1, 10000, 32
    extended_coord = jax.random.uniform(ks[0], (nf, nall, 3), dtype=jnp.float32)
    extended_atype = jax.random.randint(ks[1], (nf, nall), 0, NTYPES)
    nlist = jax.random.randint(ks[2], (nf, nall, nnei), 0, nall)
    type_embedding = jax.random.normal(ks[3], (NTYPES, N_DIM), jnp.float32) * 0.1
    W_e_init = jax.random.normal(ks[4], (4, E_DIM), jnp.float32) * 0.1
    b_e_init = jnp.zeros((E_DIM,), jnp.float32)
    W_node = jax.random.normal(ks[5], (NLAYERS, N_DIM + E_DIM + E_DIM * AXIS, N_DIM), jnp.float32) * 0.05
    W_edge = jax.random.normal(ks[6], (NLAYERS, E_DIM + 2 * N_DIM, E_DIM), jnp.float32) * 0.05
    return {
        'extended_coord': extended_coord,
        'extended_atype': extended_atype,
        'nlist': nlist,
        'type_embedding': type_embedding,
        'W_e_init': W_e_init,
        'b_e_init': b_e_init,
        'W_node': W_node,
        'W_edge': W_edge,
    }


def _frame(coord, atype, nl, type_embedding, W_e_init, b_e_init, W_node, W_edge):
    nloc, nnei = nl.shape
    coord_nb = coord[nl]
    diff = coord_nb - coord[:nloc][:, None, :]
    dist = jnp.sqrt(jnp.sum(diff * diff, axis=-1) + 1e-12)
    sw = _switch(dist, RCUT_SMTH, RCUT)
    inv = sw / (dist + EPS)
    env = jnp.concatenate([inv[..., None], (inv / (dist + EPS))[..., None] * diff], axis=-1)
    edge = jax.nn.silu(env @ W_e_init + b_e_init)
    node = type_embedding[atype[:nloc]]
    for l in range(NLAYERS):
        g2 = edge * sw[..., None]
        gr = jnp.einsum('nkd,nke->nde', env, g2) / nnei
        grrg = jnp.einsum('nde,nda->nea', gr, gr[..., :AXIS]).reshape(nloc, E_DIM * AXIS)
        edge_agg = jnp.mean(g2, axis=1)
        node_j = node[nl]
        node_in = jnp.concatenate([node, edge_agg, grrg], axis=-1)
        node = node + jax.nn.silu(node_in @ W_node[l])
        node_i = jnp.broadcast_to(node[:, None, :], (nloc, nnei, N_DIM))
        edge_in = jnp.concatenate([edge, node_i, node_j], axis=-1)
        edge = edge + jax.nn.silu(edge_in @ W_edge[l])
    g2f = edge * sw[..., None]
    grf = jnp.einsum('nkd,nke->nde', env, g2f) / nnei
    rot_mat = grf[:, 1:4, :]
    h2 = env[..., 1:]
    return node, edge, h2, rot_mat, sw


def reference(extended_coord, extended_atype, nlist, type_embedding, W_e_init, b_e_init, W_node, W_edge):
    fn = lambda c, a, n: _frame(c, a, n, type_embedding, W_e_init, b_e_init, W_node, W_edge)
    return jax.vmap(fn)(extended_coord, extended_atype, nlist)

if __name__ == "__main__":
    import jax
    _d = setup_inputs()
    print(jax.jit(kernel)(*tuple(_d.values())))

</pallas_src>

<mosaic_0001>
#map = affine_map<(d0, d1) -> (0, 0)>
#map1 = affine_map<(d0, d1) -> (0)>
module attributes {stable_mosaic.version = 14 : i64} {
  func.func @gather(%arg0: i32, %arg1: i32, %arg2: memref<10000x64xf32, #tpu.memory_space<hbm>>, %arg3: memref<320000xi32, #tpu.memory_space<hbm>>, %arg4: memref<320000x64xf32, #tpu.memory_space<hbm>>, %arg5: memref<10000xi32, #tpu.memory_space<vmem>>, %arg6: memref<80x64xf32, #tpu.memory_space<vmem>>, %arg7: memref<80x64xf32, #tpu.memory_space<vmem>>, %arg8: memref<80x64xf32, #tpu.memory_space<vmem>>, %arg9: memref<80x64xf32, #tpu.memory_space<vmem>>, %arg10: memref<80x64xf32, #tpu.memory_space<vmem>>, %arg11: memref<!tpu.dma_semaphore, #tpu.memory_space<semaphore_mem>>, %arg12: memref<!tpu.dma_semaphore, #tpu.memory_space<semaphore_mem>>, %arg13: memref<!tpu.dma_semaphore, #tpu.memory_space<semaphore_mem>>, %arg14: memref<!tpu.dma_semaphore, #tpu.memory_space<semaphore_mem>>, %arg15: memref<!tpu.dma_semaphore, #tpu.memory_space<semaphore_mem>>) attributes {dimension_semantics = [#tpu.dimension_semantics<core_parallel>, #tpu.dimension_semantics<subcore_parallel>], iteration_bounds = array<i64: 2, 16>, scalar_prefetch = 0 : i64, scratch_operands = 11 : i64, tpu.core_type = #tpu.core_type<sc_vector_subcore>, window_params = [{transform_indices = #map}, {transform_indices = #map1}, {transform_indices = #map}]} {
    %mul3A = arith.constant 2 : i32
    %mul3A_0 = arith.muli %arg1, %mul3A : i32
    %add3A = arith.addi %mul3A_0, %arg0 : i32
    %mul3A_1 = arith.constant 10000 : i32
    %mul3A_2 = arith.muli %add3A, %mul3A_1 : i32
    "tpu.region"() ({
      %run_scoped3A = tpu.sem_alloc : memref<!tpu.dma_semaphore, #tpu.memory_space<semaphore_mem>>
      %dma_start3A = tpu.memref_slice %arg3[%mul3A_2] : memref<320000xi32, #tpu.memory_space<hbm>> -> memref<10000xi32, #tpu.memory_space<hbm>>
      %dma_start3A_7 = tpu.memref_slice %arg3[%mul3A_2] : memref<320000xi32, #tpu.memory_space<hbm>> -> memref<10000xi32, #tpu.memory_space<hbm>>
      tpu.enqueue_dma source(%dma_start3A_7 : memref<10000xi32, #tpu.memory_space<hbm>>) target(%arg5 : memref<10000xi32, #tpu.memory_space<vmem>>) target_semaphore(%run_scoped3A : memref<!tpu.dma_semaphore, #tpu.memory_space<semaphore_mem>>)
      %dma_wait3A = tpu.memref_slice %arg3[%mul3A_2] : memref<320000xi32, #tpu.memory_space<hbm>> -> memref<10000xi32, #tpu.memory_space<hbm>>
      %dma_wait3A_8 = tpu.memref_slice %arg3[%mul3A_2] : memref<320000xi32, #tpu.memory_space<hbm>> -> memref<10000xi32, #tpu.memory_space<hbm>>
      tpu.wait_dma2 semaphore(%run_scoped3A : memref<!tpu.dma_semaphore, #tpu.memory_space<semaphore_mem>>) src(%dma_wait3A_8 : memref<10000xi32, #tpu.memory_space<hbm>>) dst(%arg5 : memref<10000xi32, #tpu.memory_space<vmem>>)
      tpu.yield
    }) : () -> ()
    %scan3A = arith.constant 0 : i32
    %scan3A_3 = arith.constant 25 : i32
    %scan3A_4 = arith.addi %scan3A, %scan3A_3 : i32
    %scan3A_5 = arith.constant 1 : i32
    scf.for %scan3A_7 = %scan3A to %scan3A_4 step %scan3A_5  : i32 {
      %mul3A_8 = arith.constant 1 : i32
      %mul3A_9 = arith.muli %scan3A_7, %mul3A_8 : i32
      %add3A_10 = arith.constant 0 : i32
      %add3A_11 = arith.addi %add3A_10, %mul3A_9 : i32
      %mul3A_12 = arith.constant 5 : i32
      %mul3A_13 = arith.muli %add3A_11, %mul3A_12 : i32
      %add3A_14 = arith.constant 0 : i32
      %add3A_15 = arith.addi %mul3A_13, %add3A_14 : i32
      %mul3A_16 = arith.constant 80 : i32
      %mul3A_17 = arith.muli %add3A_15, %mul3A_16 : i32
      %dma_start3A = tpu.memref_slice %arg5[%mul3A_17] : memref<10000xi32, #tpu.memory_space<vmem>> -> memref<80xi32, #tpu.memory_space<vmem>>
      %dma_start3A_18 = arith.constant 0 : i32
      %dma_start3A_19 = arith.constant 0 : i32
      %dma_start3A_20 = tpu.memref_slice %arg2[%dma_start3A_18, %dma_start3A_19] : memref<10000x64xf32, #tpu.memory_space<hbm>> -> memref<10000x64xf32, #tpu.memory_space<hbm>>
      tpu.enqueue_indirect_dma source(%dma_start3A_20 : memref<10000x64xf32, #tpu.memory_space<hbm>>) target(%arg6 : memref<80x64xf32, #tpu.memory_space<vmem>>) offsets(%dma_start3A : memref<80xi32, #tpu.memory_space<vmem>>) semaphore(%arg11 : memref<!tpu.dma_semaphore, #tpu.memory_space<semaphore_mem>>)
      %add3A_21 = arith.constant 1 : i32
      %add3A_22 = arith.addi %mul3A_13, %add3A_21 : i32
      %mul3A_23 = arith.constant 80 : i32
      %mul3A_24 = arith.muli %add3A_22, %mul3A_23 : i32
      %dma_start3A_25 = tpu.memref_slice %arg5[%mul3A_24] : memref<10000xi32, #tpu.memory_space<vmem>> -> memref<80xi32, #tpu.memory_space<vmem>>
      %dma_start3A_26 = arith.constant 0 : i32
      %dma_start3A_27 = arith.constant 0 : i32
      %dma_start3A_28 = tpu.memref_slice %arg2[%dma_start3A_26, %dma_start3A_27] : memref<10000x64xf32, #tpu.memory_space<hbm>> -> memref<10000x64xf32, #tpu.memory_space<hbm>>
      tpu.enqueue_indirect_dma source(%dma_start3A_28 : memref<10000x64xf32, #tpu.memory_space<hbm>>) target(%arg7 : memref<80x64xf32, #tpu.memory_space<vmem>>) offsets(%dma_start3A_25 : memref<80xi32, #tpu.memory_space<vmem>>) semaphore(%arg12 : memref<!tpu.dma_semaphore, #tpu.memory_space<semaphore_mem>>)
      %add3A_29 = arith.constant 2 : i32
      %add3A_30 = arith.addi %mul3A_13, %add3A_29 : i32
      %mul3A_31 = arith.constant 80 : i32
      %mul3A_32 = arith.muli %add3A_30, %mul3A_31 : i32
      %dma_start3A_33 = tpu.memref_slice %arg5[%mul3A_32] : memref<10000xi32, #tpu.memory_space<vmem>> -> memref<80xi32, #tpu.memory_space<vmem>>
      %dma_start3A_34 = arith.constant 0 : i32
      %dma_start3A_35 = arith.constant 0 : i32
      %dma_start3A_36 = tpu.memref_slice %arg2[%dma_start3A_34, %dma_start3A_35] : memref<10000x64xf32, #tpu.memory_space<hbm>> -> memref<10000x64xf32, #tpu.memory_space<hbm>>
      tpu.enqueue_indirect_dma source(%dma_start3A_36 : memref<10000x64xf32, #tpu.memory_space<hbm>>) target(%arg8 : memref<80x64xf32, #tpu.memory_space<vmem>>) offsets(%dma_start3A_33 : memref<80xi32, #tpu.memory_space<vmem>>) semaphore(%arg13 : memref<!tpu.dma_semaphore, #tpu.memory_space<semaphore_mem>>)
      %add3A_37 = arith.constant 3 : i32
      %add3A_38 = arith.addi %mul3A_13, %add3A_37 : i32
      %mul3A_39 = arith.constant 80 : i32
      %mul3A_40 = arith.muli %add3A_38, %mul3A_39 : i32
      %dma_start3A_41 = tpu.memref_slice %arg5[%mul3A_40] : memref<10000xi32, #tpu.memory_space<vmem>> -> memref<80xi32, #tpu.memory_space<vmem>>
      %dma_start3A_42 = arith.constant 0 : i32
      %dma_start3A_43 = arith.constant 0 : i32
      %dma_start3A_44 = tpu.memref_slice %arg2[%dma_start3A_42, %dma_start3A_43] : memref<10000x64xf32, #tpu.memory_space<hbm>> -> memref<10000x64xf32, #tpu.memory_space<hbm>>
      tpu.enqueue_indirect_dma source(%dma_start3A_44 : memref<10000x64xf32, #tpu.memory_space<hbm>>) target(%arg9 : memref<80x64xf32, #tpu.memory_space<vmem>>) offsets(%dma_start3A_41 : memref<80xi32, #tpu.memory_space<vmem>>) semaphore(%arg14 : memref<!tpu.dma_semaphore, #tpu.memory_space<semaphore_mem>>)
      %add3A_45 = arith.constant 4 : i32
      %add3A_46 = arith.addi %mul3A_13, %add3A_45 : i32
      %mul3A_47 = arith.constant 80 : i32
      %mul3A_48 = arith.muli %add3A_46, %mul3A_47 : i32
      %dma_start3A_49 = tpu.memref_slice %arg5[%mul3A_48] : memref<10000xi32, #tpu.memory_space<vmem>> -> memref<80xi32, #tpu.memory_space<vmem>>
      %dma_start3A_50 = arith.constant 0 : i32
      %dma_start3A_51 = arith.constant 0 : i32
      %dma_start3A_52 = tpu.memref_slice %arg2[%dma_start3A_50, %dma_start3A_51] : memref<10000x64xf32, #tpu.memory_space<hbm>> -> memref<10000x64xf32, #tpu.memory_space<hbm>>
      tpu.enqueue_indirect_dma source(%dma_start3A_52 : memref<10000x64xf32, #tpu.memory_space<hbm>>) target(%arg10 : memref<80x64xf32, #tpu.memory_space<vmem>>) offsets(%dma_start3A_49 : memref<80xi32, #tpu.memory_space<vmem>>) semaphore(%arg15 : memref<!tpu.dma_semaphore, #tpu.memory_space<semaphore_mem>>)
      %dma_wait3A = tpu.memref_slice %arg5[%mul3A_17] : memref<10000xi32, #tpu.memory_space<vmem>> -> memref<80xi32, #tpu.memory_space<vmem>>
      %dma_wait3A_53 = arith.constant 0 : i32
      %dma_wait3A_54 = arith.constant 0 : i32
      %dma_wait3A_55 = tpu.memref_slice %arg2[%dma_wait3A_53, %dma_wait3A_54] : memref<10000x64xf32, #tpu.memory_space<hbm>> -> memref<10000x64xf32, #tpu.memory_space<hbm>>
      tpu.wait_indirect_dma semaphore(%arg11 : memref<!tpu.dma_semaphore, #tpu.memory_space<semaphore_mem>>) src(%dma_wait3A_55 : memref<10000x64xf32, #tpu.memory_space<hbm>>) dst(%arg6 : memref<80x64xf32, #tpu.memory_space<vmem>>)
      %add3A_56 = arith.constant 0 : i32
      %add3A_57 = arith.addi %mul3A_13, %add3A_56 : i32
      %mul3A_58 = arith.constant 80 : i32
      %mul3A_59 = arith.muli %add3A_57, %mul3A_58 : i32
      %add3A_60 = arith.addi %mul3A_2, %mul3A_59 : i32
      "tpu.region"() ({
        %run_scoped3A = tpu.sem_alloc : memref<!tpu.dma_semaphore, #tpu.memory_space<semaphore_mem>>
        %dma_start3A_97 = arith.constant 0 : i32
        %dma_start3A_98 = tpu.memref_slice %arg4[%add3A_60, %dma_start3A_97] : memref<320000x64xf32, #tpu.memory_space<hbm>> -> memref<80x64xf32, #tpu.memory_space<hbm>>
        %dma_start3A_99 = arith.constant 0 : i32
        %dma_start3A_100 = tpu.memref_slice %arg4[%add3A_60, %dma_start3A_99] : memref<320000x64xf32, #tpu.memory_space<hbm>> -> memref<80x64xf32, #tpu.memory_space<hbm>>
        tpu.enqueue_dma source(%arg6 : memref<80x64xf32, #tpu.memory_space<vmem>>) target(%dma_start3A_100 : memref<80x64xf32, #tpu.memory_space<hbm>>) target_semaphore(%run_scoped3A : memref<!tpu.dma_semaphore, #tpu.memory_space<semaphore_mem>>)
        %dma_wait3A_101 = arith.constant 0 : i32
        %dma_wait3A_102 = tpu.memref_slice %arg4[%add3A_60, %dma_wait3A_101] : memref<320000x64xf32, #tpu.memory_space<hbm>> -> memref<80x64xf32, #tpu.memory_space<hbm>>
        %dma_wait3A_103 = arith.constant 0 : i32
        %dma_wait3A_104 = tpu.memref_slice %arg4[%add3A_60, %dma_wait3A_103] : memref<320000x64xf32, #tpu.memory_space<hbm>> -> memref<80x64xf32, #tpu.memory_space<hbm>>
        tpu.wait_dma2 semaphore(%run_scoped3A : memref<!tpu.dma_semaphore, #tpu.memory_space<semaphore_mem>>) src(%arg6 : memref<80x64xf32, #tpu.memory_space<vmem>>) dst(%dma_wait3A_104 : memref<80x64xf32, #tpu.memory_space<hbm>>)
        tpu.yield
      }) : () -> ()
      %dma_wait3A_61 = tpu.memref_slice %arg5[%mul3A_24] : memref<10000xi32, #tpu.memory_space<vmem>> -> memref<80xi32, #tpu.memory_space<vmem>>
      %dma_wait3A_62 = arith.constant 0 : i32
      %dma_wait3A_63 = arith.constant 0 : i32
      %dma_wait3A_64 = tpu.memref_slice %arg2[%dma_wait3A_62, %dma_wait3A_63] : memref<10000x64xf32, #tpu.memory_space<hbm>> -> memref<10000x64xf32, #tpu.memory_space<hbm>>
      tpu.wait_indirect_dma semaphore(%arg12 : memref<!tpu.dma_semaphore, #tpu.memory_space<semaphore_mem>>) src(%dma_wait3A_64 : memref<10000x64xf32, #tpu.memory_space<hbm>>) dst(%arg7 : memref<80x64xf32, #tpu.memory_space<vmem>>)
      %add3A_65 = arith.constant 1 : i32
      %add3A_66 = arith.addi %mul3A_13, %add3A_65 : i32
      %mul3A_67 = arith.constant 80 : i32
      %mul3A_68 = arith.muli %add3A_66, %mul3A_67 : i32
      %add3A_69 = arith.addi %mul3A_2, %mul3A_68 : i32
      "tpu.region"() ({
        %run_scoped3A = tpu.sem_alloc : memref<!tpu.dma_semaphore, #tpu.memory_space<semaphore_mem>>
        %dma_start3A_97 = arith.constant 0 : i32
        %dma_start3A_98 = tpu.memref_slice %arg4[%add3A_69, %dma_start3A_97] : memref<320000x64xf32, #tpu.memory_space<hbm>> -> memref<80x64xf32, #tpu.memory_space<hbm>>
        %dma_start3A_99 = arith.constant 0 : i32
        %dma_start3A_100 = tpu.memref_slice %arg4[%add3A_69, %dma_start3A_99] : memref<320000x64xf32, #tpu.memory_space<hbm>> -> memref<80x64xf32, #tpu.memory_space<hbm>>
        tpu.enqueue_dma source(%arg7 : memref<80x64xf32, #tpu.memory_space<vmem>>) target(%dma_start3A_100 : memref<80x64xf32, #tpu.memory_space<hbm>>) target_semaphore(%run_scoped3A : memref<!tpu.dma_semaphore, #tpu.memory_space<semaphore_mem>>)
        %dma_wait3A_101 = arith.constant 0 : i32
        %dma_wait3A_102 = tpu.memref_slice %arg4[%add3A_69, %dma_wait3A_101] : memref<320000x64xf32, #tpu.memory_space<hbm>> -> memref<80x64xf32, #tpu.memory_space<hbm>>
        %dma_wait3A_103 = arith.constant 0 : i32
        %dma_wait3A_104 = tpu.memref_slice %arg4[%add3A_69, %dma_wait3A_103] : memref<320000x64xf32, #tpu.memory_space<hbm>> -> memref<80x64xf32, #tpu.memory_space<hbm>>
        tpu.wait_dma2 semaphore(%run_scoped3A : memref<!tpu.dma_semaphore, #tpu.memory_space<semaphore_mem>>) src(%arg7 : memref<80x64xf32, #tpu.memory_space<vmem>>) dst(%dma_wait3A_104 : memref<80x64xf32, #tpu.memory_space<hbm>>)
        tpu.yield
      }) : () -> ()
      %dma_wait3A_70 = tpu.memref_slice %arg5[%mul3A_32] : memref<10000xi32, #tpu.memory_space<vmem>> -> memref<80xi32, #tpu.memory_space<vmem>>
      %dma_wait3A_71 = arith.constant 0 : i32
      %dma_wait3A_72 = arith.constant 0 : i32
      %dma_wait3A_73 = tpu.memref_slice %arg2[%dma_wait3A_71, %dma_wait3A_72] : memref<10000x64xf32, #tpu.memory_space<hbm>> -> memref<10000x64xf32, #tpu.memory_space<hbm>>
      tpu.wait_indirect_dma semaphore(%arg13 : memref<!tpu.dma_semaphore, #tpu.memory_space<semaphore_mem>>) src(%dma_wait3A_73 : memref<10000x64xf32, #tpu.memory_space<hbm>>) dst(%arg8 : memref<80x64xf32, #tpu.memory_space<vmem>>)
      %add3A_74 = arith.constant 2 : i32
      %add3A_75 = arith.addi %mul3A_13, %add3A_74 : i32
      %mul3A_76 = arith.constant 80 : i32
      %mul3A_77 = arith.muli %add3A_75, %mul3A_76 : i32
      %add3A_78 = arith.addi %mul3A_2, %mul3A_77 : i32
      "tpu.region"() ({
        %run_scoped3A = tpu.sem_alloc : memref<!tpu.dma_semaphore, #tpu.memory_space<semaphore_mem>>
        %dma_start3A_97 = arith.constant 0 : i32
        %dma_start3A_98 = tpu.memref_slice %arg4[%add3A_78, %dma_start3A_97] : memref<320000x64xf32, #tpu.memory_space<hbm>> -> memref<80x64xf32, #tpu.memory_space<hbm>>
        %dma_start3A_99 = arith.constant 0 : i32
        %dma_start3A_100 = tpu.memref_slice %arg4[%add3A_78, %dma_start3A_99] : memref<320000x64xf32, #tpu.memory_space<hbm>> -> memref<80x64xf32, #tpu.memory_space<hbm>>
        tpu.enqueue_dma source(%arg8 : memref<80x64xf32, #tpu.memory_space<vmem>>) target(%dma_start3A_100 : memref<80x64xf32, #tpu.memory_space<hbm>>) target_semaphore(%run_scoped3A : memref<!tpu.dma_semaphore, #tpu.memory_space<semaphore_mem>>)
        %dma_wait3A_101 = arith.constant 0 : i32
        %dma_wait3A_102 = tpu.memref_slice %arg4[%add3A_78, %dma_wait3A_101] : memref<320000x64xf32, #tpu.memory_space<hbm>> -> memref<80x64xf32, #tpu.memory_space<hbm>>
        %dma_wait3A_103 = arith.constant 0 : i32
        %dma_wait3A_104 = tpu.memref_slice %arg4[%add3A_78, %dma_wait3A_103] : memref<320000x64xf32, #tpu.memory_space<hbm>> -> memref<80x64xf32, #tpu.memory_space<hbm>>
        tpu.wait_dma2 semaphore(%run_scoped3A : memref<!tpu.dma_semaphore, #tpu.memory_space<semaphore_mem>>) src(%arg8 : memref<80x64xf32, #tpu.memory_space<vmem>>) dst(%dma_wait3A_104 : memref<80x64xf32, #tpu.memory_space<hbm>>)
        tpu.yield
      }) : () -> ()
      %dma_wait3A_79 = tpu.memref_slice %arg5[%mul3A_40] : memref<10000xi32, #tpu.memory_space<vmem>> -> memref<80xi32, #tpu.memory_space<vmem>>
      %dma_wait3A_80 = arith.constant 0 : i32
      %dma_wait3A_81 = arith.constant 0 : i32
      %dma_wait3A_82 = tpu.memref_slice %arg2[%dma_wait3A_80, %dma_wait3A_81] : memref<10000x64xf32, #tpu.memory_space<hbm>> -> memref<10000x64xf32, #tpu.memory_space<hbm>>
      tpu.wait_indirect_dma semaphore(%arg14 : memref<!tpu.dma_semaphore, #tpu.memory_space<semaphore_mem>>) src(%dma_wait3A_82 : memref<10000x64xf32, #tpu.memory_space<hbm>>) dst(%arg9 : memref<80x64xf32, #tpu.memory_space<vmem>>)
      %add3A_83 = arith.constant 3 : i32
      %add3A_84 = arith.addi %mul3A_13, %add3A_83 : i32
      %mul3A_85 = arith.constant 80 : i32
      %mul3A_86 = arith.muli %add3A_84, %mul3A_85 : i32
      %add3A_87 = arith.addi %mul3A_2, %mul3A_86 : i32
      "tpu.region"() ({
        %run_scoped3A = tpu.sem_alloc : memref<!tpu.dma_semaphore, #tpu.memory_space<semaphore_mem>>
        %dma_start3A_97 = arith.constant 0 : i32
        %dma_start3A_98 = tpu.memref_slice %arg4[%add3A_87, %dma_start3A_97] : memref<320000x64xf32, #tpu.memory_space<hbm>> -> memref<80x64xf32, #tpu.memory_space<hbm>>
        %dma_start3A_99 = arith.constant 0 : i32
        %dma_start3A_100 = tpu.memref_slice %arg4[%add3A_87, %dma_start3A_99] : memref<320000x64xf32, #tpu.memory_space<hbm>> -> memref<80x64xf32, #tpu.memory_space<hbm>>
        tpu.enqueue_dma source(%arg9 : memref<80x64xf32, #tpu.memory_space<vmem>>) target(%dma_start3A_100 : memref<80x64xf32, #tpu.memory_space<hbm>>) target_semaphore(%run_scoped3A : memref<!tpu.dma_semaphore, #tpu.memory_space<semaphore_mem>>)
        %dma_wait3A_101 = arith.constant 0 : i32
        %dma_wait3A_102 = tpu.memref_slice %arg4[%add3A_87, %dma_wait3A_101] : memref<320000x64xf32, #tpu.memory_space<hbm>> -> memref<80x64xf32, #tpu.memory_space<hbm>>
        %dma_wait3A_103 = arith.constant 0 : i32
        %dma_wait3A_104 = tpu.memref_slice %arg4[%add3A_87, %dma_wait3A_103] : memref<320000x64xf32, #tpu.memory_space<hbm>> -> memref<80x64xf32, #tpu.memory_space<hbm>>
        tpu.wait_dma2 semaphore(%run_scoped3A : memref<!tpu.dma_semaphore, #tpu.memory_space<semaphore_mem>>) src(%arg9 : memref<80x64xf32, #tpu.memory_space<vmem>>) dst(%dma_wait3A_104 : memref<80x64xf32, #tpu.memory_space<hbm>>)
        tpu.yield
      }) : () -> ()
      %dma_wait3A_88 = tpu.memref_slice %arg5[%mul3A_48] : memref<10000xi32, #tpu.memory_space<vmem>> -> memref<80xi32, #tpu.memory_space<vmem>>
      %dma_wait3A_89 = arith.constant 0 : i32
      %dma_wait3A_90 = arith.constant 0 : i32
      %dma_wait3A_91 = tpu.memref_slice %arg2[%dma_wait3A_89, %dma_wait3A_90] : memref<10000x64xf32, #tpu.memory_space<hbm>> -> memref<10000x64xf32, #tpu.memory_space<hbm>>
      tpu.wait_indirect_dma semaphore(%arg15 : memref<!tpu.dma_semaphore, #tpu.memory_space<semaphore_mem>>) src(%dma_wait3A_91 : memref<10000x64xf32, #tpu.memory_space<hbm>>) dst(%arg10 : memref<80x64xf32, #tpu.memory_space<vmem>>)
      %add3A_92 = arith.constant 4 : i32
      %add3A_93 = arith.addi %mul3A_13, %add3A_92 : i32
      %mul3A_94 = arith.constant 80 : i32
      %mul3A_95 = arith.muli %add3A_93, %mul3A_94 : i32
      %add3A_96 = arith.addi %mul3A_2, %mul3A_95 : i32
      "tpu.region"() ({
        %run_scoped3A = tpu.sem_alloc : memref<!tpu.dma_semaphore, #tpu.memory_space<semaphore_mem>>
        %dma_start3A_97 = arith.constant 0 : i32
        %dma_start3A_98 = tpu.memref_slice %arg4[%add3A_96, %dma_start3A_97] : memref<320000x64xf32, #tpu.memory_space<hbm>> -> memref<80x64xf32, #tpu.memory_space<hbm>>
        %dma_start3A_99 = arith.constant 0 : i32
        %dma_start3A_100 = tpu.memref_slice %arg4[%add3A_96, %dma_start3A_99] : memref<320000x64xf32, #tpu.memory_space<hbm>> -> memref<80x64xf32, #tpu.memory_space<hbm>>
        tpu.enqueue_dma source(%arg10 : memref<80x64xf32, #tpu.memory_space<vmem>>) target(%dma_start3A_100 : memref<80x64xf32, #tpu.memory_space<hbm>>) target_semaphore(%run_scoped3A : memref<!tpu.dma_semaphore, #tpu.memory_space<semaphore_mem>>)
        %dma_wait3A_101 = arith.constant 0 : i32
        %dma_wait3A_102 = tpu.memref_slice %arg4[%add3A_96, %dma_wait3A_101] : memref<320000x64xf32, #tpu.memory_space<hbm>> -> memref<80x64xf32, #tpu.memory_space<hbm>>
        %dma_wait3A_103 = arith.constant 0 : i32
        %dma_wait3A_104 = tpu.memref_slice %arg4[%add3A_96, %dma_wait3A_103] : memref<320000x64xf32, #tpu.memory_space<hbm>> -> memref<80x64xf32, #tpu.memory_space<hbm>>
        tpu.wait_dma2 semaphore(%run_scoped3A : memref<!tpu.dma_semaphore, #tpu.memory_space<semaphore_mem>>) src(%arg10 : memref<80x64xf32, #tpu.memory_space<vmem>>) dst(%dma_wait3A_104 : memref<80x64xf32, #tpu.memory_space<hbm>>)
        tpu.yield
      }) : () -> ()
    }
    %scan3A_6 = arith.constant 25 : i32
    return
  }
}

#map = affine_map<(d0, d1) -> (0, 0)>
#map1 = affine_map<(d0, d1) -> (0)>
module attributes {stable_mosaic.version = 14 : i64} {
  func.func @gather(%arg0: i32, %arg1: i32, %arg2: memref<10000x16xf32, #tpu.memory_space<hbm>>, %arg3: memref<320000xi32, #tpu.memory_space<hbm>>, %arg4: memref<320000x16xf32, #tpu.memory_space<hbm>>, %arg5: memref<10000xi32, #tpu.memory_space<vmem>>, %arg6: memref<80x16xf32, #tpu.memory_space<vmem>>, %arg7: memref<80x16xf32, #tpu.memory_space<vmem>>, %arg8: memref<80x16xf32, #tpu.memory_space<vmem>>, %arg9: memref<80x16xf32, #tpu.memory_space<vmem>>, %arg10: memref<80x16xf32, #tpu.memory_space<vmem>>, %arg11: memref<!tpu.dma_semaphore, #tpu.memory_space<semaphore_mem>>, %arg12: memref<!tpu.dma_semaphore, #tpu.memory_space<semaphore_mem>>, %arg13: memref<!tpu.dma_semaphore, #tpu.memory_space<semaphore_mem>>, %arg14: memref<!tpu.dma_semaphore, #tpu.memory_space<semaphore_mem>>, %arg15: memref<!tpu.dma_semaphore, #tpu.memory_space<semaphore_mem>>) attributes {dimension_semantics = [#tpu.dimension_semantics<core_parallel>, #tpu.dimension_semantics<subcore_parallel>], iteration_bounds = array<i64: 2, 16>, scalar_prefetch = 0 : i64, scratch_operands = 11 : i64, tpu.core_type = #tpu.core_type<sc_vector_subcore>, window_params = [{transform_indices = #map}, {transform_indices = #map1}, {transform_indices = #map}]} {
    %mul3A = arith.constant 2 : i32
    %mul3A_0 = arith.muli %arg1, %mul3A : i32
    %add3A = arith.addi %mul3A_0, %arg0 : i32
    %mul3A_1 = arith.constant 10000 : i32
    %mul3A_2 = arith.muli %add3A, %mul3A_1 : i32
    "tpu.region"() ({
      %run_scoped3A = tpu.sem_alloc : memref<!tpu.dma_semaphore, #tpu.memory_space<semaphore_mem>>
      %dma_start3A = tpu.memref_slice %arg3[%mul3A_2] : memref<320000xi32, #tpu.memory_space<hbm>> -> memref<10000xi32, #tpu.memory_space<hbm>>
      %dma_start3A_7 = tpu.memref_slice %arg3[%mul3A_2] : memref<320000xi32, #tpu.memory_space<hbm>> -> memref<10000xi32, #tpu.memory_space<hbm>>
      tpu.enqueue_dma source(%dma_start3A_7 : memref<10000xi32, #tpu.memory_space<hbm>>) target(%arg5 : memref<10000xi32, #tpu.memory_space<vmem>>) target_semaphore(%run_scoped3A : memref<!tpu.dma_semaphore, #tpu.memory_space<semaphore_mem>>)
      %dma_wait3A = tpu.memref_slice %arg3[%mul3A_2] : memref<320000xi32, #tpu.memory_space<hbm>> -> memref<10000xi32, #tpu.memory_space<hbm>>
      %dma_wait3A_8 = tpu.memref_slice %arg3[%mul3A_2] : memref<320000xi32, #tpu.memory_space<hbm>> -> memref<10000xi32, #tpu.memory_space<hbm>>
      tpu.wait_dma2 semaphore(%run_scoped3A : memref<!tpu.dma_semaphore, #tpu.memory_space<semaphore_mem>>) src(%dma_wait3A_8 : memref<10000xi32, #tpu.memory_space<hbm>>) dst(%arg5 : memref<10000xi32, #tpu.memory_space<vmem>>)
      tpu.yield
    }) : () -> ()
    %scan3A = arith.constant 0 : i32
    %scan3A_3 = arith.constant 25 : i32
    %scan3A_4 = arith.addi %scan3A, %scan3A_3 : i32
    %scan3A_5 = arith.constant 1 : i32
    scf.for %scan3A_7 = %scan3A to %scan3A_4 step %scan3A_5  : i32 {
      %mul3A_8 = arith.constant 1 : i32
      %mul3A_9 = arith.muli %scan3A_7, %mul3A_8 : i32
      %add3A_10 = arith.constant 0 : i32
      %add3A_11 = arith.addi %add3A_10, %mul3A_9 : i32
      %mul3A_12 = arith.constant 5 : i32
      %mul3A_13 = arith.muli %add3A_11, %mul3A_12 : i32
      %add3A_14 = arith.constant 0 : i32
      %add3A_15 = arith.addi %mul3A_13, %add3A_14 : i32
      %mul3A_16 = arith.constant 80 : i32
      %mul3A_17 = arith.muli %add3A_15, %mul3A_16 : i32
      %dma_start3A = tpu.memref_slice %arg5[%mul3A_17] : memref<10000xi32, #tpu.memory_space<vmem>> -> memref<80xi32, #tpu.memory_space<vmem>>
      %dma_start3A_18 = arith.constant 0 : i32
      %dma_start3A_19 = arith.constant 0 : i32
      %dma_start3A_20 = tpu.memref_slice %arg2[%dma_start3A_18, %dma_start3A_19] : memref<10000x16xf32, #tpu.memory_space<hbm>> -> memref<10000x16xf32, #tpu.memory_space<hbm>>
      tpu.enqueue_indirect_dma source(%dma_start3A_20 : memref<10000x16xf32, #tpu.memory_space<hbm>>) target(%arg6 : memref<80x16xf32, #tpu.memory_space<vmem>>) offsets(%dma_start3A : memref<80xi32, #tpu.memory_space<vmem>>) semaphore(%arg11 : memref<!tpu.dma_semaphore, #tpu.memory_space<semaphore_mem>>)
      %add3A_21 = arith.constant 1 : i32
      %add3A_22 = arith.addi %mul3A_13, %add3A_21 : i32
      %mul3A_23 = arith.constant 80 : i32
      %mul3A_24 = arith.muli %add3A_22, %mul3A_23 : i32
      %dma_start3A_25 = tpu.memref_slice %arg5[%mul3A_24] : memref<10000xi32, #tpu.memory_space<vmem>> -> memref<80xi32, #tpu.memory_space<vmem>>
      %dma_start3A_26 = arith.constant 0 : i32
      %dma_start3A_27 = arith.constant 0 : i32
      %dma_start3A_28 = tpu.memref_slice %arg2[%dma_start3A_26, %dma_start3A_27] : memref<10000x16xf32, #tpu.memory_space<hbm>> -> memref<10000x16xf32, #tpu.memory_space<hbm>>
      tpu.enqueue_indirect_dma source(%dma_start3A_28 : memref<10000x16xf32, #tpu.memory_space<hbm>>) target(%arg7 : memref<80x16xf32, #tpu.memory_space<vmem>>) offsets(%dma_start3A_25 : memref<80xi32, #tpu.memory_space<vmem>>) semaphore(%arg12 : memref<!tpu.dma_semaphore, #tpu.memory_space<semaphore_mem>>)
      %add3A_29 = arith.constant 2 : i32
      %add3A_30 = arith.addi %mul3A_13, %add3A_29 : i32
      %mul3A_31 = arith.constant 80 : i32
      %mul3A_32 = arith.muli %add3A_30, %mul3A_31 : i32
      %dma_start3A_33 = tpu.memref_slice %arg5[%mul3A_32] : memref<10000xi32, #tpu.memory_space<vmem>> -> memref<80xi32, #tpu.memory_space<vmem>>
      %dma_start3A_34 = arith.constant 0 : i32
      %dma_start3A_35 = arith.constant 0 : i32
      %dma_start3A_36 = tpu.memref_slice %arg2[%dma_start3A_34, %dma_start3A_35] : memref<10000x16xf32, #tpu.memory_space<hbm>> -> memref<10000x16xf32, #tpu.memory_space<hbm>>
      tpu.enqueue_indirect_dma source(%dma_start3A_36 : memref<10000x16xf32, #tpu.memory_space<hbm>>) target(%arg8 : memref<80x16xf32, #tpu.memory_space<vmem>>) offsets(%dma_start3A_33 : memref<80xi32, #tpu.memory_space<vmem>>) semaphore(%arg13 : memref<!tpu.dma_semaphore, #tpu.memory_space<semaphore_mem>>)
      %add3A_37 = arith.constant 3 : i32
      %add3A_38 = arith.addi %mul3A_13, %add3A_37 : i32
      %mul3A_39 = arith.constant 80 : i32
      %mul3A_40 = arith.muli %add3A_38, %mul3A_39 : i32
      %dma_start3A_41 = tpu.memref_slice %arg5[%mul3A_40] : memref<10000xi32, #tpu.memory_space<vmem>> -> memref<80xi32, #tpu.memory_space<vmem>>
      %dma_start3A_42 = arith.constant 0 : i32
      %dma_start3A_43 = arith.constant 0 : i32
      %dma_start3A_44 = tpu.memref_slice %arg2[%dma_start3A_42, %dma_start3A_43] : memref<10000x16xf32, #tpu.memory_space<hbm>> -> memref<10000x16xf32, #tpu.memory_space<hbm>>
      tpu.enqueue_indirect_dma source(%dma_start3A_44 : memref<10000x16xf32, #tpu.memory_space<hbm>>) target(%arg9 : memref<80x16xf32, #tpu.memory_space<vmem>>) offsets(%dma_start3A_41 : memref<80xi32, #tpu.memory_space<vmem>>) semaphore(%arg14 : memref<!tpu.dma_semaphore, #tpu.memory_space<semaphore_mem>>)
      %add3A_45 = arith.constant 4 : i32
      %add3A_46 = arith.addi %mul3A_13, %add3A_45 : i32
      %mul3A_47 = arith.constant 80 : i32
      %mul3A_48 = arith.muli %add3A_46, %mul3A_47 : i32
      %dma_start3A_49 = tpu.memref_slice %arg5[%mul3A_48] : memref<10000xi32, #tpu.memory_space<vmem>> -> memref<80xi32, #tpu.memory_space<vmem>>
      %dma_start3A_50 = arith.constant 0 : i32
      %dma_start3A_51 = arith.constant 0 : i32
      %dma_start3A_52 = tpu.memref_slice %arg2[%dma_start3A_50, %dma_start3A_51] : memref<10000x16xf32, #tpu.memory_space<hbm>> -> memref<10000x16xf32, #tpu.memory_space<hbm>>
      tpu.enqueue_indirect_dma source(%dma_start3A_52 : memref<10000x16xf32, #tpu.memory_space<hbm>>) target(%arg10 : memref<80x16xf32, #tpu.memory_space<vmem>>) offsets(%dma_start3A_49 : memref<80xi32, #tpu.memory_space<vmem>>) semaphore(%arg15 : memref<!tpu.dma_semaphore, #tpu.memory_space<semaphore_mem>>)
      %dma_wait3A = tpu.memref_slice %arg5[%mul3A_17] : memref<10000xi32, #tpu.memory_space<vmem>> -> memref<80xi32, #tpu.memory_space<vmem>>
      %dma_wait3A_53 = arith.constant 0 : i32
      %dma_wait3A_54 = arith.constant 0 : i32
      %dma_wait3A_55 = tpu.memref_slice %arg2[%dma_wait3A_53, %dma_wait3A_54] : memref<10000x16xf32, #tpu.memory_space<hbm>> -> memref<10000x16xf32, #tpu.memory_space<hbm>>
      tpu.wait_indirect_dma semaphore(%arg11 : memref<!tpu.dma_semaphore, #tpu.memory_space<semaphore_mem>>) src(%dma_wait3A_55 : memref<10000x16xf32, #tpu.memory_space<hbm>>) dst(%arg6 : memref<80x16xf32, #tpu.memory_space<vmem>>)
      %add3A_56 = arith.constant 0 : i32
      %add3A_57 = arith.addi %mul3A_13, %add3A_56 : i32
      %mul3A_58 = arith.constant 80 : i32
      %mul3A_59 = arith.muli %add3A_57, %mul3A_58 : i32
      %add3A_60 = arith.addi %mul3A_2, %mul3A_59 : i32
      "tpu.region"() ({
        %run_scoped3A = tpu.sem_alloc : memref<!tpu.dma_semaphore, #tpu.memory_space<semaphore_mem>>
        %dma_start3A_97 = arith.constant 0 : i32
        %dma_start3A_98 = tpu.memref_slice %arg4[%add3A_60, %dma_start3A_97] : memref<320000x16xf32, #tpu.memory_space<hbm>> -> memref<80x16xf32, #tpu.memory_space<hbm>>
        %dma_start3A_99 = arith.constant 0 : i32
        %dma_start3A_100 = tpu.memref_slice %arg4[%add3A_60, %dma_start3A_99] : memref<320000x16xf32, #tpu.memory_space<hbm>> -> memref<80x16xf32, #tpu.memory_space<hbm>>
        tpu.enqueue_dma source(%arg6 : memref<80x16xf32, #tpu.memory_space<vmem>>) target(%dma_start3A_100 : memref<80x16xf32, #tpu.memory_space<hbm>>) target_semaphore(%run_scoped3A : memref<!tpu.dma_semaphore, #tpu.memory_space<semaphore_mem>>)
        %dma_wait3A_101 = arith.constant 0 : i32
        %dma_wait3A_102 = tpu.memref_slice %arg4[%add3A_60, %dma_wait3A_101] : memref<320000x16xf32, #tpu.memory_space<hbm>> -> memref<80x16xf32, #tpu.memory_space<hbm>>
        %dma_wait3A_103 = arith.constant 0 : i32
        %dma_wait3A_104 = tpu.memref_slice %arg4[%add3A_60, %dma_wait3A_103] : memref<320000x16xf32, #tpu.memory_space<hbm>> -> memref<80x16xf32, #tpu.memory_space<hbm>>
        tpu.wait_dma2 semaphore(%run_scoped3A : memref<!tpu.dma_semaphore, #tpu.memory_space<semaphore_mem>>) src(%arg6 : memref<80x16xf32, #tpu.memory_space<vmem>>) dst(%dma_wait3A_104 : memref<80x16xf32, #tpu.memory_space<hbm>>)
        tpu.yield
      }) : () -> ()
      %dma_wait3A_61 = tpu.memref_slice %arg5[%mul3A_24] : memref<10000xi32, #tpu.memory_space<vmem>> -> memref<80xi32, #tpu.memory_space<vmem>>
      %dma_wait3A_62 = arith.constant 0 : i32
      %dma_wait3A_63 = arith.constant 0 : i32
      %dma_wait3A_64 = tpu.memref_slice %arg2[%dma_wait3A_62, %dma_wait3A_63] : memref<10000x16xf32, #tpu.memory_space<hbm>> -> memref<10000x16xf32, #tpu.memory_space<hbm>>
      tpu.wait_indirect_dma semaphore(%arg12 : memref<!tpu.dma_semaphore, #tpu.memory_space<semaphore_mem>>) src(%dma_wait3A_64 : memref<10000x16xf32, #tpu.memory_space<hbm>>) dst(%arg7 : memref<80x16xf32, #tpu.memory_space<vmem>>)
      %add3A_65 = arith.constant 1 : i32
      %add3A_66 = arith.addi %mul3A_13, %add3A_65 : i32
      %mul3A_67 = arith.constant 80 : i32
      %mul3A_68 = arith.muli %add3A_66, %mul3A_67 : i32
      %add3A_69 = arith.addi %mul3A_2, %mul3A_68 : i32
      "tpu.region"() ({
        %run_scoped3A = tpu.sem_alloc : memref<!tpu.dma_semaphore, #tpu.memory_space<semaphore_mem>>
        %dma_start3A_97 = arith.constant 0 : i32
        %dma_start3A_98 = tpu.memref_slice %arg4[%add3A_69, %dma_start3A_97] : memref<320000x16xf32, #tpu.memory_space<hbm>> -> memref<80x16xf32, #tpu.memory_space<hbm>>
        %dma_start3A_99 = arith.constant 0 : i32
        %dma_start3A_100 = tpu.memref_slice %arg4[%add3A_69, %dma_start3A_99] : memref<320000x16xf32, #tpu.memory_space<hbm>> -> memref<80x16xf32, #tpu.memory_space<hbm>>
        tpu.enqueue_dma source(%arg7 : memref<80x16xf32, #tpu.memory_space<vmem>>) target(%dma_start3A_100 : memref<80x16xf32, #tpu.memory_space<hbm>>) target_semaphore(%run_scoped3A : memref<!tpu.dma_semaphore, #tpu.memory_space<semaphore_mem>>)
        %dma_wait3A_101 = arith.constant 0 : i32
        %dma_wait3A_102 = tpu.memref_slice %arg4[%add3A_69, %dma_wait3A_101] : memref<320000x16xf32, #tpu.memory_space<hbm>> -> memref<80x16xf32, #tpu.memory_space<hbm>>
        %dma_wait3A_103 = arith.constant 0 : i32
        %dma_wait3A_104 = tpu.memref_slice %arg4[%add3A_69, %dma_wait3A_103] : memref<320000x16xf32, #tpu.memory_space<hbm>> -> memref<80x16xf32, #tpu.memory_space<hbm>>
        tpu.wait_dma2 semaphore(%run_scoped3A : memref<!tpu.dma_semaphore, #tpu.memory_space<semaphore_mem>>) src(%arg7 : memref<80x16xf32, #tpu.memory_space<vmem>>) dst(%dma_wait3A_104 : memref<80x16xf32, #tpu.memory_space<hbm>>)
        tpu.yield
      }) : () -> ()
      %dma_wait3A_70 = tpu.memref_slice %arg5[%mul3A_32] : memref<10000xi32, #tpu.memory_space<vmem>> -> memref<80xi32, #tpu.memory_space<vmem>>
      %dma_wait3A_71 = arith.constant 0 : i32
      %dma_wait3A_72 = arith.constant 0 : i32
      %dma_wait3A_73 = tpu.memref_slice %arg2[%dma_wait3A_71, %dma_wait3A_72] : memref<10000x16xf32, #tpu.memory_space<hbm>> -> memref<10000x16xf32, #tpu.memory_space<hbm>>
      tpu.wait_indirect_dma semaphore(%arg13 : memref<!tpu.dma_semaphore, #tpu.memory_space<semaphore_mem>>) src(%dma_wait3A_73 : memref<10000x16xf32, #tpu.memory_space<hbm>>) dst(%arg8 : memref<80x16xf32, #tpu.memory_space<vmem>>)
      %add3A_74 = arith.constant 2 : i32
      %add3A_75 = arith.addi %mul3A_13, %add3A_74 : i32
      %mul3A_76 = arith.constant 80 : i32
      %mul3A_77 = arith.muli %add3A_75, %mul3A_76 : i32
      %add3A_78 = arith.addi %mul3A_2, %mul3A_77 : i32
      "tpu.region"() ({
        %run_scoped3A = tpu.sem_alloc : memref<!tpu.dma_semaphore, #tpu.memory_space<semaphore_mem>>
        %dma_start3A_97 = arith.constant 0 : i32
        %dma_start3A_98 = tpu.memref_slice %arg4[%add3A_78, %dma_start3A_97] : memref<320000x16xf32, #tpu.memory_space<hbm>> -> memref<80x16xf32, #tpu.memory_space<hbm>>
        %dma_start3A_99 = arith.constant 0 : i32
        %dma_start3A_100 = tpu.memref_slice %arg4[%add3A_78, %dma_start3A_99] : memref<320000x16xf32, #tpu.memory_space<hbm>> -> memref<80x16xf32, #tpu.memory_space<hbm>>
        tpu.enqueue_dma source(%arg8 : memref<80x16xf32, #tpu.memory_space<vmem>>) target(%dma_start3A_100 : memref<80x16xf32, #tpu.memory_space<hbm>>) target_semaphore(%run_scoped3A : memref<!tpu.dma_semaphore, #tpu.memory_space<semaphore_mem>>)
        %dma_wait3A_101 = arith.constant 0 : i32
        %dma_wait3A_102 = tpu.memref_slice %arg4[%add3A_78, %dma_wait3A_101] : memref<320000x16xf32, #tpu.memory_space<hbm>> -> memref<80x16xf32, #tpu.memory_space<hbm>>
        %dma_wait3A_103 = arith.constant 0 : i32
        %dma_wait3A_104 = tpu.memref_slice %arg4[%add3A_78, %dma_wait3A_103] : memref<320000x16xf32, #tpu.memory_space<hbm>> -> memref<80x16xf32, #tpu.memory_space<hbm>>
        tpu.wait_dma2 semaphore(%run_scoped3A : memref<!tpu.dma_semaphore, #tpu.memory_space<semaphore_mem>>) src(%arg8 : memref<80x16xf32, #tpu.memory_space<vmem>>) dst(%dma_wait3A_104 : memref<80x16xf32, #tpu.memory_space<hbm>>)
        tpu.yield
      }) : () -> ()
      %dma_wait3A_79 = tpu.memref_slice %arg5[%mul3A_40] : memref<10000xi32, #tpu.memory_space<vmem>> -> memref<80xi32, #tpu.memory_space<vmem>>
      %dma_wait3A_80 = arith.constant 0 : i32
      %dma_wait3A_81 = arith.constant 0 : i32
      %dma_wait3A_82 = tpu.memref_slice %arg2[%dma_wait3A_80, %dma_wait3A_81] : memref<10000x16xf32, #tpu.memory_space<hbm>> -> memref<10000x16xf32, #tpu.memory_space<hbm>>
      tpu.wait_indirect_dma semaphore(%arg14 : memref<!tpu.dma_semaphore, #tpu.memory_space<semaphore_mem>>) src(%dma_wait3A_82 : memref<10000x16xf32, #tpu.memory_space<hbm>>) dst(%arg9 : memref<80x16xf32, #tpu.memory_space<vmem>>)
      %add3A_83 = arith.constant 3 : i32
      %add3A_84 = arith.addi %mul3A_13, %add3A_83 : i32
      %mul3A_85 = arith.constant 80 : i32
      %mul3A_86 = arith.muli %add3A_84, %mul3A_85 : i32
      %add3A_87 = arith.addi %mul3A_2, %mul3A_86 : i32
      "tpu.region"() ({
        %run_scoped3A = tpu.sem_alloc : memref<!tpu.dma_semaphore, #tpu.memory_space<semaphore_mem>>
        %dma_start3A_97 = arith.constant 0 : i32
        %dma_start3A_98 = tpu.memref_slice %arg4[%add3A_87, %dma_start3A_97] : memref<320000x16xf32, #tpu.memory_space<hbm>> -> memref<80x16xf32, #tpu.memory_space<hbm>>
        %dma_start3A_99 = arith.constant 0 : i32
        %dma_start3A_100 = tpu.memref_slice %arg4[%add3A_87, %dma_start3A_99] : memref<320000x16xf32, #tpu.memory_space<hbm>> -> memref<80x16xf32, #tpu.memory_space<hbm>>
        tpu.enqueue_dma source(%arg9 : memref<80x16xf32, #tpu.memory_space<vmem>>) target(%dma_start3A_100 : memref<80x16xf32, #tpu.memory_space<hbm>>) target_semaphore(%run_scoped3A : memref<!tpu.dma_semaphore, #tpu.memory_space<semaphore_mem>>)
        %dma_wait3A_101 = arith.constant 0 : i32
        %dma_wait3A_102 = tpu.memref_slice %arg4[%add3A_87, %dma_wait3A_101] : memref<320000x16xf32, #tpu.memory_space<hbm>> -> memref<80x16xf32, #tpu.memory_space<hbm>>
        %dma_wait3A_103 = arith.constant 0 : i32
        %dma_wait3A_104 = tpu.memref_slice %arg4[%add3A_87, %dma_wait3A_103] : memref<320000x16xf32, #tpu.memory_space<hbm>> -> memref<80x16xf32, #tpu.memory_space<hbm>>
        tpu.wait_dma2 semaphore(%run_scoped3A : memref<!tpu.dma_semaphore, #tpu.memory_space<semaphore_mem>>) src(%arg9 : memref<80x16xf32, #tpu.memory_space<vmem>>) dst(%dma_wait3A_104 : memref<80x16xf32, #tpu.memory_space<hbm>>)
        tpu.yield
      }) : () -> ()
      %dma_wait3A_88 = tpu.memref_slice %arg5[%mul3A_48] : memref<10000xi32, #tpu.memory_space<vmem>> -> memref<80xi32, #tpu.memory_space<vmem>>
      %dma_wait3A_89 = arith.constant 0 : i32
      %dma_wait3A_90 = arith.constant 0 : i32
      %dma_wait3A_91 = tpu.memref_slice %arg2[%dma_wait3A_89, %dma_wait3A_90] : memref<10000x16xf32, #tpu.memory_space<hbm>> -> memref<10000x16xf32, #tpu.memory_space<hbm>>
      tpu.wait_indirect_dma semaphore(%arg15 : memref<!tpu.dma_semaphore, #tpu.memory_space<semaphore_mem>>) src(%dma_wait3A_91 : memref<10000x16xf32, #tpu.memory_space<hbm>>) dst(%arg10 : memref<80x16xf32, #tpu.memory_space<vmem>>)
      %add3A_92 = arith.constant 4 : i32
      %add3A_93 = arith.addi %mul3A_13, %add3A_92 : i32
      %mul3A_94 = arith.constant 80 : i32
      %mul3A_95 = arith.muli %add3A_93, %mul3A_94 : i32
      %add3A_96 = arith.addi %mul3A_2, %mul3A_95 : i32
      "tpu.region"() ({
        %run_scoped3A = tpu.sem_alloc : memref<!tpu.dma_semaphore, #tpu.memory_space<semaphore_mem>>
        %dma_start3A_97 = arith.constant 0 : i32
        %dma_start3A_98 = tpu.memref_slice %arg4[%add3A_96, %dma_start3A_97] : memref<320000x16xf32, #tpu.memory_space<hbm>> -> memref<80x16xf32, #tpu.memory_space<hbm>>
        %dma_start3A_99 = arith.constant 0 : i32
        %dma_start3A_100 = tpu.memref_slice %arg4[%add3A_96, %dma_start3A_99] : memref<320000x16xf32, #tpu.memory_space<hbm>> -> memref<80x16xf32, #tpu.memory_space<hbm>>
        tpu.enqueue_dma source(%arg10 : memref<80x16xf32, #tpu.memory_space<vmem>>) target(%dma_start3A_100 : memref<80x16xf32, #tpu.memory_space<hbm>>) target_semaphore(%run_scoped3A : memref<!tpu.dma_semaphore, #tpu.memory_space<semaphore_mem>>)
        %dma_wait3A_101 = arith.constant 0 : i32
        %dma_wait3A_102 = tpu.memref_slice %arg4[%add3A_96, %dma_wait3A_101] : memref<320000x16xf32, #tpu.memory_space<hbm>> -> memref<80x16xf32, #tpu.memory_space<hbm>>
        %dma_wait3A_103 = arith.constant 0 : i32
        %dma_wait3A_104 = tpu.memref_slice %arg4[%add3A_96, %dma_wait3A_103] : memref<320000x16xf32, #tpu.memory_space<hbm>> -> memref<80x16xf32, #tpu.memory_space<hbm>>
        tpu.wait_dma2 semaphore(%run_scoped3A : memref<!tpu.dma_semaphore, #tpu.memory_space<semaphore_mem>>) src(%arg10 : memref<80x16xf32, #tpu.memory_space<vmem>>) dst(%dma_wait3A_104 : memref<80x16xf32, #tpu.memory_space<hbm>>)
        tpu.yield
      }) : () -> ()
    }
    %scan3A_6 = arith.constant 25 : i32
    return
  }
}

#map = affine_map<(d0, d1) -> (0, 0)>
#map1 = affine_map<(d0, d1) -> (0)>
module attributes {stable_mosaic.version = 14 : i64} {
  func.func @gather(%arg0: i32, %arg1: i32, %arg2: memref<10000x64xf32, #tpu.memory_space<hbm>>, %arg3: memref<320000xi32, #tpu.memory_space<hbm>>, %arg4: memref<320000x64xf32, #tpu.memory_space<hbm>>, %arg5: memref<10000xi32, #tpu.memory_space<vmem>>, %arg6: memref<80x64xf32, #tpu.memory_space<vmem>>, %arg7: memref<80x64xf32, #tpu.memory_space<vmem>>, %arg8: memref<80x64xf32, #tpu.memory_space<vmem>>, %arg9: memref<80x64xf32, #tpu.memory_space<vmem>>, %arg10: memref<80x64xf32, #tpu.memory_space<vmem>>, %arg11: memref<!tpu.dma_semaphore, #tpu.memory_space<semaphore_mem>>, %arg12: memref<!tpu.dma_semaphore, #tpu.memory_space<semaphore_mem>>, %arg13: memref<!tpu.dma_semaphore, #tpu.memory_space<semaphore_mem>>, %arg14: memref<!tpu.dma_semaphore, #tpu.memory_space<semaphore_mem>>, %arg15: memref<!tpu.dma_semaphore, #tpu.memory_space<semaphore_mem>>) attributes {dimension_semantics = [#tpu.dimension_semantics<core_parallel>, #tpu.dimension_semantics<subcore_parallel>], iteration_bounds = array<i64: 2, 16>, scalar_prefetch = 0 : i64, scratch_operands = 11 : i64, tpu.core_type = #tpu.core_type<sc_vector_subcore>, window_params = [{transform_indices = #map}, {transform_indices = #map1}, {transform_indices = #map}]} {
    %mul3A = arith.constant 2 : i32
    %mul3A_0 = arith.muli %arg1, %mul3A : i32
    %add3A = arith.addi %mul3A_0, %arg0 : i32
    %mul3A_1 = arith.constant 10000 : i32
    %mul3A_2 = arith.muli %add3A, %mul3A_1 : i32
    "tpu.region"() ({
      %run_scoped3A = tpu.sem_alloc : memref<!tpu.dma_semaphore, #tpu.memory_space<semaphore_mem>>
      %dma_start3A = tpu.memref_slice %arg3[%mul3A_2] : memref<320000xi32, #tpu.memory_space<hbm>> -> memref<10000xi32, #tpu.memory_space<hbm>>
      %dma_start3A_7 = tpu.memref_slice %arg3[%mul3A_2] : memref<320000xi32, #tpu.memory_space<hbm>> -> memref<10000xi32, #tpu.memory_space<hbm>>
      tpu.enqueue_dma source(%dma_start3A_7 : memref<10000xi32, #tpu.memory_space<hbm>>) target(%arg5 : memref<10000xi32, #tpu.memory_space<vmem>>) target_semaphore(%run_scoped3A : memref<!tpu.dma_semaphore, #tpu.memory_space<semaphore_mem>>)
      %dma_wait3A = tpu.memref_slice %arg3[%mul3A_2] : memref<320000xi32, #tpu.memory_space<hbm>> -> memref<10000xi32, #tpu.memory_space<hbm>>
      %dma_wait3A_8 = tpu.memref_slice %arg3[%mul3A_2] : memref<320000xi32, #tpu.memory_space<hbm>> -> memref<10000xi32, #tpu.memory_space<hbm>>
      tpu.wait_dma2 semaphore(%run_scoped3A : memref<!tpu.dma_semaphore, #tpu.memory_space<semaphore_mem>>) src(%dma_wait3A_8 : memref<10000xi32, #tpu.memory_space<hbm>>) dst(%arg5 : memref<10000xi32, #tpu.memory_space<vmem>>)
      tpu.yield
    }) : () -> ()
    %scan3A = arith.constant 0 : i32
    %scan3A_3 = arith.constant 25 : i32
    %scan3A_4 = arith.addi %scan3A, %scan3A_3 : i32
    %scan3A_5 = arith.constant 1 : i32
    scf.for %scan3A_7 = %scan3A to %scan3A_4 step %scan3A_5  : i32 {
      %mul3A_8 = arith.constant 1 : i32
      %mul3A_9 = arith.muli %scan3A_7, %mul3A_8 : i32
      %add3A_10 = arith.constant 0 : i32
      %add3A_11 = arith.addi %add3A_10, %mul3A_9 : i32
      %mul3A_12 = arith.constant 5 : i32
      %mul3A_13 = arith.muli %add3A_11, %mul3A_12 : i32
      %add3A_14 = arith.constant 0 : i32
      %add3A_15 = arith.addi %mul3A_13, %add3A_14 : i32
      %mul3A_16 = arith.constant 80 : i32
      %mul3A_17 = arith.muli %add3A_15, %mul3A_16 : i32
      %dma_start3A = tpu.memref_slice %arg5[%mul3A_17] : memref<10000xi32, #tpu.memory_space<vmem>> -> memref<80xi32, #tpu.memory_space<vmem>>
      %dma_start3A_18 = arith.constant 0 : i32
      %dma_start3A_19 = arith.constant 0 : i32
      %dma_start3A_20 = tpu.memref_slice %arg2[%dma_start3A_18, %dma_start3A_19] : memref<10000x64xf32, #tpu.memory_space<hbm>> -> memref<10000x64xf32, #tpu.memory_space<hbm>>
      tpu.enqueue_indirect_dma source(%dma_start3A_20 : memref<10000x64xf32, #tpu.memory_space<hbm>>) target(%arg6 : memref<80x64xf32, #tpu.memory_space<vmem>>) offsets(%dma_start3A : memref<80xi32, #tpu.memory_space<vmem>>) semaphore(%arg11 : memref<!tpu.dma_semaphore, #tpu.memory_space<semaphore_mem>>)
      %add3A_21 = arith.constant 1 : i32
      %add3A_22 = arith.addi %mul3A_13, %add3A_21 : i32
      %mul3A_23 = arith.constant 80 : i32
      %mul3A_24 = arith.muli %add3A_22, %mul3A_23 : i32
      %dma_start3A_25 = tpu.memref_slice %arg5[%mul3A_24] : memref<10000xi32, #tpu.memory_space<vmem>> -> memref<80xi32, #tpu.memory_space<vmem>>
      %dma_start3A_26 = arith.constant 0 : i32
      %dma_start3A_27 = arith.constant 0 : i32
      %dma_start3A_28 = tpu.memref_slice %arg2[%dma_start3A_26, %dma_start3A_27] : memref<10000x64xf32, #tpu.memory_space<hbm>> -> memref<10000x64xf32, #tpu.memory_space<hbm>>
      tpu.enqueue_indirect_dma source(%dma_start3A_28 : memref<10000x64xf32, #tpu.memory_space<hbm>>) target(%arg7 : memref<80x64xf32, #tpu.memory_space<vmem>>) offsets(%dma_start3A_25 : memref<80xi32, #tpu.memory_space<vmem>>) semaphore(%arg12 : memref<!tpu.dma_semaphore, #tpu.memory_space<semaphore_mem>>)
      %add3A_29 = arith.constant 2 : i32
      %add3A_30 = arith.addi %mul3A_13, %add3A_29 : i32
      %mul3A_31 = arith.constant 80 : i32
      %mul3A_32 = arith.muli %add3A_30, %mul3A_31 : i32
      %dma_start3A_33 = tpu.memref_slice %arg5[%mul3A_32] : memref<10000xi32, #tpu.memory_space<vmem>> -> memref<80xi32, #tpu.memory_space<vmem>>
      %dma_start3A_34 = arith.constant 0 : i32
      %dma_start3A_35 = arith.constant 0 : i32
      %dma_start3A_36 = tpu.memref_slice %arg2[%dma_start3A_34, %dma_start3A_35] : memref<10000x64xf32, #tpu.memory_space<hbm>> -> memref<10000x64xf32, #tpu.memory_space<hbm>>
      tpu.enqueue_indirect_dma source(%dma_start3A_36 : memref<10000x64xf32, #tpu.memory_space<hbm>>) target(%arg8 : memref<80x64xf32, #tpu.memory_space<vmem>>) offsets(%dma_start3A_33 : memref<80xi32, #tpu.memory_space<vmem>>) semaphore(%arg13 : memref<!tpu.dma_semaphore, #tpu.memory_space<semaphore_mem>>)
      %add3A_37 = arith.constant 3 : i32
      %add3A_38 = arith.addi %mul3A_13, %add3A_37 : i32
      %mul3A_39 = arith.constant 80 : i32
      %mul3A_40 = arith.muli %add3A_38, %mul3A_39 : i32
      %dma_start3A_41 = tpu.memref_slice %arg5[%mul3A_40] : memref<10000xi32, #tpu.memory_space<vmem>> -> memref<80xi32, #tpu.memory_space<vmem>>
      %dma_start3A_42 = arith.constant 0 : i32
      %dma_start3A_43 = arith.constant 0 : i32
      %dma_start3A_44 = tpu.memref_slice %arg2[%dma_start3A_42, %dma_start3A_43] : memref<10000x64xf32, #tpu.memory_space<hbm>> -> memref<10000x64xf32, #tpu.memory_space<hbm>>
      tpu.enqueue_indirect_dma source(%dma_start3A_44 : memref<10000x64xf32, #tpu.memory_space<hbm>>) target(%arg9 : memref<80x64xf32, #tpu.memory_space<vmem>>) offsets(%dma_start3A_41 : memref<80xi32, #tpu.memory_space<vmem>>) semaphore(%arg14 : memref<!tpu.dma_semaphore, #tpu.memory_space<semaphore_mem>>)
      %add3A_45 = arith.constant 4 : i32
      %add3A_46 = arith.addi %mul3A_13, %add3A_45 : i32
      %mul3A_47 = arith.constant 80 : i32
      %mul3A_48 = arith.muli %add3A_46, %mul3A_47 : i32
      %dma_start3A_49 = tpu.memref_slice %arg5[%mul3A_48] : memref<10000xi32, #tpu.memory_space<vmem>> -> memref<80xi32, #tpu.memory_space<vmem>>
      %dma_start3A_50 = arith.constant 0 : i32
      %dma_start3A_51 = arith.constant 0 : i32
      %dma_start3A_52 = tpu.memref_slice %arg2[%dma_start3A_50, %dma_start3A_51] : memref<10000x64xf32, #tpu.memory_space<hbm>> -> memref<10000x64xf32, #tpu.memory_space<hbm>>
      tpu.enqueue_indirect_dma source(%dma_start3A_52 : memref<10000x64xf32, #tpu.memory_space<hbm>>) target(%arg10 : memref<80x64xf32, #tpu.memory_space<vmem>>) offsets(%dma_start3A_49 : memref<80xi32, #tpu.memory_space<vmem>>) semaphore(%arg15 : memref<!tpu.dma_semaphore, #tpu.memory_space<semaphore_mem>>)
      %dma_wait3A = tpu.memref_slice %arg5[%mul3A_17] : memref<10000xi32, #tpu.memory_space<vmem>> -> memref<80xi32, #tpu.memory_space<vmem>>
      %dma_wait3A_53 = arith.constant 0 : i32
      %dma_wait3A_54 = arith.constant 0 : i32
      %dma_wait3A_55 = tpu.memref_slice %arg2[%dma_wait3A_53, %dma_wait3A_54] : memref<10000x64xf32, #tpu.memory_space<hbm>> -> memref<10000x64xf32, #tpu.memory_space<hbm>>
      tpu.wait_indirect_dma semaphore(%arg11 : memref<!tpu.dma_semaphore, #tpu.memory_space<semaphore_mem>>) src(%dma_wait3A_55 : memref<10000x64xf32, #tpu.memory_space<hbm>>) dst(%arg6 : memref<80x64xf32, #tpu.memory_space<vmem>>)
      %add3A_56 = arith.constant 0 : i32
      %add3A_57 = arith.addi %mul3A_13, %add3A_56 : i32
      %mul3A_58 = arith.constant 80 : i32
      %mul3A_59 = arith.muli %add3A_57, %mul3A_58 : i32
      %add3A_60 = arith.addi %mul3A_2, %mul3A_59 : i32
      "tpu.region"() ({
        %run_scoped3A = tpu.sem_alloc : memref<!tpu.dma_semaphore, #tpu.memory_space<semaphore_mem>>
        %dma_start3A_97 = arith.constant 0 : i32
        %dma_start3A_98 = tpu.memref_slice %arg4[%add3A_60, %dma_start3A_97] : memref<320000x64xf32, #tpu.memory_space<hbm>> -> memref<80x64xf32, #tpu.memory_space<hbm>>
        %dma_start3A_99 = arith.constant 0 : i32
        %dma_start3A_100 = tpu.memref_slice %arg4[%add3A_60, %dma_start3A_99] : memref<320000x64xf32, #tpu.memory_space<hbm>> -> memref<80x64xf32, #tpu.memory_space<hbm>>
        tpu.enqueue_dma source(%arg6 : memref<80x64xf32, #tpu.memory_space<vmem>>) target(%dma_start3A_100 : memref<80x64xf32, #tpu.memory_space<hbm>>) target_semaphore(%run_scoped3A : memref<!tpu.dma_semaphore, #tpu.memory_space<semaphore_mem>>)
        %dma_wait3A_101 = arith.constant 0 : i32
        %dma_wait3A_102 = tpu.memref_slice %arg4[%add3A_60, %dma_wait3A_101] : memref<320000x64xf32, #tpu.memory_space<hbm>> -> memref<80x64xf32, #tpu.memory_space<hbm>>
        %dma_wait3A_103 = arith.constant 0 : i32
        %dma_wait3A_104 = tpu.memref_slice %arg4[%add3A_60, %dma_wait3A_103] : memref<320000x64xf32, #tpu.memory_space<hbm>> -> memref<80x64xf32, #tpu.memory_space<hbm>>
        tpu.wait_dma2 semaphore(%run_scoped3A : memref<!tpu.dma_semaphore, #tpu.memory_space<semaphore_mem>>) src(%arg6 : memref<80x64xf32, #tpu.memory_space<vmem>>) dst(%dma_wait3A_104 : memref<80x64xf32, #tpu.memory_space<hbm>>)
        tpu.yield
      }) : () -> ()
      %dma_wait3A_61 = tpu.memref_slice %arg5[%mul3A_24] : memref<10000xi32, #tpu.memory_space<vmem>> -> memref<80xi32, #tpu.memory_space<vmem>>
      %dma_wait3A_62 = arith.constant 0 : i32
      %dma_wait3A_63 = arith.constant 0 : i32
      %dma_wait3A_64 = tpu.memref_slice %arg2[%dma_wait3A_62, %dma_wait3A_63] : memref<10000x64xf32, #tpu.memory_space<hbm>> -> memref<10000x64xf32, #tpu.memory_space<hbm>>
      tpu.wait_indirect_dma semaphore(%arg12 : memref<!tpu.dma_semaphore, #tpu.memory_space<semaphore_mem>>) src(%dma_wait3A_64 : memref<10000x64xf32, #tpu.memory_space<hbm>>) dst(%arg7 : memref<80x64xf32, #tpu.memory_space<vmem>>)
      %add3A_65 = arith.constant 1 : i32
      %add3A_66 = arith.addi %mul3A_13, %add3A_65 : i32
      %mul3A_67 = arith.constant 80 : i32
      %mul3A_68 = arith.muli %add3A_66, %mul3A_67 : i32
      %add3A_69 = arith.addi %mul3A_2, %mul3A_68 : i32
      "tpu.region"() ({
        %run_scoped3A = tpu.sem_alloc : memref<!tpu.dma_semaphore, #tpu.memory_space<semaphore_mem>>
        %dma_start3A_97 = arith.constant 0 : i32
        %dma_start3A_98 = tpu.memref_slice %arg4[%add3A_69, %dma_start3A_97] : memref<320000x64xf32, #tpu.memory_space<hbm>> -> memref<80x64xf32, #tpu.memory_space<hbm>>
        %dma_start3A_99 = arith.constant 0 : i32
        %dma_start3A_100 = tpu.memref_slice %arg4[%add3A_69, %dma_start3A_99] : memref<320000x64xf32, #tpu.memory_space<hbm>> -> memref<80x64xf32, #tpu.memory_space<hbm>>
        tpu.enqueue_dma source(%arg7 : memref<80x64xf32, #tpu.memory_space<vmem>>) target(%dma_start3A_100 : memref<80x64xf32, #tpu.memory_space<hbm>>) target_semaphore(%run_scoped3A : memref<!tpu.dma_semaphore, #tpu.memory_space<semaphore_mem>>)
        %dma_wait3A_101 = arith.constant 0 : i32
        %dma_wait3A_102 = tpu.memref_slice %arg4[%add3A_69, %dma_wait3A_101] : memref<320000x64xf32, #tpu.memory_space<hbm>> -> memref<80x64xf32, #tpu.memory_space<hbm>>
        %dma_wait3A_103 = arith.constant 0 : i32
        %dma_wait3A_104 = tpu.memref_slice %arg4[%add3A_69, %dma_wait3A_103] : memref<320000x64xf32, #tpu.memory_space<hbm>> -> memref<80x64xf32, #tpu.memory_space<hbm>>
        tpu.wait_dma2 semaphore(%run_scoped3A : memref<!tpu.dma_semaphore, #tpu.memory_space<semaphore_mem>>) src(%arg7 : memref<80x64xf32, #tpu.memory_space<vmem>>) dst(%dma_wait3A_104 : memref<80x64xf32, #tpu.memory_space<hbm>>)
        tpu.yield
      }) : () -> ()
      %dma_wait3A_70 = tpu.memref_slice %arg5[%mul3A_32] : memref<10000xi32, #tpu.memory_space<vmem>> -> memref<80xi32, #tpu.memory_space<vmem>>
      %dma_wait3A_71 = arith.constant 0 : i32
      %dma_wait3A_72 = arith.constant 0 : i32
      %dma_wait3A_73 = tpu.memref_slice %arg2[%dma_wait3A_71, %dma_wait3A_72] : memref<10000x64xf32, #tpu.memory_space<hbm>> -> memref<10000x64xf32, #tpu.memory_space<hbm>>
      tpu.wait_indirect_dma semaphore(%arg13 : memref<!tpu.dma_semaphore, #tpu.memory_space<semaphore_mem>>) src(%dma_wait3A_73 : memref<10000x64xf32, #tpu.memory_space<hbm>>) dst(%arg8 : memref<80x64xf32, #tpu.memory_space<vmem>>)
      %add3A_74 = arith.constant 2 : i32
      %add3A_75 = arith.addi %mul3A_13, %add3A_74 : i32
      %mul3A_76 = arith.constant 80 : i32
      %mul3A_77 = arith.muli %add3A_75, %mul3A_76 : i32
      %add3A_78 = arith.addi %mul3A_2, %mul3A_77 : i32
      "tpu.region"() ({
        %run_scoped3A = tpu.sem_alloc : memref<!tpu.dma_semaphore, #tpu.memory_space<semaphore_mem>>
        %dma_start3A_97 = arith.constant 0 : i32
        %dma_start3A_98 = tpu.memref_slice %arg4[%add3A_78, %dma_start3A_97] : memref<320000x64xf32, #tpu.memory_space<hbm>> -> memref<80x64xf32, #tpu.memory_space<hbm>>
        %dma_start3A_99 = arith.constant 0 : i32
        %dma_start3A_100 = tpu.memref_slice %arg4[%add3A_78, %dma_start3A_99] : memref<320000x64xf32, #tpu.memory_space<hbm>> -> memref<80x64xf32, #tpu.memory_space<hbm>>
        tpu.enqueue_dma source(%arg8 : memref<80x64xf32, #tpu.memory_space<vmem>>) target(%dma_start3A_100 : memref<80x64xf32, #tpu.memory_space<hbm>>) target_semaphore(%run_scoped3A : memref<!tpu.dma_semaphore, #tpu.memory_space<semaphore_mem>>)
        %dma_wait3A_101 = arith.constant 0 : i32
        %dma_wait3A_102 = tpu.memref_slice %arg4[%add3A_78, %dma_wait3A_101] : memref<320000x64xf32, #tpu.memory_space<hbm>> -> memref<80x64xf32, #tpu.memory_space<hbm>>
        %dma_wait3A_103 = arith.constant 0 : i32
        %dma_wait3A_104 = tpu.memref_slice %arg4[%add3A_78, %dma_wait3A_103] : memref<320000x64xf32, #tpu.memory_space<hbm>> -> memref<80x64xf32, #tpu.memory_space<hbm>>
        tpu.wait_dma2 semaphore(%run_scoped3A : memref<!tpu.dma_semaphore, #tpu.memory_space<semaphore_mem>>) src(%arg8 : memref<80x64xf32, #tpu.memory_space<vmem>>) dst(%dma_wait3A_104 : memref<80x64xf32, #tpu.memory_space<hbm>>)
        tpu.yield
      }) : () -> ()
      %dma_wait3A_79 = tpu.memref_slice %arg5[%mul3A_40] : memref<10000xi32, #tpu.memory_space<vmem>> -> memref<80xi32, #tpu.memory_space<vmem>>
      %dma_wait3A_80 = arith.constant 0 : i32
      %dma_wait3A_81 = arith.constant 0 : i32
      %dma_wait3A_82 = tpu.memref_slice %arg2[%dma_wait3A_80, %dma_wait3A_81] : memref<10000x64xf32, #tpu.memory_space<hbm>> -> memref<10000x64xf32, #tpu.memory_space<hbm>>
      tpu.wait_indirect_dma semaphore(%arg14 : memref<!tpu.dma_semaphore, #tpu.memory_space<semaphore_mem>>) src(%dma_wait3A_82 : memref<10000x64xf32, #tpu.memory_space<hbm>>) dst(%arg9 : memref<80x64xf32, #tpu.memory_space<vmem>>)
      %add3A_83 = arith.constant 3 : i32
      %add3A_84 = arith.addi %mul3A_13, %add3A_83 : i32
      %mul3A_85 = arith.constant 80 : i32
      %mul3A_86 = arith.muli %add3A_84, %mul3A_85 : i32
      %add3A_87 = arith.addi %mul3A_2, %mul3A_86 : i32
      "tpu.region"() ({
        %run_scoped3A = tpu.sem_alloc : memref<!tpu.dma_semaphore, #tpu.memory_space<semaphore_mem>>
        %dma_start3A_97 = arith.constant 0 : i32
        %dma_start3A_98 = tpu.memref_slice %arg4[%add3A_87, %dma_start3A_97] : memref<320000x64xf32, #tpu.memory_space<hbm>> -> memref<80x64xf32, #tpu.memory_space<hbm>>
        %dma_start3A_99 = arith.constant 0 : i32
        %dma_start3A_100 = tpu.memref_slice %arg4[%add3A_87, %dma_start3A_99] : memref<320000x64xf32, #tpu.memory_space<hbm>> -> memref<80x64xf32, #tpu.memory_space<hbm>>
        tpu.enqueue_dma source(%arg9 : memref<80x64xf32, #tpu.memory_space<vmem>>) target(%dma_start3A_100 : memref<80x64xf32, #tpu.memory_space<hbm>>) target_semaphore(%run_scoped3A : memref<!tpu.dma_semaphore, #tpu.memory_space<semaphore_mem>>)
        %dma_wait3A_101 = arith.constant 0 : i32
        %dma_wait3A_102 = tpu.memref_slice %arg4[%add3A_87, %dma_wait3A_101] : memref<320000x64xf32, #tpu.memory_space<hbm>> -> memref<80x64xf32, #tpu.memory_space<hbm>>
        %dma_wait3A_103 = arith.constant 0 : i32
        %dma_wait3A_104 = tpu.memref_slice %arg4[%add3A_87, %dma_wait3A_103] : memref<320000x64xf32, #tpu.memory_space<hbm>> -> memref<80x64xf32, #tpu.memory_space<hbm>>
        tpu.wait_dma2 semaphore(%run_scoped3A : memref<!tpu.dma_semaphore, #tpu.memory_space<semaphore_mem>>) src(%arg9 : memref<80x64xf32, #tpu.memory_space<vmem>>) dst(%dma_wait3A_104 : memref<80x64xf32, #tpu.memory_space<hbm>>)
        tpu.yield
      }) : () -> ()
      %dma_wait3A_88 = tpu.memref_slice %arg5[%mul3A_48] : memref<10000xi32, #tpu.memory_space<vmem>> -> memref<80xi32, #tpu.memory_space<vmem>>
      %dma_wait3A_89 = arith.constant 0 : i32
      %dma_wait3A_90 = arith.constant 0 : i32
      %dma_wait3A_91 = tpu.memref_slice %arg2[%dma_wait3A_89, %dma_wait3A_90] : memref<10000x64xf32, #tpu.memory_space<hbm>> -> memref<10000x64xf32, #tpu.memory_space<hbm>>
      tpu.wait_indirect_dma semaphore(%arg15 : memref<!tpu.dma_semaphore, #tpu.memory_space<semaphore_mem>>) src(%dma_wait3A_91 : memref<10000x64xf32, #tpu.memory_space<hbm>>) dst(%arg10 : memref<80x64xf32, #tpu.memory_space<vmem>>)
      %add3A_92 = arith.constant 4 : i32
      %add3A_93 = arith.addi %mul3A_13, %add3A_92 : i32
      %mul3A_94 = arith.constant 80 : i32
      %mul3A_95 = arith.muli %add3A_93, %mul3A_94 : i32
      %add3A_96 = arith.addi %mul3A_2, %mul3A_95 : i32
      "tpu.region"() ({
        %run_scoped3A = tpu.sem_alloc : memref<!tpu.dma_semaphore, #tpu.memory_space<semaphore_mem>>
        %dma_start3A_97 = arith.constant 0 : i32
        %dma_start3A_98 = tpu.memref_slice %arg4[%add3A_96, %dma_start3A_97] : memref<320000x64xf32, #tpu.memory_space<hbm>> -> memref<80x64xf32, #tpu.memory_space<hbm>>
        %dma_start3A_99 = arith.constant 0 : i32
        %dma_start3A_100 = tpu.memref_slice %arg4[%add3A_96, %dma_start3A_99] : memref<320000x64xf32, #tpu.memory_space<hbm>> -> memref<80x64xf32, #tpu.memory_space<hbm>>
        tpu.enqueue_dma source(%arg10 : memref<80x64xf32, #tpu.memory_space<vmem>>) target(%dma_start3A_100 : memref<80x64xf32, #tpu.memory_space<hbm>>) target_semaphore(%run_scoped3A : memref<!tpu.dma_semaphore, #tpu.memory_space<semaphore_mem>>)
        %dma_wait3A_101 = arith.constant 0 : i32
        %dma_wait3A_102 = tpu.memref_slice %arg4[%add3A_96, %dma_wait3A_101] : memref<320000x64xf32, #tpu.memory_space<hbm>> -> memref<80x64xf32, #tpu.memory_space<hbm>>
        %dma_wait3A_103 = arith.constant 0 : i32
        %dma_wait3A_104 = tpu.memref_slice %arg4[%add3A_96, %dma_wait3A_103] : memref<320000x64xf32, #tpu.memory_space<hbm>> -> memref<80x64xf32, #tpu.memory_space<hbm>>
        tpu.wait_dma2 semaphore(%run_scoped3A : memref<!tpu.dma_semaphore, #tpu.memory_space<semaphore_mem>>) src(%arg10 : memref<80x64xf32, #tpu.memory_space<vmem>>) dst(%dma_wait3A_104 : memref<80x64xf32, #tpu.memory_space<hbm>>)
        tpu.yield
      }) : () -> ()
    }
    %scan3A_6 = arith.constant 25 : i32
    return
  }
}

#map = affine_map<(d0, d1) -> (0, 0)>
#map1 = affine_map<(d0, d1) -> (0)>
module attributes {stable_mosaic.version = 14 : i64} {
  func.func @gather(%arg0: i32, %arg1: i32, %arg2: memref<10000x64xf32, #tpu.memory_space<hbm>>, %arg3: memref<320000xi32, #tpu.memory_space<hbm>>, %arg4: memref<320000x64xf32, #tpu.memory_space<hbm>>, %arg5: memref<10000xi32, #tpu.memory_space<vmem>>, %arg6: memref<80x64xf32, #tpu.memory_space<vmem>>, %arg7: memref<80x64xf32, #tpu.memory_space<vmem>>, %arg8: memref<80x64xf32, #tpu.memory_space<vmem>>, %arg9: memref<80x64xf32, #tpu.memory_space<vmem>>, %arg10: memref<80x64xf32, #tpu.memory_space<vmem>>, %arg11: memref<!tpu.dma_semaphore, #tpu.memory_space<semaphore_mem>>, %arg12: memref<!tpu.dma_semaphore, #tpu.memory_space<semaphore_mem>>, %arg13: memref<!tpu.dma_semaphore, #tpu.memory_space<semaphore_mem>>, %arg14: memref<!tpu.dma_semaphore, #tpu.memory_space<semaphore_mem>>, %arg15: memref<!tpu.dma_semaphore, #tpu.memory_space<semaphore_mem>>) attributes {dimension_semantics = [#tpu.dimension_semantics<core_parallel>, #tpu.dimension_semantics<subcore_parallel>], iteration_bounds = array<i64: 2, 16>, scalar_prefetch = 0 : i64, scratch_operands = 11 : i64, tpu.core_type = #tpu.core_type<sc_vector_subcore>, window_params = [{transform_indices = #map}, {transform_indices = #map1}, {transform_indices = #map}]} {
    %mul3A = arith.constant 2 : i32
    %mul3A_0 = arith.muli %arg1, %mul3A : i32
    %add3A = arith.addi %mul3A_0, %arg0 : i32
    %mul3A_1 = arith.constant 10000 : i32
    %mul3A_2 = arith.muli %add3A, %mul3A_1 : i32
    "tpu.region"() ({
      %run_scoped3A = tpu.sem_alloc : memref<!tpu.dma_semaphore, #tpu.memory_space<semaphore_mem>>
      %dma_start3A = tpu.memref_slice %arg3[%mul3A_2] : memref<320000xi32, #tpu.memory_space<hbm>> -> memref<10000xi32, #tpu.memory_space<hbm>>
      %dma_start3A_7 = tpu.memref_slice %arg3[%mul3A_2] : memref<320000xi32, #tpu.memory_space<hbm>> -> memref<10000xi32, #tpu.memory_space<hbm>>
      tpu.enqueue_dma source(%dma_start3A_7 : memref<10000xi32, #tpu.memory_space<hbm>>) target(%arg5 : memref<10000xi32, #tpu.memory_space<vmem>>) target_semaphore(%run_scoped3A : memref<!tpu.dma_semaphore, #tpu.memory_space<semaphore_mem>>)
      %dma_wait3A = tpu.memref_slice %arg3[%mul3A_2] : memref<320000xi32, #tpu.memory_space<hbm>> -> memref<10000xi32, #tpu.memory_space<hbm>>
      %dma_wait3A_8 = tpu.memref_slice %arg3[%mul3A_2] : memref<320000xi32, #tpu.memory_space<hbm>> -> memref<10000xi32, #tpu.memory_space<hbm>>
      tpu.wait_dma2 semaphore(%run_scoped3A : memref<!tpu.dma_semaphore, #tpu.memory_space<semaphore_mem>>) src(%dma_wait3A_8 : memref<10000xi32, #tpu.memory_space<hbm>>) dst(%arg5 : memref<10000xi32, #tpu.memory_space<vmem>>)
      tpu.yield
    }) : () -> ()
    %scan3A = arith.constant 0 : i32
    %scan3A_3 = arith.constant 25 : i32
    %scan3A_4 = arith.addi %scan3A, %scan3A_3 : i32
    %scan3A_5 = arith.constant 1 : i32
    scf.for %scan3A_7 = %scan3A to %scan3A_4 step %scan3A_5  : i32 {
      %mul3A_8 = arith.constant 1 : i32
      %mul3A_9 = arith.muli %scan3A_7, %mul3A_8 : i32
      %add3A_10 = arith.constant 0 : i32
      %add3A_11 = arith.addi %add3A_10, %mul3A_9 : i32
      %mul3A_12 = arith.constant 5 : i32
      %mul3A_13 = arith.muli %add3A_11, %mul3A_12 : i32
      %add3A_14 = arith.constant 0 : i32
      %add3A_15 = arith.addi %mul3A_13, %add3A_14 : i32
      %mul3A_16 = arith.constant 80 : i32
      %mul3A_17 = arith.muli %add3A_15, %mul3A_16 : i32
      %dma_start3A = tpu.memref_slice %arg5[%mul3A_17] : memref<10000xi32, #tpu.memory_space<vmem>> -> memref<80xi32, #tpu.memory_space<vmem>>
      %dma_start3A_18 = arith.constant 0 : i32
      %dma_start3A_19 = arith.constant 0 : i32
      %dma_start3A_20 = tpu.memref_slice %arg2[%dma_start3A_18, %dma_start3A_19] : memref<10000x64xf32, #tpu.memory_space<hbm>> -> memref<10000x64xf32, #tpu.memory_space<hbm>>
      tpu.enqueue_indirect_dma source(%dma_start3A_20 : memref<10000x64xf32, #tpu.memory_space<hbm>>) target(%arg6 : memref<80x64xf32, #tpu.memory_space<vmem>>) offsets(%dma_start3A : memref<80xi32, #tpu.memory_space<vmem>>) semaphore(%arg11 : memref<!tpu.dma_semaphore, #tpu.memory_space<semaphore_mem>>)
      %add3A_21 = arith.constant 1 : i32
      %add3A_22 = arith.addi %mul3A_13, %add3A_21 : i32
      %mul3A_23 = arith.constant 80 : i32
      %mul3A_24 = arith.muli %add3A_22, %mul3A_23 : i32
      %dma_start3A_25 = tpu.memref_slice %arg5[%mul3A_24] : memref<10000xi32, #tpu.memory_space<vmem>> -> memref<80xi32, #tpu.memory_space<vmem>>
      %dma_start3A_26 = arith.constant 0 : i32
      %dma_start3A_27 = arith.constant 0 : i32
      %dma_start3A_28 = tpu.memref_slice %arg2[%dma_start3A_26, %dma_start3A_27] : memref<10000x64xf32, #tpu.memory_space<hbm>> -> memref<10000x64xf32, #tpu.memory_space<hbm>>
      tpu.enqueue_indirect_dma source(%dma_start3A_28 : memref<10000x64xf32, #tpu.memory_space<hbm>>) target(%arg7 : memref<80x64xf32, #tpu.memory_space<vmem>>) offsets(%dma_start3A_25 : memref<80xi32, #tpu.memory_space<vmem>>) semaphore(%arg12 : memref<!tpu.dma_semaphore, #tpu.memory_space<semaphore_mem>>)
      %add3A_29 = arith.constant 2 : i32
      %add3A_30 = arith.addi %mul3A_13, %add3A_29 : i32
      %mul3A_31 = arith.constant 80 : i32
      %mul3A_32 = arith.muli %add3A_30, %mul3A_31 : i32
      %dma_start3A_33 = tpu.memref_slice %arg5[%mul3A_32] : memref<10000xi32, #tpu.memory_space<vmem>> -> memref<80xi32, #tpu.memory_space<vmem>>
      %dma_start3A_34 = arith.constant 0 : i32
      %dma_start3A_35 = arith.constant 0 : i32
      %dma_start3A_36 = tpu.memref_slice %arg2[%dma_start3A_34, %dma_start3A_35] : memref<10000x64xf32, #tpu.memory_space<hbm>> -> memref<10000x64xf32, #tpu.memory_space<hbm>>
      tpu.enqueue_indirect_dma source(%dma_start3A_36 : memref<10000x64xf32, #tpu.memory_space<hbm>>) target(%arg8 : memref<80x64xf32, #tpu.memory_space<vmem>>) offsets(%dma_start3A_33 : memref<80xi32, #tpu.memory_space<vmem>>) semaphore(%arg13 : memref<!tpu.dma_semaphore, #tpu.memory_space<semaphore_mem>>)
      %add3A_37 = arith.constant 3 : i32
      %add3A_38 = arith.addi %mul3A_13, %add3A_37 : i32
      %mul3A_39 = arith.constant 80 : i32
      %mul3A_40 = arith.muli %add3A_38, %mul3A_39 : i32
      %dma_start3A_41 = tpu.memref_slice %arg5[%mul3A_40] : memref<10000xi32, #tpu.memory_space<vmem>> -> memref<80xi32, #tpu.memory_space<vmem>>
      %dma_start3A_42 = arith.constant 0 : i32
      %dma_start3A_43 = arith.constant 0 : i32
      %dma_start3A_44 = tpu.memref_slice %arg2[%dma_start3A_42, %dma_start3A_43] : memref<10000x64xf32, #tpu.memory_space<hbm>> -> memref<10000x64xf32, #tpu.memory_space<hbm>>
      tpu.enqueue_indirect_dma source(%dma_start3A_44 : memref<10000x64xf32, #tpu.memory_space<hbm>>) target(%arg9 : memref<80x64xf32, #tpu.memory_space<vmem>>) offsets(%dma_start3A_41 : memref<80xi32, #tpu.memory_space<vmem>>) semaphore(%arg14 : memref<!tpu.dma_semaphore, #tpu.memory_space<semaphore_mem>>)
      %add3A_45 = arith.constant 4 : i32
      %add3A_46 = arith.addi %mul3A_13, %add3A_45 : i32
      %mul3A_47 = arith.constant 80 : i32
      %mul3A_48 = arith.muli %add3A_46, %mul3A_47 : i32
      %dma_start3A_49 = tpu.memref_slice %arg5[%mul3A_48] : memref<10000xi32, #tpu.memory_space<vmem>> -> memref<80xi32, #tpu.memory_space<vmem>>
      %dma_start3A_50 = arith.constant 0 : i32
      %dma_start3A_51 = arith.constant 0 : i32
      %dma_start3A_52 = tpu.memref_slice %arg2[%dma_start3A_50, %dma_start3A_51] : memref<10000x64xf32, #tpu.memory_space<hbm>> -> memref<10000x64xf32, #tpu.memory_space<hbm>>
      tpu.enqueue_indirect_dma source(%dma_start3A_52 : memref<10000x64xf32, #tpu.memory_space<hbm>>) target(%arg10 : memref<80x64xf32, #tpu.memory_space<vmem>>) offsets(%dma_start3A_49 : memref<80xi32, #tpu.memory_space<vmem>>) semaphore(%arg15 : memref<!tpu.dma_semaphore, #tpu.memory_space<semaphore_mem>>)
      %dma_wait3A = tpu.memref_slice %arg5[%mul3A_17] : memref<10000xi32, #tpu.memory_space<vmem>> -> memref<80xi32, #tpu.memory_space<vmem>>
      %dma_wait3A_53 = arith.constant 0 : i32
      %dma_wait3A_54 = arith.constant 0 : i32
      %dma_wait3A_55 = tpu.memref_slice %arg2[%dma_wait3A_53, %dma_wait3A_54] : memref<10000x64xf32, #tpu.memory_space<hbm>> -> memref<10000x64xf32, #tpu.memory_space<hbm>>
      tpu.wait_indirect_dma semaphore(%arg11 : memref<!tpu.dma_semaphore, #tpu.memory_space<semaphore_mem>>) src(%dma_wait3A_55 : memref<10000x64xf32, #tpu.memory_space<hbm>>) dst(%arg6 : memref<80x64xf32, #tpu.memory_space<vmem>>)
      %add3A_56 = arith.constant 0 : i32
      %add3A_57 = arith.addi %mul3A_13, %add3A_56 : i32
      %mul3A_58 = arith.constant 80 : i32
      %mul3A_59 = arith.muli %add3A_57, %mul3A_58 : i32
      %add3A_60 = arith.addi %mul3A_2, %mul3A_59 : i32
      "tpu.region"() ({
        %run_scoped3A = tpu.sem_alloc : memref<!tpu.dma_semaphore, #tpu.memory_space<semaphore_mem>>
        %dma_start3A_97 = arith.constant 0 : i32
        %dma_start3A_98 = tpu.memref_slice %arg4[%add3A_60, %dma_start3A_97] : memref<320000x64xf32, #tpu.memory_space<hbm>> -> memref<80x64xf32, #tpu.memory_space<hbm>>
        %dma_start3A_99 = arith.constant 0 : i32
        %dma_start3A_100 = tpu.memref_slice %arg4[%add3A_60, %dma_start3A_99] : memref<320000x64xf32, #tpu.memory_space<hbm>> -> memref<80x64xf32, #tpu.memory_space<hbm>>
        tpu.enqueue_dma source(%arg6 : memref<80x64xf32, #tpu.memory_space<vmem>>) target(%dma_start3A_100 : memref<80x64xf32, #tpu.memory_space<hbm>>) target_semaphore(%run_scoped3A : memref<!tpu.dma_semaphore, #tpu.memory_space<semaphore_mem>>)
        %dma_wait3A_101 = arith.constant 0 : i32
        %dma_wait3A_102 = tpu.memref_slice %arg4[%add3A_60, %dma_wait3A_101] : memref<320000x64xf32, #tpu.memory_space<hbm>> -> memref<80x64xf32, #tpu.memory_space<hbm>>
        %dma_wait3A_103 = arith.constant 0 : i32
        %dma_wait3A_104 = tpu.memref_slice %arg4[%add3A_60, %dma_wait3A_103] : memref<320000x64xf32, #tpu.memory_space<hbm>> -> memref<80x64xf32, #tpu.memory_space<hbm>>
        tpu.wait_dma2 semaphore(%run_scoped3A : memref<!tpu.dma_semaphore, #tpu.memory_space<semaphore_mem>>) src(%arg6 : memref<80x64xf32, #tpu.memory_space<vmem>>) dst(%dma_wait3A_104 : memref<80x64xf32, #tpu.memory_space<hbm>>)
        tpu.yield
      }) : () -> ()
      %dma_wait3A_61 = tpu.memref_slice %arg5[%mul3A_24] : memref<10000xi32, #tpu.memory_space<vmem>> -> memref<80xi32, #tpu.memory_space<vmem>>
      %dma_wait3A_62 = arith.constant 0 : i32
      %dma_wait3A_63 = arith.constant 0 : i32
      %dma_wait3A_64 = tpu.memref_slice %arg2[%dma_wait3A_62, %dma_wait3A_63] : memref<10000x64xf32, #tpu.memory_space<hbm>> -> memref<10000x64xf32, #tpu.memory_space<hbm>>
      tpu.wait_indirect_dma semaphore(%arg12 : memref<!tpu.dma_semaphore, #tpu.memory_space<semaphore_mem>>) src(%dma_wait3A_64 : memref<10000x64xf32, #tpu.memory_space<hbm>>) dst(%arg7 : memref<80x64xf32, #tpu.memory_space<vmem>>)
      %add3A_65 = arith.constant 1 : i32
      %add3A_66 = arith.addi %mul3A_13, %add3A_65 : i32
      %mul3A_67 = arith.constant 80 : i32
      %mul3A_68 = arith.muli %add3A_66, %mul3A_67 : i32
      %add3A_69 = arith.addi %mul3A_2, %mul3A_68 : i32
      "tpu.region"() ({
        %run_scoped3A = tpu.sem_alloc : memref<!tpu.dma_semaphore, #tpu.memory_space<semaphore_mem>>
        %dma_start3A_97 = arith.constant 0 : i32
        %dma_start3A_98 = tpu.memref_slice %arg4[%add3A_69, %dma_start3A_97] : memref<320000x64xf32, #tpu.memory_space<hbm>> -> memref<80x64xf32, #tpu.memory_space<hbm>>
        %dma_start3A_99 = arith.constant 0 : i32
        %dma_start3A_100 = tpu.memref_slice %arg4[%add3A_69, %dma_start3A_99] : memref<320000x64xf32, #tpu.memory_space<hbm>> -> memref<80x64xf32, #tpu.memory_space<hbm>>
        tpu.enqueue_dma source(%arg7 : memref<80x64xf32, #tpu.memory_space<vmem>>) target(%dma_start3A_100 : memref<80x64xf32, #tpu.memory_space<hbm>>) target_semaphore(%run_scoped3A : memref<!tpu.dma_semaphore, #tpu.memory_space<semaphore_mem>>)
        %dma_wait3A_101 = arith.constant 0 : i32
        %dma_wait3A_102 = tpu.memref_slice %arg4[%add3A_69, %dma_wait3A_101] : memref<320000x64xf32, #tpu.memory_space<hbm>> -> memref<80x64xf32, #tpu.memory_space<hbm>>
        %dma_wait3A_103 = arith.constant 0 : i32
        %dma_wait3A_104 = tpu.memref_slice %arg4[%add3A_69, %dma_wait3A_103] : memref<320000x64xf32, #tpu.memory_space<hbm>> -> memref<80x64xf32, #tpu.memory_space<hbm>>
        tpu.wait_dma2 semaphore(%run_scoped3A : memref<!tpu.dma_semaphore, #tpu.memory_space<semaphore_mem>>) src(%arg7 : memref<80x64xf32, #tpu.memory_space<vmem>>) dst(%dma_wait3A_104 : memref<80x64xf32, #tpu.memory_space<hbm>>)
        tpu.yield
      }) : () -> ()
      %dma_wait3A_70 = tpu.memref_slice %arg5[%mul3A_32] : memref<10000xi32, #tpu.memory_space<vmem>> -> memref<80xi32, #tpu.memory_space<vmem>>
      %dma_wait3A_71 = arith.constant 0 : i32
      %dma_wait3A_72 = arith.constant 0 : i32
      %dma_wait3A_73 = tpu.memref_slice %arg2[%dma_wait3A_71, %dma_wait3A_72] : memref<10000x64xf32, #tpu.memory_space<hbm>> -> memref<10000x64xf32, #tpu.memory_space<hbm>>
      tpu.wait_indirect_dma semaphore(%arg13 : memref<!tpu.dma_semaphore, #tpu.memory_space<semaphore_mem>>) src(%dma_wait3A_73 : memref<10000x64xf32, #tpu.memory_space<hbm>>) dst(%arg8 : memref<80x64xf32, #tpu.memory_space<vmem>>)
      %add3A_74 = arith.constant 2 : i32
      %add3A_75 = arith.addi %mul3A_13, %add3A_74 : i32
      %mul3A_76 = arith.constant 80 : i32
      %mul3A_77 = arith.muli %add3A_75, %mul3A_76 : i32
      %add3A_78 = arith.addi %mul3A_2, %mul3A_77 : i32
      "tpu.region"() ({
        %run_scoped3A = tpu.sem_alloc : memref<!tpu.dma_semaphore, #tpu.memory_space<semaphore_mem>>
        %dma_start3A_97 = arith.constant 0 : i32
        %dma_start3A_98 = tpu.memref_slice %arg4[%add3A_78, %dma_start3A_97] : memref<320000x64xf32, #tpu.memory_space<hbm>> -> memref<80x64xf32, #tpu.memory_space<hbm>>
        %dma_start3A_99 = arith.constant 0 : i32
        %dma_start3A_100 = tpu.memref_slice %arg4[%add3A_78, %dma_start3A_99] : memref<320000x64xf32, #tpu.memory_space<hbm>> -> memref<80x64xf32, #tpu.memory_space<hbm>>
        tpu.enqueue_dma source(%arg8 : memref<80x64xf32, #tpu.memory_space<vmem>>) target(%dma_start3A_100 : memref<80x64xf32, #tpu.memory_space<hbm>>) target_semaphore(%run_scoped3A : memref<!tpu.dma_semaphore, #tpu.memory_space<semaphore_mem>>)
        %dma_wait3A_101 = arith.constant 0 : i32
        %dma_wait3A_102 = tpu.memref_slice %arg4[%add3A_78, %dma_wait3A_101] : memref<320000x64xf32, #tpu.memory_space<hbm>> -> memref<80x64xf32, #tpu.memory_space<hbm>>
        %dma_wait3A_103 = arith.constant 0 : i32
        %dma_wait3A_104 = tpu.memref_slice %arg4[%add3A_78, %dma_wait3A_103] : memref<320000x64xf32, #tpu.memory_space<hbm>> -> memref<80x64xf32, #tpu.memory_space<hbm>>
        tpu.wait_dma2 semaphore(%run_scoped3A : memref<!tpu.dma_semaphore, #tpu.memory_space<semaphore_mem>>) src(%arg8 : memref<80x64xf32, #tpu.memory_space<vmem>>) dst(%dma_wait3A_104 : memref<80x64xf32, #tpu.memory_space<hbm>>)
        tpu.yield
      }) : () -> ()
      %dma_wait3A_79 = tpu.memref_slice %arg5[%mul3A_40] : memref<10000xi32, #tpu.memory_space<vmem>> -> memref<80xi32, #tpu.memory_space<vmem>>
      %dma_wait3A_80 = arith.constant 0 : i32
      %dma_wait3A_81 = arith.constant 0 : i32
      %dma_wait3A_82 = tpu.memref_slice %arg2[%dma_wait3A_80, %dma_wait3A_81] : memref<10000x64xf32, #tpu.memory_space<hbm>> -> memref<10000x64xf32, #tpu.memory_space<hbm>>
      tpu.wait_indirect_dma semaphore(%arg14 : memref<!tpu.dma_semaphore, #tpu.memory_space<semaphore_mem>>) src(%dma_wait3A_82 : memref<10000x64xf32, #tpu.memory_space<hbm>>) dst(%arg9 : memref<80x64xf32, #tpu.memory_space<vmem>>)
      %add3A_83 = arith.constant 3 : i32
      %add3A_84 = arith.addi %mul3A_13, %add3A_83 : i32
      %mul3A_85 = arith.constant 80 : i32
      %mul3A_86 = arith.muli %add3A_84, %mul3A_85 : i32
      %add3A_87 = arith.addi %mul3A_2, %mul3A_86 : i32
      "tpu.region"() ({
        %run_scoped3A = tpu.sem_alloc : memref<!tpu.dma_semaphore, #tpu.memory_space<semaphore_mem>>
        %dma_start3A_97 = arith.constant 0 : i32
        %dma_start3A_98 = tpu.memref_slice %arg4[%add3A_87, %dma_start3A_97] : memref<320000x64xf32, #tpu.memory_space<hbm>> -> memref<80x64xf32, #tpu.memory_space<hbm>>
        %dma_start3A_99 = arith.constant 0 : i32
        %dma_start3A_100 = tpu.memref_slice %arg4[%add3A_87, %dma_start3A_99] : memref<320000x64xf32, #tpu.memory_space<hbm>> -> memref<80x64xf32, #tpu.memory_space<hbm>>
        tpu.enqueue_dma source(%arg9 : memref<80x64xf32, #tpu.memory_space<vmem>>) target(%dma_start3A_100 : memref<80x64xf32, #tpu.memory_space<hbm>>) target_semaphore(%run_scoped3A : memref<!tpu.dma_semaphore, #tpu.memory_space<semaphore_mem>>)
        %dma_wait3A_101 = arith.constant 0 : i32
        %dma_wait3A_102 = tpu.memref_slice %arg4[%add3A_87, %dma_wait3A_101] : memref<320000x64xf32, #tpu.memory_space<hbm>> -> memref<80x64xf32, #tpu.memory_space<hbm>>
        %dma_wait3A_103 = arith.constant 0 : i32
        %dma_wait3A_104 = tpu.memref_slice %arg4[%add3A_87, %dma_wait3A_103] : memref<320000x64xf32, #tpu.memory_space<hbm>> -> memref<80x64xf32, #tpu.memory_space<hbm>>
        tpu.wait_dma2 semaphore(%run_scoped3A : memref<!tpu.dma_semaphore, #tpu.memory_space<semaphore_mem>>) src(%arg9 : memref<80x64xf32, #tpu.memory_space<vmem>>) dst(%dma_wait3A_104 : memref<80x64xf32, #tpu.memory_space<hbm>>)
        tpu.yield
      }) : () -> ()
      %dma_wait3A_88 = tpu.memref_slice %arg5[%mul3A_48] : memref<10000xi32, #tpu.memory_space<vmem>> -> memref<80xi32, #tpu.memory_space<vmem>>
      %dma_wait3A_89 = arith.constant 0 : i32
      %dma_wait3A_90 = arith.constant 0 : i32
      %dma_wait3A_91 = tpu.memref_slice %arg2[%dma_wait3A_89, %dma_wait3A_90] : memref<10000x64xf32, #tpu.memory_space<hbm>> -> memref<10000x64xf32, #tpu.memory_space<hbm>>
      tpu.wait_indirect_dma semaphore(%arg15 : memref<!tpu.dma_semaphore, #tpu.memory_space<semaphore_mem>>) src(%dma_wait3A_91 : memref<10000x64xf32, #tpu.memory_space<hbm>>) dst(%arg10 : memref<80x64xf32, #tpu.memory_space<vmem>>)
      %add3A_92 = arith.constant 4 : i32
      %add3A_93 = arith.addi %mul3A_13, %add3A_92 : i32
      %mul3A_94 = arith.constant 80 : i32
      %mul3A_95 = arith.muli %add3A_93, %mul3A_94 : i32
      %add3A_96 = arith.addi %mul3A_2, %mul3A_95 : i32
      "tpu.region"() ({
        %run_scoped3A = tpu.sem_alloc : memref<!tpu.dma_semaphore, #tpu.memory_space<semaphore_mem>>
        %dma_start3A_97 = arith.constant 0 : i32
        %dma_start3A_98 = tpu.memref_slice %arg4[%add3A_96, %dma_start3A_97] : memref<320000x64xf32, #tpu.memory_space<hbm>> -> memref<80x64xf32, #tpu.memory_space<hbm>>
        %dma_start3A_99 = arith.constant 0 : i32
        %dma_start3A_100 = tpu.memref_slice %arg4[%add3A_96, %dma_start3A_99] : memref<320000x64xf32, #tpu.memory_space<hbm>> -> memref<80x64xf32, #tpu.memory_space<hbm>>
        tpu.enqueue_dma source(%arg10 : memref<80x64xf32, #tpu.memory_space<vmem>>) target(%dma_start3A_100 : memref<80x64xf32, #tpu.memory_space<hbm>>) target_semaphore(%run_scoped3A : memref<!tpu.dma_semaphore, #tpu.memory_space<semaphore_mem>>)
        %dma_wait3A_101 = arith.constant 0 : i32
        %dma_wait3A_102 = tpu.memref_slice %arg4[%add3A_96, %dma_wait3A_101] : memref<320000x64xf32, #tpu.memory_space<hbm>> -> memref<80x64xf32, #tpu.memory_space<hbm>>
        %dma_wait3A_103 = arith.constant 0 : i32
        %dma_wait3A_104 = tpu.memref_slice %arg4[%add3A_96, %dma_wait3A_103] : memref<320000x64xf32, #tpu.memory_space<hbm>> -> memref<80x64xf32, #tpu.memory_space<hbm>>
        tpu.wait_dma2 semaphore(%run_scoped3A : memref<!tpu.dma_semaphore, #tpu.memory_space<semaphore_mem>>) src(%arg10 : memref<80x64xf32, #tpu.memory_space<vmem>>) dst(%dma_wait3A_104 : memref<80x64xf32, #tpu.memory_space<hbm>>)
        tpu.yield
      }) : () -> ()
    }
    %scan3A_6 = arith.constant 25 : i32
    return
  }
}

module attributes {stable_mosaic.version = 14 : i64} {
  func.func @_tc_init_body(%arg0: i32, %arg1: memref<80x32x16xf32, #tpu.memory_space<vmem>>, %arg2: memref<80x16xf32, #tpu.memory_space<vmem>>, %arg3: memref<80x1xi32, #tpu.memory_space<vmem>>, %arg4: memref<4x128xf32, #tpu.memory_space<vmem>>, %arg5: memref<4x64xf32, #tpu.memory_space<vmem>>, %arg6: memref<1x64xf32, #tpu.memory_space<vmem>>, %arg7: memref<128x64xf32, #tpu.memory_space<vmem>>, %arg8: memref<1x8x2560xf32, #tpu.memory_space<vmem>>, %arg9: memref<2560x64xf32, #tpu.memory_space<vmem>>, %arg10: memref<80x128xf32, #tpu.memory_space<vmem>>, %arg11: memref<80x64xf32, #tpu.memory_space<vmem>>) attributes {dimension_semantics = [#tpu.dimension_semantics<arbitrary>], iteration_bounds = array<i64: 125>, scalar_prefetch = 0 : i64, scratch_operands = 0 : i64, tpu.core_type = #tpu.core_type<tc>, window_params = [{transform_indices = @transform_0, window_bounds = array<i64: 80, 32, 16>}, {transform_indices = @transform_1, window_bounds = array<i64: 80, 16>}, {transform_indices = @transform_2, window_bounds = array<i64: 80, 1>}, {pipeline_mode = #tpu.pipeline_mode<synchronous>, transform_indices = @transform_3, window_bounds = array<i64: 4, 128>}, {pipeline_mode = #tpu.pipeline_mode<synchronous>, transform_indices = @transform_4, window_bounds = array<i64: 4, 64>}, {pipeline_mode = #tpu.pipeline_mode<synchronous>, transform_indices = @transform_5, window_bounds = array<i64: 1, 64>}, {pipeline_mode = #tpu.pipeline_mode<synchronous>, transform_indices = @transform_6, window_bounds = array<i64: 128, 64>}, {transform_indices = @transform_7, window_bounds = array<i64: 1, 8, 2560>}, {transform_indices = @transform_8, window_bounds = array<i64: 2560, 64>}, {transform_indices = @transform_9, window_bounds = array<i64: 80, 128>}, {transform_indices = @transform_10, window_bounds = array<i64: 80, 64>}]} {
    %get3A = arith.constant 0 : index
    %get3A_0 = arith.constant 0 : index
    %get3A_1 = arith.constant 0 : index
    %get3A_2 = vector.load %arg1[%get3A, %get3A_0, %get3A_1] : memref<80x32x16xf32, #tpu.memory_space<vmem>>, vector<80x32x16xf32>
    %get3A_3 = arith.constant 0 : index
    %get3A_4 = arith.constant 0 : index
    %get3A_5 = vector.load %arg2[%get3A_3, %get3A_4] : memref<80x16xf32, #tpu.memory_space<vmem>>, vector<80x16xf32>
    %slice3A = vector.extract_strided_slice %get3A_2 {offsets = [0, 0, 0], sizes = [80, 32, 1], strides = [1, 1, 1]} : vector<80x32x16xf32> to vector<80x32x1xf32>
    %squeeze3A = vector.shape_cast %slice3A : vector<80x32x1xf32> to vector<80x32xf32>
    %slice3A_6 = vector.extract_strided_slice %get3A_5 {offsets = [0, 0], sizes = [80, 1], strides = [1, 1]} : vector<80x16xf32> to vector<80x1xf32>
    %sub3A = vector.broadcast %slice3A_6 : vector<80x1xf32> to vector<80x32xf32>
    %sub3A_7 = arith.subf %squeeze3A, %sub3A : vector<80x32xf32>
    %reshape3A = vector.shape_cast %sub3A_7 : vector<80x32xf32> to vector<2560xf32>
    %slice3A_8 = vector.extract_strided_slice %get3A_2 {offsets = [0, 0, 1], sizes = [80, 32, 1], strides = [1, 1, 1]} : vector<80x32x16xf32> to vector<80x32x1xf32>
    %squeeze3A_9 = vector.shape_cast %slice3A_8 : vector<80x32x1xf32> to vector<80x32xf32>
    %slice3A_10 = vector.extract_strided_slice %get3A_5 {offsets = [0, 1], sizes = [80, 1], strides = [1, 1]} : vector<80x16xf32> to vector<80x1xf32>
    %sub3A_11 = vector.broadcast %slice3A_10 : vector<80x1xf32> to vector<80x32xf32>
    %sub3A_12 = arith.subf %squeeze3A_9, %sub3A_11 : vector<80x32xf32>
    %reshape3A_13 = vector.shape_cast %sub3A_12 : vector<80x32xf32> to vector<2560xf32>
    %slice3A_14 = vector.extract_strided_slice %get3A_2 {offsets = [0, 0, 2], sizes = [80, 32, 1], strides = [1, 1, 1]} : vector<80x32x16xf32> to vector<80x32x1xf32>
    %squeeze3A_15 = vector.shape_cast %slice3A_14 : vector<80x32x1xf32> to vector<80x32xf32>
    %slice3A_16 = vector.extract_strided_slice %get3A_5 {offsets = [0, 2], sizes = [80, 1], strides = [1, 1]} : vector<80x16xf32> to vector<80x1xf32>
    %sub3A_17 = vector.broadcast %slice3A_16 : vector<80x1xf32> to vector<80x32xf32>
    %sub3A_18 = arith.subf %squeeze3A_15, %sub3A_17 : vector<80x32xf32>
    %reshape3A_19 = vector.shape_cast %sub3A_18 : vector<80x32xf32> to vector<2560xf32>
    %mul3A = arith.mulf %reshape3A, %reshape3A : vector<2560xf32>
    %mul3A_20 = arith.mulf %reshape3A_13, %reshape3A_13 : vector<2560xf32>
    %add3A = arith.addf %mul3A, %mul3A_20 : vector<2560xf32>
    %mul3A_21 = arith.mulf %reshape3A_19, %reshape3A_19 : vector<2560xf32>
    %add3A_22 = arith.addf %add3A, %mul3A_21 : vector<2560xf32>
    %add3A_23 = arith.constant 9.99999996E-13 : f32
    %add3A_24 = vector.broadcast %add3A_23 : f32 to vector<2560xf32>
    %add3A_25 = arith.addf %add3A_22, %add3A_24 : vector<2560xf32>
    %sqrt3A = math.sqrt %add3A_25 : vector<2560xf32>
    %sub3A_26 = arith.constant 5.000000e+00 : f32
    %sub3A_27 = vector.broadcast %sub3A_26 : f32 to vector<2560xf32>
    %sub3A_28 = arith.subf %sqrt3A, %sub3A_27 : vector<2560xf32>
    %div3A = arith.constant 1.000000e+00 : f32
    %div3A_29 = vector.broadcast %div3A : f32 to vector<2560xf32>
    %div3A_30 = arith.divf %sub3A_28, %div3A_29 : vector<2560xf32>
    %jit3A = arith.constant 0.000000e+00 : f32
    %jit3A_31 = arith.constant 1.000000e+00 : f32
    %max3A = vector.broadcast %jit3A : f32 to vector<2560xf32>
    %max3A_32 = arith.maximumf %max3A, %div3A_30 : vector<2560xf32>
    %min3A = vector.broadcast %jit3A_31 : f32 to vector<2560xf32>
    %min3A_33 = arith.minimumf %min3A, %max3A_32 : vector<2560xf32>
    %integer_pow3A = arith.mulf %min3A_33, %min3A_33 : vector<2560xf32>
    %integer_pow3A_34 = arith.mulf %min3A_33, %integer_pow3A : vector<2560xf32>
    %integer_pow3A_35 = arith.mulf %min3A_33, %min3A_33 : vector<2560xf32>
    %mul3A_36 = arith.constant -6.000000e+00 : f32
    %mul3A_37 = vector.broadcast %mul3A_36 : f32 to vector<2560xf32>
    %mul3A_38 = arith.mulf %mul3A_37, %integer_pow3A_35 : vector<2560xf32>
    %mul3A_39 = arith.constant 1.500000e+01 : f32
    %mul3A_40 = vector.broadcast %mul3A_39 : f32 to vector<2560xf32>
    %mul3A_41 = arith.mulf %mul3A_40, %min3A_33 : vector<2560xf32>
    %add3A_42 = arith.addf %mul3A_38, %mul3A_41 : vector<2560xf32>
    %sub3A_43 = arith.constant 1.000000e+01 : f32
    %sub3A_44 = vector.broadcast %sub3A_43 : f32 to vector<2560xf32>
    %sub3A_45 = arith.subf %add3A_42, %sub3A_44 : vector<2560xf32>
    %mul3A_46 = arith.mulf %integer_pow3A_34, %sub3A_45 : vector<2560xf32>
    %add3A_47 = arith.constant 1.000000e+00 : f32
    %add3A_48 = vector.broadcast %add3A_47 : f32 to vector<2560xf32>
    %add3A_49 = arith.addf %mul3A_46, %add3A_48 : vector<2560xf32>
    %add3A_50 = arith.constant 9.99999997E-7 : f32
    %add3A_51 = vector.broadcast %add3A_50 : f32 to vector<2560xf32>
    %add3A_52 = arith.addf %sqrt3A, %add3A_51 : vector<2560xf32>
    %div3A_53 = arith.divf %add3A_49, %add3A_52 : vector<2560xf32>
    %add3A_54 = arith.constant 9.99999997E-7 : f32
    %add3A_55 = vector.broadcast %add3A_54 : f32 to vector<2560xf32>
    %add3A_56 = arith.addf %sqrt3A, %add3A_55 : vector<2560xf32>
    %div3A_57 = arith.divf %div3A_53, %add3A_56 : vector<2560xf32>
    %mul3A_58 = arith.mulf %div3A_57, %reshape3A : vector<2560xf32>
    %mul3A_59 = arith.mulf %div3A_57, %reshape3A_13 : vector<2560xf32>
    %mul3A_60 = arith.mulf %div3A_57, %reshape3A_19 : vector<2560xf32>
    %reshape3A_61 = vector.shape_cast %add3A_49 : vector<2560xf32> to vector<1x2560xf32>
    %mul3A_62 = arith.mulf %div3A_53, %add3A_49 : vector<2560xf32>
    %reshape3A_63 = vector.shape_cast %mul3A_62 : vector<2560xf32> to vector<1x2560xf32>
    %mul3A_64 = arith.mulf %mul3A_58, %add3A_49 : vector<2560xf32>
    %reshape3A_65 = vector.shape_cast %mul3A_64 : vector<2560xf32> to vector<1x2560xf32>
    %mul3A_66 = arith.mulf %mul3A_59, %add3A_49 : vector<2560xf32>
    %reshape3A_67 = vector.shape_cast %mul3A_66 : vector<2560xf32> to vector<1x2560xf32>
    %mul3A_68 = arith.mulf %mul3A_60, %add3A_49 : vector<2560xf32>
    %reshape3A_69 = vector.shape_cast %mul3A_68 : vector<2560xf32> to vector<1x2560xf32>
    %reshape3A_70 = vector.shape_cast %mul3A_58 : vector<2560xf32> to vector<1x2560xf32>
    %reshape3A_71 = vector.shape_cast %mul3A_59 : vector<2560xf32> to vector<1x2560xf32>
    %reshape3A_72 = vector.shape_cast %mul3A_60 : vector<2560xf32> to vector<1x2560xf32>
    %concatenate3A = tpu.concatenate %reshape3A_61, %reshape3A_63, %reshape3A_65, %reshape3A_67, %reshape3A_69, %reshape3A_70, %reshape3A_71, %reshape3A_72 in 0 : vector<1x2560xf32>, vector<1x2560xf32>, vector<1x2560xf32>, vector<1x2560xf32>, vector<1x2560xf32>, vector<1x2560xf32>, vector<1x2560xf32>, vector<1x2560xf32> -> vector<8x2560xf32>
    %reshape3A_73 = vector.shape_cast %concatenate3A : vector<8x2560xf32> to vector<1x8x2560xf32>
    %swap3A = arith.constant 0 : index
    %swap3A_74 = arith.constant 0 : index
    %swap3A_75 = arith.constant 0 : index
    %swap3A_76 = vector.load %arg8[%swap3A, %swap3A_74, %swap3A_75] : memref<1x8x2560xf32, #tpu.memory_space<vmem>>, vector<1x8x2560xf32>
    tpu.vector_store %arg8[%swap3A, %swap3A_74, %swap3A_75], %reshape3A_73 {strides = array<i32>} : memref<1x8x2560xf32, #tpu.memory_space<vmem>>, vector<1x8x2560xf32>,
    %get3A_77 = arith.constant 0 : index
    %get3A_78 = arith.constant 0 : index
    %get3A_79 = vector.load %arg5[%get3A_77, %get3A_78] : memref<4x64xf32, #tpu.memory_space<vmem>>, vector<4x64xf32>
    %get3A_80 = arith.constant 0 : index
    %get3A_81 = arith.constant 0 : index
    %get3A_82 = vector.load %arg6[%get3A_80, %get3A_81] : memref<1x64xf32, #tpu.memory_space<vmem>>, vector<1x64xf32>
    %concatenate3A_83 = tpu.concatenate %get3A_79, %get3A_82 in 0 : vector<4x64xf32>, vector<1x64xf32> -> vector<5x64xf32>
    %broadcast_in_dim3A = arith.constant 1.000000e+00 : f32
    %broadcast_in_dim3A_84 = vector.broadcast %broadcast_in_dim3A : f32 to vector<128xf32>
    %slice3A_85 = vector.extract_strided_slice %div3A_53 {offsets = [0], sizes = [128], strides = [1]} : vector<2560xf32> to vector<128xf32>
    %slice3A_86 = vector.extract_strided_slice %mul3A_58 {offsets = [0], sizes = [128], strides = [1]} : vector<2560xf32> to vector<128xf32>
    %slice3A_87 = vector.extract_strided_slice %mul3A_59 {offsets = [0], sizes = [128], strides = [1]} : vector<2560xf32> to vector<128xf32>
    %slice3A_88 = vector.extract_strided_slice %mul3A_60 {offsets = [0], sizes = [128], strides = [1]} : vector<2560xf32> to vector<128xf32>
    %stack3A = vector.shape_cast %slice3A_85 : vector<128xf32> to vector<1x128xf32>
    %stack3A_89 = vector.shape_cast %slice3A_86 : vector<128xf32> to vector<1x128xf32>
    %stack3A_90 = vector.shape_cast %slice3A_87 : vector<128xf32> to vector<1x128xf32>
    %stack3A_91 = vector.shape_cast %slice3A_88 : vector<128xf32> to vector<1x128xf32>
    %stack3A_92 = vector.shape_cast %broadcast_in_dim3A_84 : vector<128xf32> to vector<1x128xf32>
    %stack3A_93 = tpu.concatenate %stack3A, %stack3A_89, %stack3A_90, %stack3A_91, %stack3A_92 in 0 : vector<1x128xf32>, vector<1x128xf32>, vector<1x128xf32>, vector<1x128xf32>, vector<1x128xf32> -> vector<5x128xf32>
    %dot_general3A = arith.constant dense<0.000000e+00> : vector<128x64xf32>
    %dot_general3A_94 = tpu.matmul %stack3A_93, %concatenate3A_83, %dot_general3A {dimension_numbers = #tpu.dot_dimension_numbers<[0], [0], [1], [1], [0, 1, 1, 1], [], []>, transpose_lhs_hint = false} : vector<5x128xf32>, vector<5x64xf32>, vector<128x64xf32> -> vector<128x64xf32>
    %neg3A = arith.constant 0.000000e+00 : f32
    %neg3A_95 = vector.broadcast %neg3A : f32 to vector<128x64xf32>
    %neg3A_96 = arith.subf %neg3A_95, %dot_general3A_94 : vector<128x64xf32>
    %exp3A = math.exp %neg3A_96 : vector<128x64xf32>
    %add3A_97 = arith.constant 1.000000e+00 : f32
    %add3A_98 = vector.broadcast %add3A_97 : f32 to vector<128x64xf32>
    %add3A_99 = arith.addf %add3A_98, %exp3A : vector<128x64xf32>
    %div3A_100 = arith.constant 1.000000e+00 : f32
    %div3A_101 = vector.broadcast %div3A_100 : f32 to vector<128x64xf32>
    %div3A_102 = arith.divf %div3A_101, %add3A_99 : vector<128x64xf32>
    %mul3A_103 = arith.mulf %dot_general3A_94, %div3A_102 : vector<128x64xf32>
    %swap3A_104 = arith.constant 0 : index
    %swap3A_105 = arith.constant 0 : index
    %swap3A_106 = vector.load %arg9[%swap3A_104, %swap3A_105] : memref<2560x64xf32, #tpu.memory_space<vmem>>, vector<128x64xf32>
    tpu.vector_store %arg9[%swap3A_104, %swap3A_105], %mul3A_103 {strides = array<i32>} : memref<2560x64xf32, #tpu.memory_space<vmem>>, vector<128x64xf32>,
    %slice3A_107 = vector.extract_strided_slice %div3A_53 {offsets = [128], sizes = [128], strides = [1]} : vector<2560xf32> to vector<128xf32>
    %slice3A_108 = vector.extract_strided_slice %mul3A_58 {offsets = [128], sizes = [128], strides = [1]} : vector<2560xf32> to vector<128xf32>
    %slice3A_109 = vector.extract_strided_slice %mul3A_59 {offsets = [128], sizes = [128], strides = [1]} : vector<2560xf32> to vector<128xf32>
    %slice3A_110 = vector.extract_strided_slice %mul3A_60 {offsets = [128], sizes = [128], strides = [1]} : vector<2560xf32> to vector<128xf32>
    %stack3A_111 = vector.shape_cast %slice3A_107 : vector<128xf32> to vector<1x128xf32>
    %stack3A_112 = vector.shape_cast %slice3A_108 : vector<128xf32> to vector<1x128xf32>
    %stack3A_113 = vector.shape_cast %slice3A_109 : vector<128xf32> to vector<1x128xf32>
    %stack3A_114 = vector.shape_cast %slice3A_110 : vector<128xf32> to vector<1x128xf32>
    %stack3A_115 = vector.shape_cast %broadcast_in_dim3A_84 : vector<128xf32> to vector<1x128xf32>
    %stack3A_116 = tpu.concatenate %stack3A_111, %stack3A_112, %stack3A_113, %stack3A_114, %stack3A_115 in 0 : vector<1x128xf32>, vector<1x128xf32>, vector<1x128xf32>, vector<1x128xf32>, vector<1x128xf32> -> vector<5x128xf32>
    %dot_general3A_117 = arith.constant dense<0.000000e+00> : vector<128x64xf32>
    %dot_general3A_118 = tpu.matmul %stack3A_116, %concatenate3A_83, %dot_general3A_117 {dimension_numbers = #tpu.dot_dimension_numbers<[0], [0], [1], [1], [0, 1, 1, 1], [], []>, transpose_lhs_hint = false} : vector<5x128xf32>, vector<5x64xf32>, vector<128x64xf32> -> vector<128x64xf32>
    %neg3A_119 = arith.constant 0.000000e+00 : f32
    %neg3A_120 = vector.broadcast %neg3A_119 : f32 to vector<128x64xf32>
    %neg3A_121 = arith.subf %neg3A_120, %dot_general3A_118 : vector<128x64xf32>
    %exp3A_122 = math.exp %neg3A_121 : vector<128x64xf32>
    %add3A_123 = arith.constant 1.000000e+00 : f32
    %add3A_124 = vector.broadcast %add3A_123 : f32 to vector<128x64xf32>
    %add3A_125 = arith.addf %add3A_124, %exp3A_122 : vector<128x64xf32>
    %div3A_126 = arith.constant 1.000000e+00 : f32
    %div3A_127 = vector.broadcast %div3A_126 : f32 to vector<128x64xf32>
    %div3A_128 = arith.divf %div3A_127, %add3A_125 : vector<128x64xf32>
    %mul3A_129 = arith.mulf %dot_general3A_118, %div3A_128 : vector<128x64xf32>
    %swap3A_130 = arith.constant 128 : index
    %swap3A_131 = arith.constant 0 : index
    %swap3A_132 = vector.load %arg9[%swap3A_130, %swap3A_131] : memref<2560x64xf32, #tpu.memory_space<vmem>>, vector<128x64xf32>
    tpu.vector_store %arg9[%swap3A_130, %swap3A_131], %mul3A_129 {strides = array<i32>} : memref<2560x64xf32, #tpu.memory_space<vmem>>, vector<128x64xf32>,
    %slice3A_133 = vector.extract_strided_slice %div3A_53 {offsets = [256], sizes = [128], strides = [1]} : vector<2560xf32> to vector<128xf32>
    %slice3A_134 = vector.extract_strided_slice %mul3A_58 {offsets = [256], sizes = [128], strides = [1]} : vector<2560xf32> to vector<128xf32>
    %slice3A_135 = vector.extract_strided_slice %mul3A_59 {offsets = [256], sizes = [128], strides = [1]} : vector<2560xf32> to vector<128xf32>
    %slice3A_136 = vector.extract_strided_slice %mul3A_60 {offsets = [256], sizes = [128], strides = [1]} : vector<2560xf32> to vector<128xf32>
    %stack3A_137 = vector.shape_cast %slice3A_133 : vector<128xf32> to vector<1x128xf32>
    %stack3A_138 = vector.shape_cast %slice3A_134 : vector<128xf32> to vector<1x128xf32>
    %stack3A_139 = vector.shape_cast %slice3A_135 : vector<128xf32> to vector<1x128xf32>
    %stack3A_140 = vector.shape_cast %slice3A_136 : vector<128xf32> to vector<1x128xf32>
    %stack3A_141 = vector.shape_cast %broadcast_in_dim3A_84 : vector<128xf32> to vector<1x128xf32>
    %stack3A_142 = tpu.concatenate %stack3A_137, %stack3A_138, %stack3A_139, %stack3A_140, %stack3A_141 in 0 : vector<1x128xf32>, vector<1x128xf32>, vector<1x128xf32>, vector<1x128xf32>, vector<1x128xf32> -> vector<5x128xf32>
    %dot_general3A_143 = arith.constant dense<0.000000e+00> : vector<128x64xf32>
    %dot_general3A_144 = tpu.matmul %stack3A_142, %concatenate3A_83, %dot_general3A_143 {dimension_numbers = #tpu.dot_dimension_numbers<[0], [0], [1], [1], [0, 1, 1, 1], [], []>, transpose_lhs_hint = false} : vector<5x128xf32>, vector<5x64xf32>, vector<128x64xf32> -> vector<128x64xf32>
    %neg3A_145 = arith.constant 0.000000e+00 : f32
    %neg3A_146 = vector.broadcast %neg3A_145 : f32 to vector<128x64xf32>
    %neg3A_147 = arith.subf %neg3A_146, %dot_general3A_144 : vector<128x64xf32>
    %exp3A_148 = math.exp %neg3A_147 : vector<128x64xf32>
    %add3A_149 = arith.constant 1.000000e+00 : f32
    %add3A_150 = vector.broadcast %add3A_149 : f32 to vector<128x64xf32>
    %add3A_151 = arith.addf %add3A_150, %exp3A_148 : vector<128x64xf32>
    %div3A_152 = arith.constant 1.000000e+00 : f32
    %div3A_153 = vector.broadcast %div3A_152 : f32 to vector<128x64xf32>
    %div3A_154 = arith.divf %div3A_153, %add3A_151 : vector<128x64xf32>
    %mul3A_155 = arith.mulf %dot_general3A_144, %div3A_154 : vector<128x64xf32>
    %swap3A_156 = arith.constant 256 : index
    %swap3A_157 = arith.constant 0 : index
    %swap3A_158 = vector.load %arg9[%swap3A_156, %swap3A_157] : memref<2560x64xf32, #tpu.memory_space<vmem>>, vector<128x64xf32>
    tpu.vector_store %arg9[%swap3A_156, %swap3A_157], %mul3A_155 {strides = array<i32>} : memref<2560x64xf32, #tpu.memory_space<vmem>>, vector<128x64xf32>,
    %slice3A_159 = vector.extract_strided_slice %div3A_53 {offsets = [384], sizes = [128], strides = [1]} : vector<2560xf32> to vector<128xf32>
    %slice3A_160 = vector.extract_strided_slice %mul3A_58 {offsets = [384], sizes = [128], strides = [1]} : vector<2560xf32> to vector<128xf32>
    %slice3A_161 = vector.extract_strided_slice %mul3A_59 {offsets = [384], sizes = [128], strides = [1]} : vector<2560xf32> to vector<128xf32>
    %slice3A_162 = vector.extract_strided_slice %mul3A_60 {offsets = [384], sizes = [128], strides = [1]} : vector<2560xf32> to vector<128xf32>
    %stack3A_163 = vector.shape_cast %slice3A_159 : vector<128xf32> to vector<1x128xf32>
    %stack3A_164 = vector.shape_cast %slice3A_160 : vector<128xf32> to vector<1x128xf32>
    %stack3A_165 = vector.shape_cast %slice3A_161 : vector<128xf32> to vector<1x128xf32>
    %stack3A_166 = vector.shape_cast %slice3A_162 : vector<128xf32> to vector<1x128xf32>
    %stack3A_167 = vector.shape_cast %broadcast_in_dim3A_84 : vector<128xf32> to vector<1x128xf32>
    %stack3A_168 = tpu.concatenate %stack3A_163, %stack3A_164, %stack3A_165, %stack3A_166, %stack3A_167 in 0 : vector<1x128xf32>, vector<1x128xf32>, vector<1x128xf32>, vector<1x128xf32>, vector<1x128xf32> -> vector<5x128xf32>
    %dot_general3A_169 = arith.constant dense<0.000000e+00> : vector<128x64xf32>
    %dot_general3A_170 = tpu.matmul %stack3A_168, %concatenate3A_83, %dot_general3A_169 {dimension_numbers = #tpu.dot_dimension_numbers<[0], [0], [1], [1], [0, 1, 1, 1], [], []>, transpose_lhs_hint = false} : vector<5x128xf32>, vector<5x64xf32>, vector<128x64xf32> -> vector<128x64xf32>
    %neg3A_171 = arith.constant 0.000000e+00 : f32
    %neg3A_172 = vector.broadcast %neg3A_171 : f32 to vector<128x64xf32>
    %neg3A_173 = arith.subf %neg3A_172, %dot_general3A_170 : vector<128x64xf32>
    %exp3A_174 = math.exp %neg3A_173 : vector<128x64xf32>
    %add3A_175 = arith.constant 1.000000e+00 : f32
    %add3A_176 = vector.broadcast %add3A_175 : f32 to vector<128x64xf32>
    %add3A_177 = arith.addf %add3A_176, %exp3A_174 : vector<128x64xf32>
    %div3A_178 = arith.constant 1.000000e+00 : f32
    %div3A_179 = vector.broadcast %div3A_178 : f32 to vector<128x64xf32>
    %div3A_180 = arith.divf %div3A_179, %add3A_177 : vector<128x64xf32>
    %mul3A_181 = arith.mulf %dot_general3A_170, %div3A_180 : vector<128x64xf32>
    %swap3A_182 = arith.constant 384 : index
    %swap3A_183 = arith.constant 0 : index
    %swap3A_184 = vector.load %arg9[%swap3A_182, %swap3A_183] : memref<2560x64xf32, #tpu.memory_space<vmem>>, vector<128x64xf32>
    tpu.vector_store %arg9[%swap3A_182, %swap3A_183], %mul3A_181 {strides = array<i32>} : memref<2560x64xf32, #tpu.memory_space<vmem>>, vector<128x64xf32>,
    %slice3A_185 = vector.extract_strided_slice %div3A_53 {offsets = [512], sizes = [128], strides = [1]} : vector<2560xf32> to vector<128xf32>
    %slice3A_186 = vector.extract_strided_slice %mul3A_58 {offsets = [512], sizes = [128], strides = [1]} : vector<2560xf32> to vector<128xf32>
    %slice3A_187 = vector.extract_strided_slice %mul3A_59 {offsets = [512], sizes = [128], strides = [1]} : vector<2560xf32> to vector<128xf32>
    %slice3A_188 = vector.extract_strided_slice %mul3A_60 {offsets = [512], sizes = [128], strides = [1]} : vector<2560xf32> to vector<128xf32>
    %stack3A_189 = vector.shape_cast %slice3A_185 : vector<128xf32> to vector<1x128xf32>
    %stack3A_190 = vector.shape_cast %slice3A_186 : vector<128xf32> to vector<1x128xf32>
    %stack3A_191 = vector.shape_cast %slice3A_187 : vector<128xf32> to vector<1x128xf32>
    %stack3A_192 = vector.shape_cast %slice3A_188 : vector<128xf32> to vector<1x128xf32>
    %stack3A_193 = vector.shape_cast %broadcast_in_dim3A_84 : vector<128xf32> to vector<1x128xf32>
    %stack3A_194 = tpu.concatenate %stack3A_189, %stack3A_190, %stack3A_191, %stack3A_192, %stack3A_193 in 0 : vector<1x128xf32>, vector<1x128xf32>, vector<1x128xf32>, vector<1x128xf32>, vector<1x128xf32> -> vector<5x128xf32>
    %dot_general3A_195 = arith.constant dense<0.000000e+00> : vector<128x64xf32>
    %dot_general3A_196 = tpu.matmul %stack3A_194, %concatenate3A_83, %dot_general3A_195 {dimension_numbers = #tpu.dot_dimension_numbers<[0], [0], [1], [1], [0, 1, 1, 1], [], []>, transpose_lhs_hint = false} : vector<5x128xf32>, vector<5x64xf32>, vector<128x64xf32> -> vector<128x64xf32>
    %neg3A_197 = arith.constant 0.000000e+00 : f32
    %neg3A_198 = vector.broadcast %neg3A_197 : f32 to vector<128x64xf32>
    %neg3A_199 = arith.subf %neg3A_198, %dot_general3A_196 : vector<128x64xf32>
    %exp3A_200 = math.exp %neg3A_199 : vector<128x64xf32>
    %add3A_201 = arith.constant 1.000000e+00 : f32
    %add3A_202 = vector.broadcast %add3A_201 : f32 to vector<128x64xf32>
    %add3A_203 = arith.addf %add3A_202, %exp3A_200 : vector<128x64xf32>
    %div3A_204 = arith.constant 1.000000e+00 : f32
    %div3A_205 = vector.broadcast %div3A_204 : f32 to vector<128x64xf32>
    %div3A_206 = arith.divf %div3A_205, %add3A_203 : vector<128x64xf32>
    %mul3A_207 = arith.mulf %dot_general3A_196, %div3A_206 : vector<128x64xf32>
    %swap3A_208 = arith.constant 512 : index
    %swap3A_209 = arith.constant 0 : index
    %swap3A_210 = vector.load %arg9[%swap3A_208, %swap3A_209] : memref<2560x64xf32, #tpu.memory_space<vmem>>, vector<128x64xf32>
    tpu.vector_store %arg9[%swap3A_208, %swap3A_209], %mul3A_207 {strides = array<i32>} : memref<2560x64xf32, #tpu.memory_space<vmem>>, vector<128x64xf32>,
    %slice3A_211 = vector.extract_strided_slice %div3A_53 {offsets = [640], sizes = [128], strides = [1]} : vector<2560xf32> to vector<128xf32>
    %slice3A_212 = vector.extract_strided_slice %mul3A_58 {offsets = [640], sizes = [128], strides = [1]} : vector<2560xf32> to vector<128xf32>
    %slice3A_213 = vector.extract_strided_slice %mul3A_59 {offsets = [640], sizes = [128], strides = [1]} : vector<2560xf32> to vector<128xf32>
    %slice3A_214 = vector.extract_strided_slice %mul3A_60 {offsets = [640], sizes = [128], strides = [1]} : vector<2560xf32> to vector<128xf32>
    %stack3A_215 = vector.shape_cast %slice3A_211 : vector<128xf32> to vector<1x128xf32>
    %stack3A_216 = vector.shape_cast %slice3A_212 : vector<128xf32> to vector<1x128xf32>
    %stack3A_217 = vector.shape_cast %slice3A_213 : vector<128xf32> to vector<1x128xf32>
    %stack3A_218 = vector.shape_cast %slice3A_214 : vector<128xf32> to vector<1x128xf32>
    %stack3A_219 = vector.shape_cast %broadcast_in_dim3A_84 : vector<128xf32> to vector<1x128xf32>
    %stack3A_220 = tpu.concatenate %stack3A_215, %stack3A_216, %stack3A_217, %stack3A_218, %stack3A_219 in 0 : vector<1x128xf32>, vector<1x128xf32>, vector<1x128xf32>, vector<1x128xf32>, vector<1x128xf32> -> vector<5x128xf32>
    %dot_general3A_221 = arith.constant dense<0.000000e+00> : vector<128x64xf32>
    %dot_general3A_222 = tpu.matmul %stack3A_220, %concatenate3A_83, %dot_general3A_221 {dimension_numbers = #tpu.dot_dimension_numbers<[0], [0], [1], [1], [0, 1, 1, 1], [], []>, transpose_lhs_hint = false} : vector<5x128xf32>, vector<5x64xf32>, vector<128x64xf32> -> vector<128x64xf32>
    %neg3A_223 = arith.constant 0.000000e+00 : f32
    %neg3A_224 = vector.broadcast %neg3A_223 : f32 to vector<128x64xf32>
    %neg3A_225 = arith.subf %neg3A_224, %dot_general3A_222 : vector<128x64xf32>
    %exp3A_226 = math.exp %neg3A_225 : vector<128x64xf32>
    %add3A_227 = arith.constant 1.000000e+00 : f32
    %add3A_228 = vector.broadcast %add3A_227 : f32 to vector<128x64xf32>
    %add3A_229 = arith.addf %add3A_228, %exp3A_226 : vector<128x64xf32>
    %div3A_230 = arith.constant 1.000000e+00 : f32
    %div3A_231 = vector.broadcast %div3A_230 : f32 to vector<128x64xf32>
    %div3A_232 = arith.divf %div3A_231, %add3A_229 : vector<128x64xf32>
    %mul3A_233 = arith.mulf %dot_general3A_222, %div3A_232 : vector<128x64xf32>
    %swap3A_234 = arith.constant 640 : index
    %swap3A_235 = arith.constant 0 : index
    %swap3A_236 = vector.load %arg9[%swap3A_234, %swap3A_235] : memref<2560x64xf32, #tpu.memory_space<vmem>>, vector<128x64xf32>
    tpu.vector_store %arg9[%swap3A_234, %swap3A_235], %mul3A_233 {strides = array<i32>} : memref<2560x64xf32, #tpu.memory_space<vmem>>, vector<128x64xf32>,
    %slice3A_237 = vector.extract_strided_slice %div3A_53 {offsets = [768], sizes = [128], strides = [1]} : vector<2560xf32> to vector<128xf32>
    %slice3A_238 = vector.extract_strided_slice %mul3A_58 {offsets = [768], sizes = [128], strides = [1]} : vector<2560xf32> to vector<128xf32>
    %slice3A_239 = vector.extract_strided_slice %mul3A_59 {offsets = [768], sizes = [128], strides = [1]} : vector<2560xf32> to vector<128xf32>
    %slice3A_240 = vector.extract_strided_slice %mul3A_60 {offsets = [768], sizes = [128], strides = [1]} : vector<2560xf32> to vector<128xf32>
    %stack3A_241 = vector.shape_cast %slice3A_237 : vector<128xf32> to vector<1x128xf32>
    %stack3A_242 = vector.shape_cast %slice3A_238 : vector<128xf32> to vector<1x128xf32>
    %stack3A_243 = vector.shape_cast %slice3A_239 : vector<128xf32> to vector<1x128xf32>
    %stack3A_244 = vector.shape_cast %slice3A_240 : vector<128xf32> to vector<1x128xf32>
    %stack3A_245 = vector.shape_cast %broadcast_in_dim3A_84 : vector<128xf32> to vector<1x128xf32>
    %stack3A_246 = tpu.concatenate %stack3A_241, %stack3A_242, %stack3A_243, %stack3A_244, %stack3A_245 in 0 : vector<1x128xf32>, vector<1x128xf32>, vector<1x128xf32>, vector<1x128xf32>, vector<1x128xf32> -> vector<5x128xf32>
    %dot_general3A_247 = arith.constant dense<0.000000e+00> : vector<128x64xf32>
    %dot_general3A_248 = tpu.matmul %stack3A_246, %concatenate3A_83, %dot_general3A_247 {dimension_numbers = #tpu.dot_dimension_numbers<[0], [0], [1], [1], [0, 1, 1, 1], [], []>, transpose_lhs_hint = false} : vector<5x128xf32>, vector<5x64xf32>, vector<128x64xf32> -> vector<128x64xf32>
    %neg3A_249 = arith.constant 0.000000e+00 : f32
    %neg3A_250 = vector.broadcast %neg3A_249 : f32 to vector<128x64xf32>
    %neg3A_251 = arith.subf %neg3A_250, %dot_general3A_248 : vector<128x64xf32>
    %exp3A_252 = math.exp %neg3A_251 : vector<128x64xf32>
    %add3A_253 = arith.constant 1.000000e+00 : f32
    %add3A_254 = vector.broadcast %add3A_253 : f32 to vector<128x64xf32>
    %add3A_255 = arith.addf %add3A_254, %exp3A_252 : vector<128x64xf32>
    %div3A_256 = arith.constant 1.000000e+00 : f32
    %div3A_257 = vector.broadcast %div3A_256 : f32 to vector<128x64xf32>
    %div3A_258 = arith.divf %div3A_257, %add3A_255 : vector<128x64xf32>
    %mul3A_259 = arith.mulf %dot_general3A_248, %div3A_258 : vector<128x64xf32>
    %swap3A_260 = arith.constant 768 : index
    %swap3A_261 = arith.constant 0 : index
    %swap3A_262 = vector.load %arg9[%swap3A_260, %swap3A_261] : memref<2560x64xf32, #tpu.memory_space<vmem>>, vector<128x64xf32>
    tpu.vector_store %arg9[%swap3A_260, %swap3A_261], %mul3A_259 {strides = array<i32>} : memref<2560x64xf32, #tpu.memory_space<vmem>>, vector<128x64xf32>,
    %slice3A_263 = vector.extract_strided_slice %div3A_53 {offsets = [896], sizes = [128], strides = [1]} : vector<2560xf32> to vector<128xf32>
    %slice3A_264 = vector.extract_strided_slice %mul3A_58 {offsets = [896], sizes = [128], strides = [1]} : vector<2560xf32> to vector<128xf32>
    %slice3A_265 = vector.extract_strided_slice %mul3A_59 {offsets = [896], sizes = [128], strides = [1]} : vector<2560xf32> to vector<128xf32>
    %slice3A_266 = vector.extract_strided_slice %mul3A_60 {offsets = [896], sizes = [128], strides = [1]} : vector<2560xf32> to vector<128xf32>
    %stack3A_267 = vector.shape_cast %slice3A_263 : vector<128xf32> to vector<1x128xf32>
    %stack3A_268 = vector.shape_cast %slice3A_264 : vector<128xf32> to vector<1x128xf32>
    %stack3A_269 = vector.shape_cast %slice3A_265 : vector<128xf32> to vector<1x128xf32>
    %stack3A_270 = vector.shape_cast %slice3A_266 : vector<128xf32> to vector<1x128xf32>
    %stack3A_271 = vector.shape_cast %broadcast_in_dim3A_84 : vector<128xf32> to vector<1x128xf32>
    %stack3A_272 = tpu.concatenate %stack3A_267, %stack3A_268, %stack3A_269, %stack3A_270, %stack3A_271 in 0 : vector<1x128xf32>, vector<1x128xf32>, vector<1x128xf32>, vector<1x128xf32>, vector<1x128xf32> -> vector<5x128xf32>
    %dot_general3A_273 = arith.constant dense<0.000000e+00> : vector<128x64xf32>
    %dot_general3A_274 = tpu.matmul %stack3A_272, %concatenate3A_83, %dot_general3A_273 {dimension_numbers = #tpu.dot_dimension_numbers<[0], [0], [1], [1], [0, 1, 1, 1], [], []>, transpose_lhs_hint = false} : vector<5x128xf32>, vector<5x64xf32>, vector<128x64xf32> -> vector<128x64xf32>
    %neg3A_275 = arith.constant 0.000000e+00 : f32
    %neg3A_276 = vector.broadcast %neg3A_275 : f32 to vector<128x64xf32>
    %neg3A_277 = arith.subf %neg3A_276, %dot_general3A_274 : vector<128x64xf32>
    %exp3A_278 = math.exp %neg3A_277 : vector<128x64xf32>
    %add3A_279 = arith.constant 1.000000e+00 : f32
    %add3A_280 = vector.broadcast %add3A_279 : f32 to vector<128x64xf32>
    %add3A_281 = arith.addf %add3A_280, %exp3A_278 : vector<128x64xf32>
    %div3A_282 = arith.constant 1.000000e+00 : f32
    %div3A_283 = vector.broadcast %div3A_282 : f32 to vector<128x64xf32>
    %div3A_284 = arith.divf %div3A_283, %add3A_281 : vector<128x64xf32>
    %mul3A_285 = arith.mulf %dot_general3A_274, %div3A_284 : vector<128x64xf32>
    %swap3A_286 = arith.constant 896 : index
    %swap3A_287 = arith.constant 0 : index
    %swap3A_288 = vector.load %arg9[%swap3A_286, %swap3A_287] : memref<2560x64xf32, #tpu.memory_space<vmem>>, vector<128x64xf32>
    tpu.vector_store %arg9[%swap3A_286, %swap3A_287], %mul3A_285 {strides = array<i32>} : memref<2560x64xf32, #tpu.memory_space<vmem>>, vector<128x64xf32>,
    %slice3A_289 = vector.extract_strided_slice %div3A_53 {offsets = [1024], sizes = [128], strides = [1]} : vector<2560xf32> to vector<128xf32>
    %slice3A_290 = vector.extract_strided_slice %mul3A_58 {offsets = [1024], sizes = [128], strides = [1]} : vector<2560xf32> to vector<128xf32>
    %slice3A_291 = vector.extract_strided_slice %mul3A_59 {offsets = [1024], sizes = [128], strides = [1]} : vector<2560xf32> to vector<128xf32>
    %slice3A_292 = vector.extract_strided_slice %mul3A_60 {offsets = [1024], sizes = [128], strides = [1]} : vector<2560xf32> to vector<128xf32>
    %stack3A_293 = vector.shape_cast %slice3A_289 : vector<128xf32> to vector<1x128xf32>
    %stack3A_294 = vector.shape_cast %slice3A_290 : vector<128xf32> to vector<1x128xf32>
    %stack3A_295 = vector.shape_cast %slice3A_291 : vector<128xf32> to vector<1x128xf32>
    %stack3A_296 = vector.shape_cast %slice3A_292 : vector<128xf32> to vector<1x128xf32>
    %stack3A_297 = vector.shape_cast %broadcast_in_dim3A_84 : vector<128xf32> to vector<1x128xf32>
    %stack3A_298 = tpu.concatenate %stack3A_293, %stack3A_294, %stack3A_295, %stack3A_296, %stack3A_297 in 0 : vector<1x128xf32>, vector<1x128xf32>, vector<1x128xf32>, vector<1x128xf32>, vector<1x128xf32> -> vector<5x128xf32>
    %dot_general3A_299 = arith.constant dense<0.000000e+00> : vector<128x64xf32>
    %dot_general3A_300 = tpu.matmul %stack3A_298, %concatenate3A_83, %dot_general3A_299 {dimension_numbers = #tpu.dot_dimension_numbers<[0], [0], [1], [1], [0, 1, 1, 1], [], []>, transpose_lhs_hint = false} : vector<5x128xf32>, vector<5x64xf32>, vector<128x64xf32> -> vector<128x64xf32>
    %neg3A_301 = arith.constant 0.000000e+00 : f32
    %neg3A_302 = vector.broadcast %neg3A_301 : f32 to vector<128x64xf32>
    %neg3A_303 = arith.subf %neg3A_302, %dot_general3A_300 : vector<128x64xf32>
    %exp3A_304 = math.exp %neg3A_303 : vector<128x64xf32>
    %add3A_305 = arith.constant 1.000000e+00 : f32
    %add3A_306 = vector.broadcast %add3A_305 : f32 to vector<128x64xf32>
    %add3A_307 = arith.addf %add3A_306, %exp3A_304 : vector<128x64xf32>
    %div3A_308 = arith.constant 1.000000e+00 : f32
    %div3A_309 = vector.broadcast %div3A_308 : f32 to vector<128x64xf32>
    %div3A_310 = arith.divf %div3A_309, %add3A_307 : vector<128x64xf32>
    %mul3A_311 = arith.mulf %dot_general3A_300, %div3A_310 : vector<128x64xf32>
    %swap3A_312 = arith.constant 1024 : index
    %swap3A_313 = arith.constant 0 : index
    %swap3A_314 = vector.load %arg9[%swap3A_312, %swap3A_313] : memref<2560x64xf32, #tpu.memory_space<vmem>>, vector<128x64xf32>
    tpu.vector_store %arg9[%swap3A_312, %swap3A_313], %mul3A_311 {strides = array<i32>} : memref<2560x64xf32, #tpu.memory_space<vmem>>, vector<128x64xf32>,
    %slice3A_315 = vector.extract_strided_slice %div3A_53 {offsets = [1152], sizes = [128], strides = [1]} : vector<2560xf32> to vector<128xf32>
    %slice3A_316 = vector.extract_strided_slice %mul3A_58 {offsets = [1152], sizes = [128], strides = [1]} : vector<2560xf32> to vector<128xf32>
    %slice3A_317 = vector.extract_strided_slice %mul3A_59 {offsets = [1152], sizes = [128], strides = [1]} : vector<2560xf32> to vector<128xf32>
    %slice3A_318 = vector.extract_strided_slice %mul3A_60 {offsets = [1152], sizes = [128], strides = [1]} : vector<2560xf32> to vector<128xf32>
    %stack3A_319 = vector.shape_cast %slice3A_315 : vector<128xf32> to vector<1x128xf32>
    %stack3A_320 = vector.shape_cast %slice3A_316 : vector<128xf32> to vector<1x128xf32>
    %stack3A_321 = vector.shape_cast %slice3A_317 : vector<128xf32> to vector<1x128xf32>
    %stack3A_322 = vector.shape_cast %slice3A_318 : vector<128xf32> to vector<1x128xf32>
    %stack3A_323 = vector.shape_cast %broadcast_in_dim3A_84 : vector<128xf32> to vector<1x128xf32>
    %stack3A_324 = tpu.concatenate %stack3A_319, %stack3A_320, %stack3A_321, %stack3A_322, %stack3A_323 in 0 : vector<1x128xf32>, vector<1x128xf32>, vector<1x128xf32>, vector<1x128xf32>, vector<1x128xf32> -> vector<5x128xf32>
    %dot_general3A_325 = arith.constant dense<0.000000e+00> : vector<128x64xf32>
    %dot_general3A_326 = tpu.matmul %stack3A_324, %concatenate3A_83, %dot_general3A_325 {dimension_numbers = #tpu.dot_dimension_numbers<[0], [0], [1], [1], [0, 1, 1, 1], [], []>, transpose_lhs_hint = false} : vector<5x128xf32>, vector<5x64xf32>, vector<128x64xf32> -> vector<128x64xf32>
    %neg3A_327 = arith.constant 0.000000e+00 : f32
    %neg3A_328 = vector.broadcast %neg3A_327 : f32 to vector<128x64xf32>
    %neg3A_329 = arith.subf %neg3A_328, %dot_general3A_326 : vector<128x64xf32>
    %exp3A_330 = math.exp %neg3A_329 : vector<128x64xf32>
    %add3A_331 = arith.constant 1.000000e+00 : f32
    %add3A_332 = vector.broadcast %add3A_331 : f32 to vector<128x64xf32>
    %add3A_333 = arith.addf %add3A_332, %exp3A_330 : vector<128x64xf32>
    %div3A_334 = arith.constant 1.000000e+00 : f32
    %div3A_335 = vector.broadcast %div3A_334 : f32 to vector<128x64xf32>
    %div3A_336 = arith.divf %div3A_335, %add3A_333 : vector<128x64xf32>
    %mul3A_337 = arith.mulf %dot_general3A_326, %div3A_336 : vector<128x64xf32>
    %swap3A_338 = arith.constant 1152 : index
    %swap3A_339 = arith.constant 0 : index
    %swap3A_340 = vector.load %arg9[%swap3A_338, %swap3A_339] : memref<2560x64xf32, #tpu.memory_space<vmem>>, vector<128x64xf32>
    tpu.vector_store %arg9[%swap3A_338, %swap3A_339], %mul3A_337 {strides = array<i32>} : memref<2560x64xf32, #tpu.memory_space<vmem>>, vector<128x64xf32>,
    %slice3A_341 = vector.extract_strided_slice %div3A_53 {offsets = [1280], sizes = [128], strides = [1]} : vector<2560xf32> to vector<128xf32>
    %slice3A_342 = vector.extract_strided_slice %mul3A_58 {offsets = [1280], sizes = [128], strides = [1]} : vector<2560xf32> to vector<128xf32>
    %slice3A_343 = vector.extract_strided_slice %mul3A_59 {offsets = [1280], sizes = [128], strides = [1]} : vector<2560xf32> to vector<128xf32>
    %slice3A_344 = vector.extract_strided_slice %mul3A_60 {offsets = [1280], sizes = [128], strides = [1]} : vector<2560xf32> to vector<128xf32>
    %stack3A_345 = vector.shape_cast %slice3A_341 : vector<128xf32> to vector<1x128xf32>
    %stack3A_346 = vector.shape_cast %slice3A_342 : vector<128xf32> to vector<1x128xf32>
    %stack3A_347 = vector.shape_cast %slice3A_343 : vector<128xf32> to vector<1x128xf32>
    %stack3A_348 = vector.shape_cast %slice3A_344 : vector<128xf32> to vector<1x128xf32>
    %stack3A_349 = vector.shape_cast %broadcast_in_dim3A_84 : vector<128xf32> to vector<1x128xf32>
    %stack3A_350 = tpu.concatenate %stack3A_345, %stack3A_346, %stack3A_347, %stack3A_348, %stack3A_349 in 0 : vector<1x128xf32>, vector<1x128xf32>, vector<1x128xf32>, vector<1x128xf32>, vector<1x128xf32> -> vector<5x128xf32>
    %dot_general3A_351 = arith.constant dense<0.000000e+00> : vector<128x64xf32>
    %dot_general3A_352 = tpu.matmul %stack3A_350, %concatenate3A_83, %dot_general3A_351 {dimension_numbers = #tpu.dot_dimension_numbers<[0], [0], [1], [1], [0, 1, 1, 1], [], []>, transpose_lhs_hint = false} : vector<5x128xf32>, vector<5x64xf32>, vector<128x64xf32> -> vector<128x64xf32>
    %neg3A_353 = arith.constant 0.000000e+00 : f32
    %neg3A_354 = vector.broadcast %neg3A_353 : f32 to vector<128x64xf32>
    %neg3A_355 = arith.subf %neg3A_354, %dot_general3A_352 : vector<128x64xf32>
    %exp3A_356 = math.exp %neg3A_355 : vector<128x64xf32>
    %add3A_357 = arith.constant 1.000000e+00 : f32
    %add3A_358 = vector.broadcast %add3A_357 : f32 to vector<128x64xf32>
    %add3A_359 = arith.addf %add3A_358, %exp3A_356 : vector<128x64xf32>
    %div3A_360 = arith.constant 1.000000e+00 : f32
    %div3A_361 = vector.broadcast %div3A_360 : f32 to vector<128x64xf32>
    %div3A_362 = arith.divf %div3A_361, %add3A_359 : vector<128x64xf32>
    %mul3A_363 = arith.mulf %dot_general3A_352, %div3A_362 : vector<128x64xf32>
    %swap3A_364 = arith.constant 1280 : index
    %swap3A_365 = arith.constant 0 : index
    %swap3A_366 = vector.load %arg9[%swap3A_364, %swap3A_365] : memref<2560x64xf32, #tpu.memory_space<vmem>>, vector<128x64xf32>
    tpu.vector_store %arg9[%swap3A_364, %swap3A_365], %mul3A_363 {strides = array<i32>} : memref<2560x64xf32, #tpu.memory_space<vmem>>, vector<128x64xf32>,
    %slice3A_367 = vector.extract_strided_slice %div3A_53 {offsets = [1408], sizes = [128], strides = [1]} : vector<2560xf32> to vector<128xf32>
    %slice3A_368 = vector.extract_strided_slice %mul3A_58 {offsets = [1408], sizes = [128], strides = [1]} : vector<2560xf32> to vector<128xf32>
    %slice3A_369 = vector.extract_strided_slice %mul3A_59 {offsets = [1408], sizes = [128], strides = [1]} : vector<2560xf32> to vector<128xf32>
    %slice3A_370 = vector.extract_strided_slice %mul3A_60 {offsets = [1408], sizes = [128], strides = [1]} : vector<2560xf32> to vector<128xf32>
    %stack3A_371 = vector.shape_cast %slice3A_367 : vector<128xf32> to vector<1x128xf32>
    %stack3A_372 = vector.shape_cast %slice3A_368 : vector<128xf32> to vector<1x128xf32>
    %stack3A_373 = vector.shape_cast %slice3A_369 : vector<128xf32> to vector<1x128xf32>
    %stack3A_374 = vector.shape_cast %slice3A_370 : vector<128xf32> to vector<1x128xf32>
    %stack3A_375 = vector.shape_cast %broadcast_in_dim3A_84 : vector<128xf32> to vector<1x128xf32>
    %stack3A_376 = tpu.concatenate %stack3A_371, %stack3A_372, %stack3A_373, %stack3A_374, %stack3A_375 in 0 : vector<1x128xf32>, vector<1x128xf32>, vector<1x128xf32>, vector<1x128xf32>, vector<1x128xf32> -> vector<5x128xf32>
    %dot_general3A_377 = arith.constant dense<0.000000e+00> : vector<128x64xf32>
    %dot_general3A_378 = tpu.matmul %stack3A_376, %concatenate3A_83, %dot_general3A_377 {dimension_numbers = #tpu.dot_dimension_numbers<[0], [0], [1], [1], [0, 1, 1, 1], [], []>, transpose_lhs_hint = false} : vector<5x128xf32>, vector<5x64xf32>, vector<128x64xf32> -> vector<128x64xf32>
    %neg3A_379 = arith.constant 0.000000e+00 : f32
    %neg3A_380 = vector.broadcast %neg3A_379 : f32 to vector<128x64xf32>
    %neg3A_381 = arith.subf %neg3A_380, %dot_general3A_378 : vector<128x64xf32>
    %exp3A_382 = math.exp %neg3A_381 : vector<128x64xf32>
    %add3A_383 = arith.constant 1.000000e+00 : f32
    %add3A_384 = vector.broadcast %add3A_383 : f32 to vector<128x64xf32>
    %add3A_385 = arith.addf %add3A_384, %exp3A_382 : vector<128x64xf32>
    %div3A_386 = arith.constant 1.000000e+00 : f32
    %div3A_387 = vector.broadcast %div3A_386 : f32 to vector<128x64xf32>
    %div3A_388 = arith.divf %div3A_387, %add3A_385 : vector<128x64xf32>
    %mul3A_389 = arith.mulf %dot_general3A_378, %div3A_388 : vector<128x64xf32>
    %swap3A_390 = arith.constant 1408 : index
    %swap3A_391 = arith.constant 0 : index
    %swap3A_392 = vector.load %arg9[%swap3A_390, %swap3A_391] : memref<2560x64xf32, #tpu.memory_space<vmem>>, vector<128x64xf32>
    tpu.vector_store %arg9[%swap3A_390, %swap3A_391], %mul3A_389 {strides = array<i32>} : memref<2560x64xf32, #tpu.memory_space<vmem>>, vector<128x64xf32>,
    %slice3A_393 = vector.extract_strided_slice %div3A_53 {offsets = [1536], sizes = [128], strides = [1]} : vector<2560xf32> to vector<128xf32>
    %slice3A_394 = vector.extract_strided_slice %mul3A_58 {offsets = [1536], sizes = [128], strides = [1]} : vector<2560xf32> to vector<128xf32>
    %slice3A_395 = vector.extract_strided_slice %mul3A_59 {offsets = [1536], sizes = [128], strides = [1]} : vector<2560xf32> to vector<128xf32>
    %slice3A_396 = vector.extract_strided_slice %mul3A_60 {offsets = [1536], sizes = [128], strides = [1]} : vector<2560xf32> to vector<128xf32>
    %stack3A_397 = vector.shape_cast %slice3A_393 : vector<128xf32> to vector<1x128xf32>
    %stack3A_398 = vector.shape_cast %slice3A_394 : vector<128xf32> to vector<1x128xf32>
    %stack3A_399 = vector.shape_cast %slice3A_395 : vector<128xf32> to vector<1x128xf32>
    %stack3A_400 = vector.shape_cast %slice3A_396 : vector<128xf32> to vector<1x128xf32>
    %stack3A_401 = vector.shape_cast %broadcast_in_dim3A_84 : vector<128xf32> to vector<1x128xf32>
    %stack3A_402 = tpu.concatenate %stack3A_397, %stack3A_398, %stack3A_399, %stack3A_400, %stack3A_401 in 0 : vector<1x128xf32>, vector<1x128xf32>, vector<1x128xf32>, vector<1x128xf32>, vector<1x128xf32> -> vector<5x128xf32>
    %dot_general3A_403 = arith.constant dense<0.000000e+00> : vector<128x64xf32>
    %dot_general3A_404 = tpu.matmul %stack3A_402, %concatenate3A_83, %dot_general3A_403 {dimension_numbers = #tpu.dot_dimension_numbers<[0], [0], [1], [1], [0, 1, 1, 1], [], []>, transpose_lhs_hint = false} : vector<5x128xf32>, vector<5x64xf32>, vector<128x64xf32> -> vector<128x64xf32>
    %neg3A_405 = arith.constant 0.000000e+00 : f32
    %neg3A_406 = vector.broadcast %neg3A_405 : f32 to vector<128x64xf32>
    %neg3A_407 = arith.subf %neg3A_406, %dot_general3A_404 : vector<128x64xf32>
    %exp3A_408 = math.exp %neg3A_407 : vector<128x64xf32>
    %add3A_409 = arith.constant 1.000000e+00 : f32
    %add3A_410 = vector.broadcast %add3A_409 : f32 to vector<128x64xf32>
    %add3A_411 = arith.addf %add3A_410, %exp3A_408 : vector<128x64xf32>
    %div3A_412 = arith.constant 1.000000e+00 : f32
    %div3A_413 = vector.broadcast %div3A_412 : f32 to vector<128x64xf32>
    %div3A_414 = arith.divf %div3A_413, %add3A_411 : vector<128x64xf32>
    %mul3A_415 = arith.mulf %dot_general3A_404, %div3A_414 : vector<128x64xf32>
    %swap3A_416 = arith.constant 1536 : index
    %swap3A_417 = arith.constant 0 : index
    %swap3A_418 = vector.load %arg9[%swap3A_416, %swap3A_417] : memref<2560x64xf32, #tpu.memory_space<vmem>>, vector<128x64xf32>
    tpu.vector_store %arg9[%swap3A_416, %swap3A_417], %mul3A_415 {strides = array<i32>} : memref<2560x64xf32, #tpu.memory_space<vmem>>, vector<128x64xf32>,
    %slice3A_419 = vector.extract_strided_slice %div3A_53 {offsets = [1664], sizes = [128], strides = [1]} : vector<2560xf32> to vector<128xf32>
    %slice3A_420 = vector.extract_strided_slice %mul3A_58 {offsets = [1664], sizes = [128], strides = [1]} : vector<2560xf32> to vector<128xf32>
    %slice3A_421 = vector.extract_strided_slice %mul3A_59 {offsets = [1664], sizes = [128], strides = [1]} : vector<2560xf32> to vector<128xf32>
    %slice3A_422 = vector.extract_strided_slice %mul3A_60 {offsets = [1664], sizes = [128], strides = [1]} : vector<2560xf32> to vector<128xf32>
    %stack3A_423 = vector.shape_cast %slice3A_419 : vector<128xf32> to vector<1x128xf32>
    %stack3A_424 = vector.shape_cast %slice3A_420 : vector<128xf32> to vector<1x128xf32>
    %stack3A_425 = vector.shape_cast %slice3A_421 : vector<128xf32> to vector<1x128xf32>
    %stack3A_426 = vector.shape_cast %slice3A_422 : vector<128xf32> to vector<1x128xf32>
    %stack3A_427 = vector.shape_cast %broadcast_in_dim3A_84 : vector<128xf32> to vector<1x128xf32>
    %stack3A_428 = tpu.concatenate %stack3A_423, %stack3A_424, %stack3A_425, %stack3A_426, %stack3A_427 in 0 : vector<1x128xf32>, vector<1x128xf32>, vector<1x128xf32>, vector<1x128xf32>, vector<1x128xf32> -> vector<5x128xf32>
    %dot_general3A_429 = arith.constant dense<0.000000e+00> : vector<128x64xf32>
    %dot_general3A_430 = tpu.matmul %stack3A_428, %concatenate3A_83, %dot_general3A_429 {dimension_numbers = #tpu.dot_dimension_numbers<[0], [0], [1], [1], [0, 1, 1, 1], [], []>, transpose_lhs_hint = false} : vector<5x128xf32>, vector<5x64xf32>, vector<128x64xf32> -> vector<128x64xf32>
    %neg3A_431 = arith.constant 0.000000e+00 : f32
    %neg3A_432 = vector.broadcast %neg3A_431 : f32 to vector<128x64xf32>
    %neg3A_433 = arith.subf %neg3A_432, %dot_general3A_430 : vector<128x64xf32>
    %exp3A_434 = math.exp %neg3A_433 : vector<128x64xf32>
    %add3A_435 = arith.constant 1.000000e+00 : f32
    %add3A_436 = vector.broadcast %add3A_435 : f32 to vector<128x64xf32>
    %add3A_437 = arith.addf %add3A_436, %exp3A_434 : vector<128x64xf32>
    %div3A_438 = arith.constant 1.000000e+00 : f32
    %div3A_439 = vector.broadcast %div3A_438 : f32 to vector<128x64xf32>
    %div3A_440 = arith.divf %div3A_439, %add3A_437 : vector<128x64xf32>
    %mul3A_441 = arith.mulf %dot_general3A_430, %div3A_440 : vector<128x64xf32>
    %swap3A_442 = arith.constant 1664 : index
    %swap3A_443 = arith.constant 0 : index
    %swap3A_444 = vector.load %arg9[%swap3A_442, %swap3A_443] : memref<2560x64xf32, #tpu.memory_space<vmem>>, vector<128x64xf32>
    tpu.vector_store %arg9[%swap3A_442, %swap3A_443], %mul3A_441 {strides = array<i32>} : memref<2560x64xf32, #tpu.memory_space<vmem>>, vector<128x64xf32>,
    %slice3A_445 = vector.extract_strided_slice %div3A_53 {offsets = [1792], sizes = [128], strides = [1]} : vector<2560xf32> to vector<128xf32>
    %slice3A_446 = vector.extract_strided_slice %mul3A_58 {offsets = [1792], sizes = [128], strides = [1]} : vector<2560xf32> to vector<128xf32>
    %slice3A_447 = vector.extract_strided_slice %mul3A_59 {offsets = [1792], sizes = [128], strides = [1]} : vector<2560xf32> to vector<128xf32>
    %slice3A_448 = vector.extract_strided_slice %mul3A_60 {offsets = [1792], sizes = [128], strides = [1]} : vector<2560xf32> to vector<128xf32>
    %stack3A_449 = vector.shape_cast %slice3A_445 : vector<128xf32> to vector<1x128xf32>
    %stack3A_450 = vector.shape_cast %slice3A_446 : vector<128xf32> to vector<1x128xf32>
    %stack3A_451 = vector.shape_cast %slice3A_447 : vector<128xf32> to vector<1x128xf32>
    %stack3A_452 = vector.shape_cast %slice3A_448 : vector<128xf32> to vector<1x128xf32>
    %stack3A_453 = vector.shape_cast %broadcast_in_dim3A_84 : vector<128xf32> to vector<1x128xf32>
    %stack3A_454 = tpu.concatenate %stack3A_449, %stack3A_450, %stack3A_451, %stack3A_452, %stack3A_453 in 0 : vector<1x128xf32>, vector<1x128xf32>, vector<1x128xf32>, vector<1x128xf32>, vector<1x128xf32> -> vector<5x128xf32>
    %dot_general3A_455 = arith.constant dense<0.000000e+00> : vector<128x64xf32>
    %dot_general3A_456 = tpu.matmul %stack3A_454, %concatenate3A_83, %dot_general3A_455 {dimension_numbers = #tpu.dot_dimension_numbers<[0], [0], [1], [1], [0, 1, 1, 1], [], []>, transpose_lhs_hint = false} : vector<5x128xf32>, vector<5x64xf32>, vector<128x64xf32> -> vector<128x64xf32>
    %neg3A_457 = arith.constant 0.000000e+00 : f32
    %neg3A_458 = vector.broadcast %neg3A_457 : f32 to vector<128x64xf32>
    %neg3A_459 = arith.subf %neg3A_458, %dot_general3A_456 : vector<128x64xf32>
    %exp3A_460 = math.exp %neg3A_459 : vector<128x64xf32>
    %add3A_461 = arith.constant 1.000000e+00 : f32
    %add3A_462 = vector.broadcast %add3A_461 : f32 to vector<128x64xf32>
    %add3A_463 = arith.addf %add3A_462, %exp3A_460 : vector<128x64xf32>
    %div3A_464 = arith.constant 1.000000e+00 : f32
    %div3A_465 = vector.broadcast %div3A_464 : f32 to vector<128x64xf32>
    %div3A_466 = arith.divf %div3A_465, %add3A_463 : vector<128x64xf32>
    %mul3A_467 = arith.mulf %dot_general3A_456, %div3A_466 : vector<128x64xf32>
    %swap3A_468 = arith.constant 1792 : index
    %swap3A_469 = arith.constant 0 : index
    %swap3A_470 = vector.load %arg9[%swap3A_468, %swap3A_469] : memref<2560x64xf32, #tpu.memory_space<vmem>>, vector<128x64xf32>
    tpu.vector_store %arg9[%swap3A_468, %swap3A_469], %mul3A_467 {strides = array<i32>} : memref<2560x64xf32, #tpu.memory_space<vmem>>, vector<128x64xf32>,
    %slice3A_471 = vector.extract_strided_slice %div3A_53 {offsets = [1920], sizes = [128], strides = [1]} : vector<2560xf32> to vector<128xf32>
    %slice3A_472 = vector.extract_strided_slice %mul3A_58 {offsets = [1920], sizes = [128], strides = [1]} : vector<2560xf32> to vector<128xf32>
    %slice3A_473 = vector.extract_strided_slice %mul3A_59 {offsets = [1920], sizes = [128], strides = [1]} : vector<2560xf32> to vector<128xf32>
    %slice3A_474 = vector.extract_strided_slice %mul3A_60 {offsets = [1920], sizes = [128], strides = [1]} : vector<2560xf32> to vector<128xf32>
    %stack3A_475 = vector.shape_cast %slice3A_471 : vector<128xf32> to vector<1x128xf32>
    %stack3A_476 = vector.shape_cast %slice3A_472 : vector<128xf32> to vector<1x128xf32>
    %stack3A_477 = vector.shape_cast %slice3A_473 : vector<128xf32> to vector<1x128xf32>
    %stack3A_478 = vector.shape_cast %slice3A_474 : vector<128xf32> to vector<1x128xf32>
    %stack3A_479 = vector.shape_cast %broadcast_in_dim3A_84 : vector<128xf32> to vector<1x128xf32>
    %stack3A_480 = tpu.concatenate %stack3A_475, %stack3A_476, %stack3A_477, %stack3A_478, %stack3A_479 in 0 : vector<1x128xf32>, vector<1x128xf32>, vector<1x128xf32>, vector<1x128xf32>, vector<1x128xf32> -> vector<5x128xf32>
    %dot_general3A_481 = arith.constant dense<0.000000e+00> : vector<128x64xf32>
    %dot_general3A_482 = tpu.matmul %stack3A_480, %concatenate3A_83, %dot_general3A_481 {dimension_numbers = #tpu.dot_dimension_numbers<[0], [0], [1], [1], [0, 1, 1, 1], [], []>, transpose_lhs_hint = false} : vector<5x128xf32>, vector<5x64xf32>, vector<128x64xf32> -> vector<128x64xf32>
    %neg3A_483 = arith.constant 0.000000e+00 : f32
    %neg3A_484 = vector.broadcast %neg3A_483 : f32 to vector<128x64xf32>
    %neg3A_485 = arith.subf %neg3A_484, %dot_general3A_482 : vector<128x64xf32>
    %exp3A_486 = math.exp %neg3A_485 : vector<128x64xf32>
    %add3A_487 = arith.constant 1.000000e+00 : f32
    %add3A_488 = vector.broadcast %add3A_487 : f32 to vector<128x64xf32>
    %add3A_489 = arith.addf %add3A_488, %exp3A_486 : vector<128x64xf32>
    %div3A_490 = arith.constant 1.000000e+00 : f32
    %div3A_491 = vector.broadcast %div3A_490 : f32 to vector<128x64xf32>
    %div3A_492 = arith.divf %div3A_491, %add3A_489 : vector<128x64xf32>
    %mul3A_493 = arith.mulf %dot_general3A_482, %div3A_492 : vector<128x64xf32>
    %swap3A_494 = arith.constant 1920 : index
    %swap3A_495 = arith.constant 0 : index
    %swap3A_496 = vector.load %arg9[%swap3A_494, %swap3A_495] : memref<2560x64xf32, #tpu.memory_space<vmem>>, vector<128x64xf32>
    tpu.vector_store %arg9[%swap3A_494, %swap3A_495], %mul3A_493 {strides = array<i32>} : memref<2560x64xf32, #tpu.memory_space<vmem>>, vector<128x64xf32>,
    %slice3A_497 = vector.extract_strided_slice %div3A_53 {offsets = [2048], sizes = [128], strides = [1]} : vector<2560xf32> to vector<128xf32>
    %slice3A_498 = vector.extract_strided_slice %mul3A_58 {offsets = [2048], sizes = [128], strides = [1]} : vector<2560xf32> to vector<128xf32>
    %slice3A_499 = vector.extract_strided_slice %mul3A_59 {offsets = [2048], sizes = [128], strides = [1]} : vector<2560xf32> to vector<128xf32>
    %slice3A_500 = vector.extract_strided_slice %mul3A_60 {offsets = [2048], sizes = [128], strides = [1]} : vector<2560xf32> to vector<128xf32>
    %stack3A_501 = vector.shape_cast %slice3A_497 : vector<128xf32> to vector<1x128xf32>
    %stack3A_502 = vector.shape_cast %slice3A_498 : vector<128xf32> to vector<1x128xf32>
    %stack3A_503 = vector.shape_cast %slice3A_499 : vector<128xf32> to vector<1x128xf32>
    %stack3A_504 = vector.shape_cast %slice3A_500 : vector<128xf32> to vector<1x128xf32>
    %stack3A_505 = vector.shape_cast %broadcast_in_dim3A_84 : vector<128xf32> to vector<1x128xf32>
    %stack3A_506 = tpu.concatenate %stack3A_501, %stack3A_502, %stack3A_503, %stack3A_504, %stack3A_505 in 0 : vector<1x128xf32>, vector<1x128xf32>, vector<1x128xf32>, vector<1x128xf32>, vector<1x128xf32> -> vector<5x128xf32>
    %dot_general3A_507 = arith.constant dense<0.000000e+00> : vector<128x64xf32>
    %dot_general3A_508 = tpu.matmul %stack3A_506, %concatenate3A_83, %dot_general3A_507 {dimension_numbers = #tpu.dot_dimension_numbers<[0], [0], [1], [1], [0, 1, 1, 1], [], []>, transpose_lhs_hint = false} : vector<5x128xf32>, vector<5x64xf32>, vector<128x64xf32> -> vector<128x64xf32>
    %neg3A_509 = arith.constant 0.000000e+00 : f32
    %neg3A_510 = vector.broadcast %neg3A_509 : f32 to vector<128x64xf32>
    %neg3A_511 = arith.subf %neg3A_510, %dot_general3A_508 : vector<128x64xf32>
    %exp3A_512 = math.exp %neg3A_511 : vector<128x64xf32>
    %add3A_513 = arith.constant 1.000000e+00 : f32
    %add3A_514 = vector.broadcast %add3A_513 : f32 to vector<128x64xf32>
    %add3A_515 = arith.addf %add3A_514, %exp3A_512 : vector<128x64xf32>
    %div3A_516 = arith.constant 1.000000e+00 : f32
    %div3A_517 = vector.broadcast %div3A_516 : f32 to vector<128x64xf32>
    %div3A_518 = arith.divf %div3A_517, %add3A_515 : vector<128x64xf32>
    %mul3A_519 = arith.mulf %dot_general3A_508, %div3A_518 : vector<128x64xf32>
    %swap3A_520 = arith.constant 2048 : index
    %swap3A_521 = arith.constant 0 : index
    %swap3A_522 = vector.load %arg9[%swap3A_520, %swap3A_521] : memref<2560x64xf32, #tpu.memory_space<vmem>>, vector<128x64xf32>
    tpu.vector_store %arg9[%swap3A_520, %swap3A_521], %mul3A_519 {strides = array<i32>} : memref<2560x64xf32, #tpu.memory_space<vmem>>, vector<128x64xf32>,
    %slice3A_523 = vector.extract_strided_slice %div3A_53 {offsets = [2176], sizes = [128], strides = [1]} : vector<2560xf32> to vector<128xf32>
    %slice3A_524 = vector.extract_strided_slice %mul3A_58 {offsets = [2176], sizes = [128], strides = [1]} : vector<2560xf32> to vector<128xf32>
    %slice3A_525 = vector.extract_strided_slice %mul3A_59 {offsets = [2176], sizes = [128], strides = [1]} : vector<2560xf32> to vector<128xf32>
    %slice3A_526 = vector.extract_strided_slice %mul3A_60 {offsets = [2176], sizes = [128], strides = [1]} : vector<2560xf32> to vector<128xf32>
    %stack3A_527 = vector.shape_cast %slice3A_523 : vector<128xf32> to vector<1x128xf32>
    %stack3A_528 = vector.shape_cast %slice3A_524 : vector<128xf32> to vector<1x128xf32>
    %stack3A_529 = vector.shape_cast %slice3A_525 : vector<128xf32> to vector<1x128xf32>
    %stack3A_530 = vector.shape_cast %slice3A_526 : vector<128xf32> to vector<1x128xf32>
    %stack3A_531 = vector.shape_cast %broadcast_in_dim3A_84 : vector<128xf32> to vector<1x128xf32>
    %stack3A_532 = tpu.concatenate %stack3A_527, %stack3A_528, %stack3A_529, %stack3A_530, %stack3A_531 in 0 : vector<1x128xf32>, vector<1x128xf32>, vector<1x128xf32>, vector<1x128xf32>, vector<1x128xf32> -> vector<5x128xf32>
    %dot_general3A_533 = arith.constant dense<0.000000e+00> : vector<128x64xf32>
    %dot_general3A_534 = tpu.matmul %stack3A_532, %concatenate3A_83, %dot_general3A_533 {dimension_numbers = #tpu.dot_dimension_numbers<[0], [0], [1], [1], [0, 1, 1, 1], [], []>, transpose_lhs_hint = false} : vector<5x128xf32>, vector<5x64xf32>, vector<128x64xf32> -> vector<128x64xf32>
    %neg3A_535 = arith.constant 0.000000e+00 : f32
    %neg3A_536 = vector.broadcast %neg3A_535 : f32 to vector<128x64xf32>
    %neg3A_537 = arith.subf %neg3A_536, %dot_general3A_534 : vector<128x64xf32>
    %exp3A_538 = math.exp %neg3A_537 : vector<128x64xf32>
    %add3A_539 = arith.constant 1.000000e+00 : f32
    %add3A_540 = vector.broadcast %add3A_539 : f32 to vector<128x64xf32>
    %add3A_541 = arith.addf %add3A_540, %exp3A_538 : vector<128x64xf32>
    %div3A_542 = arith.constant 1.000000e+00 : f32
    %div3A_543 = vector.broadcast %div3A_542 : f32 to vector<128x64xf32>
    %div3A_544 = arith.divf %div3A_543, %add3A_541 : vector<128x64xf32>
    %mul3A_545 = arith.mulf %dot_general3A_534, %div3A_544 : vector<128x64xf32>
    %swap3A_546 = arith.constant 2176 : index
    %swap3A_547 = arith.constant 0 : index
    %swap3A_548 = vector.load %arg9[%swap3A_546, %swap3A_547] : memref<2560x64xf32, #tpu.memory_space<vmem>>, vector<128x64xf32>
    tpu.vector_store %arg9[%swap3A_546, %swap3A_547], %mul3A_545 {strides = array<i32>} : memref<2560x64xf32, #tpu.memory_space<vmem>>, vector<128x64xf32>,
    %slice3A_549 = vector.extract_strided_slice %div3A_53 {offsets = [2304], sizes = [128], strides = [1]} : vector<2560xf32> to vector<128xf32>
    %slice3A_550 = vector.extract_strided_slice %mul3A_58 {offsets = [2304], sizes = [128], strides = [1]} : vector<2560xf32> to vector<128xf32>
    %slice3A_551 = vector.extract_strided_slice %mul3A_59 {offsets = [2304], sizes = [128], strides = [1]} : vector<2560xf32> to vector<128xf32>
    %slice3A_552 = vector.extract_strided_slice %mul3A_60 {offsets = [2304], sizes = [128], strides = [1]} : vector<2560xf32> to vector<128xf32>
    %stack3A_553 = vector.shape_cast %slice3A_549 : vector<128xf32> to vector<1x128xf32>
    %stack3A_554 = vector.shape_cast %slice3A_550 : vector<128xf32> to vector<1x128xf32>
    %stack3A_555 = vector.shape_cast %slice3A_551 : vector<128xf32> to vector<1x128xf32>
    %stack3A_556 = vector.shape_cast %slice3A_552 : vector<128xf32> to vector<1x128xf32>
    %stack3A_557 = vector.shape_cast %broadcast_in_dim3A_84 : vector<128xf32> to vector<1x128xf32>
    %stack3A_558 = tpu.concatenate %stack3A_553, %stack3A_554, %stack3A_555, %stack3A_556, %stack3A_557 in 0 : vector<1x128xf32>, vector<1x128xf32>, vector<1x128xf32>, vector<1x128xf32>, vector<1x128xf32> -> vector<5x128xf32>
    %dot_general3A_559 = arith.constant dense<0.000000e+00> : vector<128x64xf32>
    %dot_general3A_560 = tpu.matmul %stack3A_558, %concatenate3A_83, %dot_general3A_559 {dimension_numbers = #tpu.dot_dimension_numbers<[0], [0], [1], [1], [0, 1, 1, 1], [], []>, transpose_lhs_hint = false} : vector<5x128xf32>, vector<5x64xf32>, vector<128x64xf32> -> vector<128x64xf32>
    %neg3A_561 = arith.constant 0.000000e+00 : f32
    %neg3A_562 = vector.broadcast %neg3A_561 : f32 to vector<128x64xf32>
    %neg3A_563 = arith.subf %neg3A_562, %dot_general3A_560 : vector<128x64xf32>
    %exp3A_564 = math.exp %neg3A_563 : vector<128x64xf32>
    %add3A_565 = arith.constant 1.000000e+00 : f32
    %add3A_566 = vector.broadcast %add3A_565 : f32 to vector<128x64xf32>
    %add3A_567 = arith.addf %add3A_566, %exp3A_564 : vector<128x64xf32>
    %div3A_568 = arith.constant 1.000000e+00 : f32
    %div3A_569 = vector.broadcast %div3A_568 : f32 to vector<128x64xf32>
    %div3A_570 = arith.divf %div3A_569, %add3A_567 : vector<128x64xf32>
    %mul3A_571 = arith.mulf %dot_general3A_560, %div3A_570 : vector<128x64xf32>
    %swap3A_572 = arith.constant 2304 : index
    %swap3A_573 = arith.constant 0 : index
    %swap3A_574 = vector.load %arg9[%swap3A_572, %swap3A_573] : memref<2560x64xf32, #tpu.memory_space<vmem>>, vector<128x64xf32>
    tpu.vector_store %arg9[%swap3A_572, %swap3A_573], %mul3A_571 {strides = array<i32>} : memref<2560x64xf32, #tpu.memory_space<vmem>>, vector<128x64xf32>,
    %slice3A_575 = vector.extract_strided_slice %div3A_53 {offsets = [2432], sizes = [128], strides = [1]} : vector<2560xf32> to vector<128xf32>
    %slice3A_576 = vector.extract_strided_slice %mul3A_58 {offsets = [2432], sizes = [128], strides = [1]} : vector<2560xf32> to vector<128xf32>
    %slice3A_577 = vector.extract_strided_slice %mul3A_59 {offsets = [2432], sizes = [128], strides = [1]} : vector<2560xf32> to vector<128xf32>
    %slice3A_578 = vector.extract_strided_slice %mul3A_60 {offsets = [2432], sizes = [128], strides = [1]} : vector<2560xf32> to vector<128xf32>
    %stack3A_579 = vector.shape_cast %slice3A_575 : vector<128xf32> to vector<1x128xf32>
    %stack3A_580 = vector.shape_cast %slice3A_576 : vector<128xf32> to vector<1x128xf32>
    %stack3A_581 = vector.shape_cast %slice3A_577 : vector<128xf32> to vector<1x128xf32>
    %stack3A_582 = vector.shape_cast %slice3A_578 : vector<128xf32> to vector<1x128xf32>
    %stack3A_583 = vector.shape_cast %broadcast_in_dim3A_84 : vector<128xf32> to vector<1x128xf32>
    %stack3A_584 = tpu.concatenate %stack3A_579, %stack3A_580, %stack3A_581, %stack3A_582, %stack3A_583 in 0 : vector<1x128xf32>, vector<1x128xf32>, vector<1x128xf32>, vector<1x128xf32>, vector<1x128xf32> -> vector<5x128xf32>
    %dot_general3A_585 = arith.constant dense<0.000000e+00> : vector<128x64xf32>
    %dot_general3A_586 = tpu.matmul %stack3A_584, %concatenate3A_83, %dot_general3A_585 {dimension_numbers = #tpu.dot_dimension_numbers<[0], [0], [1], [1], [0, 1, 1, 1], [], []>, transpose_lhs_hint = false} : vector<5x128xf32>, vector<5x64xf32>, vector<128x64xf32> -> vector<128x64xf32>
    %neg3A_587 = arith.constant 0.000000e+00 : f32
    %neg3A_588 = vector.broadcast %neg3A_587 : f32 to vector<128x64xf32>
    %neg3A_589 = arith.subf %neg3A_588, %dot_general3A_586 : vector<128x64xf32>
    %exp3A_590 = math.exp %neg3A_589 : vector<128x64xf32>
    %add3A_591 = arith.constant 1.000000e+00 : f32
    %add3A_592 = vector.broadcast %add3A_591 : f32 to vector<128x64xf32>
    %add3A_593 = arith.addf %add3A_592, %exp3A_590 : vector<128x64xf32>
    %div3A_594 = arith.constant 1.000000e+00 : f32
    %div3A_595 = vector.broadcast %div3A_594 : f32 to vector<128x64xf32>
    %div3A_596 = arith.divf %div3A_595, %add3A_593 : vector<128x64xf32>
    %mul3A_597 = arith.mulf %dot_general3A_586, %div3A_596 : vector<128x64xf32>
    %swap3A_598 = arith.constant 2432 : index
    %swap3A_599 = arith.constant 0 : index
    %swap3A_600 = vector.load %arg9[%swap3A_598, %swap3A_599] : memref<2560x64xf32, #tpu.memory_space<vmem>>, vector<128x64xf32>
    tpu.vector_store %arg9[%swap3A_598, %swap3A_599], %mul3A_597 {strides = array<i32>} : memref<2560x64xf32, #tpu.memory_space<vmem>>, vector<128x64xf32>,
    %get3A_601 = arith.constant 0 : index
    %get3A_602 = arith.constant 0 : index
    %get3A_603 = vector.load %arg3[%get3A_601, %get3A_602] : memref<80x1xi32, #tpu.memory_space<vmem>>, vector<80x1xi32>
    %iota3A = tpu.iota {dimensions = array<i32: 1>} : vector<80x4xi32>
    %eq3A = vector.broadcast %get3A_603 : vector<80x1xi32> to vector<80x4xi32>
    %eq3A_604 = arith.cmpi eq, %iota3A, %eq3A : vector<80x4xi32>
    %convert_element_type3A = arith.extui %eq3A_604 : vector<80x4xi1> to vector<80x4xi32>
    %convert_element_type3A_605 = arith.sitofp %convert_element_type3A : vector<80x4xi32> to vector<80x4xf32>
    %get3A_606 = arith.constant 0 : index
    %get3A_607 = arith.constant 0 : index
    %get3A_608 = vector.load %arg4[%get3A_606, %get3A_607] : memref<4x128xf32, #tpu.memory_space<vmem>>, vector<4x128xf32>
    %dot_general3A_609 = arith.constant dense<0.000000e+00> : vector<80x128xf32>
    %dot_general3A_610 = tpu.matmul %convert_element_type3A_605, %get3A_608, %dot_general3A_609 {dimension_numbers = #tpu.dot_dimension_numbers<[1], [0], [0], [1], [0, 0, 1, 1], [], []>, transpose_lhs_hint = false} : vector<80x4xf32>, vector<4x128xf32>, vector<80x128xf32> -> vector<80x128xf32>
    %swap3A_611 = arith.constant 0 : index
    %swap3A_612 = arith.constant 0 : index
    %swap3A_613 = vector.load %arg10[%swap3A_611, %swap3A_612] : memref<80x128xf32, #tpu.memory_space<vmem>>, vector<80x128xf32>
    tpu.vector_store %arg10[%swap3A_611, %swap3A_612], %dot_general3A_610 {strides = array<i32>} : memref<80x128xf32, #tpu.memory_space<vmem>>, vector<80x128xf32>,
    %get3A_614 = arith.constant 0 : index
    %get3A_615 = arith.constant 0 : index
    %get3A_616 = vector.load %arg7[%get3A_614, %get3A_615] : memref<128x64xf32, #tpu.memory_space<vmem>>, vector<128x64xf32>
    %dot_general3A_617 = arith.constant dense<0.000000e+00> : vector<80x64xf32>
    %dot_general3A_618 = tpu.matmul %dot_general3A_610, %get3A_616, %dot_general3A_617 {dimension_numbers = #tpu.dot_dimension_numbers<[1], [0], [0], [1], [0, 0, 1, 1], [], []>, transpose_lhs_hint = false} : vector<80x128xf32>, vector<128x64xf32>, vector<80x64xf32> -> vector<80x64xf32>
    %swap3A_619 = arith.constant 0 : index
    %swap3A_620 = arith.constant 0 : index
    %swap3A_621 = vector.load %arg11[%swap3A_619, %swap3A_620] : memref<80x64xf32, #tpu.memory_space<vmem>>, vector<80x64xf32>
    tpu.vector_store %arg11[%swap3A_619, %swap3A_620], %dot_general3A_618 {strides = array<i32>} : memref<80x64xf32, #tpu.memory_space<vmem>>, vector<80x64xf32>,
    return
  }
  func.func @transform_0(%arg0: i32) -> (i32, i32, i32) {
    %c0_i32 = arith.constant 0 : i32
    %c0_i32_0 = arith.constant 0 : i32
    %c0_i32_1 = arith.constant 0 : i32
    return %arg0, %c0_i32, %c0_i32_0 : i32, i32, i32
  }
  func.func @transform_1(%arg0: i32) -> (i32, i32) {
    %c0_i32 = arith.constant 0 : i32
    %c0_i32_0 = arith.constant 0 : i32
    return %arg0, %c0_i32 : i32, i32
  }
  func.func @transform_2(%arg0: i32) -> (i32, i32) {
    %c0_i32 = arith.constant 0 : i32
    %c0_i32_0 = arith.constant 0 : i32
    return %arg0, %c0_i32 : i32, i32
  }
  func.func @transform_3(%arg0: i32) -> (i32, i32) {
    %c0_i32 = arith.constant 0 : i32
    %c0_i32_0 = arith.constant 0 : i32
    %c0_i32_1 = arith.constant 0 : i32
    return %c0_i32, %c0_i32_0 : i32, i32
  }
  func.func @transform_4(%arg0: i32) -> (i32, i32) {
    %c0_i32 = arith.constant 0 : i32
    %c0_i32_0 = arith.constant 0 : i32
    %c0_i32_1 = arith.constant 0 : i32
    return %c0_i32, %c0_i32_0 : i32, i32
  }
  func.func @transform_5(%arg0: i32) -> (i32, i32) {
    %c0_i32 = arith.constant 0 : i32
    %c0_i32_0 = arith.constant 0 : i32
    %c0_i32_1 = arith.constant 0 : i32
    return %c0_i32, %c0_i32_0 : i32, i32
  }
  func.func @transform_6(%arg0: i32) -> (i32, i32) {
    %c0_i32 = arith.constant 0 : i32
    %c0_i32_0 = arith.constant 0 : i32
    %c0_i32_1 = arith.constant 0 : i32
    return %c0_i32, %c0_i32_0 : i32, i32
  }
  func.func @transform_7(%arg0: i32) -> (i32, i32, i32) {
    %c0_i32 = arith.constant 0 : i32
    %c0_i32_0 = arith.constant 0 : i32
    %c0_i32_1 = arith.constant 0 : i32
    return %arg0, %c0_i32, %c0_i32_0 : i32, i32, i32
  }
  func.func @transform_8(%arg0: i32) -> (i32, i32) {
    %c0_i32 = arith.constant 0 : i32
    %c0_i32_0 = arith.constant 0 : i32
    return %arg0, %c0_i32 : i32, i32
  }
  func.func @transform_9(%arg0: i32) -> (i32, i32) {
    %c0_i32 = arith.constant 0 : i32
    %c0_i32_0 = arith.constant 0 : i32
    return %arg0, %c0_i32 : i32, i32
  }
  func.func @transform_10(%arg0: i32) -> (i32, i32) {
    %c0_i32 = arith.constant 0 : i32
    %c0_i32_0 = arith.constant 0 : i32
    return %arg0, %c0_i32 : i32, i32
  }
}

module attributes {stable_mosaic.version = 14 : i64} {
  func.func @_tc_layer_body(%arg0: i32, %arg1: memref<2560x64xf32, #tpu.memory_space<vmem>>, %arg2: memref<2560x64xf32, #tpu.memory_space<vmem>>, %arg3: memref<1x8x2560xf32, #tpu.memory_space<vmem>>, %arg4: memref<80x128xf32, #tpu.memory_space<vmem>>, %arg5: memref<128x128xf32, #tpu.memory_space<vmem>>, %arg6: memref<64x128xf32, #tpu.memory_space<vmem>>, %arg7: memref<256x128xf32, #tpu.memory_space<vmem>>, %arg8: memref<64x64xf32, #tpu.memory_space<vmem>>, %arg9: memref<128x64xf32, #tpu.memory_space<vmem>>, %arg10: memref<128x64xf32, #tpu.memory_space<vmem>>, %arg11: memref<2560x64xf32, #tpu.memory_space<vmem>>, %arg12: memref<80x128xf32, #tpu.memory_space<vmem>>, %arg13: memref<80x64xf32, #tpu.memory_space<vmem>>) attributes {dimension_semantics = [#tpu.dimension_semantics<arbitrary>], iteration_bounds = array<i64: 125>, scalar_prefetch = 0 : i64, scratch_operands = 0 : i64, tpu.core_type = #tpu.core_type<tc>, window_params = [{transform_indices = @transform_0, window_bounds = array<i64: 2560, 64>}, {transform_indices = @transform_1, window_bounds = array<i64: 2560, 64>}, {transform_indices = @transform_2, window_bounds = array<i64: 1, 8, 2560>}, {transform_indices = @transform_3, window_bounds = array<i64: 80, 128>}, {pipeline_mode = #tpu.pipeline_mode<synchronous>, transform_indices = @transform_4, window_bounds = array<i64: 128, 128>}, {pipeline_mode = #tpu.pipeline_mode<synchronous>, transform_indices = @transform_5, window_bounds = array<i64: 64, 128>}, {pipeline_mode = #tpu.pipeline_mode<synchronous>, transform_indices = @transform_6, window_bounds = array<i64: 256, 128>}, {pipeline_mode = #tpu.pipeline_mode<synchronous>, transform_indices = @transform_7, window_bounds = array<i64: 64, 64>}, {pipeline_mode = #tpu.pipeline_mode<synchronous>, transform_indices = @transform_8, window_bounds = array<i64: 128, 64>}, {pipeline_mode = #tpu.pipeline_mode<synchronous>, transform_indices = @transform_9, window_bounds = array<i64: 128, 64>}, {transform_indices = @transform_10, window_bounds = array<i64: 2560, 64>}, {transform_indices = @transform_11, window_bounds = array<i64: 80, 128>}, {transform_indices = @transform_12, window_bounds = array<i64: 80, 64>}]} {
    %get3A = arith.constant 0 : index
    %get3A_0 = arith.constant 0 : index
    %get3A_1 = vector.load %arg1[%get3A, %get3A_0] : memref<2560x64xf32, #tpu.memory_space<vmem>>, vector<2560x64xf32>
    %get3A_2 = arith.constant 0 : index
    %get3A_3 = arith.constant 0 : index
    %get3A_4 = arith.constant 0 : index
    %get3A_5 = vector.load %arg3[%get3A_2, %get3A_3, %get3A_4] : memref<1x8x2560xf32, #tpu.memory_space<vmem>>, vector<1x8x2560xf32>
    %slice3A = vector.extract_strided_slice %get3A_5 {offsets = [0, 0, 0], sizes = [1, 1, 2560], strides = [1, 1, 1]} : vector<1x8x2560xf32> to vector<1x1x2560xf32>
    %squeeze3A = vector.shape_cast %slice3A : vector<1x1x2560xf32> to vector<2560xf32>
    %slice3A_6 = vector.extract_strided_slice %get3A_5 {offsets = [0, 1, 0], sizes = [1, 1, 2560], strides = [1, 1, 1]} : vector<1x8x2560xf32> to vector<1x1x2560xf32>
    %squeeze3A_7 = vector.shape_cast %slice3A_6 : vector<1x1x2560xf32> to vector<2560xf32>
    %slice3A_8 = vector.extract_strided_slice %get3A_5 {offsets = [0, 2, 0], sizes = [1, 1, 2560], strides = [1, 1, 1]} : vector<1x8x2560xf32> to vector<1x1x2560xf32>
    %squeeze3A_9 = vector.shape_cast %slice3A_8 : vector<1x1x2560xf32> to vector<2560xf32>
    %slice3A_10 = vector.extract_strided_slice %get3A_5 {offsets = [0, 3, 0], sizes = [1, 1, 2560], strides = [1, 1, 1]} : vector<1x8x2560xf32> to vector<1x1x2560xf32>
    %squeeze3A_11 = vector.shape_cast %slice3A_10 : vector<1x1x2560xf32> to vector<2560xf32>
    %slice3A_12 = vector.extract_strided_slice %get3A_5 {offsets = [0, 4, 0], sizes = [1, 1, 2560], strides = [1, 1, 1]} : vector<1x8x2560xf32> to vector<1x1x2560xf32>
    %squeeze3A_13 = vector.shape_cast %slice3A_12 : vector<1x1x2560xf32> to vector<2560xf32>
    %iota3A = tpu.iota {dimensions = array<i32: 0>} : vector<20x128xi32>
    %iota3A_14 = tpu.iota {dimensions = array<i32: 1>} : vector<20x128xi32>
    %jit3A = arith.constant 32 : i32
    %div3A = vector.broadcast %jit3A : i32 to vector<20x128xi32>
    %div3A_15 = arith.divsi %iota3A_14, %div3A : vector<20x128xi32>
    %sign3A = arith.constant 0 : i32
    %sign3A_16 = vector.broadcast %sign3A : i32 to vector<20x128xi32>
    %sign3A_17 = arith.cmpi sgt, %iota3A_14, %sign3A_16 : vector<20x128xi32>
    %sign3A_18 = arith.extui %sign3A_17 : vector<20x128xi1> to vector<20x128xi32>
    %sign3A_19 = arith.constant 0 : i32
    %sign3A_20 = vector.broadcast %sign3A_19 : i32 to vector<20x128xi32>
    %sign3A_21 = arith.cmpi slt, %iota3A_14, %sign3A_20 : vector<20x128xi32>
    %sign3A_22 = arith.extui %sign3A_21 : vector<20x128xi1> to vector<20x128xi32>
    %sign3A_23 = arith.subi %sign3A_18, %sign3A_22 : vector<20x128xi32>
    %sign3A_24 = arith.constant 0 : i32
    %sign3A_25 = arith.cmpi sgt, %jit3A, %sign3A_24 : i32
    %sign3A_26 = arith.extui %sign3A_25 : i1 to i32
    %sign3A_27 = arith.constant 0 : i32
    %sign3A_28 = arith.cmpi slt, %jit3A, %sign3A_27 : i32
    %sign3A_29 = arith.extui %sign3A_28 : i1 to i32
    %sign3A_30 = arith.subi %sign3A_26, %sign3A_29 : i32
    %ne3A = vector.broadcast %sign3A_30 : i32 to vector<20x128xi32>
    %ne3A_31 = arith.cmpi ne, %sign3A_23, %ne3A : vector<20x128xi32>
    %rem3A = vector.broadcast %jit3A : i32 to vector<20x128xi32>
    %rem3A_32 = arith.remsi %iota3A_14, %rem3A : vector<20x128xi32>
    %ne3A_33 = arith.constant 0 : i32
    %ne3A_34 = vector.broadcast %ne3A_33 : i32 to vector<20x128xi32>
    %ne3A_35 = arith.cmpi ne, %rem3A_32, %ne3A_34 : vector<20x128xi32>
    %and3A = arith.andi %ne3A_31, %ne3A_35 : vector<20x128xi1>
    %sub3A = arith.constant 1 : i32
    %sub3A_36 = vector.broadcast %sub3A : i32 to vector<20x128xi32>
    %sub3A_37 = arith.subi %div3A_15, %sub3A_36 : vector<20x128xi32>
    %select_n3A = arith.select %and3A, %sub3A_37, %div3A_15 : vector<20x128xi1>, vector<20x128xi32>
    %jit3A_38 = arith.constant 4 : i32
    %eq3A = arith.constant 0 : i32
    %eq3A_39 = arith.cmpi eq, %jit3A_38, %eq3A : i32
    %jit3A_40 = arith.constant 1 : i32
    %select_n3A_41 = arith.select %eq3A_39, %jit3A_40, %jit3A_38 : i32
    %rem3A_42 = vector.broadcast %select_n3A_41 : i32 to vector<20x128xi32>
    %rem3A_43 = arith.remsi %iota3A, %rem3A_42 : vector<20x128xi32>
    %ne3A_44 = arith.constant 0 : i32
    %ne3A_45 = vector.broadcast %ne3A_44 : i32 to vector<20x128xi32>
    %ne3A_46 = arith.cmpi ne, %rem3A_43, %ne3A_45 : vector<20x128xi32>
    %lt3A = arith.constant 0 : i32
    %lt3A_47 = vector.broadcast %lt3A : i32 to vector<20x128xi32>
    %lt3A_48 = arith.cmpi slt, %rem3A_43, %lt3A_47 : vector<20x128xi32>
    %lt3A_49 = arith.constant 0 : i32
    %lt3A_50 = arith.cmpi slt, %select_n3A_41, %lt3A_49 : i32
    %ne3A_51 = vector.broadcast %lt3A_50 : i1 to vector<20x128xi1>
    %ne3A_52 = vector.broadcast %ne3A_51 : vector<20x128xi1> to vector<20x128xi1>
    %ne3A_53 = arith.xori %lt3A_48, %ne3A_52 : vector<20x128xi1>
    %and3A_54 = arith.andi %ne3A_53, %ne3A_46 : vector<20x128xi1>
    %add3A = vector.broadcast %select_n3A_41 : i32 to vector<20x128xi32>
    %add3A_55 = arith.addi %rem3A_43, %add3A : vector<20x128xi32>
    %select_n3A_56 = arith.select %and3A_54, %add3A_55, %rem3A_43 : vector<20x128xi1>, vector<20x128xi32>
    %eq3A_57 = arith.cmpi eq, %select_n3A, %select_n3A_56 : vector<20x128xi32>
    %slice3A_58 = vector.extract_strided_slice %squeeze3A {offsets = [0], sizes = [128], strides = [1]} : vector<2560xf32> to vector<128xf32>
    %slice3A_59 = vector.extract_strided_slice %squeeze3A_7 {offsets = [0], sizes = [128], strides = [1]} : vector<2560xf32> to vector<128xf32>
    %slice3A_60 = vector.extract_strided_slice %squeeze3A_9 {offsets = [0], sizes = [128], strides = [1]} : vector<2560xf32> to vector<128xf32>
    %slice3A_61 = vector.extract_strided_slice %squeeze3A_11 {offsets = [0], sizes = [128], strides = [1]} : vector<2560xf32> to vector<128xf32>
    %slice3A_62 = vector.extract_strided_slice %squeeze3A_13 {offsets = [0], sizes = [128], strides = [1]} : vector<2560xf32> to vector<128xf32>
    %stack3A = vector.shape_cast %slice3A_58 : vector<128xf32> to vector<1x128xf32>
    %stack3A_63 = vector.shape_cast %slice3A_59 : vector<128xf32> to vector<1x128xf32>
    %stack3A_64 = vector.shape_cast %slice3A_60 : vector<128xf32> to vector<1x128xf32>
    %stack3A_65 = vector.shape_cast %slice3A_61 : vector<128xf32> to vector<1x128xf32>
    %stack3A_66 = vector.shape_cast %slice3A_62 : vector<128xf32> to vector<1x128xf32>
    %stack3A_67 = tpu.concatenate %stack3A, %stack3A_63, %stack3A_64, %stack3A_65, %stack3A_66 in 0 : vector<1x128xf32>, vector<1x128xf32>, vector<1x128xf32>, vector<1x128xf32>, vector<1x128xf32> -> vector<5x128xf32>
    %broadcast_in_dim3A = vector.shape_cast %stack3A_67 : vector<5x128xf32> to vector<5x1x128xf32>
    %broadcast_in_dim3A_68 = vector.broadcast %broadcast_in_dim3A : vector<5x1x128xf32> to vector<5x4x128xf32>
    %reshape3A = vector.shape_cast %broadcast_in_dim3A_68 : vector<5x4x128xf32> to vector<20x128xf32>
    %jit3A_69 = arith.constant 0.000000e+00 : f32
    %broadcast_in_dim3A_70 = vector.broadcast %jit3A_69 : f32 to vector<20x128xf32>
    %select_n3A_71 = arith.select %eq3A_57, %reshape3A, %broadcast_in_dim3A_70 : vector<20x128xi1>, vector<20x128xf32>
    %slice3A_72 = vector.extract_strided_slice %get3A_1 {offsets = [0, 0], sizes = [128, 64], strides = [1, 1]} : vector<2560x64xf32> to vector<128x64xf32>
    %dot_general3A = arith.constant dense<0.000000e+00> : vector<20x64xf32>
    %dot_general3A_73 = tpu.matmul %select_n3A_71, %slice3A_72, %dot_general3A {dimension_numbers = #tpu.dot_dimension_numbers<[1], [0], [0], [1], [0, 0, 1, 1], [], []>, transpose_lhs_hint = false} : vector<20x128xf32>, vector<128x64xf32>, vector<20x64xf32> -> vector<20x64xf32>
    %slice3A_74 = vector.extract_strided_slice %squeeze3A {offsets = [128], sizes = [128], strides = [1]} : vector<2560xf32> to vector<128xf32>
    %slice3A_75 = vector.extract_strided_slice %squeeze3A_7 {offsets = [128], sizes = [128], strides = [1]} : vector<2560xf32> to vector<128xf32>
    %slice3A_76 = vector.extract_strided_slice %squeeze3A_9 {offsets = [128], sizes = [128], strides = [1]} : vector<2560xf32> to vector<128xf32>
    %slice3A_77 = vector.extract_strided_slice %squeeze3A_11 {offsets = [128], sizes = [128], strides = [1]} : vector<2560xf32> to vector<128xf32>
    %slice3A_78 = vector.extract_strided_slice %squeeze3A_13 {offsets = [128], sizes = [128], strides = [1]} : vector<2560xf32> to vector<128xf32>
    %stack3A_79 = vector.shape_cast %slice3A_74 : vector<128xf32> to vector<1x128xf32>
    %stack3A_80 = vector.shape_cast %slice3A_75 : vector<128xf32> to vector<1x128xf32>
    %stack3A_81 = vector.shape_cast %slice3A_76 : vector<128xf32> to vector<1x128xf32>
    %stack3A_82 = vector.shape_cast %slice3A_77 : vector<128xf32> to vector<1x128xf32>
    %stack3A_83 = vector.shape_cast %slice3A_78 : vector<128xf32> to vector<1x128xf32>
    %stack3A_84 = tpu.concatenate %stack3A_79, %stack3A_80, %stack3A_81, %stack3A_82, %stack3A_83 in 0 : vector<1x128xf32>, vector<1x128xf32>, vector<1x128xf32>, vector<1x128xf32>, vector<1x128xf32> -> vector<5x128xf32>
    %broadcast_in_dim3A_85 = vector.shape_cast %stack3A_84 : vector<5x128xf32> to vector<5x1x128xf32>
    %broadcast_in_dim3A_86 = vector.broadcast %broadcast_in_dim3A_85 : vector<5x1x128xf32> to vector<5x4x128xf32>
    %reshape3A_87 = vector.shape_cast %broadcast_in_dim3A_86 : vector<5x4x128xf32> to vector<20x128xf32>
    %jit3A_88 = arith.constant 0.000000e+00 : f32
    %broadcast_in_dim3A_89 = vector.broadcast %jit3A_88 : f32 to vector<20x128xf32>
    %select_n3A_90 = arith.select %eq3A_57, %reshape3A_87, %broadcast_in_dim3A_89 : vector<20x128xi1>, vector<20x128xf32>
    %slice3A_91 = vector.extract_strided_slice %get3A_1 {offsets = [128, 0], sizes = [128, 64], strides = [1, 1]} : vector<2560x64xf32> to vector<128x64xf32>
    %dot_general3A_92 = arith.constant dense<0.000000e+00> : vector<20x64xf32>
    %dot_general3A_93 = tpu.matmul %select_n3A_90, %slice3A_91, %dot_general3A_92 {dimension_numbers = #tpu.dot_dimension_numbers<[1], [0], [0], [1], [0, 0, 1, 1], [], []>, transpose_lhs_hint = false} : vector<20x128xf32>, vector<128x64xf32>, vector<20x64xf32> -> vector<20x64xf32>
    %slice3A_94 = vector.extract_strided_slice %squeeze3A {offsets = [256], sizes = [128], strides = [1]} : vector<2560xf32> to vector<128xf32>
    %slice3A_95 = vector.extract_strided_slice %squeeze3A_7 {offsets = [256], sizes = [128], strides = [1]} : vector<2560xf32> to vector<128xf32>
    %slice3A_96 = vector.extract_strided_slice %squeeze3A_9 {offsets = [256], sizes = [128], strides = [1]} : vector<2560xf32> to vector<128xf32>
    %slice3A_97 = vector.extract_strided_slice %squeeze3A_11 {offsets = [256], sizes = [128], strides = [1]} : vector<2560xf32> to vector<128xf32>
    %slice3A_98 = vector.extract_strided_slice %squeeze3A_13 {offsets = [256], sizes = [128], strides = [1]} : vector<2560xf32> to vector<128xf32>
    %stack3A_99 = vector.shape_cast %slice3A_94 : vector<128xf32> to vector<1x128xf32>
    %stack3A_100 = vector.shape_cast %slice3A_95 : vector<128xf32> to vector<1x128xf32>
    %stack3A_101 = vector.shape_cast %slice3A_96 : vector<128xf32> to vector<1x128xf32>
    %stack3A_102 = vector.shape_cast %slice3A_97 : vector<128xf32> to vector<1x128xf32>
    %stack3A_103 = vector.shape_cast %slice3A_98 : vector<128xf32> to vector<1x128xf32>
    %stack3A_104 = tpu.concatenate %stack3A_99, %stack3A_100, %stack3A_101, %stack3A_102, %stack3A_103 in 0 : vector<1x128xf32>, vector<1x128xf32>, vector<1x128xf32>, vector<1x128xf32>, vector<1x128xf32> -> vector<5x128xf32>
    %broadcast_in_dim3A_105 = vector.shape_cast %stack3A_104 : vector<5x128xf32> to vector<5x1x128xf32>
    %broadcast_in_dim3A_106 = vector.broadcast %broadcast_in_dim3A_105 : vector<5x1x128xf32> to vector<5x4x128xf32>
    %reshape3A_107 = vector.shape_cast %broadcast_in_dim3A_106 : vector<5x4x128xf32> to vector<20x128xf32>
    %jit3A_108 = arith.constant 0.000000e+00 : f32
    %broadcast_in_dim3A_109 = vector.broadcast %jit3A_108 : f32 to vector<20x128xf32>
    %select_n3A_110 = arith.select %eq3A_57, %reshape3A_107, %broadcast_in_dim3A_109 : vector<20x128xi1>, vector<20x128xf32>
    %slice3A_111 = vector.extract_strided_slice %get3A_1 {offsets = [256, 0], sizes = [128, 64], strides = [1, 1]} : vector<2560x64xf32> to vector<128x64xf32>
    %dot_general3A_112 = arith.constant dense<0.000000e+00> : vector<20x64xf32>
    %dot_general3A_113 = tpu.matmul %select_n3A_110, %slice3A_111, %dot_general3A_112 {dimension_numbers = #tpu.dot_dimension_numbers<[1], [0], [0], [1], [0, 0, 1, 1], [], []>, transpose_lhs_hint = false} : vector<20x128xf32>, vector<128x64xf32>, vector<20x64xf32> -> vector<20x64xf32>
    %slice3A_114 = vector.extract_strided_slice %squeeze3A {offsets = [384], sizes = [128], strides = [1]} : vector<2560xf32> to vector<128xf32>
    %slice3A_115 = vector.extract_strided_slice %squeeze3A_7 {offsets = [384], sizes = [128], strides = [1]} : vector<2560xf32> to vector<128xf32>
    %slice3A_116 = vector.extract_strided_slice %squeeze3A_9 {offsets = [384], sizes = [128], strides = [1]} : vector<2560xf32> to vector<128xf32>
    %slice3A_117 = vector.extract_strided_slice %squeeze3A_11 {offsets = [384], sizes = [128], strides = [1]} : vector<2560xf32> to vector<128xf32>
    %slice3A_118 = vector.extract_strided_slice %squeeze3A_13 {offsets = [384], sizes = [128], strides = [1]} : vector<2560xf32> to vector<128xf32>
    %stack3A_119 = vector.shape_cast %slice3A_114 : vector<128xf32> to vector<1x128xf32>
    %stack3A_120 = vector.shape_cast %slice3A_115 : vector<128xf32> to vector<1x128xf32>
    %stack3A_121 = vector.shape_cast %slice3A_116 : vector<128xf32> to vector<1x128xf32>
    %stack3A_122 = vector.shape_cast %slice3A_117 : vector<128xf32> to vector<1x128xf32>
    %stack3A_123 = vector.shape_cast %slice3A_118 : vector<128xf32> to vector<1x128xf32>
    %stack3A_124 = tpu.concatenate %stack3A_119, %stack3A_120, %stack3A_121, %stack3A_122, %stack3A_123 in 0 : vector<1x128xf32>, vector<1x128xf32>, vector<1x128xf32>, vector<1x128xf32>, vector<1x128xf32> -> vector<5x128xf32>
    %broadcast_in_dim3A_125 = vector.shape_cast %stack3A_124 : vector<5x128xf32> to vector<5x1x128xf32>
    %broadcast_in_dim3A_126 = vector.broadcast %broadcast_in_dim3A_125 : vector<5x1x128xf32> to vector<5x4x128xf32>
    %reshape3A_127 = vector.shape_cast %broadcast_in_dim3A_126 : vector<5x4x128xf32> to vector<20x128xf32>
    %jit3A_128 = arith.constant 0.000000e+00 : f32
    %broadcast_in_dim3A_129 = vector.broadcast %jit3A_128 : f32 to vector<20x128xf32>
    %select_n3A_130 = arith.select %eq3A_57, %reshape3A_127, %broadcast_in_dim3A_129 : vector<20x128xi1>, vector<20x128xf32>
    %slice3A_131 = vector.extract_strided_slice %get3A_1 {offsets = [384, 0], sizes = [128, 64], strides = [1, 1]} : vector<2560x64xf32> to vector<128x64xf32>
    %dot_general3A_132 = arith.constant dense<0.000000e+00> : vector<20x64xf32>
    %dot_general3A_133 = tpu.matmul %select_n3A_130, %slice3A_131, %dot_general3A_132 {dimension_numbers = #tpu.dot_dimension_numbers<[1], [0], [0], [1], [0, 0, 1, 1], [], []>, transpose_lhs_hint = false} : vector<20x128xf32>, vector<128x64xf32>, vector<20x64xf32> -> vector<20x64xf32>
    %slice3A_134 = vector.extract_strided_slice %squeeze3A {offsets = [512], sizes = [128], strides = [1]} : vector<2560xf32> to vector<128xf32>
    %slice3A_135 = vector.extract_strided_slice %squeeze3A_7 {offsets = [512], sizes = [128], strides = [1]} : vector<2560xf32> to vector<128xf32>
    %slice3A_136 = vector.extract_strided_slice %squeeze3A_9 {offsets = [512], sizes = [128], strides = [1]} : vector<2560xf32> to vector<128xf32>
    %slice3A_137 = vector.extract_strided_slice %squeeze3A_11 {offsets = [512], sizes = [128], strides = [1]} : vector<2560xf32> to vector<128xf32>
    %slice3A_138 = vector.extract_strided_slice %squeeze3A_13 {offsets = [512], sizes = [128], strides = [1]} : vector<2560xf32> to vector<128xf32>
    %stack3A_139 = vector.shape_cast %slice3A_134 : vector<128xf32> to vector<1x128xf32>
    %stack3A_140 = vector.shape_cast %slice3A_135 : vector<128xf32> to vector<1x128xf32>
    %stack3A_141 = vector.shape_cast %slice3A_136 : vector<128xf32> to vector<1x128xf32>
    %stack3A_142 = vector.shape_cast %slice3A_137 : vector<128xf32> to vector<1x128xf32>
    %stack3A_143 = vector.shape_cast %slice3A_138 : vector<128xf32> to vector<1x128xf32>
    %stack3A_144 = tpu.concatenate %stack3A_139, %stack3A_140, %stack3A_141, %stack3A_142, %stack3A_143 in 0 : vector<1x128xf32>, vector<1x128xf32>, vector<1x128xf32>, vector<1x128xf32>, vector<1x128xf32> -> vector<5x128xf32>
    %broadcast_in_dim3A_145 = vector.shape_cast %stack3A_144 : vector<5x128xf32> to vector<5x1x128xf32>
    %broadcast_in_dim3A_146 = vector.broadcast %broadcast_in_dim3A_145 : vector<5x1x128xf32> to vector<5x4x128xf32>
    %reshape3A_147 = vector.shape_cast %broadcast_in_dim3A_146 : vector<5x4x128xf32> to vector<20x128xf32>
    %jit3A_148 = arith.constant 0.000000e+00 : f32
    %broadcast_in_dim3A_149 = vector.broadcast %jit3A_148 : f32 to vector<20x128xf32>
    %select_n3A_150 = arith.select %eq3A_57, %reshape3A_147, %broadcast_in_dim3A_149 : vector<20x128xi1>, vector<20x128xf32>
    %slice3A_151 = vector.extract_strided_slice %get3A_1 {offsets = [512, 0], sizes = [128, 64], strides = [1, 1]} : vector<2560x64xf32> to vector<128x64xf32>
    %dot_general3A_152 = arith.constant dense<0.000000e+00> : vector<20x64xf32>
    %dot_general3A_153 = tpu.matmul %select_n3A_150, %slice3A_151, %dot_general3A_152 {dimension_numbers = #tpu.dot_dimension_numbers<[1], [0], [0], [1], [0, 0, 1, 1], [], []>, transpose_lhs_hint = false} : vector<20x128xf32>, vector<128x64xf32>, vector<20x64xf32> -> vector<20x64xf32>
    %slice3A_154 = vector.extract_strided_slice %squeeze3A {offsets = [640], sizes = [128], strides = [1]} : vector<2560xf32> to vector<128xf32>
    %slice3A_155 = vector.extract_strided_slice %squeeze3A_7 {offsets = [640], sizes = [128], strides = [1]} : vector<2560xf32> to vector<128xf32>
    %slice3A_156 = vector.extract_strided_slice %squeeze3A_9 {offsets = [640], sizes = [128], strides = [1]} : vector<2560xf32> to vector<128xf32>
    %slice3A_157 = vector.extract_strided_slice %squeeze3A_11 {offsets = [640], sizes = [128], strides = [1]} : vector<2560xf32> to vector<128xf32>
    %slice3A_158 = vector.extract_strided_slice %squeeze3A_13 {offsets = [640], sizes = [128], strides = [1]} : vector<2560xf32> to vector<128xf32>
    %stack3A_159 = vector.shape_cast %slice3A_154 : vector<128xf32> to vector<1x128xf32>
    %stack3A_160 = vector.shape_cast %slice3A_155 : vector<128xf32> to vector<1x128xf32>
    %stack3A_161 = vector.shape_cast %slice3A_156 : vector<128xf32> to vector<1x128xf32>
    %stack3A_162 = vector.shape_cast %slice3A_157 : vector<128xf32> to vector<1x128xf32>
    %stack3A_163 = vector.shape_cast %slice3A_158 : vector<128xf32> to vector<1x128xf32>
    %stack3A_164 = tpu.concatenate %stack3A_159, %stack3A_160, %stack3A_161, %stack3A_162, %stack3A_163 in 0 : vector<1x128xf32>, vector<1x128xf32>, vector<1x128xf32>, vector<1x128xf32>, vector<1x128xf32> -> vector<5x128xf32>
    %broadcast_in_dim3A_165 = vector.shape_cast %stack3A_164 : vector<5x128xf32> to vector<5x1x128xf32>
    %broadcast_in_dim3A_166 = vector.broadcast %broadcast_in_dim3A_165 : vector<5x1x128xf32> to vector<5x4x128xf32>
    %reshape3A_167 = vector.shape_cast %broadcast_in_dim3A_166 : vector<5x4x128xf32> to vector<20x128xf32>
    %jit3A_168 = arith.constant 0.000000e+00 : f32
    %broadcast_in_dim3A_169 = vector.broadcast %jit3A_168 : f32 to vector<20x128xf32>
    %select_n3A_170 = arith.select %eq3A_57, %reshape3A_167, %broadcast_in_dim3A_169 : vector<20x128xi1>, vector<20x128xf32>
    %slice3A_171 = vector.extract_strided_slice %get3A_1 {offsets = [640, 0], sizes = [128, 64], strides = [1, 1]} : vector<2560x64xf32> to vector<128x64xf32>
    %dot_general3A_172 = arith.constant dense<0.000000e+00> : vector<20x64xf32>
    %dot_general3A_173 = tpu.matmul %select_n3A_170, %slice3A_171, %dot_general3A_172 {dimension_numbers = #tpu.dot_dimension_numbers<[1], [0], [0], [1], [0, 0, 1, 1], [], []>, transpose_lhs_hint = false} : vector<20x128xf32>, vector<128x64xf32>, vector<20x64xf32> -> vector<20x64xf32>
    %slice3A_174 = vector.extract_strided_slice %squeeze3A {offsets = [768], sizes = [128], strides = [1]} : vector<2560xf32> to vector<128xf32>
    %slice3A_175 = vector.extract_strided_slice %squeeze3A_7 {offsets = [768], sizes = [128], strides = [1]} : vector<2560xf32> to vector<128xf32>
    %slice3A_176 = vector.extract_strided_slice %squeeze3A_9 {offsets = [768], sizes = [128], strides = [1]} : vector<2560xf32> to vector<128xf32>
    %slice3A_177 = vector.extract_strided_slice %squeeze3A_11 {offsets = [768], sizes = [128], strides = [1]} : vector<2560xf32> to vector<128xf32>
    %slice3A_178 = vector.extract_strided_slice %squeeze3A_13 {offsets = [768], sizes = [128], strides = [1]} : vector<2560xf32> to vector<128xf32>
    %stack3A_179 = vector.shape_cast %slice3A_174 : vector<128xf32> to vector<1x128xf32>
    %stack3A_180 = vector.shape_cast %slice3A_175 : vector<128xf32> to vector<1x128xf32>
    %stack3A_181 = vector.shape_cast %slice3A_176 : vector<128xf32> to vector<1x128xf32>
    %stack3A_182 = vector.shape_cast %slice3A_177 : vector<128xf32> to vector<1x128xf32>
    %stack3A_183 = vector.shape_cast %slice3A_178 : vector<128xf32> to vector<1x128xf32>
    %stack3A_184 = tpu.concatenate %stack3A_179, %stack3A_180, %stack3A_181, %stack3A_182, %stack3A_183 in 0 : vector<1x128xf32>, vector<1x128xf32>, vector<1x128xf32>, vector<1x128xf32>, vector<1x128xf32> -> vector<5x128xf32>
    %broadcast_in_dim3A_185 = vector.shape_cast %stack3A_184 : vector<5x128xf32> to vector<5x1x128xf32>
    %broadcast_in_dim3A_186 = vector.broadcast %broadcast_in_dim3A_185 : vector<5x1x128xf32> to vector<5x4x128xf32>
    %reshape3A_187 = vector.shape_cast %broadcast_in_dim3A_186 : vector<5x4x128xf32> to vector<20x128xf32>
    %jit3A_188 = arith.constant 0.000000e+00 : f32
    %broadcast_in_dim3A_189 = vector.broadcast %jit3A_188 : f32 to vector<20x128xf32>
    %select_n3A_190 = arith.select %eq3A_57, %reshape3A_187, %broadcast_in_dim3A_189 : vector<20x128xi1>, vector<20x128xf32>
    %slice3A_191 = vector.extract_strided_slice %get3A_1 {offsets = [768, 0], sizes = [128, 64], strides = [1, 1]} : vector<2560x64xf32> to vector<128x64xf32>
    %dot_general3A_192 = arith.constant dense<0.000000e+00> : vector<20x64xf32>
    %dot_general3A_193 = tpu.matmul %select_n3A_190, %slice3A_191, %dot_general3A_192 {dimension_numbers = #tpu.dot_dimension_numbers<[1], [0], [0], [1], [0, 0, 1, 1], [], []>, transpose_lhs_hint = false} : vector<20x128xf32>, vector<128x64xf32>, vector<20x64xf32> -> vector<20x64xf32>
    %slice3A_194 = vector.extract_strided_slice %squeeze3A {offsets = [896], sizes = [128], strides = [1]} : vector<2560xf32> to vector<128xf32>
    %slice3A_195 = vector.extract_strided_slice %squeeze3A_7 {offsets = [896], sizes = [128], strides = [1]} : vector<2560xf32> to vector<128xf32>
    %slice3A_196 = vector.extract_strided_slice %squeeze3A_9 {offsets = [896], sizes = [128], strides = [1]} : vector<2560xf32> to vector<128xf32>
    %slice3A_197 = vector.extract_strided_slice %squeeze3A_11 {offsets = [896], sizes = [128], strides = [1]} : vector<2560xf32> to vector<128xf32>
    %slice3A_198 = vector.extract_strided_slice %squeeze3A_13 {offsets = [896], sizes = [128], strides = [1]} : vector<2560xf32> to vector<128xf32>
    %stack3A_199 = vector.shape_cast %slice3A_194 : vector<128xf32> to vector<1x128xf32>
    %stack3A_200 = vector.shape_cast %slice3A_195 : vector<128xf32> to vector<1x128xf32>
    %stack3A_201 = vector.shape_cast %slice3A_196 : vector<128xf32> to vector<1x128xf32>
    %stack3A_202 = vector.shape_cast %slice3A_197 : vector<128xf32> to vector<1x128xf32>
    %stack3A_203 = vector.shape_cast %slice3A_198 : vector<128xf32> to vector<1x128xf32>
    %stack3A_204 = tpu.concatenate %stack3A_199, %stack3A_200, %stack3A_201, %stack3A_202, %stack3A_203 in 0 : vector<1x128xf32>, vector<1x128xf32>, vector<1x128xf32>, vector<1x128xf32>, vector<1x128xf32> -> vector<5x128xf32>
    %broadcast_in_dim3A_205 = vector.shape_cast %stack3A_204 : vector<5x128xf32> to vector<5x1x128xf32>
    %broadcast_in_dim3A_206 = vector.broadcast %broadcast_in_dim3A_205 : vector<5x1x128xf32> to vector<5x4x128xf32>
    %reshape3A_207 = vector.shape_cast %broadcast_in_dim3A_206 : vector<5x4x128xf32> to vector<20x128xf32>
    %jit3A_208 = arith.constant 0.000000e+00 : f32
    %broadcast_in_dim3A_209 = vector.broadcast %jit3A_208 : f32 to vector<20x128xf32>
    %select_n3A_210 = arith.select %eq3A_57, %reshape3A_207, %broadcast_in_dim3A_209 : vector<20x128xi1>, vector<20x128xf32>
    %slice3A_211 = vector.extract_strided_slice %get3A_1 {offsets = [896, 0], sizes = [128, 64], strides = [1, 1]} : vector<2560x64xf32> to vector<128x64xf32>
    %dot_general3A_212 = arith.constant dense<0.000000e+00> : vector<20x64xf32>
    %dot_general3A_213 = tpu.matmul %select_n3A_210, %slice3A_211, %dot_general3A_212 {dimension_numbers = #tpu.dot_dimension_numbers<[1], [0], [0], [1], [0, 0, 1, 1], [], []>, transpose_lhs_hint = false} : vector<20x128xf32>, vector<128x64xf32>, vector<20x64xf32> -> vector<20x64xf32>
    %slice3A_214 = vector.extract_strided_slice %squeeze3A {offsets = [1024], sizes = [128], strides = [1]} : vector<2560xf32> to vector<128xf32>
    %slice3A_215 = vector.extract_strided_slice %squeeze3A_7 {offsets = [1024], sizes = [128], strides = [1]} : vector<2560xf32> to vector<128xf32>
    %slice3A_216 = vector.extract_strided_slice %squeeze3A_9 {offsets = [1024], sizes = [128], strides = [1]} : vector<2560xf32> to vector<128xf32>
    %slice3A_217 = vector.extract_strided_slice %squeeze3A_11 {offsets = [1024], sizes = [128], strides = [1]} : vector<2560xf32> to vector<128xf32>
    %slice3A_218 = vector.extract_strided_slice %squeeze3A_13 {offsets = [1024], sizes = [128], strides = [1]} : vector<2560xf32> to vector<128xf32>
    %stack3A_219 = vector.shape_cast %slice3A_214 : vector<128xf32> to vector<1x128xf32>
    %stack3A_220 = vector.shape_cast %slice3A_215 : vector<128xf32> to vector<1x128xf32>
    %stack3A_221 = vector.shape_cast %slice3A_216 : vector<128xf32> to vector<1x128xf32>
    %stack3A_222 = vector.shape_cast %slice3A_217 : vector<128xf32> to vector<1x128xf32>
    %stack3A_223 = vector.shape_cast %slice3A_218 : vector<128xf32> to vector<1x128xf32>
    %stack3A_224 = tpu.concatenate %stack3A_219, %stack3A_220, %stack3A_221, %stack3A_222, %stack3A_223 in 0 : vector<1x128xf32>, vector<1x128xf32>, vector<1x128xf32>, vector<1x128xf32>, vector<1x128xf32> -> vector<5x128xf32>
    %broadcast_in_dim3A_225 = vector.shape_cast %stack3A_224 : vector<5x128xf32> to vector<5x1x128xf32>
    %broadcast_in_dim3A_226 = vector.broadcast %broadcast_in_dim3A_225 : vector<5x1x128xf32> to vector<5x4x128xf32>
    %reshape3A_227 = vector.shape_cast %broadcast_in_dim3A_226 : vector<5x4x128xf32> to vector<20x128xf32>
    %jit3A_228 = arith.constant 0.000000e+00 : f32
    %broadcast_in_dim3A_229 = vector.broadcast %jit3A_228 : f32 to vector<20x128xf32>
    %select_n3A_230 = arith.select %eq3A_57, %reshape3A_227, %broadcast_in_dim3A_229 : vector<20x128xi1>, vector<20x128xf32>
    %slice3A_231 = vector.extract_strided_slice %get3A_1 {offsets = [1024, 0], sizes = [128, 64], strides = [1, 1]} : vector<2560x64xf32> to vector<128x64xf32>
    %dot_general3A_232 = arith.constant dense<0.000000e+00> : vector<20x64xf32>
    %dot_general3A_233 = tpu.matmul %select_n3A_230, %slice3A_231, %dot_general3A_232 {dimension_numbers = #tpu.dot_dimension_numbers<[1], [0], [0], [1], [0, 0, 1, 1], [], []>, transpose_lhs_hint = false} : vector<20x128xf32>, vector<128x64xf32>, vector<20x64xf32> -> vector<20x64xf32>
    %slice3A_234 = vector.extract_strided_slice %squeeze3A {offsets = [1152], sizes = [128], strides = [1]} : vector<2560xf32> to vector<128xf32>
    %slice3A_235 = vector.extract_strided_slice %squeeze3A_7 {offsets = [1152], sizes = [128], strides = [1]} : vector<2560xf32> to vector<128xf32>
    %slice3A_236 = vector.extract_strided_slice %squeeze3A_9 {offsets = [1152], sizes = [128], strides = [1]} : vector<2560xf32> to vector<128xf32>
    %slice3A_237 = vector.extract_strided_slice %squeeze3A_11 {offsets = [1152], sizes = [128], strides = [1]} : vector<2560xf32> to vector<128xf32>
    %slice3A_238 = vector.extract_strided_slice %squeeze3A_13 {offsets = [1152], sizes = [128], strides = [1]} : vector<2560xf32> to vector<128xf32>
    %stack3A_239 = vector.shape_cast %slice3A_234 : vector<128xf32> to vector<1x128xf32>
    %stack3A_240 = vector.shape_cast %slice3A_235 : vector<128xf32> to vector<1x128xf32>
    %stack3A_241 = vector.shape_cast %slice3A_236 : vector<128xf32> to vector<1x128xf32>
    %stack3A_242 = vector.shape_cast %slice3A_237 : vector<128xf32> to vector<1x128xf32>
    %stack3A_243 = vector.shape_cast %slice3A_238 : vector<128xf32> to vector<1x128xf32>
    %stack3A_244 = tpu.concatenate %stack3A_239, %stack3A_240, %stack3A_241, %stack3A_242, %stack3A_243 in 0 : vector<1x128xf32>, vector<1x128xf32>, vector<1x128xf32>, vector<1x128xf32>, vector<1x128xf32> -> vector<5x128xf32>
    %broadcast_in_dim3A_245 = vector.shape_cast %stack3A_244 : vector<5x128xf32> to vector<5x1x128xf32>
    %broadcast_in_dim3A_246 = vector.broadcast %broadcast_in_dim3A_245 : vector<5x1x128xf32> to vector<5x4x128xf32>
    %reshape3A_247 = vector.shape_cast %broadcast_in_dim3A_246 : vector<5x4x128xf32> to vector<20x128xf32>
    %jit3A_248 = arith.constant 0.000000e+00 : f32
    %broadcast_in_dim3A_249 = vector.broadcast %jit3A_248 : f32 to vector<20x128xf32>
    %select_n3A_250 = arith.select %eq3A_57, %reshape3A_247, %broadcast_in_dim3A_249 : vector<20x128xi1>, vector<20x128xf32>
    %slice3A_251 = vector.extract_strided_slice %get3A_1 {offsets = [1152, 0], sizes = [128, 64], strides = [1, 1]} : vector<2560x64xf32> to vector<128x64xf32>
    %dot_general3A_252 = arith.constant dense<0.000000e+00> : vector<20x64xf32>
    %dot_general3A_253 = tpu.matmul %select_n3A_250, %slice3A_251, %dot_general3A_252 {dimension_numbers = #tpu.dot_dimension_numbers<[1], [0], [0], [1], [0, 0, 1, 1], [], []>, transpose_lhs_hint = false} : vector<20x128xf32>, vector<128x64xf32>, vector<20x64xf32> -> vector<20x64xf32>
    %slice3A_254 = vector.extract_strided_slice %squeeze3A {offsets = [1280], sizes = [128], strides = [1]} : vector<2560xf32> to vector<128xf32>
    %slice3A_255 = vector.extract_strided_slice %squeeze3A_7 {offsets = [1280], sizes = [128], strides = [1]} : vector<2560xf32> to vector<128xf32>
    %slice3A_256 = vector.extract_strided_slice %squeeze3A_9 {offsets = [1280], sizes = [128], strides = [1]} : vector<2560xf32> to vector<128xf32>
    %slice3A_257 = vector.extract_strided_slice %squeeze3A_11 {offsets = [1280], sizes = [128], strides = [1]} : vector<2560xf32> to vector<128xf32>
    %slice3A_258 = vector.extract_strided_slice %squeeze3A_13 {offsets = [1280], sizes = [128], strides = [1]} : vector<2560xf32> to vector<128xf32>
    %stack3A_259 = vector.shape_cast %slice3A_254 : vector<128xf32> to vector<1x128xf32>
    %stack3A_260 = vector.shape_cast %slice3A_255 : vector<128xf32> to vector<1x128xf32>
    %stack3A_261 = vector.shape_cast %slice3A_256 : vector<128xf32> to vector<1x128xf32>
    %stack3A_262 = vector.shape_cast %slice3A_257 : vector<128xf32> to vector<1x128xf32>
    %stack3A_263 = vector.shape_cast %slice3A_258 : vector<128xf32> to vector<1x128xf32>
    %stack3A_264 = tpu.concatenate %stack3A_259, %stack3A_260, %stack3A_261, %stack3A_262, %stack3A_263 in 0 : vector<1x128xf32>, vector<1x128xf32>, vector<1x128xf32>, vector<1x128xf32>, vector<1x128xf32> -> vector<5x128xf32>
    %broadcast_in_dim3A_265 = vector.shape_cast %stack3A_264 : vector<5x128xf32> to vector<5x1x128xf32>
    %broadcast_in_dim3A_266 = vector.broadcast %broadcast_in_dim3A_265 : vector<5x1x128xf32> to vector<5x4x128xf32>
    %reshape3A_267 = vector.shape_cast %broadcast_in_dim3A_266 : vector<5x4x128xf32> to vector<20x128xf32>
    %jit3A_268 = arith.constant 0.000000e+00 : f32
    %broadcast_in_dim3A_269 = vector.broadcast %jit3A_268 : f32 to vector<20x128xf32>
    %select_n3A_270 = arith.select %eq3A_57, %reshape3A_267, %broadcast_in_dim3A_269 : vector<20x128xi1>, vector<20x128xf32>
    %slice3A_271 = vector.extract_strided_slice %get3A_1 {offsets = [1280, 0], sizes = [128, 64], strides = [1, 1]} : vector<2560x64xf32> to vector<128x64xf32>
    %dot_general3A_272 = arith.constant dense<0.000000e+00> : vector<20x64xf32>
    %dot_general3A_273 = tpu.matmul %select_n3A_270, %slice3A_271, %dot_general3A_272 {dimension_numbers = #tpu.dot_dimension_numbers<[1], [0], [0], [1], [0, 0, 1, 1], [], []>, transpose_lhs_hint = false} : vector<20x128xf32>, vector<128x64xf32>, vector<20x64xf32> -> vector<20x64xf32>
    %slice3A_274 = vector.extract_strided_slice %squeeze3A {offsets = [1408], sizes = [128], strides = [1]} : vector<2560xf32> to vector<128xf32>
    %slice3A_275 = vector.extract_strided_slice %squeeze3A_7 {offsets = [1408], sizes = [128], strides = [1]} : vector<2560xf32> to vector<128xf32>
    %slice3A_276 = vector.extract_strided_slice %squeeze3A_9 {offsets = [1408], sizes = [128], strides = [1]} : vector<2560xf32> to vector<128xf32>
    %slice3A_277 = vector.extract_strided_slice %squeeze3A_11 {offsets = [1408], sizes = [128], strides = [1]} : vector<2560xf32> to vector<128xf32>
    %slice3A_278 = vector.extract_strided_slice %squeeze3A_13 {offsets = [1408], sizes = [128], strides = [1]} : vector<2560xf32> to vector<128xf32>
    %stack3A_279 = vector.shape_cast %slice3A_274 : vector<128xf32> to vector<1x128xf32>
    %stack3A_280 = vector.shape_cast %slice3A_275 : vector<128xf32> to vector<1x128xf32>
    %stack3A_281 = vector.shape_cast %slice3A_276 : vector<128xf32> to vector<1x128xf32>
    %stack3A_282 = vector.shape_cast %slice3A_277 : vector<128xf32> to vector<1x128xf32>
    %stack3A_283 = vector.shape_cast %slice3A_278 : vector<128xf32> to vector<1x128xf32>
    %stack3A_284 = tpu.concatenate %stack3A_279, %stack3A_280, %stack3A_281, %stack3A_282, %stack3A_283 in 0 : vector<1x128xf32>, vector<1x128xf32>, vector<1x128xf32>, vector<1x128xf32>, vector<1x128xf32> -> vector<5x128xf32>
    %broadcast_in_dim3A_285 = vector.shape_cast %stack3A_284 : vector<5x128xf32> to vector<5x1x128xf32>
    %broadcast_in_dim3A_286 = vector.broadcast %broadcast_in_dim3A_285 : vector<5x1x128xf32> to vector<5x4x128xf32>
    %reshape3A_287 = vector.shape_cast %broadcast_in_dim3A_286 : vector<5x4x128xf32> to vector<20x128xf32>
    %jit3A_288 = arith.constant 0.000000e+00 : f32
    %broadcast_in_dim3A_289 = vector.broadcast %jit3A_288 : f32 to vector<20x128xf32>
    %select_n3A_290 = arith.select %eq3A_57, %reshape3A_287, %broadcast_in_dim3A_289 : vector<20x128xi1>, vector<20x128xf32>
    %slice3A_291 = vector.extract_strided_slice %get3A_1 {offsets = [1408, 0], sizes = [128, 64], strides = [1, 1]} : vector<2560x64xf32> to vector<128x64xf32>
    %dot_general3A_292 = arith.constant dense<0.000000e+00> : vector<20x64xf32>
    %dot_general3A_293 = tpu.matmul %select_n3A_290, %slice3A_291, %dot_general3A_292 {dimension_numbers = #tpu.dot_dimension_numbers<[1], [0], [0], [1], [0, 0, 1, 1], [], []>, transpose_lhs_hint = false} : vector<20x128xf32>, vector<128x64xf32>, vector<20x64xf32> -> vector<20x64xf32>
    %slice3A_294 = vector.extract_strided_slice %squeeze3A {offsets = [1536], sizes = [128], strides = [1]} : vector<2560xf32> to vector<128xf32>
    %slice3A_295 = vector.extract_strided_slice %squeeze3A_7 {offsets = [1536], sizes = [128], strides = [1]} : vector<2560xf32> to vector<128xf32>
    %slice3A_296 = vector.extract_strided_slice %squeeze3A_9 {offsets = [1536], sizes = [128], strides = [1]} : vector<2560xf32> to vector<128xf32>
    %slice3A_297 = vector.extract_strided_slice %squeeze3A_11 {offsets = [1536], sizes = [128], strides = [1]} : vector<2560xf32> to vector<128xf32>
    %slice3A_298 = vector.extract_strided_slice %squeeze3A_13 {offsets = [1536], sizes = [128], strides = [1]} : vector<2560xf32> to vector<128xf32>
    %stack3A_299 = vector.shape_cast %slice3A_294 : vector<128xf32> to vector<1x128xf32>
    %stack3A_300 = vector.shape_cast %slice3A_295 : vector<128xf32> to vector<1x128xf32>
    %stack3A_301 = vector.shape_cast %slice3A_296 : vector<128xf32> to vector<1x128xf32>
    %stack3A_302 = vector.shape_cast %slice3A_297 : vector<128xf32> to vector<1x128xf32>
    %stack3A_303 = vector.shape_cast %slice3A_298 : vector<128xf32> to vector<1x128xf32>
    %stack3A_304 = tpu.concatenate %stack3A_299, %stack3A_300, %stack3A_301, %stack3A_302, %stack3A_303 in 0 : vector<1x128xf32>, vector<1x128xf32>, vector<1x128xf32>, vector<1x128xf32>, vector<1x128xf32> -> vector<5x128xf32>
    %broadcast_in_dim3A_305 = vector.shape_cast %stack3A_304 : vector<5x128xf32> to vector<5x1x128xf32>
    %broadcast_in_dim3A_306 = vector.broadcast %broadcast_in_dim3A_305 : vector<5x1x128xf32> to vector<5x4x128xf32>
    %reshape3A_307 = vector.shape_cast %broadcast_in_dim3A_306 : vector<5x4x128xf32> to vector<20x128xf32>
    %jit3A_308 = arith.constant 0.000000e+00 : f32
    %broadcast_in_dim3A_309 = vector.broadcast %jit3A_308 : f32 to vector<20x128xf32>
    %select_n3A_310 = arith.select %eq3A_57, %reshape3A_307, %broadcast_in_dim3A_309 : vector<20x128xi1>, vector<20x128xf32>
    %slice3A_311 = vector.extract_strided_slice %get3A_1 {offsets = [1536, 0], sizes = [128, 64], strides = [1, 1]} : vector<2560x64xf32> to vector<128x64xf32>
    %dot_general3A_312 = arith.constant dense<0.000000e+00> : vector<20x64xf32>
    %dot_general3A_313 = tpu.matmul %select_n3A_310, %slice3A_311, %dot_general3A_312 {dimension_numbers = #tpu.dot_dimension_numbers<[1], [0], [0], [1], [0, 0, 1, 1], [], []>, transpose_lhs_hint = false} : vector<20x128xf32>, vector<128x64xf32>, vector<20x64xf32> -> vector<20x64xf32>
    %slice3A_314 = vector.extract_strided_slice %squeeze3A {offsets = [1664], sizes = [128], strides = [1]} : vector<2560xf32> to vector<128xf32>
    %slice3A_315 = vector.extract_strided_slice %squeeze3A_7 {offsets = [1664], sizes = [128], strides = [1]} : vector<2560xf32> to vector<128xf32>
    %slice3A_316 = vector.extract_strided_slice %squeeze3A_9 {offsets = [1664], sizes = [128], strides = [1]} : vector<2560xf32> to vector<128xf32>
    %slice3A_317 = vector.extract_strided_slice %squeeze3A_11 {offsets = [1664], sizes = [128], strides = [1]} : vector<2560xf32> to vector<128xf32>
    %slice3A_318 = vector.extract_strided_slice %squeeze3A_13 {offsets = [1664], sizes = [128], strides = [1]} : vector<2560xf32> to vector<128xf32>
    %stack3A_319 = vector.shape_cast %slice3A_314 : vector<128xf32> to vector<1x128xf32>
    %stack3A_320 = vector.shape_cast %slice3A_315 : vector<128xf32> to vector<1x128xf32>
    %stack3A_321 = vector.shape_cast %slice3A_316 : vector<128xf32> to vector<1x128xf32>
    %stack3A_322 = vector.shape_cast %slice3A_317 : vector<128xf32> to vector<1x128xf32>
    %stack3A_323 = vector.shape_cast %slice3A_318 : vector<128xf32> to vector<1x128xf32>
    %stack3A_324 = tpu.concatenate %stack3A_319, %stack3A_320, %stack3A_321, %stack3A_322, %stack3A_323 in 0 : vector<1x128xf32>, vector<1x128xf32>, vector<1x128xf32>, vector<1x128xf32>, vector<1x128xf32> -> vector<5x128xf32>
    %broadcast_in_dim3A_325 = vector.shape_cast %stack3A_324 : vector<5x128xf32> to vector<5x1x128xf32>
    %broadcast_in_dim3A_326 = vector.broadcast %broadcast_in_dim3A_325 : vector<5x1x128xf32> to vector<5x4x128xf32>
    %reshape3A_327 = vector.shape_cast %broadcast_in_dim3A_326 : vector<5x4x128xf32> to vector<20x128xf32>
    %jit3A_328 = arith.constant 0.000000e+00 : f32
    %broadcast_in_dim3A_329 = vector.broadcast %jit3A_328 : f32 to vector<20x128xf32>
    %select_n3A_330 = arith.select %eq3A_57, %reshape3A_327, %broadcast_in_dim3A_329 : vector<20x128xi1>, vector<20x128xf32>
    %slice3A_331 = vector.extract_strided_slice %get3A_1 {offsets = [1664, 0], sizes = [128, 64], strides = [1, 1]} : vector<2560x64xf32> to vector<128x64xf32>
    %dot_general3A_332 = arith.constant dense<0.000000e+00> : vector<20x64xf32>
    %dot_general3A_333 = tpu.matmul %select_n3A_330, %slice3A_331, %dot_general3A_332 {dimension_numbers = #tpu.dot_dimension_numbers<[1], [0], [0], [1], [0, 0, 1, 1], [], []>, transpose_lhs_hint = false} : vector<20x128xf32>, vector<128x64xf32>, vector<20x64xf32> -> vector<20x64xf32>
    %slice3A_334 = vector.extract_strided_slice %squeeze3A {offsets = [1792], sizes = [128], strides = [1]} : vector<2560xf32> to vector<128xf32>
    %slice3A_335 = vector.extract_strided_slice %squeeze3A_7 {offsets = [1792], sizes = [128], strides = [1]} : vector<2560xf32> to vector<128xf32>
    %slice3A_336 = vector.extract_strided_slice %squeeze3A_9 {offsets = [1792], sizes = [128], strides = [1]} : vector<2560xf32> to vector<128xf32>
    %slice3A_337 = vector.extract_strided_slice %squeeze3A_11 {offsets = [1792], sizes = [128], strides = [1]} : vector<2560xf32> to vector<128xf32>
    %slice3A_338 = vector.extract_strided_slice %squeeze3A_13 {offsets = [1792], sizes = [128], strides = [1]} : vector<2560xf32> to vector<128xf32>
    %stack3A_339 = vector.shape_cast %slice3A_334 : vector<128xf32> to vector<1x128xf32>
    %stack3A_340 = vector.shape_cast %slice3A_335 : vector<128xf32> to vector<1x128xf32>
    %stack3A_341 = vector.shape_cast %slice3A_336 : vector<128xf32> to vector<1x128xf32>
    %stack3A_342 = vector.shape_cast %slice3A_337 : vector<128xf32> to vector<1x128xf32>
    %stack3A_343 = vector.shape_cast %slice3A_338 : vector<128xf32> to vector<1x128xf32>
    %stack3A_344 = tpu.concatenate %stack3A_339, %stack3A_340, %stack3A_341, %stack3A_342, %stack3A_343 in 0 : vector<1x128xf32>, vector<1x128xf32>, vector<1x128xf32>, vector<1x128xf32>, vector<1x128xf32> -> vector<5x128xf32>
    %broadcast_in_dim3A_345 = vector.shape_cast %stack3A_344 : vector<5x128xf32> to vector<5x1x128xf32>
    %broadcast_in_dim3A_346 = vector.broadcast %broadcast_in_dim3A_345 : vector<5x1x128xf32> to vector<5x4x128xf32>
    %reshape3A_347 = vector.shape_cast %broadcast_in_dim3A_346 : vector<5x4x128xf32> to vector<20x128xf32>
    %jit3A_348 = arith.constant 0.000000e+00 : f32
    %broadcast_in_dim3A_349 = vector.broadcast %jit3A_348 : f32 to vector<20x128xf32>
    %select_n3A_350 = arith.select %eq3A_57, %reshape3A_347, %broadcast_in_dim3A_349 : vector<20x128xi1>, vector<20x128xf32>
    %slice3A_351 = vector.extract_strided_slice %get3A_1 {offsets = [1792, 0], sizes = [128, 64], strides = [1, 1]} : vector<2560x64xf32> to vector<128x64xf32>
    %dot_general3A_352 = arith.constant dense<0.000000e+00> : vector<20x64xf32>
    %dot_general3A_353 = tpu.matmul %select_n3A_350, %slice3A_351, %dot_general3A_352 {dimension_numbers = #tpu.dot_dimension_numbers<[1], [0], [0], [1], [0, 0, 1, 1], [], []>, transpose_lhs_hint = false} : vector<20x128xf32>, vector<128x64xf32>, vector<20x64xf32> -> vector<20x64xf32>
    %slice3A_354 = vector.extract_strided_slice %squeeze3A {offsets = [1920], sizes = [128], strides = [1]} : vector<2560xf32> to vector<128xf32>
    %slice3A_355 = vector.extract_strided_slice %squeeze3A_7 {offsets = [1920], sizes = [128], strides = [1]} : vector<2560xf32> to vector<128xf32>
    %slice3A_356 = vector.extract_strided_slice %squeeze3A_9 {offsets = [1920], sizes = [128], strides = [1]} : vector<2560xf32> to vector<128xf32>
    %slice3A_357 = vector.extract_strided_slice %squeeze3A_11 {offsets = [1920], sizes = [128], strides = [1]} : vector<2560xf32> to vector<128xf32>
    %slice3A_358 = vector.extract_strided_slice %squeeze3A_13 {offsets = [1920], sizes = [128], strides = [1]} : vector<2560xf32> to vector<128xf32>
    %stack3A_359 = vector.shape_cast %slice3A_354 : vector<128xf32> to vector<1x128xf32>
    %stack3A_360 = vector.shape_cast %slice3A_355 : vector<128xf32> to vector<1x128xf32>
    %stack3A_361 = vector.shape_cast %slice3A_356 : vector<128xf32> to vector<1x128xf32>
    %stack3A_362 = vector.shape_cast %slice3A_357 : vector<128xf32> to vector<1x128xf32>
    %stack3A_363 = vector.shape_cast %slice3A_358 : vector<128xf32> to vector<1x128xf32>
    %stack3A_364 = tpu.concatenate %stack3A_359, %stack3A_360, %stack3A_361, %stack3A_362, %stack3A_363 in 0 : vector<1x128xf32>, vector<1x128xf32>, vector<1x128xf32>, vector<1x128xf32>, vector<1x128xf32> -> vector<5x128xf32>
    %broadcast_in_dim3A_365 = vector.shape_cast %stack3A_364 : vector<5x128xf32> to vector<5x1x128xf32>
    %broadcast_in_dim3A_366 = vector.broadcast %broadcast_in_dim3A_365 : vector<5x1x128xf32> to vector<5x4x128xf32>
    %reshape3A_367 = vector.shape_cast %broadcast_in_dim3A_366 : vector<5x4x128xf32> to vector<20x128xf32>
    %jit3A_368 = arith.constant 0.000000e+00 : f32
    %broadcast_in_dim3A_369 = vector.broadcast %jit3A_368 : f32 to vector<20x128xf32>
    %select_n3A_370 = arith.select %eq3A_57, %reshape3A_367, %broadcast_in_dim3A_369 : vector<20x128xi1>, vector<20x128xf32>
    %slice3A_371 = vector.extract_strided_slice %get3A_1 {offsets = [1920, 0], sizes = [128, 64], strides = [1, 1]} : vector<2560x64xf32> to vector<128x64xf32>
    %dot_general3A_372 = arith.constant dense<0.000000e+00> : vector<20x64xf32>
    %dot_general3A_373 = tpu.matmul %select_n3A_370, %slice3A_371, %dot_general3A_372 {dimension_numbers = #tpu.dot_dimension_numbers<[1], [0], [0], [1], [0, 0, 1, 1], [], []>, transpose_lhs_hint = false} : vector<20x128xf32>, vector<128x64xf32>, vector<20x64xf32> -> vector<20x64xf32>
    %slice3A_374 = vector.extract_strided_slice %squeeze3A {offsets = [2048], sizes = [128], strides = [1]} : vector<2560xf32> to vector<128xf32>
    %slice3A_375 = vector.extract_strided_slice %squeeze3A_7 {offsets = [2048], sizes = [128], strides = [1]} : vector<2560xf32> to vector<128xf32>
    %slice3A_376 = vector.extract_strided_slice %squeeze3A_9 {offsets = [2048], sizes = [128], strides = [1]} : vector<2560xf32> to vector<128xf32>
    %slice3A_377 = vector.extract_strided_slice %squeeze3A_11 {offsets = [2048], sizes = [128], strides = [1]} : vector<2560xf32> to vector<128xf32>
    %slice3A_378 = vector.extract_strided_slice %squeeze3A_13 {offsets = [2048], sizes = [128], strides = [1]} : vector<2560xf32> to vector<128xf32>
    %stack3A_379 = vector.shape_cast %slice3A_374 : vector<128xf32> to vector<1x128xf32>
    %stack3A_380 = vector.shape_cast %slice3A_375 : vector<128xf32> to vector<1x128xf32>
    %stack3A_381 = vector.shape_cast %slice3A_376 : vector<128xf32> to vector<1x128xf32>
    %stack3A_382 = vector.shape_cast %slice3A_377 : vector<128xf32> to vector<1x128xf32>
    %stack3A_383 = vector.shape_cast %slice3A_378 : vector<128xf32> to vector<1x128xf32>
    %stack3A_384 = tpu.concatenate %stack3A_379, %stack3A_380, %stack3A_381, %stack3A_382, %stack3A_383 in 0 : vector<1x128xf32>, vector<1x128xf32>, vector<1x128xf32>, vector<1x128xf32>, vector<1x128xf32> -> vector<5x128xf32>
    %broadcast_in_dim3A_385 = vector.shape_cast %stack3A_384 : vector<5x128xf32> to vector<5x1x128xf32>
    %broadcast_in_dim3A_386 = vector.broadcast %broadcast_in_dim3A_385 : vector<5x1x128xf32> to vector<5x4x128xf32>
    %reshape3A_387 = vector.shape_cast %broadcast_in_dim3A_386 : vector<5x4x128xf32> to vector<20x128xf32>
    %jit3A_388 = arith.constant 0.000000e+00 : f32
    %broadcast_in_dim3A_389 = vector.broadcast %jit3A_388 : f32 to vector<20x128xf32>
    %select_n3A_390 = arith.select %eq3A_57, %reshape3A_387, %broadcast_in_dim3A_389 : vector<20x128xi1>, vector<20x128xf32>
    %slice3A_391 = vector.extract_strided_slice %get3A_1 {offsets = [2048, 0], sizes = [128, 64], strides = [1, 1]} : vector<2560x64xf32> to vector<128x64xf32>
    %dot_general3A_392 = arith.constant dense<0.000000e+00> : vector<20x64xf32>
    %dot_general3A_393 = tpu.matmul %select_n3A_390, %slice3A_391, %dot_general3A_392 {dimension_numbers = #tpu.dot_dimension_numbers<[1], [0], [0], [1], [0, 0, 1, 1], [], []>, transpose_lhs_hint = false} : vector<20x128xf32>, vector<128x64xf32>, vector<20x64xf32> -> vector<20x64xf32>
    %slice3A_394 = vector.extract_strided_slice %squeeze3A {offsets = [2176], sizes = [128], strides = [1]} : vector<2560xf32> to vector<128xf32>
    %slice3A_395 = vector.extract_strided_slice %squeeze3A_7 {offsets = [2176], sizes = [128], strides = [1]} : vector<2560xf32> to vector<128xf32>
    %slice3A_396 = vector.extract_strided_slice %squeeze3A_9 {offsets = [2176], sizes = [128], strides = [1]} : vector<2560xf32> to vector<128xf32>
    %slice3A_397 = vector.extract_strided_slice %squeeze3A_11 {offsets = [2176], sizes = [128], strides = [1]} : vector<2560xf32> to vector<128xf32>
    %slice3A_398 = vector.extract_strided_slice %squeeze3A_13 {offsets = [2176], sizes = [128], strides = [1]} : vector<2560xf32> to vector<128xf32>
    %stack3A_399 = vector.shape_cast %slice3A_394 : vector<128xf32> to vector<1x128xf32>
    %stack3A_400 = vector.shape_cast %slice3A_395 : vector<128xf32> to vector<1x128xf32>
    %stack3A_401 = vector.shape_cast %slice3A_396 : vector<128xf32> to vector<1x128xf32>
    %stack3A_402 = vector.shape_cast %slice3A_397 : vector<128xf32> to vector<1x128xf32>
    %stack3A_403 = vector.shape_cast %slice3A_398 : vector<128xf32> to vector<1x128xf32>
    %stack3A_404 = tpu.concatenate %stack3A_399, %stack3A_400, %stack3A_401, %stack3A_402, %stack3A_403 in 0 : vector<1x128xf32>, vector<1x128xf32>, vector<1x128xf32>, vector<1x128xf32>, vector<1x128xf32> -> vector<5x128xf32>
    %broadcast_in_dim3A_405 = vector.shape_cast %stack3A_404 : vector<5x128xf32> to vector<5x1x128xf32>
    %broadcast_in_dim3A_406 = vector.broadcast %broadcast_in_dim3A_405 : vector<5x1x128xf32> to vector<5x4x128xf32>
    %reshape3A_407 = vector.shape_cast %broadcast_in_dim3A_406 : vector<5x4x128xf32> to vector<20x128xf32>
    %jit3A_408 = arith.constant 0.000000e+00 : f32
    %broadcast_in_dim3A_409 = vector.broadcast %jit3A_408 : f32 to vector<20x128xf32>
    %select_n3A_410 = arith.select %eq3A_57, %reshape3A_407, %broadcast_in_dim3A_409 : vector<20x128xi1>, vector<20x128xf32>
    %slice3A_411 = vector.extract_strided_slice %get3A_1 {offsets = [2176, 0], sizes = [128, 64], strides = [1, 1]} : vector<2560x64xf32> to vector<128x64xf32>
    %dot_general3A_412 = arith.constant dense<0.000000e+00> : vector<20x64xf32>
    %dot_general3A_413 = tpu.matmul %select_n3A_410, %slice3A_411, %dot_general3A_412 {dimension_numbers = #tpu.dot_dimension_numbers<[1], [0], [0], [1], [0, 0, 1, 1], [], []>, transpose_lhs_hint = false} : vector<20x128xf32>, vector<128x64xf32>, vector<20x64xf32> -> vector<20x64xf32>
    %slice3A_414 = vector.extract_strided_slice %squeeze3A {offsets = [2304], sizes = [128], strides = [1]} : vector<2560xf32> to vector<128xf32>
    %slice3A_415 = vector.extract_strided_slice %squeeze3A_7 {offsets = [2304], sizes = [128], strides = [1]} : vector<2560xf32> to vector<128xf32>
    %slice3A_416 = vector.extract_strided_slice %squeeze3A_9 {offsets = [2304], sizes = [128], strides = [1]} : vector<2560xf32> to vector<128xf32>
    %slice3A_417 = vector.extract_strided_slice %squeeze3A_11 {offsets = [2304], sizes = [128], strides = [1]} : vector<2560xf32> to vector<128xf32>
    %slice3A_418 = vector.extract_strided_slice %squeeze3A_13 {offsets = [2304], sizes = [128], strides = [1]} : vector<2560xf32> to vector<128xf32>
    %stack3A_419 = vector.shape_cast %slice3A_414 : vector<128xf32> to vector<1x128xf32>
    %stack3A_420 = vector.shape_cast %slice3A_415 : vector<128xf32> to vector<1x128xf32>
    %stack3A_421 = vector.shape_cast %slice3A_416 : vector<128xf32> to vector<1x128xf32>
    %stack3A_422 = vector.shape_cast %slice3A_417 : vector<128xf32> to vector<1x128xf32>
    %stack3A_423 = vector.shape_cast %slice3A_418 : vector<128xf32> to vector<1x128xf32>
    %stack3A_424 = tpu.concatenate %stack3A_419, %stack3A_420, %stack3A_421, %stack3A_422, %stack3A_423 in 0 : vector<1x128xf32>, vector<1x128xf32>, vector<1x128xf32>, vector<1x128xf32>, vector<1x128xf32> -> vector<5x128xf32>
    %broadcast_in_dim3A_425 = vector.shape_cast %stack3A_424 : vector<5x128xf32> to vector<5x1x128xf32>
    %broadcast_in_dim3A_426 = vector.broadcast %broadcast_in_dim3A_425 : vector<5x1x128xf32> to vector<5x4x128xf32>
    %reshape3A_427 = vector.shape_cast %broadcast_in_dim3A_426 : vector<5x4x128xf32> to vector<20x128xf32>
    %jit3A_428 = arith.constant 0.000000e+00 : f32
    %broadcast_in_dim3A_429 = vector.broadcast %jit3A_428 : f32 to vector<20x128xf32>
    %select_n3A_430 = arith.select %eq3A_57, %reshape3A_427, %broadcast_in_dim3A_429 : vector<20x128xi1>, vector<20x128xf32>
    %slice3A_431 = vector.extract_strided_slice %get3A_1 {offsets = [2304, 0], sizes = [128, 64], strides = [1, 1]} : vector<2560x64xf32> to vector<128x64xf32>
    %dot_general3A_432 = arith.constant dense<0.000000e+00> : vector<20x64xf32>
    %dot_general3A_433 = tpu.matmul %select_n3A_430, %slice3A_431, %dot_general3A_432 {dimension_numbers = #tpu.dot_dimension_numbers<[1], [0], [0], [1], [0, 0, 1, 1], [], []>, transpose_lhs_hint = false} : vector<20x128xf32>, vector<128x64xf32>, vector<20x64xf32> -> vector<20x64xf32>
    %slice3A_434 = vector.extract_strided_slice %squeeze3A {offsets = [2432], sizes = [128], strides = [1]} : vector<2560xf32> to vector<128xf32>
    %slice3A_435 = vector.extract_strided_slice %squeeze3A_7 {offsets = [2432], sizes = [128], strides = [1]} : vector<2560xf32> to vector<128xf32>
    %slice3A_436 = vector.extract_strided_slice %squeeze3A_9 {offsets = [2432], sizes = [128], strides = [1]} : vector<2560xf32> to vector<128xf32>
    %slice3A_437 = vector.extract_strided_slice %squeeze3A_11 {offsets = [2432], sizes = [128], strides = [1]} : vector<2560xf32> to vector<128xf32>
    %slice3A_438 = vector.extract_strided_slice %squeeze3A_13 {offsets = [2432], sizes = [128], strides = [1]} : vector<2560xf32> to vector<128xf32>
    %stack3A_439 = vector.shape_cast %slice3A_434 : vector<128xf32> to vector<1x128xf32>
    %stack3A_440 = vector.shape_cast %slice3A_435 : vector<128xf32> to vector<1x128xf32>
    %stack3A_441 = vector.shape_cast %slice3A_436 : vector<128xf32> to vector<1x128xf32>
    %stack3A_442 = vector.shape_cast %slice3A_437 : vector<128xf32> to vector<1x128xf32>
    %stack3A_443 = vector.shape_cast %slice3A_438 : vector<128xf32> to vector<1x128xf32>
    %stack3A_444 = tpu.concatenate %stack3A_439, %stack3A_440, %stack3A_441, %stack3A_442, %stack3A_443 in 0 : vector<1x128xf32>, vector<1x128xf32>, vector<1x128xf32>, vector<1x128xf32>, vector<1x128xf32> -> vector<5x128xf32>
    %broadcast_in_dim3A_445 = vector.shape_cast %stack3A_444 : vector<5x128xf32> to vector<5x1x128xf32>
    %broadcast_in_dim3A_446 = vector.broadcast %broadcast_in_dim3A_445 : vector<5x1x128xf32> to vector<5x4x128xf32>
    %reshape3A_447 = vector.shape_cast %broadcast_in_dim3A_446 : vector<5x4x128xf32> to vector<20x128xf32>
    %jit3A_448 = arith.constant 0.000000e+00 : f32
    %broadcast_in_dim3A_449 = vector.broadcast %jit3A_448 : f32 to vector<20x128xf32>
    %select_n3A_450 = arith.select %eq3A_57, %reshape3A_447, %broadcast_in_dim3A_449 : vector<20x128xi1>, vector<20x128xf32>
    %slice3A_451 = vector.extract_strided_slice %get3A_1 {offsets = [2432, 0], sizes = [128, 64], strides = [1, 1]} : vector<2560x64xf32> to vector<128x64xf32>
    %dot_general3A_452 = arith.constant dense<0.000000e+00> : vector<20x64xf32>
    %dot_general3A_453 = tpu.matmul %select_n3A_450, %slice3A_451, %dot_general3A_452 {dimension_numbers = #tpu.dot_dimension_numbers<[1], [0], [0], [1], [0, 0, 1, 1], [], []>, transpose_lhs_hint = false} : vector<20x128xf32>, vector<128x64xf32>, vector<20x64xf32> -> vector<20x64xf32>
    %stack3A_454 = vector.shape_cast %dot_general3A_73 : vector<20x64xf32> to vector<1x20x64xf32>
    %stack3A_455 = vector.shape_cast %dot_general3A_93 : vector<20x64xf32> to vector<1x20x64xf32>
    %stack3A_456 = vector.shape_cast %dot_general3A_113 : vector<20x64xf32> to vector<1x20x64xf32>
    %stack3A_457 = vector.shape_cast %dot_general3A_133 : vector<20x64xf32> to vector<1x20x64xf32>
    %stack3A_458 = vector.shape_cast %dot_general3A_153 : vector<20x64xf32> to vector<1x20x64xf32>
    %stack3A_459 = vector.shape_cast %dot_general3A_173 : vector<20x64xf32> to vector<1x20x64xf32>
    %stack3A_460 = vector.shape_cast %dot_general3A_193 : vector<20x64xf32> to vector<1x20x64xf32>
    %stack3A_461 = vector.shape_cast %dot_general3A_213 : vector<20x64xf32> to vector<1x20x64xf32>
    %stack3A_462 = vector.shape_cast %dot_general3A_233 : vector<20x64xf32> to vector<1x20x64xf32>
    %stack3A_463 = vector.shape_cast %dot_general3A_253 : vector<20x64xf32> to vector<1x20x64xf32>
    %stack3A_464 = vector.shape_cast %dot_general3A_273 : vector<20x64xf32> to vector<1x20x64xf32>
    %stack3A_465 = vector.shape_cast %dot_general3A_293 : vector<20x64xf32> to vector<1x20x64xf32>
    %stack3A_466 = vector.shape_cast %dot_general3A_313 : vector<20x64xf32> to vector<1x20x64xf32>
    %stack3A_467 = vector.shape_cast %dot_general3A_333 : vector<20x64xf32> to vector<1x20x64xf32>
    %stack3A_468 = vector.shape_cast %dot_general3A_353 : vector<20x64xf32> to vector<1x20x64xf32>
    %stack3A_469 = vector.shape_cast %dot_general3A_373 : vector<20x64xf32> to vector<1x20x64xf32>
    %stack3A_470 = vector.shape_cast %dot_general3A_393 : vector<20x64xf32> to vector<1x20x64xf32>
    %stack3A_471 = vector.shape_cast %dot_general3A_413 : vector<20x64xf32> to vector<1x20x64xf32>
    %stack3A_472 = vector.shape_cast %dot_general3A_433 : vector<20x64xf32> to vector<1x20x64xf32>
    %stack3A_473 = vector.shape_cast %dot_general3A_453 : vector<20x64xf32> to vector<1x20x64xf32>
    %stack3A_474 = tpu.concatenate %stack3A_454, %stack3A_455, %stack3A_456, %stack3A_457, %stack3A_458, %stack3A_459, %stack3A_460, %stack3A_461, %stack3A_462, %stack3A_463, %stack3A_464, %stack3A_465, %stack3A_466, %stack3A_467, %stack3A_468, %stack3A_469, %stack3A_470, %stack3A_471, %stack3A_472, %stack3A_473 in 0 : vector<1x20x64xf32>, vector<1x20x64xf32>, vector<1x20x64xf32>, vector<1x20x64xf32>, vector<1x20x64xf32>, vector<1x20x64xf32>, vector<1x20x64xf32>, vector<1x20x64xf32>, vector<1x20x64xf32>, vector<1x20x64xf32>, vector<1x20x64xf32>, vector<1x20x64xf32>, vector<1x20x64xf32>, vector<1x20x64xf32>, vector<1x20x64xf32>, vector<1x20x64xf32>, vector<1x20x64xf32>, vector<1x20x64xf32>, vector<1x20x64xf32>, vector<1x20x64xf32> -> vector<20x20x64xf32>
    %slice3A_475 = vector.extract_strided_slice %stack3A_474 {offsets = [0, 0, 0], sizes = [20, 4, 64], strides = [1, 1, 1]} : vector<20x20x64xf32> to vector<20x4x64xf32>
    %reshape3A_476 = vector.shape_cast %slice3A_475 : vector<20x4x64xf32> to vector<80x64xf32>
    %slice3A_477 = vector.extract_strided_slice %stack3A_474 {offsets = [0, 4, 0], sizes = [20, 4, 64], strides = [1, 1, 1]} : vector<20x20x64xf32> to vector<20x4x64xf32>
    %reshape3A_478 = vector.shape_cast %slice3A_477 : vector<20x4x64xf32> to vector<80x64xf32>
    %slice3A_479 = vector.extract_strided_slice %stack3A_474 {offsets = [0, 8, 0], sizes = [20, 4, 64], strides = [1, 1, 1]} : vector<20x20x64xf32> to vector<20x4x64xf32>
    %reshape3A_480 = vector.shape_cast %slice3A_479 : vector<20x4x64xf32> to vector<80x64xf32>
    %slice3A_481 = vector.extract_strided_slice %stack3A_474 {offsets = [0, 12, 0], sizes = [20, 4, 64], strides = [1, 1, 1]} : vector<20x20x64xf32> to vector<20x4x64xf32>
    %reshape3A_482 = vector.shape_cast %slice3A_481 : vector<20x4x64xf32> to vector<80x64xf32>
    %slice3A_483 = vector.extract_strided_slice %stack3A_474 {offsets = [0, 16, 0], sizes = [20, 4, 64], strides = [1, 1, 1]} : vector<20x20x64xf32> to vector<20x4x64xf32>
    %reshape3A_484 = vector.shape_cast %slice3A_483 : vector<20x4x64xf32> to vector<80x64xf32>
    %mul3A = arith.constant 3.125000e-02 : f32
    %mul3A_485 = vector.broadcast %mul3A : f32 to vector<80x64xf32>
    %mul3A_486 = arith.mulf %reshape3A_476, %mul3A_485 : vector<80x64xf32>
    %mul3A_487 = arith.constant 3.125000e-02 : f32
    %mul3A_488 = vector.broadcast %mul3A_487 : f32 to vector<80x64xf32>
    %mul3A_489 = arith.mulf %reshape3A_478, %mul3A_488 : vector<80x64xf32>
    %mul3A_490 = arith.constant 3.125000e-02 : f32
    %mul3A_491 = vector.broadcast %mul3A_490 : f32 to vector<80x64xf32>
    %mul3A_492 = arith.mulf %reshape3A_480, %mul3A_491 : vector<80x64xf32>
    %mul3A_493 = arith.constant 3.125000e-02 : f32
    %mul3A_494 = vector.broadcast %mul3A_493 : f32 to vector<80x64xf32>
    %mul3A_495 = arith.mulf %reshape3A_482, %mul3A_494 : vector<80x64xf32>
    %mul3A_496 = arith.constant 3.125000e-02 : f32
    %mul3A_497 = vector.broadcast %mul3A_496 : f32 to vector<80x64xf32>
    %mul3A_498 = arith.mulf %reshape3A_484, %mul3A_497 : vector<80x64xf32>
    %iota3A_499 = tpu.iota {dimensions = array<i32: 0>} : vector<64x64xi32>
    %eq3A_500 = arith.constant 0 : i32
    %eq3A_501 = vector.broadcast %eq3A_500 : i32 to vector<64x64xi32>
    %eq3A_502 = arith.cmpi eq, %iota3A_499, %eq3A_501 : vector<64x64xi32>
    %convert_element_type3A = arith.extui %eq3A_502 : vector<64x64xi1> to vector<64x64xi32>
    %convert_element_type3A_503 = arith.sitofp %convert_element_type3A : vector<64x64xi32> to vector<64x64xf32>
    %dot_general3A_504 = arith.constant dense<0.000000e+00> : vector<80x64xf32>
    %dot_general3A_505 = tpu.matmul %mul3A_489, %convert_element_type3A_503, %dot_general3A_504 {dimension_numbers = #tpu.dot_dimension_numbers<[1], [0], [0], [1], [0, 0, 1, 1], [], []>, transpose_lhs_hint = false} : vector<80x64xf32>, vector<64x64xf32>, vector<80x64xf32> -> vector<80x64xf32>
    %mul3A_506 = arith.mulf %dot_general3A_505, %mul3A_489 : vector<80x64xf32>
    %dot_general3A_507 = arith.constant dense<0.000000e+00> : vector<80x64xf32>
    %dot_general3A_508 = tpu.matmul %mul3A_492, %convert_element_type3A_503, %dot_general3A_507 {dimension_numbers = #tpu.dot_dimension_numbers<[1], [0], [0], [1], [0, 0, 1, 1], [], []>, transpose_lhs_hint = false} : vector<80x64xf32>, vector<64x64xf32>, vector<80x64xf32> -> vector<80x64xf32>
    %mul3A_509 = arith.mulf %dot_general3A_508, %mul3A_492 : vector<80x64xf32>
    %add3A_510 = arith.addf %mul3A_506, %mul3A_509 : vector<80x64xf32>
    %dot_general3A_511 = arith.constant dense<0.000000e+00> : vector<80x64xf32>
    %dot_general3A_512 = tpu.matmul %mul3A_495, %convert_element_type3A_503, %dot_general3A_511 {dimension_numbers = #tpu.dot_dimension_numbers<[1], [0], [0], [1], [0, 0, 1, 1], [], []>, transpose_lhs_hint = false} : vector<80x64xf32>, vector<64x64xf32>, vector<80x64xf32> -> vector<80x64xf32>
    %mul3A_513 = arith.mulf %dot_general3A_512, %mul3A_495 : vector<80x64xf32>
    %add3A_514 = arith.addf %add3A_510, %mul3A_513 : vector<80x64xf32>
    %dot_general3A_515 = arith.constant dense<0.000000e+00> : vector<80x64xf32>
    %dot_general3A_516 = tpu.matmul %mul3A_498, %convert_element_type3A_503, %dot_general3A_515 {dimension_numbers = #tpu.dot_dimension_numbers<[1], [0], [0], [1], [0, 0, 1, 1], [], []>, transpose_lhs_hint = false} : vector<80x64xf32>, vector<64x64xf32>, vector<80x64xf32> -> vector<80x64xf32>
    %mul3A_517 = arith.mulf %dot_general3A_516, %mul3A_498 : vector<80x64xf32>
    %add3A_518 = arith.addf %add3A_514, %mul3A_517 : vector<80x64xf32>
    %iota3A_519 = tpu.iota {dimensions = array<i32: 0>} : vector<64x64xi32>
    %eq3A_520 = arith.constant 1 : i32
    %eq3A_521 = vector.broadcast %eq3A_520 : i32 to vector<64x64xi32>
    %eq3A_522 = arith.cmpi eq, %iota3A_519, %eq3A_521 : vector<64x64xi32>
    %convert_element_type3A_523 = arith.extui %eq3A_522 : vector<64x64xi1> to vector<64x64xi32>
    %convert_element_type3A_524 = arith.sitofp %convert_element_type3A_523 : vector<64x64xi32> to vector<64x64xf32>
    %dot_general3A_525 = arith.constant dense<0.000000e+00> : vector<80x64xf32>
    %dot_general3A_526 = tpu.matmul %mul3A_489, %convert_element_type3A_524, %dot_general3A_525 {dimension_numbers = #tpu.dot_dimension_numbers<[1], [0], [0], [1], [0, 0, 1, 1], [], []>, transpose_lhs_hint = false} : vector<80x64xf32>, vector<64x64xf32>, vector<80x64xf32> -> vector<80x64xf32>
    %mul3A_527 = arith.mulf %dot_general3A_526, %mul3A_489 : vector<80x64xf32>
    %dot_general3A_528 = arith.constant dense<0.000000e+00> : vector<80x64xf32>
    %dot_general3A_529 = tpu.matmul %mul3A_492, %convert_element_type3A_524, %dot_general3A_528 {dimension_numbers = #tpu.dot_dimension_numbers<[1], [0], [0], [1], [0, 0, 1, 1], [], []>, transpose_lhs_hint = false} : vector<80x64xf32>, vector<64x64xf32>, vector<80x64xf32> -> vector<80x64xf32>
    %mul3A_530 = arith.mulf %dot_general3A_529, %mul3A_492 : vector<80x64xf32>
    %add3A_531 = arith.addf %mul3A_527, %mul3A_530 : vector<80x64xf32>
    %dot_general3A_532 = arith.constant dense<0.000000e+00> : vector<80x64xf32>
    %dot_general3A_533 = tpu.matmul %mul3A_495, %convert_element_type3A_524, %dot_general3A_532 {dimension_numbers = #tpu.dot_dimension_numbers<[1], [0], [0], [1], [0, 0, 1, 1], [], []>, transpose_lhs_hint = false} : vector<80x64xf32>, vector<64x64xf32>, vector<80x64xf32> -> vector<80x64xf32>
    %mul3A_534 = arith.mulf %dot_general3A_533, %mul3A_495 : vector<80x64xf32>
    %add3A_535 = arith.addf %add3A_531, %mul3A_534 : vector<80x64xf32>
    %dot_general3A_536 = arith.constant dense<0.000000e+00> : vector<80x64xf32>
    %dot_general3A_537 = tpu.matmul %mul3A_498, %convert_element_type3A_524, %dot_general3A_536 {dimension_numbers = #tpu.dot_dimension_numbers<[1], [0], [0], [1], [0, 0, 1, 1], [], []>, transpose_lhs_hint = false} : vector<80x64xf32>, vector<64x64xf32>, vector<80x64xf32> -> vector<80x64xf32>
    %mul3A_538 = arith.mulf %dot_general3A_537, %mul3A_498 : vector<80x64xf32>
    %add3A_539 = arith.addf %add3A_535, %mul3A_538 : vector<80x64xf32>
    %iota3A_540 = tpu.iota {dimensions = array<i32: 0>} : vector<64x64xi32>
    %eq3A_541 = arith.constant 2 : i32
    %eq3A_542 = vector.broadcast %eq3A_541 : i32 to vector<64x64xi32>
    %eq3A_543 = arith.cmpi eq, %iota3A_540, %eq3A_542 : vector<64x64xi32>
    %convert_element_type3A_544 = arith.extui %eq3A_543 : vector<64x64xi1> to vector<64x64xi32>
    %convert_element_type3A_545 = arith.sitofp %convert_element_type3A_544 : vector<64x64xi32> to vector<64x64xf32>
    %dot_general3A_546 = arith.constant dense<0.000000e+00> : vector<80x64xf32>
    %dot_general3A_547 = tpu.matmul %mul3A_489, %convert_element_type3A_545, %dot_general3A_546 {dimension_numbers = #tpu.dot_dimension_numbers<[1], [0], [0], [1], [0, 0, 1, 1], [], []>, transpose_lhs_hint = false} : vector<80x64xf32>, vector<64x64xf32>, vector<80x64xf32> -> vector<80x64xf32>
    %mul3A_548 = arith.mulf %dot_general3A_547, %mul3A_489 : vector<80x64xf32>
    %dot_general3A_549 = arith.constant dense<0.000000e+00> : vector<80x64xf32>
    %dot_general3A_550 = tpu.matmul %mul3A_492, %convert_element_type3A_545, %dot_general3A_549 {dimension_numbers = #tpu.dot_dimension_numbers<[1], [0], [0], [1], [0, 0, 1, 1], [], []>, transpose_lhs_hint = false} : vector<80x64xf32>, vector<64x64xf32>, vector<80x64xf32> -> vector<80x64xf32>
    %mul3A_551 = arith.mulf %dot_general3A_550, %mul3A_492 : vector<80x64xf32>
    %add3A_552 = arith.addf %mul3A_548, %mul3A_551 : vector<80x64xf32>
    %dot_general3A_553 = arith.constant dense<0.000000e+00> : vector<80x64xf32>
    %dot_general3A_554 = tpu.matmul %mul3A_495, %convert_element_type3A_545, %dot_general3A_553 {dimension_numbers = #tpu.dot_dimension_numbers<[1], [0], [0], [1], [0, 0, 1, 1], [], []>, transpose_lhs_hint = false} : vector<80x64xf32>, vector<64x64xf32>, vector<80x64xf32> -> vector<80x64xf32>
    %mul3A_555 = arith.mulf %dot_general3A_554, %mul3A_495 : vector<80x64xf32>
    %add3A_556 = arith.addf %add3A_552, %mul3A_555 : vector<80x64xf32>
    %dot_general3A_557 = arith.constant dense<0.000000e+00> : vector<80x64xf32>
    %dot_general3A_558 = tpu.matmul %mul3A_498, %convert_element_type3A_545, %dot_general3A_557 {dimension_numbers = #tpu.dot_dimension_numbers<[1], [0], [0], [1], [0, 0, 1, 1], [], []>, transpose_lhs_hint = false} : vector<80x64xf32>, vector<64x64xf32>, vector<80x64xf32> -> vector<80x64xf32>
    %mul3A_559 = arith.mulf %dot_general3A_558, %mul3A_498 : vector<80x64xf32>
    %add3A_560 = arith.addf %add3A_556, %mul3A_559 : vector<80x64xf32>
    %iota3A_561 = tpu.iota {dimensions = array<i32: 0>} : vector<64x64xi32>
    %eq3A_562 = arith.constant 3 : i32
    %eq3A_563 = vector.broadcast %eq3A_562 : i32 to vector<64x64xi32>
    %eq3A_564 = arith.cmpi eq, %iota3A_561, %eq3A_563 : vector<64x64xi32>
    %convert_element_type3A_565 = arith.extui %eq3A_564 : vector<64x64xi1> to vector<64x64xi32>
    %convert_element_type3A_566 = arith.sitofp %convert_element_type3A_565 : vector<64x64xi32> to vector<64x64xf32>
    %dot_general3A_567 = arith.constant dense<0.000000e+00> : vector<80x64xf32>
    %dot_general3A_568 = tpu.matmul %mul3A_489, %convert_element_type3A_566, %dot_general3A_567 {dimension_numbers = #tpu.dot_dimension_numbers<[1], [0], [0], [1], [0, 0, 1, 1], [], []>, transpose_lhs_hint = false} : vector<80x64xf32>, vector<64x64xf32>, vector<80x64xf32> -> vector<80x64xf32>
    %mul3A_569 = arith.mulf %dot_general3A_568, %mul3A_489 : vector<80x64xf32>
    %dot_general3A_570 = arith.constant dense<0.000000e+00> : vector<80x64xf32>
    %dot_general3A_571 = tpu.matmul %mul3A_492, %convert_element_type3A_566, %dot_general3A_570 {dimension_numbers = #tpu.dot_dimension_numbers<[1], [0], [0], [1], [0, 0, 1, 1], [], []>, transpose_lhs_hint = false} : vector<80x64xf32>, vector<64x64xf32>, vector<80x64xf32> -> vector<80x64xf32>
    %mul3A_572 = arith.mulf %dot_general3A_571, %mul3A_492 : vector<80x64xf32>
    %add3A_573 = arith.addf %mul3A_569, %mul3A_572 : vector<80x64xf32>
    %dot_general3A_574 = arith.constant dense<0.000000e+00> : vector<80x64xf32>
    %dot_general3A_575 = tpu.matmul %mul3A_495, %convert_element_type3A_566, %dot_general3A_574 {dimension_numbers = #tpu.dot_dimension_numbers<[1], [0], [0], [1], [0, 0, 1, 1], [], []>, transpose_lhs_hint = false} : vector<80x64xf32>, vector<64x64xf32>, vector<80x64xf32> -> vector<80x64xf32>
    %mul3A_576 = arith.mulf %dot_general3A_575, %mul3A_495 : vector<80x64xf32>
    %add3A_577 = arith.addf %add3A_573, %mul3A_576 : vector<80x64xf32>
    %dot_general3A_578 = arith.constant dense<0.000000e+00> : vector<80x64xf32>
    %dot_general3A_579 = tpu.matmul %mul3A_498, %convert_element_type3A_566, %dot_general3A_578 {dimension_numbers = #tpu.dot_dimension_numbers<[1], [0], [0], [1], [0, 0, 1, 1], [], []>, transpose_lhs_hint = false} : vector<80x64xf32>, vector<64x64xf32>, vector<80x64xf32> -> vector<80x64xf32>
    %mul3A_580 = arith.mulf %dot_general3A_579, %mul3A_498 : vector<80x64xf32>
    %add3A_581 = arith.addf %add3A_577, %mul3A_580 : vector<80x64xf32>
    %concatenate3A = tpu.concatenate %add3A_518, %add3A_539, %add3A_560, %add3A_581 in 1 : vector<80x64xf32>, vector<80x64xf32>, vector<80x64xf32>, vector<80x64xf32> -> vector<80x256xf32>
    %get3A_582 = arith.constant 0 : index
    %get3A_583 = arith.constant 0 : index
    %get3A_584 = vector.load %arg4[%get3A_582, %get3A_583] : memref<80x128xf32, #tpu.memory_space<vmem>>, vector<80x128xf32>
    %get3A_585 = arith.constant 0 : index
    %get3A_586 = arith.constant 0 : index
    %get3A_587 = vector.load %arg5[%get3A_585, %get3A_586] : memref<128x128xf32, #tpu.memory_space<vmem>>, vector<128x128xf32>
    %dot_general3A_588 = arith.constant dense<0.000000e+00> : vector<80x128xf32>
    %dot_general3A_589 = tpu.matmul %get3A_584, %get3A_587, %dot_general3A_588 {dimension_numbers = #tpu.dot_dimension_numbers<[1], [0], [0], [1], [0, 0, 1, 1], [], []>, transpose_lhs_hint = false} : vector<80x128xf32>, vector<128x128xf32>, vector<80x128xf32> -> vector<80x128xf32>
    %get3A_590 = arith.constant 0 : index
    %get3A_591 = arith.constant 0 : index
    %get3A_592 = vector.load %arg6[%get3A_590, %get3A_591] : memref<64x128xf32, #tpu.memory_space<vmem>>, vector<64x128xf32>
    %dot_general3A_593 = arith.constant dense<0.000000e+00> : vector<80x128xf32>
    %dot_general3A_594 = tpu.matmul %mul3A_486, %get3A_592, %dot_general3A_593 {dimension_numbers = #tpu.dot_dimension_numbers<[1], [0], [0], [1], [0, 0, 1, 1], [], []>, transpose_lhs_hint = false} : vector<80x64xf32>, vector<64x128xf32>, vector<80x128xf32> -> vector<80x128xf32>
    %add3A_595 = arith.addf %dot_general3A_589, %dot_general3A_594 : vector<80x128xf32>
    %get3A_596 = arith.constant 0 : index
    %get3A_597 = arith.constant 0 : index
    %get3A_598 = vector.load %arg7[%get3A_596, %get3A_597] : memref<256x128xf32, #tpu.memory_space<vmem>>, vector<256x128xf32>
    %dot_general3A_599 = arith.constant dense<0.000000e+00> : vector<80x128xf32>
    %dot_general3A_600 = tpu.matmul %concatenate3A, %get3A_598, %dot_general3A_599 {dimension_numbers = #tpu.dot_dimension_numbers<[1], [0], [0], [1], [0, 0, 1, 1], [], []>, transpose_lhs_hint = false} : vector<80x256xf32>, vector<256x128xf32>, vector<80x128xf32> -> vector<80x128xf32>
    %add3A_601 = arith.addf %add3A_595, %dot_general3A_600 : vector<80x128xf32>
    %neg3A = arith.constant 0.000000e+00 : f32
    %neg3A_602 = vector.broadcast %neg3A : f32 to vector<80x128xf32>
    %neg3A_603 = arith.subf %neg3A_602, %add3A_601 : vector<80x128xf32>
    %exp3A = math.exp %neg3A_603 : vector<80x128xf32>
    %add3A_604 = arith.constant 1.000000e+00 : f32
    %add3A_605 = vector.broadcast %add3A_604 : f32 to vector<80x128xf32>
    %add3A_606 = arith.addf %add3A_605, %exp3A : vector<80x128xf32>
    %div3A_607 = arith.constant 1.000000e+00 : f32
    %div3A_608 = vector.broadcast %div3A_607 : f32 to vector<80x128xf32>
    %div3A_609 = arith.divf %div3A_608, %add3A_606 : vector<80x128xf32>
    %mul3A_610 = arith.mulf %add3A_601, %div3A_609 : vector<80x128xf32>
    %add3A_611 = arith.addf %get3A_584, %mul3A_610 : vector<80x128xf32>
    %swap3A = arith.constant 0 : index
    %swap3A_612 = arith.constant 0 : index
    %swap3A_613 = vector.load %arg12[%swap3A, %swap3A_612] : memref<80x128xf32, #tpu.memory_space<vmem>>, vector<80x128xf32>
    tpu.vector_store %arg12[%swap3A, %swap3A_612], %add3A_611 {strides = array<i32>} : memref<80x128xf32, #tpu.memory_space<vmem>>, vector<80x128xf32>,
    %get3A_614 = arith.constant 0 : index
    %get3A_615 = arith.constant 0 : index
    %get3A_616 = vector.load %arg8[%get3A_614, %get3A_615] : memref<64x64xf32, #tpu.memory_space<vmem>>, vector<64x64xf32>
    %dot_general3A_617 = arith.constant dense<0.000000e+00> : vector<2560x64xf32>
    %dot_general3A_618 = tpu.matmul %get3A_1, %get3A_616, %dot_general3A_617 {dimension_numbers = #tpu.dot_dimension_numbers<[1], [0], [0], [1], [0, 0, 1, 1], [], []>, transpose_lhs_hint = false} : vector<2560x64xf32>, vector<64x64xf32>, vector<2560x64xf32> -> vector<2560x64xf32>
    %get3A_619 = arith.constant 0 : index
    %get3A_620 = arith.constant 0 : index
    %get3A_621 = vector.load %arg9[%get3A_619, %get3A_620] : memref<128x64xf32, #tpu.memory_space<vmem>>, vector<128x64xf32>
    %dot_general3A_622 = arith.constant dense<0.000000e+00> : vector<80x64xf32>
    %dot_general3A_623 = tpu.matmul %add3A_611, %get3A_621, %dot_general3A_622 {dimension_numbers = #tpu.dot_dimension_numbers<[1], [0], [0], [1], [0, 0, 1, 1], [], []>, transpose_lhs_hint = false} : vector<80x128xf32>, vector<128x64xf32>, vector<80x64xf32> -> vector<80x64xf32>
    %broadcast_in_dim3A_624 = vector.shape_cast %dot_general3A_623 : vector<80x64xf32> to vector<80x1x64xf32>
    %broadcast_in_dim3A_625 = vector.broadcast %broadcast_in_dim3A_624 : vector<80x1x64xf32> to vector<80x32x64xf32>
    %reshape3A_626 = vector.shape_cast %broadcast_in_dim3A_625 : vector<80x32x64xf32> to vector<2560x64xf32>
    %add3A_627 = arith.addf %dot_general3A_618, %reshape3A_626 : vector<2560x64xf32>
    %get3A_628 = arith.constant 0 : index
    %get3A_629 = arith.constant 0 : index
    %get3A_630 = vector.load %arg2[%get3A_628, %get3A_629] : memref<2560x64xf32, #tpu.memory_space<vmem>>, vector<2560x64xf32>
    %add3A_631 = arith.addf %add3A_627, %get3A_630 : vector<2560x64xf32>
    %neg3A_632 = arith.constant 0.000000e+00 : f32
    %neg3A_633 = vector.broadcast %neg3A_632 : f32 to vector<2560x64xf32>
    %neg3A_634 = arith.subf %neg3A_633, %add3A_631 : vector<2560x64xf32>
    %exp3A_635 = math.exp %neg3A_634 : vector<2560x64xf32>
    %add3A_636 = arith.constant 1.000000e+00 : f32
    %add3A_637 = vector.broadcast %add3A_636 : f32 to vector<2560x64xf32>
    %add3A_638 = arith.addf %add3A_637, %exp3A_635 : vector<2560x64xf32>
    %div3A_639 = arith.constant 1.000000e+00 : f32
    %div3A_640 = vector.broadcast %div3A_639 : f32 to vector<2560x64xf32>
    %div3A_641 = arith.divf %div3A_640, %add3A_638 : vector<2560x64xf32>
    %mul3A_642 = arith.mulf %add3A_631, %div3A_641 : vector<2560x64xf32>
    %add3A_643 = arith.addf %get3A_1, %mul3A_642 : vector<2560x64xf32>
    %swap3A_644 = arith.constant 0 : index
    %swap3A_645 = arith.constant 0 : index
    %swap3A_646 = vector.load %arg11[%swap3A_644, %swap3A_645] : memref<2560x64xf32, #tpu.memory_space<vmem>>, vector<2560x64xf32>
    tpu.vector_store %arg11[%swap3A_644, %swap3A_645], %add3A_643 {strides = array<i32>} : memref<2560x64xf32, #tpu.memory_space<vmem>>, vector<2560x64xf32>,
    %get3A_647 = arith.constant 0 : index
    %get3A_648 = arith.constant 0 : index
    %get3A_649 = vector.load %arg10[%get3A_647, %get3A_648] : memref<128x64xf32, #tpu.memory_space<vmem>>, vector<128x64xf32>
    %dot_general3A_650 = arith.constant dense<0.000000e+00> : vector<80x64xf32>
    %dot_general3A_651 = tpu.matmul %add3A_611, %get3A_649, %dot_general3A_650 {dimension_numbers = #tpu.dot_dimension_numbers<[1], [0], [0], [1], [0, 0, 1, 1], [], []>, transpose_lhs_hint = false} : vector<80x128xf32>, vector<128x64xf32>, vector<80x64xf32> -> vector<80x64xf32>
    %swap3A_652 = arith.constant 0 : index
    %swap3A_653 = arith.constant 0 : index
    %swap3A_654 = vector.load %arg13[%swap3A_652, %swap3A_653] : memref<80x64xf32, #tpu.memory_space<vmem>>, vector<80x64xf32>
    tpu.vector_store %arg13[%swap3A_652, %swap3A_653], %dot_general3A_651 {strides = array<i32>} : memref<80x64xf32, #tpu.memory_space<vmem>>, vector<80x64xf32>,
    return
  }
  func.func @transform_0(%arg0: i32) -> (i32, i32) {
    %c0_i32 = arith.constant 0 : i32
    %c0_i32_0 = arith.constant 0 : i32
    return %arg0, %c0_i32 : i32, i32
  }
  func.func @transform_1(%arg0: i32) -> (i32, i32) {
    %c0_i32 = arith.constant 0 : i32
    %c0_i32_0 = arith.constant 0 : i32
    return %arg0, %c0_i32 : i32, i32
  }
  func.func @transform_2(%arg0: i32) -> (i32, i32, i32) {
    %c0_i32 = arith.constant 0 : i32
    %c0_i32_0 = arith.constant 0 : i32
    %c0_i32_1 = arith.constant 0 : i32
    return %arg0, %c0_i32, %c0_i32_0 : i32, i32, i32
  }
  func.func @transform_3(%arg0: i32) -> (i32, i32) {
    %c0_i32 = arith.constant 0 : i32
    %c0_i32_0 = arith.constant 0 : i32
    return %arg0, %c0_i32 : i32, i32
  }
  func.func @transform_4(%arg0: i32) -> (i32, i32) {
    %c0_i32 = arith.constant 0 : i32
    %c0_i32_0 = arith.constant 0 : i32
    %c0_i32_1 = arith.constant 0 : i32
    return %c0_i32, %c0_i32_0 : i32, i32
  }
  func.func @transform_5(%arg0: i32) -> (i32, i32) {
    %c0_i32 = arith.constant 0 : i32
    %c0_i32_0 = arith.constant 0 : i32
    %c0_i32_1 = arith.constant 0 : i32
    return %c0_i32, %c0_i32_0 : i32, i32
  }
  func.func @transform_6(%arg0: i32) -> (i32, i32) {
    %c0_i32 = arith.constant 0 : i32
    %c0_i32_0 = arith.constant 0 : i32
    %c0_i32_1 = arith.constant 0 : i32
    return %c0_i32, %c0_i32_0 : i32, i32
  }
  func.func @transform_7(%arg0: i32) -> (i32, i32) {
    %c0_i32 = arith.constant 0 : i32
    %c0_i32_0 = arith.constant 0 : i32
    %c0_i32_1 = arith.constant 0 : i32
    return %c0_i32, %c0_i32_0 : i32, i32
  }
  func.func @transform_8(%arg0: i32) -> (i32, i32) {
    %c0_i32 = arith.constant 0 : i32
    %c0_i32_0 = arith.constant 0 : i32
    %c0_i32_1 = arith.constant 0 : i32
    return %c0_i32, %c0_i32_0 : i32, i32
  }
  func.func @transform_9(%arg0: i32) -> (i32, i32) {
    %c0_i32 = arith.constant 0 : i32
    %c0_i32_0 = arith.constant 0 : i32
    %c0_i32_1 = arith.constant 0 : i32
    return %c0_i32, %c0_i32_0 : i32, i32
  }
  func.func @transform_10(%arg0: i32) -> (i32, i32) {
    %c0_i32 = arith.constant 0 : i32
    %c0_i32_0 = arith.constant 0 : i32
    return %arg0, %c0_i32 : i32, i32
  }
  func.func @transform_11(%arg0: i32) -> (i32, i32) {
    %c0_i32 = arith.constant 0 : i32
    %c0_i32_0 = arith.constant 0 : i32
    return %arg0, %c0_i32 : i32, i32
  }
  func.func @transform_12(%arg0: i32) -> (i32, i32) {
    %c0_i32 = arith.constant 0 : i32
    %c0_i32_0 = arith.constant 0 : i32
    return %arg0, %c0_i32 : i32, i32
  }
}

module attributes {stable_mosaic.version = 14 : i64} {
  func.func @_tc_layer_body(%arg0: i32, %arg1: memref<2560x64xf32, #tpu.memory_space<vmem>>, %arg2: memref<2560x64xf32, #tpu.memory_space<vmem>>, %arg3: memref<1x8x2560xf32, #tpu.memory_space<vmem>>, %arg4: memref<80x128xf32, #tpu.memory_space<vmem>>, %arg5: memref<128x128xf32, #tpu.memory_space<vmem>>, %arg6: memref<64x128xf32, #tpu.memory_space<vmem>>, %arg7: memref<256x128xf32, #tpu.memory_space<vmem>>, %arg8: memref<64x64xf32, #tpu.memory_space<vmem>>, %arg9: memref<128x64xf32, #tpu.memory_space<vmem>>, %arg10: memref<128x64xf32, #tpu.memory_space<vmem>>, %arg11: memref<80x32x64xf32, #tpu.memory_space<vmem>>, %arg12: memref<80x128xf32, #tpu.memory_space<vmem>>, %arg13: memref<80x64xf32, #tpu.memory_space<vmem>>, %arg14: memref<80x64xf32, #tpu.memory_space<vmem>>, %arg15: memref<80x64xf32, #tpu.memory_space<vmem>>) attributes {dimension_semantics = [#tpu.dimension_semantics<arbitrary>], iteration_bounds = array<i64: 125>, scalar_prefetch = 0 : i64, scratch_operands = 0 : i64, tpu.core_type = #tpu.core_type<tc>, window_params = [{transform_indices = @transform_0, window_bounds = array<i64: 2560, 64>}, {transform_indices = @transform_1, window_bounds = array<i64: 2560, 64>}, {transform_indices = @transform_2, window_bounds = array<i64: 1, 8, 2560>}, {transform_indices = @transform_3, window_bounds = array<i64: 80, 128>}, {pipeline_mode = #tpu.pipeline_mode<synchronous>, transform_indices = @transform_4, window_bounds = array<i64: 128, 128>}, {pipeline_mode = #tpu.pipeline_mode<synchronous>, transform_indices = @transform_5, window_bounds = array<i64: 64, 128>}, {pipeline_mode = #tpu.pipeline_mode<synchronous>, transform_indices = @transform_6, window_bounds = array<i64: 256, 128>}, {pipeline_mode = #tpu.pipeline_mode<synchronous>, transform_indices = @transform_7, window_bounds = array<i64: 64, 64>}, {pipeline_mode = #tpu.pipeline_mode<synchronous>, transform_indices = @transform_8, window_bounds = array<i64: 128, 64>}, {pipeline_mode = #tpu.pipeline_mode<synchronous>, transform_indices = @transform_9, window_bounds = array<i64: 128, 64>}, {transform_indices = @transform_10, window_bounds = array<i64: 80, 32, 64>}, {transform_indices = @transform_11, window_bounds = array<i64: 80, 128>}, {transform_indices = @transform_12, window_bounds = array<i64: 80, 64>}, {transform_indices = @transform_13, window_bounds = array<i64: 80, 64>}, {transform_indices = @transform_14, window_bounds = array<i64: 80, 64>}]} {
    %get3A = arith.constant 0 : index
    %get3A_0 = arith.constant 0 : index
    %get3A_1 = vector.load %arg1[%get3A, %get3A_0] : memref<2560x64xf32, #tpu.memory_space<vmem>>, vector<2560x64xf32>
    %get3A_2 = arith.constant 0 : index
    %get3A_3 = arith.constant 0 : index
    %get3A_4 = arith.constant 0 : index
    %get3A_5 = vector.load %arg3[%get3A_2, %get3A_3, %get3A_4] : memref<1x8x2560xf32, #tpu.memory_space<vmem>>, vector<1x8x2560xf32>
    %slice3A = vector.extract_strided_slice %get3A_5 {offsets = [0, 0, 0], sizes = [1, 1, 2560], strides = [1, 1, 1]} : vector<1x8x2560xf32> to vector<1x1x2560xf32>
    %squeeze3A = vector.shape_cast %slice3A : vector<1x1x2560xf32> to vector<2560xf32>
    %slice3A_6 = vector.extract_strided_slice %get3A_5 {offsets = [0, 1, 0], sizes = [1, 1, 2560], strides = [1, 1, 1]} : vector<1x8x2560xf32> to vector<1x1x2560xf32>
    %squeeze3A_7 = vector.shape_cast %slice3A_6 : vector<1x1x2560xf32> to vector<2560xf32>
    %slice3A_8 = vector.extract_strided_slice %get3A_5 {offsets = [0, 2, 0], sizes = [1, 1, 2560], strides = [1, 1, 1]} : vector<1x8x2560xf32> to vector<1x1x2560xf32>
    %squeeze3A_9 = vector.shape_cast %slice3A_8 : vector<1x1x2560xf32> to vector<2560xf32>
    %slice3A_10 = vector.extract_strided_slice %get3A_5 {offsets = [0, 3, 0], sizes = [1, 1, 2560], strides = [1, 1, 1]} : vector<1x8x2560xf32> to vector<1x1x2560xf32>
    %squeeze3A_11 = vector.shape_cast %slice3A_10 : vector<1x1x2560xf32> to vector<2560xf32>
    %slice3A_12 = vector.extract_strided_slice %get3A_5 {offsets = [0, 4, 0], sizes = [1, 1, 2560], strides = [1, 1, 1]} : vector<1x8x2560xf32> to vector<1x1x2560xf32>
    %squeeze3A_13 = vector.shape_cast %slice3A_12 : vector<1x1x2560xf32> to vector<2560xf32>
    %iota3A = tpu.iota {dimensions = array<i32: 0>} : vector<20x128xi32>
    %iota3A_14 = tpu.iota {dimensions = array<i32: 1>} : vector<20x128xi32>
    %jit3A = arith.constant 32 : i32
    %div3A = vector.broadcast %jit3A : i32 to vector<20x128xi32>
    %div3A_15 = arith.divsi %iota3A_14, %div3A : vector<20x128xi32>
    %sign3A = arith.constant 0 : i32
    %sign3A_16 = vector.broadcast %sign3A : i32 to vector<20x128xi32>
    %sign3A_17 = arith.cmpi sgt, %iota3A_14, %sign3A_16 : vector<20x128xi32>
    %sign3A_18 = arith.extui %sign3A_17 : vector<20x128xi1> to vector<20x128xi32>
    %sign3A_19 = arith.constant 0 : i32
    %sign3A_20 = vector.broadcast %sign3A_19 : i32 to vector<20x128xi32>
    %sign3A_21 = arith.cmpi slt, %iota3A_14, %sign3A_20 : vector<20x128xi32>
    %sign3A_22 = arith.extui %sign3A_21 : vector<20x128xi1> to vector<20x128xi32>
    %sign3A_23 = arith.subi %sign3A_18, %sign3A_22 : vector<20x128xi32>
    %sign3A_24 = arith.constant 0 : i32
    %sign3A_25 = arith.cmpi sgt, %jit3A, %sign3A_24 : i32
    %sign3A_26 = arith.extui %sign3A_25 : i1 to i32
    %sign3A_27 = arith.constant 0 : i32
    %sign3A_28 = arith.cmpi slt, %jit3A, %sign3A_27 : i32
    %sign3A_29 = arith.extui %sign3A_28 : i1 to i32
    %sign3A_30 = arith.subi %sign3A_26, %sign3A_29 : i32
    %ne3A = vector.broadcast %sign3A_30 : i32 to vector<20x128xi32>
    %ne3A_31 = arith.cmpi ne, %sign3A_23, %ne3A : vector<20x128xi32>
    %rem3A = vector.broadcast %jit3A : i32 to vector<20x128xi32>
    %rem3A_32 = arith.remsi %iota3A_14, %rem3A : vector<20x128xi32>
    %ne3A_33 = arith.constant 0 : i32
    %ne3A_34 = vector.broadcast %ne3A_33 : i32 to vector<20x128xi32>
    %ne3A_35 = arith.cmpi ne, %rem3A_32, %ne3A_34 : vector<20x128xi32>
    %and3A = arith.andi %ne3A_31, %ne3A_35 : vector<20x128xi1>
    %sub3A = arith.constant 1 : i32
    %sub3A_36 = vector.broadcast %sub3A : i32 to vector<20x128xi32>
    %sub3A_37 = arith.subi %div3A_15, %sub3A_36 : vector<20x128xi32>
    %select_n3A = arith.select %and3A, %sub3A_37, %div3A_15 : vector<20x128xi1>, vector<20x128xi32>
    %jit3A_38 = arith.constant 4 : i32
    %eq3A = arith.constant 0 : i32
    %eq3A_39 = arith.cmpi eq, %jit3A_38, %eq3A : i32
    %jit3A_40 = arith.constant 1 : i32
    %select_n3A_41 = arith.select %eq3A_39, %jit3A_40, %jit3A_38 : i32
    %rem3A_42 = vector.broadcast %select_n3A_41 : i32 to vector<20x128xi32>
    %rem3A_43 = arith.remsi %iota3A, %rem3A_42 : vector<20x128xi32>
    %ne3A_44 = arith.constant 0 : i32
    %ne3A_45 = vector.broadcast %ne3A_44 : i32 to vector<20x128xi32>
    %ne3A_46 = arith.cmpi ne, %rem3A_43, %ne3A_45 : vector<20x128xi32>
    %lt3A = arith.constant 0 : i32
    %lt3A_47 = vector.broadcast %lt3A : i32 to vector<20x128xi32>
    %lt3A_48 = arith.cmpi slt, %rem3A_43, %lt3A_47 : vector<20x128xi32>
    %lt3A_49 = arith.constant 0 : i32
    %lt3A_50 = arith.cmpi slt, %select_n3A_41, %lt3A_49 : i32
    %ne3A_51 = vector.broadcast %lt3A_50 : i1 to vector<20x128xi1>
    %ne3A_52 = vector.broadcast %ne3A_51 : vector<20x128xi1> to vector<20x128xi1>
    %ne3A_53 = arith.xori %lt3A_48, %ne3A_52 : vector<20x128xi1>
    %and3A_54 = arith.andi %ne3A_53, %ne3A_46 : vector<20x128xi1>
    %add3A = vector.broadcast %select_n3A_41 : i32 to vector<20x128xi32>
    %add3A_55 = arith.addi %rem3A_43, %add3A : vector<20x128xi32>
    %select_n3A_56 = arith.select %and3A_54, %add3A_55, %rem3A_43 : vector<20x128xi1>, vector<20x128xi32>
    %eq3A_57 = arith.cmpi eq, %select_n3A, %select_n3A_56 : vector<20x128xi32>
    %slice3A_58 = vector.extract_strided_slice %squeeze3A {offsets = [0], sizes = [128], strides = [1]} : vector<2560xf32> to vector<128xf32>
    %slice3A_59 = vector.extract_strided_slice %squeeze3A_7 {offsets = [0], sizes = [128], strides = [1]} : vector<2560xf32> to vector<128xf32>
    %slice3A_60 = vector.extract_strided_slice %squeeze3A_9 {offsets = [0], sizes = [128], strides = [1]} : vector<2560xf32> to vector<128xf32>
    %slice3A_61 = vector.extract_strided_slice %squeeze3A_11 {offsets = [0], sizes = [128], strides = [1]} : vector<2560xf32> to vector<128xf32>
    %slice3A_62 = vector.extract_strided_slice %squeeze3A_13 {offsets = [0], sizes = [128], strides = [1]} : vector<2560xf32> to vector<128xf32>
    %stack3A = vector.shape_cast %slice3A_58 : vector<128xf32> to vector<1x128xf32>
    %stack3A_63 = vector.shape_cast %slice3A_59 : vector<128xf32> to vector<1x128xf32>
    %stack3A_64 = vector.shape_cast %slice3A_60 : vector<128xf32> to vector<1x128xf32>
    %stack3A_65 = vector.shape_cast %slice3A_61 : vector<128xf32> to vector<1x128xf32>
    %stack3A_66 = vector.shape_cast %slice3A_62 : vector<128xf32> to vector<1x128xf32>
    %stack3A_67 = tpu.concatenate %stack3A, %stack3A_63, %stack3A_64, %stack3A_65, %stack3A_66 in 0 : vector<1x128xf32>, vector<1x128xf32>, vector<1x128xf32>, vector<1x128xf32>, vector<1x128xf32> -> vector<5x128xf32>
    %broadcast_in_dim3A = vector.shape_cast %stack3A_67 : vector<5x128xf32> to vector<5x1x128xf32>
    %broadcast_in_dim3A_68 = vector.broadcast %broadcast_in_dim3A : vector<5x1x128xf32> to vector<5x4x128xf32>
    %reshape3A = vector.shape_cast %broadcast_in_dim3A_68 : vector<5x4x128xf32> to vector<20x128xf32>
    %jit3A_69 = arith.constant 0.000000e+00 : f32
    %broadcast_in_dim3A_70 = vector.broadcast %jit3A_69 : f32 to vector<20x128xf32>
    %select_n3A_71 = arith.select %eq3A_57, %reshape3A, %broadcast_in_dim3A_70 : vector<20x128xi1>, vector<20x128xf32>
    %slice3A_72 = vector.extract_strided_slice %get3A_1 {offsets = [0, 0], sizes = [128, 64], strides = [1, 1]} : vector<2560x64xf32> to vector<128x64xf32>
    %dot_general3A = arith.constant dense<0.000000e+00> : vector<20x64xf32>
    %dot_general3A_73 = tpu.matmul %select_n3A_71, %slice3A_72, %dot_general3A {dimension_numbers = #tpu.dot_dimension_numbers<[1], [0], [0], [1], [0, 0, 1, 1], [], []>, transpose_lhs_hint = false} : vector<20x128xf32>, vector<128x64xf32>, vector<20x64xf32> -> vector<20x64xf32>
    %slice3A_74 = vector.extract_strided_slice %squeeze3A {offsets = [128], sizes = [128], strides = [1]} : vector<2560xf32> to vector<128xf32>
    %slice3A_75 = vector.extract_strided_slice %squeeze3A_7 {offsets = [128], sizes = [128], strides = [1]} : vector<2560xf32> to vector<128xf32>
    %slice3A_76 = vector.extract_strided_slice %squeeze3A_9 {offsets = [128], sizes = [128], strides = [1]} : vector<2560xf32> to vector<128xf32>
    %slice3A_77 = vector.extract_strided_slice %squeeze3A_11 {offsets = [128], sizes = [128], strides = [1]} : vector<2560xf32> to vector<128xf32>
    %slice3A_78 = vector.extract_strided_slice %squeeze3A_13 {offsets = [128], sizes = [128], strides = [1]} : vector<2560xf32> to vector<128xf32>
    %stack3A_79 = vector.shape_cast %slice3A_74 : vector<128xf32> to vector<1x128xf32>
    %stack3A_80 = vector.shape_cast %slice3A_75 : vector<128xf32> to vector<1x128xf32>
    %stack3A_81 = vector.shape_cast %slice3A_76 : vector<128xf32> to vector<1x128xf32>
    %stack3A_82 = vector.shape_cast %slice3A_77 : vector<128xf32> to vector<1x128xf32>
    %stack3A_83 = vector.shape_cast %slice3A_78 : vector<128xf32> to vector<1x128xf32>
    %stack3A_84 = tpu.concatenate %stack3A_79, %stack3A_80, %stack3A_81, %stack3A_82, %stack3A_83 in 0 : vector<1x128xf32>, vector<1x128xf32>, vector<1x128xf32>, vector<1x128xf32>, vector<1x128xf32> -> vector<5x128xf32>
    %broadcast_in_dim3A_85 = vector.shape_cast %stack3A_84 : vector<5x128xf32> to vector<5x1x128xf32>
    %broadcast_in_dim3A_86 = vector.broadcast %broadcast_in_dim3A_85 : vector<5x1x128xf32> to vector<5x4x128xf32>
    %reshape3A_87 = vector.shape_cast %broadcast_in_dim3A_86 : vector<5x4x128xf32> to vector<20x128xf32>
    %jit3A_88 = arith.constant 0.000000e+00 : f32
    %broadcast_in_dim3A_89 = vector.broadcast %jit3A_88 : f32 to vector<20x128xf32>
    %select_n3A_90 = arith.select %eq3A_57, %reshape3A_87, %broadcast_in_dim3A_89 : vector<20x128xi1>, vector<20x128xf32>
    %slice3A_91 = vector.extract_strided_slice %get3A_1 {offsets = [128, 0], sizes = [128, 64], strides = [1, 1]} : vector<2560x64xf32> to vector<128x64xf32>
    %dot_general3A_92 = arith.constant dense<0.000000e+00> : vector<20x64xf32>
    %dot_general3A_93 = tpu.matmul %select_n3A_90, %slice3A_91, %dot_general3A_92 {dimension_numbers = #tpu.dot_dimension_numbers<[1], [0], [0], [1], [0, 0, 1, 1], [], []>, transpose_lhs_hint = false} : vector<20x128xf32>, vector<128x64xf32>, vector<20x64xf32> -> vector<20x64xf32>
    %slice3A_94 = vector.extract_strided_slice %squeeze3A {offsets = [256], sizes = [128], strides = [1]} : vector<2560xf32> to vector<128xf32>
    %slice3A_95 = vector.extract_strided_slice %squeeze3A_7 {offsets = [256], sizes = [128], strides = [1]} : vector<2560xf32> to vector<128xf32>
    %slice3A_96 = vector.extract_strided_slice %squeeze3A_9 {offsets = [256], sizes = [128], strides = [1]} : vector<2560xf32> to vector<128xf32>
    %slice3A_97 = vector.extract_strided_slice %squeeze3A_11 {offsets = [256], sizes = [128], strides = [1]} : vector<2560xf32> to vector<128xf32>
    %slice3A_98 = vector.extract_strided_slice %squeeze3A_13 {offsets = [256], sizes = [128], strides = [1]} : vector<2560xf32> to vector<128xf32>
    %stack3A_99 = vector.shape_cast %slice3A_94 : vector<128xf32> to vector<1x128xf32>
    %stack3A_100 = vector.shape_cast %slice3A_95 : vector<128xf32> to vector<1x128xf32>
    %stack3A_101 = vector.shape_cast %slice3A_96 : vector<128xf32> to vector<1x128xf32>
    %stack3A_102 = vector.shape_cast %slice3A_97 : vector<128xf32> to vector<1x128xf32>
    %stack3A_103 = vector.shape_cast %slice3A_98 : vector<128xf32> to vector<1x128xf32>
    %stack3A_104 = tpu.concatenate %stack3A_99, %stack3A_100, %stack3A_101, %stack3A_102, %stack3A_103 in 0 : vector<1x128xf32>, vector<1x128xf32>, vector<1x128xf32>, vector<1x128xf32>, vector<1x128xf32> -> vector<5x128xf32>
    %broadcast_in_dim3A_105 = vector.shape_cast %stack3A_104 : vector<5x128xf32> to vector<5x1x128xf32>
    %broadcast_in_dim3A_106 = vector.broadcast %broadcast_in_dim3A_105 : vector<5x1x128xf32> to vector<5x4x128xf32>
    %reshape3A_107 = vector.shape_cast %broadcast_in_dim3A_106 : vector<5x4x128xf32> to vector<20x128xf32>
    %jit3A_108 = arith.constant 0.000000e+00 : f32
    %broadcast_in_dim3A_109 = vector.broadcast %jit3A_108 : f32 to vector<20x128xf32>
    %select_n3A_110 = arith.select %eq3A_57, %reshape3A_107, %broadcast_in_dim3A_109 : vector<20x128xi1>, vector<20x128xf32>
    %slice3A_111 = vector.extract_strided_slice %get3A_1 {offsets = [256, 0], sizes = [128, 64], strides = [1, 1]} : vector<2560x64xf32> to vector<128x64xf32>
    %dot_general3A_112 = arith.constant dense<0.000000e+00> : vector<20x64xf32>
    %dot_general3A_113 = tpu.matmul %select_n3A_110, %slice3A_111, %dot_general3A_112 {dimension_numbers = #tpu.dot_dimension_numbers<[1], [0], [0], [1], [0, 0, 1, 1], [], []>, transpose_lhs_hint = false} : vector<20x128xf32>, vector<128x64xf32>, vector<20x64xf32> -> vector<20x64xf32>
    %slice3A_114 = vector.extract_strided_slice %squeeze3A {offsets = [384], sizes = [128], strides = [1]} : vector<2560xf32> to vector<128xf32>
    %slice3A_115 = vector.extract_strided_slice %squeeze3A_7 {offsets = [384], sizes = [128], strides = [1]} : vector<2560xf32> to vector<128xf32>
    %slice3A_116 = vector.extract_strided_slice %squeeze3A_9 {offsets = [384], sizes = [128], strides = [1]} : vector<2560xf32> to vector<128xf32>
    %slice3A_117 = vector.extract_strided_slice %squeeze3A_11 {offsets = [384], sizes = [128], strides = [1]} : vector<2560xf32> to vector<128xf32>
    %slice3A_118 = vector.extract_strided_slice %squeeze3A_13 {offsets = [384], sizes = [128], strides = [1]} : vector<2560xf32> to vector<128xf32>
    %stack3A_119 = vector.shape_cast %slice3A_114 : vector<128xf32> to vector<1x128xf32>
    %stack3A_120 = vector.shape_cast %slice3A_115 : vector<128xf32> to vector<1x128xf32>
    %stack3A_121 = vector.shape_cast %slice3A_116 : vector<128xf32> to vector<1x128xf32>
    %stack3A_122 = vector.shape_cast %slice3A_117 : vector<128xf32> to vector<1x128xf32>
    %stack3A_123 = vector.shape_cast %slice3A_118 : vector<128xf32> to vector<1x128xf32>
    %stack3A_124 = tpu.concatenate %stack3A_119, %stack3A_120, %stack3A_121, %stack3A_122, %stack3A_123 in 0 : vector<1x128xf32>, vector<1x128xf32>, vector<1x128xf32>, vector<1x128xf32>, vector<1x128xf32> -> vector<5x128xf32>
    %broadcast_in_dim3A_125 = vector.shape_cast %stack3A_124 : vector<5x128xf32> to vector<5x1x128xf32>
    %broadcast_in_dim3A_126 = vector.broadcast %broadcast_in_dim3A_125 : vector<5x1x128xf32> to vector<5x4x128xf32>
    %reshape3A_127 = vector.shape_cast %broadcast_in_dim3A_126 : vector<5x4x128xf32> to vector<20x128xf32>
    %jit3A_128 = arith.constant 0.000000e+00 : f32
    %broadcast_in_dim3A_129 = vector.broadcast %jit3A_128 : f32 to vector<20x128xf32>
    %select_n3A_130 = arith.select %eq3A_57, %reshape3A_127, %broadcast_in_dim3A_129 : vector<20x128xi1>, vector<20x128xf32>
    %slice3A_131 = vector.extract_strided_slice %get3A_1 {offsets = [384, 0], sizes = [128, 64], strides = [1, 1]} : vector<2560x64xf32> to vector<128x64xf32>
    %dot_general3A_132 = arith.constant dense<0.000000e+00> : vector<20x64xf32>
    %dot_general3A_133 = tpu.matmul %select_n3A_130, %slice3A_131, %dot_general3A_132 {dimension_numbers = #tpu.dot_dimension_numbers<[1], [0], [0], [1], [0, 0, 1, 1], [], []>, transpose_lhs_hint = false} : vector<20x128xf32>, vector<128x64xf32>, vector<20x64xf32> -> vector<20x64xf32>
    %slice3A_134 = vector.extract_strided_slice %squeeze3A {offsets = [512], sizes = [128], strides = [1]} : vector<2560xf32> to vector<128xf32>
    %slice3A_135 = vector.extract_strided_slice %squeeze3A_7 {offsets = [512], sizes = [128], strides = [1]} : vector<2560xf32> to vector<128xf32>
    %slice3A_136 = vector.extract_strided_slice %squeeze3A_9 {offsets = [512], sizes = [128], strides = [1]} : vector<2560xf32> to vector<128xf32>
    %slice3A_137 = vector.extract_strided_slice %squeeze3A_11 {offsets = [512], sizes = [128], strides = [1]} : vector<2560xf32> to vector<128xf32>
    %slice3A_138 = vector.extract_strided_slice %squeeze3A_13 {offsets = [512], sizes = [128], strides = [1]} : vector<2560xf32> to vector<128xf32>
    %stack3A_139 = vector.shape_cast %slice3A_134 : vector<128xf32> to vector<1x128xf32>
    %stack3A_140 = vector.shape_cast %slice3A_135 : vector<128xf32> to vector<1x128xf32>
    %stack3A_141 = vector.shape_cast %slice3A_136 : vector<128xf32> to vector<1x128xf32>
    %stack3A_142 = vector.shape_cast %slice3A_137 : vector<128xf32> to vector<1x128xf32>
    %stack3A_143 = vector.shape_cast %slice3A_138 : vector<128xf32> to vector<1x128xf32>
    %stack3A_144 = tpu.concatenate %stack3A_139, %stack3A_140, %stack3A_141, %stack3A_142, %stack3A_143 in 0 : vector<1x128xf32>, vector<1x128xf32>, vector<1x128xf32>, vector<1x128xf32>, vector<1x128xf32> -> vector<5x128xf32>
    %broadcast_in_dim3A_145 = vector.shape_cast %stack3A_144 : vector<5x128xf32> to vector<5x1x128xf32>
    %broadcast_in_dim3A_146 = vector.broadcast %broadcast_in_dim3A_145 : vector<5x1x128xf32> to vector<5x4x128xf32>
    %reshape3A_147 = vector.shape_cast %broadcast_in_dim3A_146 : vector<5x4x128xf32> to vector<20x128xf32>
    %jit3A_148 = arith.constant 0.000000e+00 : f32
    %broadcast_in_dim3A_149 = vector.broadcast %jit3A_148 : f32 to vector<20x128xf32>
    %select_n3A_150 = arith.select %eq3A_57, %reshape3A_147, %broadcast_in_dim3A_149 : vector<20x128xi1>, vector<20x128xf32>
    %slice3A_151 = vector.extract_strided_slice %get3A_1 {offsets = [512, 0], sizes = [128, 64], strides = [1, 1]} : vector<2560x64xf32> to vector<128x64xf32>
    %dot_general3A_152 = arith.constant dense<0.000000e+00> : vector<20x64xf32>
    %dot_general3A_153 = tpu.matmul %select_n3A_150, %slice3A_151, %dot_general3A_152 {dimension_numbers = #tpu.dot_dimension_numbers<[1], [0], [0], [1], [0, 0, 1, 1], [], []>, transpose_lhs_hint = false} : vector<20x128xf32>, vector<128x64xf32>, vector<20x64xf32> -> vector<20x64xf32>
    %slice3A_154 = vector.extract_strided_slice %squeeze3A {offsets = [640], sizes = [128], strides = [1]} : vector<2560xf32> to vector<128xf32>
    %slice3A_155 = vector.extract_strided_slice %squeeze3A_7 {offsets = [640], sizes = [128], strides = [1]} : vector<2560xf32> to vector<128xf32>
    %slice3A_156 = vector.extract_strided_slice %squeeze3A_9 {offsets = [640], sizes = [128], strides = [1]} : vector<2560xf32> to vector<128xf32>
    %slice3A_157 = vector.extract_strided_slice %squeeze3A_11 {offsets = [640], sizes = [128], strides = [1]} : vector<2560xf32> to vector<128xf32>
    %slice3A_158 = vector.extract_strided_slice %squeeze3A_13 {offsets = [640], sizes = [128], strides = [1]} : vector<2560xf32> to vector<128xf32>
    %stack3A_159 = vector.shape_cast %slice3A_154 : vector<128xf32> to vector<1x128xf32>
    %stack3A_160 = vector.shape_cast %slice3A_155 : vector<128xf32> to vector<1x128xf32>
    %stack3A_161 = vector.shape_cast %slice3A_156 : vector<128xf32> to vector<1x128xf32>
    %stack3A_162 = vector.shape_cast %slice3A_157 : vector<128xf32> to vector<1x128xf32>
    %stack3A_163 = vector.shape_cast %slice3A_158 : vector<128xf32> to vector<1x128xf32>
    %stack3A_164 = tpu.concatenate %stack3A_159, %stack3A_160, %stack3A_161, %stack3A_162, %stack3A_163 in 0 : vector<1x128xf32>, vector<1x128xf32>, vector<1x128xf32>, vector<1x128xf32>, vector<1x128xf32> -> vector<5x128xf32>
    %broadcast_in_dim3A_165 = vector.shape_cast %stack3A_164 : vector<5x128xf32> to vector<5x1x128xf32>
    %broadcast_in_dim3A_166 = vector.broadcast %broadcast_in_dim3A_165 : vector<5x1x128xf32> to vector<5x4x128xf32>
    %reshape3A_167 = vector.shape_cast %broadcast_in_dim3A_166 : vector<5x4x128xf32> to vector<20x128xf32>
    %jit3A_168 = arith.constant 0.000000e+00 : f32
    %broadcast_in_dim3A_169 = vector.broadcast %jit3A_168 : f32 to vector<20x128xf32>
    %select_n3A_170 = arith.select %eq3A_57, %reshape3A_167, %broadcast_in_dim3A_169 : vector<20x128xi1>, vector<20x128xf32>
    %slice3A_171 = vector.extract_strided_slice %get3A_1 {offsets = [640, 0], sizes = [128, 64], strides = [1, 1]} : vector<2560x64xf32> to vector<128x64xf32>
    %dot_general3A_172 = arith.constant dense<0.000000e+00> : vector<20x64xf32>
    %dot_general3A_173 = tpu.matmul %select_n3A_170, %slice3A_171, %dot_general3A_172 {dimension_numbers = #tpu.dot_dimension_numbers<[1], [0], [0], [1], [0, 0, 1, 1], [], []>, transpose_lhs_hint = false} : vector<20x128xf32>, vector<128x64xf32>, vector<20x64xf32> -> vector<20x64xf32>
    %slice3A_174 = vector.extract_strided_slice %squeeze3A {offsets = [768], sizes = [128], strides = [1]} : vector<2560xf32> to vector<128xf32>
    %slice3A_175 = vector.extract_strided_slice %squeeze3A_7 {offsets = [768], sizes = [128], strides = [1]} : vector<2560xf32> to vector<128xf32>
    %slice3A_176 = vector.extract_strided_slice %squeeze3A_9 {offsets = [768], sizes = [128], strides = [1]} : vector<2560xf32> to vector<128xf32>
    %slice3A_177 = vector.extract_strided_slice %squeeze3A_11 {offsets = [768], sizes = [128], strides = [1]} : vector<2560xf32> to vector<128xf32>
    %slice3A_178 = vector.extract_strided_slice %squeeze3A_13 {offsets = [768], sizes = [128], strides = [1]} : vector<2560xf32> to vector<128xf32>
    %stack3A_179 = vector.shape_cast %slice3A_174 : vector<128xf32> to vector<1x128xf32>
    %stack3A_180 = vector.shape_cast %slice3A_175 : vector<128xf32> to vector<1x128xf32>
    %stack3A_181 = vector.shape_cast %slice3A_176 : vector<128xf32> to vector<1x128xf32>
    %stack3A_182 = vector.shape_cast %slice3A_177 : vector<128xf32> to vector<1x128xf32>
    %stack3A_183 = vector.shape_cast %slice3A_178 : vector<128xf32> to vector<1x128xf32>
    %stack3A_184 = tpu.concatenate %stack3A_179, %stack3A_180, %stack3A_181, %stack3A_182, %stack3A_183 in 0 : vector<1x128xf32>, vector<1x128xf32>, vector<1x128xf32>, vector<1x128xf32>, vector<1x128xf32> -> vector<5x128xf32>
    %broadcast_in_dim3A_185 = vector.shape_cast %stack3A_184 : vector<5x128xf32> to vector<5x1x128xf32>
    %broadcast_in_dim3A_186 = vector.broadcast %broadcast_in_dim3A_185 : vector<5x1x128xf32> to vector<5x4x128xf32>
    %reshape3A_187 = vector.shape_cast %broadcast_in_dim3A_186 : vector<5x4x128xf32> to vector<20x128xf32>
    %jit3A_188 = arith.constant 0.000000e+00 : f32
    %broadcast_in_dim3A_189 = vector.broadcast %jit3A_188 : f32 to vector<20x128xf32>
    %select_n3A_190 = arith.select %eq3A_57, %reshape3A_187, %broadcast_in_dim3A_189 : vector<20x128xi1>, vector<20x128xf32>
    %slice3A_191 = vector.extract_strided_slice %get3A_1 {offsets = [768, 0], sizes = [128, 64], strides = [1, 1]} : vector<2560x64xf32> to vector<128x64xf32>
    %dot_general3A_192 = arith.constant dense<0.000000e+00> : vector<20x64xf32>
    %dot_general3A_193 = tpu.matmul %select_n3A_190, %slice3A_191, %dot_general3A_192 {dimension_numbers = #tpu.dot_dimension_numbers<[1], [0], [0], [1], [0, 0, 1, 1], [], []>, transpose_lhs_hint = false} : vector<20x128xf32>, vector<128x64xf32>, vector<20x64xf32> -> vector<20x64xf32>
    %slice3A_194 = vector.extract_strided_slice %squeeze3A {offsets = [896], sizes = [128], strides = [1]} : vector<2560xf32> to vector<128xf32>
    %slice3A_195 = vector.extract_strided_slice %squeeze3A_7 {offsets = [896], sizes = [128], strides = [1]} : vector<2560xf32> to vector<128xf32>
    %slice3A_196 = vector.extract_strided_slice %squeeze3A_9 {offsets = [896], sizes = [128], strides = [1]} : vector<2560xf32> to vector<128xf32>
    %slice3A_197 = vector.extract_strided_slice %squeeze3A_11 {offsets = [896], sizes = [128], strides = [1]} : vector<2560xf32> to vector<128xf32>
    %slice3A_198 = vector.extract_strided_slice %squeeze3A_13 {offsets = [896], sizes = [128], strides = [1]} : vector<2560xf32> to vector<128xf32>
    %stack3A_199 = vector.shape_cast %slice3A_194 : vector<128xf32> to vector<1x128xf32>
    %stack3A_200 = vector.shape_cast %slice3A_195 : vector<128xf32> to vector<1x128xf32>
    %stack3A_201 = vector.shape_cast %slice3A_196 : vector<128xf32> to vector<1x128xf32>
    %stack3A_202 = vector.shape_cast %slice3A_197 : vector<128xf32> to vector<1x128xf32>
    %stack3A_203 = vector.shape_cast %slice3A_198 : vector<128xf32> to vector<1x128xf32>
    %stack3A_204 = tpu.concatenate %stack3A_199, %stack3A_200, %stack3A_201, %stack3A_202, %stack3A_203 in 0 : vector<1x128xf32>, vector<1x128xf32>, vector<1x128xf32>, vector<1x128xf32>, vector<1x128xf32> -> vector<5x128xf32>
    %broadcast_in_dim3A_205 = vector.shape_cast %stack3A_204 : vector<5x128xf32> to vector<5x1x128xf32>
    %broadcast_in_dim3A_206 = vector.broadcast %broadcast_in_dim3A_205 : vector<5x1x128xf32> to vector<5x4x128xf32>
    %reshape3A_207 = vector.shape_cast %broadcast_in_dim3A_206 : vector<5x4x128xf32> to vector<20x128xf32>
    %jit3A_208 = arith.constant 0.000000e+00 : f32
    %broadcast_in_dim3A_209 = vector.broadcast %jit3A_208 : f32 to vector<20x128xf32>
    %select_n3A_210 = arith.select %eq3A_57, %reshape3A_207, %broadcast_in_dim3A_209 : vector<20x128xi1>, vector<20x128xf32>
    %slice3A_211 = vector.extract_strided_slice %get3A_1 {offsets = [896, 0], sizes = [128, 64], strides = [1, 1]} : vector<2560x64xf32> to vector<128x64xf32>
    %dot_general3A_212 = arith.constant dense<0.000000e+00> : vector<20x64xf32>
    %dot_general3A_213 = tpu.matmul %select_n3A_210, %slice3A_211, %dot_general3A_212 {dimension_numbers = #tpu.dot_dimension_numbers<[1], [0], [0], [1], [0, 0, 1, 1], [], []>, transpose_lhs_hint = false} : vector<20x128xf32>, vector<128x64xf32>, vector<20x64xf32> -> vector<20x64xf32>
    %slice3A_214 = vector.extract_strided_slice %squeeze3A {offsets = [1024], sizes = [128], strides = [1]} : vector<2560xf32> to vector<128xf32>
    %slice3A_215 = vector.extract_strided_slice %squeeze3A_7 {offsets = [1024], sizes = [128], strides = [1]} : vector<2560xf32> to vector<128xf32>
    %slice3A_216 = vector.extract_strided_slice %squeeze3A_9 {offsets = [1024], sizes = [128], strides = [1]} : vector<2560xf32> to vector<128xf32>
    %slice3A_217 = vector.extract_strided_slice %squeeze3A_11 {offsets = [1024], sizes = [128], strides = [1]} : vector<2560xf32> to vector<128xf32>
    %slice3A_218 = vector.extract_strided_slice %squeeze3A_13 {offsets = [1024], sizes = [128], strides = [1]} : vector<2560xf32> to vector<128xf32>
    %stack3A_219 = vector.shape_cast %slice3A_214 : vector<128xf32> to vector<1x128xf32>
    %stack3A_220 = vector.shape_cast %slice3A_215 : vector<128xf32> to vector<1x128xf32>
    %stack3A_221 = vector.shape_cast %slice3A_216 : vector<128xf32> to vector<1x128xf32>
    %stack3A_222 = vector.shape_cast %slice3A_217 : vector<128xf32> to vector<1x128xf32>
    %stack3A_223 = vector.shape_cast %slice3A_218 : vector<128xf32> to vector<1x128xf32>
    %stack3A_224 = tpu.concatenate %stack3A_219, %stack3A_220, %stack3A_221, %stack3A_222, %stack3A_223 in 0 : vector<1x128xf32>, vector<1x128xf32>, vector<1x128xf32>, vector<1x128xf32>, vector<1x128xf32> -> vector<5x128xf32>
    %broadcast_in_dim3A_225 = vector.shape_cast %stack3A_224 : vector<5x128xf32> to vector<5x1x128xf32>
    %broadcast_in_dim3A_226 = vector.broadcast %broadcast_in_dim3A_225 : vector<5x1x128xf32> to vector<5x4x128xf32>
    %reshape3A_227 = vector.shape_cast %broadcast_in_dim3A_226 : vector<5x4x128xf32> to vector<20x128xf32>
    %jit3A_228 = arith.constant 0.000000e+00 : f32
    %broadcast_in_dim3A_229 = vector.broadcast %jit3A_228 : f32 to vector<20x128xf32>
    %select_n3A_230 = arith.select %eq3A_57, %reshape3A_227, %broadcast_in_dim3A_229 : vector<20x128xi1>, vector<20x128xf32>
    %slice3A_231 = vector.extract_strided_slice %get3A_1 {offsets = [1024, 0], sizes = [128, 64], strides = [1, 1]} : vector<2560x64xf32> to vector<128x64xf32>
    %dot_general3A_232 = arith.constant dense<0.000000e+00> : vector<20x64xf32>
    %dot_general3A_233 = tpu.matmul %select_n3A_230, %slice3A_231, %dot_general3A_232 {dimension_numbers = #tpu.dot_dimension_numbers<[1], [0], [0], [1], [0, 0, 1, 1], [], []>, transpose_lhs_hint = false} : vector<20x128xf32>, vector<128x64xf32>, vector<20x64xf32> -> vector<20x64xf32>
    %slice3A_234 = vector.extract_strided_slice %squeeze3A {offsets = [1152], sizes = [128], strides = [1]} : vector<2560xf32> to vector<128xf32>
    %slice3A_235 = vector.extract_strided_slice %squeeze3A_7 {offsets = [1152], sizes = [128], strides = [1]} : vector<2560xf32> to vector<128xf32>
    %slice3A_236 = vector.extract_strided_slice %squeeze3A_9 {offsets = [1152], sizes = [128], strides = [1]} : vector<2560xf32> to vector<128xf32>
    %slice3A_237 = vector.extract_strided_slice %squeeze3A_11 {offsets = [1152], sizes = [128], strides = [1]} : vector<2560xf32> to vector<128xf32>
    %slice3A_238 = vector.extract_strided_slice %squeeze3A_13 {offsets = [1152], sizes = [128], strides = [1]} : vector<2560xf32> to vector<128xf32>
    %stack3A_239 = vector.shape_cast %slice3A_234 : vector<128xf32> to vector<1x128xf32>
    %stack3A_240 = vector.shape_cast %slice3A_235 : vector<128xf32> to vector<1x128xf32>
    %stack3A_241 = vector.shape_cast %slice3A_236 : vector<128xf32> to vector<1x128xf32>
    %stack3A_242 = vector.shape_cast %slice3A_237 : vector<128xf32> to vector<1x128xf32>
    %stack3A_243 = vector.shape_cast %slice3A_238 : vector<128xf32> to vector<1x128xf32>
    %stack3A_244 = tpu.concatenate %stack3A_239, %stack3A_240, %stack3A_241, %stack3A_242, %stack3A_243 in 0 : vector<1x128xf32>, vector<1x128xf32>, vector<1x128xf32>, vector<1x128xf32>, vector<1x128xf32> -> vector<5x128xf32>
    %broadcast_in_dim3A_245 = vector.shape_cast %stack3A_244 : vector<5x128xf32> to vector<5x1x128xf32>
    %broadcast_in_dim3A_246 = vector.broadcast %broadcast_in_dim3A_245 : vector<5x1x128xf32> to vector<5x4x128xf32>
    %reshape3A_247 = vector.shape_cast %broadcast_in_dim3A_246 : vector<5x4x128xf32> to vector<20x128xf32>
    %jit3A_248 = arith.constant 0.000000e+00 : f32
    %broadcast_in_dim3A_249 = vector.broadcast %jit3A_248 : f32 to vector<20x128xf32>
    %select_n3A_250 = arith.select %eq3A_57, %reshape3A_247, %broadcast_in_dim3A_249 : vector<20x128xi1>, vector<20x128xf32>
    %slice3A_251 = vector.extract_strided_slice %get3A_1 {offsets = [1152, 0], sizes = [128, 64], strides = [1, 1]} : vector<2560x64xf32> to vector<128x64xf32>
    %dot_general3A_252 = arith.constant dense<0.000000e+00> : vector<20x64xf32>
    %dot_general3A_253 = tpu.matmul %select_n3A_250, %slice3A_251, %dot_general3A_252 {dimension_numbers = #tpu.dot_dimension_numbers<[1], [0], [0], [1], [0, 0, 1, 1], [], []>, transpose_lhs_hint = false} : vector<20x128xf32>, vector<128x64xf32>, vector<20x64xf32> -> vector<20x64xf32>
    %slice3A_254 = vector.extract_strided_slice %squeeze3A {offsets = [1280], sizes = [128], strides = [1]} : vector<2560xf32> to vector<128xf32>
    %slice3A_255 = vector.extract_strided_slice %squeeze3A_7 {offsets = [1280], sizes = [128], strides = [1]} : vector<2560xf32> to vector<128xf32>
    %slice3A_256 = vector.extract_strided_slice %squeeze3A_9 {offsets = [1280], sizes = [128], strides = [1]} : vector<2560xf32> to vector<128xf32>
    %slice3A_257 = vector.extract_strided_slice %squeeze3A_11 {offsets = [1280], sizes = [128], strides = [1]} : vector<2560xf32> to vector<128xf32>
    %slice3A_258 = vector.extract_strided_slice %squeeze3A_13 {offsets = [1280], sizes = [128], strides = [1]} : vector<2560xf32> to vector<128xf32>
    %stack3A_259 = vector.shape_cast %slice3A_254 : vector<128xf32> to vector<1x128xf32>
    %stack3A_260 = vector.shape_cast %slice3A_255 : vector<128xf32> to vector<1x128xf32>
    %stack3A_261 = vector.shape_cast %slice3A_256 : vector<128xf32> to vector<1x128xf32>
    %stack3A_262 = vector.shape_cast %slice3A_257 : vector<128xf32> to vector<1x128xf32>
    %stack3A_263 = vector.shape_cast %slice3A_258 : vector<128xf32> to vector<1x128xf32>
    %stack3A_264 = tpu.concatenate %stack3A_259, %stack3A_260, %stack3A_261, %stack3A_262, %stack3A_263 in 0 : vector<1x128xf32>, vector<1x128xf32>, vector<1x128xf32>, vector<1x128xf32>, vector<1x128xf32> -> vector<5x128xf32>
    %broadcast_in_dim3A_265 = vector.shape_cast %stack3A_264 : vector<5x128xf32> to vector<5x1x128xf32>
    %broadcast_in_dim3A_266 = vector.broadcast %broadcast_in_dim3A_265 : vector<5x1x128xf32> to vector<5x4x128xf32>
    %reshape3A_267 = vector.shape_cast %broadcast_in_dim3A_266 : vector<5x4x128xf32> to vector<20x128xf32>
    %jit3A_268 = arith.constant 0.000000e+00 : f32
    %broadcast_in_dim3A_269 = vector.broadcast %jit3A_268 : f32 to vector<20x128xf32>
    %select_n3A_270 = arith.select %eq3A_57, %reshape3A_267, %broadcast_in_dim3A_269 : vector<20x128xi1>, vector<20x128xf32>
    %slice3A_271 = vector.extract_strided_slice %get3A_1 {offsets = [1280, 0], sizes = [128, 64], strides = [1, 1]} : vector<2560x64xf32> to vector<128x64xf32>
    %dot_general3A_272 = arith.constant dense<0.000000e+00> : vector<20x64xf32>
    %dot_general3A_273 = tpu.matmul %select_n3A_270, %slice3A_271, %dot_general3A_272 {dimension_numbers = #tpu.dot_dimension_numbers<[1], [0], [0], [1], [0, 0, 1, 1], [], []>, transpose_lhs_hint = false} : vector<20x128xf32>, vector<128x64xf32>, vector<20x64xf32> -> vector<20x64xf32>
    %slice3A_274 = vector.extract_strided_slice %squeeze3A {offsets = [1408], sizes = [128], strides = [1]} : vector<2560xf32> to vector<128xf32>
    %slice3A_275 = vector.extract_strided_slice %squeeze3A_7 {offsets = [1408], sizes = [128], strides = [1]} : vector<2560xf32> to vector<128xf32>
    %slice3A_276 = vector.extract_strided_slice %squeeze3A_9 {offsets = [1408], sizes = [128], strides = [1]} : vector<2560xf32> to vector<128xf32>
    %slice3A_277 = vector.extract_strided_slice %squeeze3A_11 {offsets = [1408], sizes = [128], strides = [1]} : vector<2560xf32> to vector<128xf32>
    %slice3A_278 = vector.extract_strided_slice %squeeze3A_13 {offsets = [1408], sizes = [128], strides = [1]} : vector<2560xf32> to vector<128xf32>
    %stack3A_279 = vector.shape_cast %slice3A_274 : vector<128xf32> to vector<1x128xf32>
    %stack3A_280 = vector.shape_cast %slice3A_275 : vector<128xf32> to vector<1x128xf32>
    %stack3A_281 = vector.shape_cast %slice3A_276 : vector<128xf32> to vector<1x128xf32>
    %stack3A_282 = vector.shape_cast %slice3A_277 : vector<128xf32> to vector<1x128xf32>
    %stack3A_283 = vector.shape_cast %slice3A_278 : vector<128xf32> to vector<1x128xf32>
    %stack3A_284 = tpu.concatenate %stack3A_279, %stack3A_280, %stack3A_281, %stack3A_282, %stack3A_283 in 0 : vector<1x128xf32>, vector<1x128xf32>, vector<1x128xf32>, vector<1x128xf32>, vector<1x128xf32> -> vector<5x128xf32>
    %broadcast_in_dim3A_285 = vector.shape_cast %stack3A_284 : vector<5x128xf32> to vector<5x1x128xf32>
    %broadcast_in_dim3A_286 = vector.broadcast %broadcast_in_dim3A_285 : vector<5x1x128xf32> to vector<5x4x128xf32>
    %reshape3A_287 = vector.shape_cast %broadcast_in_dim3A_286 : vector<5x4x128xf32> to vector<20x128xf32>
    %jit3A_288 = arith.constant 0.000000e+00 : f32
    %broadcast_in_dim3A_289 = vector.broadcast %jit3A_288 : f32 to vector<20x128xf32>
    %select_n3A_290 = arith.select %eq3A_57, %reshape3A_287, %broadcast_in_dim3A_289 : vector<20x128xi1>, vector<20x128xf32>
    %slice3A_291 = vector.extract_strided_slice %get3A_1 {offsets = [1408, 0], sizes = [128, 64], strides = [1, 1]} : vector<2560x64xf32> to vector<128x64xf32>
    %dot_general3A_292 = arith.constant dense<0.000000e+00> : vector<20x64xf32>
    %dot_general3A_293 = tpu.matmul %select_n3A_290, %slice3A_291, %dot_general3A_292 {dimension_numbers = #tpu.dot_dimension_numbers<[1], [0], [0], [1], [0, 0, 1, 1], [], []>, transpose_lhs_hint = false} : vector<20x128xf32>, vector<128x64xf32>, vector<20x64xf32> -> vector<20x64xf32>
    %slice3A_294 = vector.extract_strided_slice %squeeze3A {offsets = [1536], sizes = [128], strides = [1]} : vector<2560xf32> to vector<128xf32>
    %slice3A_295 = vector.extract_strided_slice %squeeze3A_7 {offsets = [1536], sizes = [128], strides = [1]} : vector<2560xf32> to vector<128xf32>
    %slice3A_296 = vector.extract_strided_slice %squeeze3A_9 {offsets = [1536], sizes = [128], strides = [1]} : vector<2560xf32> to vector<128xf32>
    %slice3A_297 = vector.extract_strided_slice %squeeze3A_11 {offsets = [1536], sizes = [128], strides = [1]} : vector<2560xf32> to vector<128xf32>
    %slice3A_298 = vector.extract_strided_slice %squeeze3A_13 {offsets = [1536], sizes = [128], strides = [1]} : vector<2560xf32> to vector<128xf32>
    %stack3A_299 = vector.shape_cast %slice3A_294 : vector<128xf32> to vector<1x128xf32>
    %stack3A_300 = vector.shape_cast %slice3A_295 : vector<128xf32> to vector<1x128xf32>
    %stack3A_301 = vector.shape_cast %slice3A_296 : vector<128xf32> to vector<1x128xf32>
    %stack3A_302 = vector.shape_cast %slice3A_297 : vector<128xf32> to vector<1x128xf32>
    %stack3A_303 = vector.shape_cast %slice3A_298 : vector<128xf32> to vector<1x128xf32>
    %stack3A_304 = tpu.concatenate %stack3A_299, %stack3A_300, %stack3A_301, %stack3A_302, %stack3A_303 in 0 : vector<1x128xf32>, vector<1x128xf32>, vector<1x128xf32>, vector<1x128xf32>, vector<1x128xf32> -> vector<5x128xf32>
    %broadcast_in_dim3A_305 = vector.shape_cast %stack3A_304 : vector<5x128xf32> to vector<5x1x128xf32>
    %broadcast_in_dim3A_306 = vector.broadcast %broadcast_in_dim3A_305 : vector<5x1x128xf32> to vector<5x4x128xf32>
    %reshape3A_307 = vector.shape_cast %broadcast_in_dim3A_306 : vector<5x4x128xf32> to vector<20x128xf32>
    %jit3A_308 = arith.constant 0.000000e+00 : f32
    %broadcast_in_dim3A_309 = vector.broadcast %jit3A_308 : f32 to vector<20x128xf32>
    %select_n3A_310 = arith.select %eq3A_57, %reshape3A_307, %broadcast_in_dim3A_309 : vector<20x128xi1>, vector<20x128xf32>
    %slice3A_311 = vector.extract_strided_slice %get3A_1 {offsets = [1536, 0], sizes = [128, 64], strides = [1, 1]} : vector<2560x64xf32> to vector<128x64xf32>
    %dot_general3A_312 = arith.constant dense<0.000000e+00> : vector<20x64xf32>
    %dot_general3A_313 = tpu.matmul %select_n3A_310, %slice3A_311, %dot_general3A_312 {dimension_numbers = #tpu.dot_dimension_numbers<[1], [0], [0], [1], [0, 0, 1, 1], [], []>, transpose_lhs_hint = false} : vector<20x128xf32>, vector<128x64xf32>, vector<20x64xf32> -> vector<20x64xf32>
    %slice3A_314 = vector.extract_strided_slice %squeeze3A {offsets = [1664], sizes = [128], strides = [1]} : vector<2560xf32> to vector<128xf32>
    %slice3A_315 = vector.extract_strided_slice %squeeze3A_7 {offsets = [1664], sizes = [128], strides = [1]} : vector<2560xf32> to vector<128xf32>
    %slice3A_316 = vector.extract_strided_slice %squeeze3A_9 {offsets = [1664], sizes = [128], strides = [1]} : vector<2560xf32> to vector<128xf32>
    %slice3A_317 = vector.extract_strided_slice %squeeze3A_11 {offsets = [1664], sizes = [128], strides = [1]} : vector<2560xf32> to vector<128xf32>
    %slice3A_318 = vector.extract_strided_slice %squeeze3A_13 {offsets = [1664], sizes = [128], strides = [1]} : vector<2560xf32> to vector<128xf32>
    %stack3A_319 = vector.shape_cast %slice3A_314 : vector<128xf32> to vector<1x128xf32>
    %stack3A_320 = vector.shape_cast %slice3A_315 : vector<128xf32> to vector<1x128xf32>
    %stack3A_321 = vector.shape_cast %slice3A_316 : vector<128xf32> to vector<1x128xf32>
    %stack3A_322 = vector.shape_cast %slice3A_317 : vector<128xf32> to vector<1x128xf32>
    %stack3A_323 = vector.shape_cast %slice3A_318 : vector<128xf32> to vector<1x128xf32>
    %stack3A_324 = tpu.concatenate %stack3A_319, %stack3A_320, %stack3A_321, %stack3A_322, %stack3A_323 in 0 : vector<1x128xf32>, vector<1x128xf32>, vector<1x128xf32>, vector<1x128xf32>, vector<1x128xf32> -> vector<5x128xf32>
    %broadcast_in_dim3A_325 = vector.shape_cast %stack3A_324 : vector<5x128xf32> to vector<5x1x128xf32>
    %broadcast_in_dim3A_326 = vector.broadcast %broadcast_in_dim3A_325 : vector<5x1x128xf32> to vector<5x4x128xf32>
    %reshape3A_327 = vector.shape_cast %broadcast_in_dim3A_326 : vector<5x4x128xf32> to vector<20x128xf32>
    %jit3A_328 = arith.constant 0.000000e+00 : f32
    %broadcast_in_dim3A_329 = vector.broadcast %jit3A_328 : f32 to vector<20x128xf32>
    %select_n3A_330 = arith.select %eq3A_57, %reshape3A_327, %broadcast_in_dim3A_329 : vector<20x128xi1>, vector<20x128xf32>
    %slice3A_331 = vector.extract_strided_slice %get3A_1 {offsets = [1664, 0], sizes = [128, 64], strides = [1, 1]} : vector<2560x64xf32> to vector<128x64xf32>
    %dot_general3A_332 = arith.constant dense<0.000000e+00> : vector<20x64xf32>
    %dot_general3A_333 = tpu.matmul %select_n3A_330, %slice3A_331, %dot_general3A_332 {dimension_numbers = #tpu.dot_dimension_numbers<[1], [0], [0], [1], [0, 0, 1, 1], [], []>, transpose_lhs_hint = false} : vector<20x128xf32>, vector<128x64xf32>, vector<20x64xf32> -> vector<20x64xf32>
    %slice3A_334 = vector.extract_strided_slice %squeeze3A {offsets = [1792], sizes = [128], strides = [1]} : vector<2560xf32> to vector<128xf32>
    %slice3A_335 = vector.extract_strided_slice %squeeze3A_7 {offsets = [1792], sizes = [128], strides = [1]} : vector<2560xf32> to vector<128xf32>
    %slice3A_336 = vector.extract_strided_slice %squeeze3A_9 {offsets = [1792], sizes = [128], strides = [1]} : vector<2560xf32> to vector<128xf32>
    %slice3A_337 = vector.extract_strided_slice %squeeze3A_11 {offsets = [1792], sizes = [128], strides = [1]} : vector<2560xf32> to vector<128xf32>
    %slice3A_338 = vector.extract_strided_slice %squeeze3A_13 {offsets = [1792], sizes = [128], strides = [1]} : vector<2560xf32> to vector<128xf32>
    %stack3A_339 = vector.shape_cast %slice3A_334 : vector<128xf32> to vector<1x128xf32>
    %stack3A_340 = vector.shape_cast %slice3A_335 : vector<128xf32> to vector<1x128xf32>
    %stack3A_341 = vector.shape_cast %slice3A_336 : vector<128xf32> to vector<1x128xf32>
    %stack3A_342 = vector.shape_cast %slice3A_337 : vector<128xf32> to vector<1x128xf32>
    %stack3A_343 = vector.shape_cast %slice3A_338 : vector<128xf32> to vector<1x128xf32>
    %stack3A_344 = tpu.concatenate %stack3A_339, %stack3A_340, %stack3A_341, %stack3A_342, %stack3A_343 in 0 : vector<1x128xf32>, vector<1x128xf32>, vector<1x128xf32>, vector<1x128xf32>, vector<1x128xf32> -> vector<5x128xf32>
    %broadcast_in_dim3A_345 = vector.shape_cast %stack3A_344 : vector<5x128xf32> to vector<5x1x128xf32>
    %broadcast_in_dim3A_346 = vector.broadcast %broadcast_in_dim3A_345 : vector<5x1x128xf32> to vector<5x4x128xf32>
    %reshape3A_347 = vector.shape_cast %broadcast_in_dim3A_346 : vector<5x4x128xf32> to vector<20x128xf32>
    %jit3A_348 = arith.constant 0.000000e+00 : f32
    %broadcast_in_dim3A_349 = vector.broadcast %jit3A_348 : f32 to vector<20x128xf32>
    %select_n3A_350 = arith.select %eq3A_57, %reshape3A_347, %broadcast_in_dim3A_349 : vector<20x128xi1>, vector<20x128xf32>
    %slice3A_351 = vector.extract_strided_slice %get3A_1 {offsets = [1792, 0], sizes = [128, 64], strides = [1, 1]} : vector<2560x64xf32> to vector<128x64xf32>
    %dot_general3A_352 = arith.constant dense<0.000000e+00> : vector<20x64xf32>
    %dot_general3A_353 = tpu.matmul %select_n3A_350, %slice3A_351, %dot_general3A_352 {dimension_numbers = #tpu.dot_dimension_numbers<[1], [0], [0], [1], [0, 0, 1, 1], [], []>, transpose_lhs_hint = false} : vector<20x128xf32>, vector<128x64xf32>, vector<20x64xf32> -> vector<20x64xf32>
    %slice3A_354 = vector.extract_strided_slice %squeeze3A {offsets = [1920], sizes = [128], strides = [1]} : vector<2560xf32> to vector<128xf32>
    %slice3A_355 = vector.extract_strided_slice %squeeze3A_7 {offsets = [1920], sizes = [128], strides = [1]} : vector<2560xf32> to vector<128xf32>
    %slice3A_356 = vector.extract_strided_slice %squeeze3A_9 {offsets = [1920], sizes = [128], strides = [1]} : vector<2560xf32> to vector<128xf32>
    %slice3A_357 = vector.extract_strided_slice %squeeze3A_11 {offsets = [1920], sizes = [128], strides = [1]} : vector<2560xf32> to vector<128xf32>
    %slice3A_358 = vector.extract_strided_slice %squeeze3A_13 {offsets = [1920], sizes = [128], strides = [1]} : vector<2560xf32> to vector<128xf32>
    %stack3A_359 = vector.shape_cast %slice3A_354 : vector<128xf32> to vector<1x128xf32>
    %stack3A_360 = vector.shape_cast %slice3A_355 : vector<128xf32> to vector<1x128xf32>
    %stack3A_361 = vector.shape_cast %slice3A_356 : vector<128xf32> to vector<1x128xf32>
    %stack3A_362 = vector.shape_cast %slice3A_357 : vector<128xf32> to vector<1x128xf32>
    %stack3A_363 = vector.shape_cast %slice3A_358 : vector<128xf32> to vector<1x128xf32>
    %stack3A_364 = tpu.concatenate %stack3A_359, %stack3A_360, %stack3A_361, %stack3A_362, %stack3A_363 in 0 : vector<1x128xf32>, vector<1x128xf32>, vector<1x128xf32>, vector<1x128xf32>, vector<1x128xf32> -> vector<5x128xf32>
    %broadcast_in_dim3A_365 = vector.shape_cast %stack3A_364 : vector<5x128xf32> to vector<5x1x128xf32>
    %broadcast_in_dim3A_366 = vector.broadcast %broadcast_in_dim3A_365 : vector<5x1x128xf32> to vector<5x4x128xf32>
    %reshape3A_367 = vector.shape_cast %broadcast_in_dim3A_366 : vector<5x4x128xf32> to vector<20x128xf32>
    %jit3A_368 = arith.constant 0.000000e+00 : f32
    %broadcast_in_dim3A_369 = vector.broadcast %jit3A_368 : f32 to vector<20x128xf32>
    %select_n3A_370 = arith.select %eq3A_57, %reshape3A_367, %broadcast_in_dim3A_369 : vector<20x128xi1>, vector<20x128xf32>
    %slice3A_371 = vector.extract_strided_slice %get3A_1 {offsets = [1920, 0], sizes = [128, 64], strides = [1, 1]} : vector<2560x64xf32> to vector<128x64xf32>
    %dot_general3A_372 = arith.constant dense<0.000000e+00> : vector<20x64xf32>
    %dot_general3A_373 = tpu.matmul %select_n3A_370, %slice3A_371, %dot_general3A_372 {dimension_numbers = #tpu.dot_dimension_numbers<[1], [0], [0], [1], [0, 0, 1, 1], [], []>, transpose_lhs_hint = false} : vector<20x128xf32>, vector<128x64xf32>, vector<20x64xf32> -> vector<20x64xf32>
    %slice3A_374 = vector.extract_strided_slice %squeeze3A {offsets = [2048], sizes = [128], strides = [1]} : vector<2560xf32> to vector<128xf32>
    %slice3A_375 = vector.extract_strided_slice %squeeze3A_7 {offsets = [2048], sizes = [128], strides = [1]} : vector<2560xf32> to vector<128xf32>
    %slice3A_376 = vector.extract_strided_slice %squeeze3A_9 {offsets = [2048], sizes = [128], strides = [1]} : vector<2560xf32> to vector<128xf32>
    %slice3A_377 = vector.extract_strided_slice %squeeze3A_11 {offsets = [2048], sizes = [128], strides = [1]} : vector<2560xf32> to vector<128xf32>
    %slice3A_378 = vector.extract_strided_slice %squeeze3A_13 {offsets = [2048], sizes = [128], strides = [1]} : vector<2560xf32> to vector<128xf32>
    %stack3A_379 = vector.shape_cast %slice3A_374 : vector<128xf32> to vector<1x128xf32>
    %stack3A_380 = vector.shape_cast %slice3A_375 : vector<128xf32> to vector<1x128xf32>
    %stack3A_381 = vector.shape_cast %slice3A_376 : vector<128xf32> to vector<1x128xf32>
    %stack3A_382 = vector.shape_cast %slice3A_377 : vector<128xf32> to vector<1x128xf32>
    %stack3A_383 = vector.shape_cast %slice3A_378 : vector<128xf32> to vector<1x128xf32>
    %stack3A_384 = tpu.concatenate %stack3A_379, %stack3A_380, %stack3A_381, %stack3A_382, %stack3A_383 in 0 : vector<1x128xf32>, vector<1x128xf32>, vector<1x128xf32>, vector<1x128xf32>, vector<1x128xf32> -> vector<5x128xf32>
    %broadcast_in_dim3A_385 = vector.shape_cast %stack3A_384 : vector<5x128xf32> to vector<5x1x128xf32>
    %broadcast_in_dim3A_386 = vector.broadcast %broadcast_in_dim3A_385 : vector<5x1x128xf32> to vector<5x4x128xf32>
    %reshape3A_387 = vector.shape_cast %broadcast_in_dim3A_386 : vector<5x4x128xf32> to vector<20x128xf32>
    %jit3A_388 = arith.constant 0.000000e+00 : f32
    %broadcast_in_dim3A_389 = vector.broadcast %jit3A_388 : f32 to vector<20x128xf32>
    %select_n3A_390 = arith.select %eq3A_57, %reshape3A_387, %broadcast_in_dim3A_389 : vector<20x128xi1>, vector<20x128xf32>
    %slice3A_391 = vector.extract_strided_slice %get3A_1 {offsets = [2048, 0], sizes = [128, 64], strides = [1, 1]} : vector<2560x64xf32> to vector<128x64xf32>
    %dot_general3A_392 = arith.constant dense<0.000000e+00> : vector<20x64xf32>
    %dot_general3A_393 = tpu.matmul %select_n3A_390, %slice3A_391, %dot_general3A_392 {dimension_numbers = #tpu.dot_dimension_numbers<[1], [0], [0], [1], [0, 0, 1, 1], [], []>, transpose_lhs_hint = false} : vector<20x128xf32>, vector<128x64xf32>, vector<20x64xf32> -> vector<20x64xf32>
    %slice3A_394 = vector.extract_strided_slice %squeeze3A {offsets = [2176], sizes = [128], strides = [1]} : vector<2560xf32> to vector<128xf32>
    %slice3A_395 = vector.extract_strided_slice %squeeze3A_7 {offsets = [2176], sizes = [128], strides = [1]} : vector<2560xf32> to vector<128xf32>
    %slice3A_396 = vector.extract_strided_slice %squeeze3A_9 {offsets = [2176], sizes = [128], strides = [1]} : vector<2560xf32> to vector<128xf32>
    %slice3A_397 = vector.extract_strided_slice %squeeze3A_11 {offsets = [2176], sizes = [128], strides = [1]} : vector<2560xf32> to vector<128xf32>
    %slice3A_398 = vector.extract_strided_slice %squeeze3A_13 {offsets = [2176], sizes = [128], strides = [1]} : vector<2560xf32> to vector<128xf32>
    %stack3A_399 = vector.shape_cast %slice3A_394 : vector<128xf32> to vector<1x128xf32>
    %stack3A_400 = vector.shape_cast %slice3A_395 : vector<128xf32> to vector<1x128xf32>
    %stack3A_401 = vector.shape_cast %slice3A_396 : vector<128xf32> to vector<1x128xf32>
    %stack3A_402 = vector.shape_cast %slice3A_397 : vector<128xf32> to vector<1x128xf32>
    %stack3A_403 = vector.shape_cast %slice3A_398 : vector<128xf32> to vector<1x128xf32>
    %stack3A_404 = tpu.concatenate %stack3A_399, %stack3A_400, %stack3A_401, %stack3A_402, %stack3A_403 in 0 : vector<1x128xf32>, vector<1x128xf32>, vector<1x128xf32>, vector<1x128xf32>, vector<1x128xf32> -> vector<5x128xf32>
    %broadcast_in_dim3A_405 = vector.shape_cast %stack3A_404 : vector<5x128xf32> to vector<5x1x128xf32>
    %broadcast_in_dim3A_406 = vector.broadcast %broadcast_in_dim3A_405 : vector<5x1x128xf32> to vector<5x4x128xf32>
    %reshape3A_407 = vector.shape_cast %broadcast_in_dim3A_406 : vector<5x4x128xf32> to vector<20x128xf32>
    %jit3A_408 = arith.constant 0.000000e+00 : f32
    %broadcast_in_dim3A_409 = vector.broadcast %jit3A_408 : f32 to vector<20x128xf32>
    %select_n3A_410 = arith.select %eq3A_57, %reshape3A_407, %broadcast_in_dim3A_409 : vector<20x128xi1>, vector<20x128xf32>
    %slice3A_411 = vector.extract_strided_slice %get3A_1 {offsets = [2176, 0], sizes = [128, 64], strides = [1, 1]} : vector<2560x64xf32> to vector<128x64xf32>
    %dot_general3A_412 = arith.constant dense<0.000000e+00> : vector<20x64xf32>
    %dot_general3A_413 = tpu.matmul %select_n3A_410, %slice3A_411, %dot_general3A_412 {dimension_numbers = #tpu.dot_dimension_numbers<[1], [0], [0], [1], [0, 0, 1, 1], [], []>, transpose_lhs_hint = false} : vector<20x128xf32>, vector<128x64xf32>, vector<20x64xf32> -> vector<20x64xf32>
    %slice3A_414 = vector.extract_strided_slice %squeeze3A {offsets = [2304], sizes = [128], strides = [1]} : vector<2560xf32> to vector<128xf32>
    %slice3A_415 = vector.extract_strided_slice %squeeze3A_7 {offsets = [2304], sizes = [128], strides = [1]} : vector<2560xf32> to vector<128xf32>
    %slice3A_416 = vector.extract_strided_slice %squeeze3A_9 {offsets = [2304], sizes = [128], strides = [1]} : vector<2560xf32> to vector<128xf32>
    %slice3A_417 = vector.extract_strided_slice %squeeze3A_11 {offsets = [2304], sizes = [128], strides = [1]} : vector<2560xf32> to vector<128xf32>
    %slice3A_418 = vector.extract_strided_slice %squeeze3A_13 {offsets = [2304], sizes = [128], strides = [1]} : vector<2560xf32> to vector<128xf32>
    %stack3A_419 = vector.shape_cast %slice3A_414 : vector<128xf32> to vector<1x128xf32>
    %stack3A_420 = vector.shape_cast %slice3A_415 : vector<128xf32> to vector<1x128xf32>
    %stack3A_421 = vector.shape_cast %slice3A_416 : vector<128xf32> to vector<1x128xf32>
    %stack3A_422 = vector.shape_cast %slice3A_417 : vector<128xf32> to vector<1x128xf32>
    %stack3A_423 = vector.shape_cast %slice3A_418 : vector<128xf32> to vector<1x128xf32>
    %stack3A_424 = tpu.concatenate %stack3A_419, %stack3A_420, %stack3A_421, %stack3A_422, %stack3A_423 in 0 : vector<1x128xf32>, vector<1x128xf32>, vector<1x128xf32>, vector<1x128xf32>, vector<1x128xf32> -> vector<5x128xf32>
    %broadcast_in_dim3A_425 = vector.shape_cast %stack3A_424 : vector<5x128xf32> to vector<5x1x128xf32>
    %broadcast_in_dim3A_426 = vector.broadcast %broadcast_in_dim3A_425 : vector<5x1x128xf32> to vector<5x4x128xf32>
    %reshape3A_427 = vector.shape_cast %broadcast_in_dim3A_426 : vector<5x4x128xf32> to vector<20x128xf32>
    %jit3A_428 = arith.constant 0.000000e+00 : f32
    %broadcast_in_dim3A_429 = vector.broadcast %jit3A_428 : f32 to vector<20x128xf32>
    %select_n3A_430 = arith.select %eq3A_57, %reshape3A_427, %broadcast_in_dim3A_429 : vector<20x128xi1>, vector<20x128xf32>
    %slice3A_431 = vector.extract_strided_slice %get3A_1 {offsets = [2304, 0], sizes = [128, 64], strides = [1, 1]} : vector<2560x64xf32> to vector<128x64xf32>
    %dot_general3A_432 = arith.constant dense<0.000000e+00> : vector<20x64xf32>
    %dot_general3A_433 = tpu.matmul %select_n3A_430, %slice3A_431, %dot_general3A_432 {dimension_numbers = #tpu.dot_dimension_numbers<[1], [0], [0], [1], [0, 0, 1, 1], [], []>, transpose_lhs_hint = false} : vector<20x128xf32>, vector<128x64xf32>, vector<20x64xf32> -> vector<20x64xf32>
    %slice3A_434 = vector.extract_strided_slice %squeeze3A {offsets = [2432], sizes = [128], strides = [1]} : vector<2560xf32> to vector<128xf32>
    %slice3A_435 = vector.extract_strided_slice %squeeze3A_7 {offsets = [2432], sizes = [128], strides = [1]} : vector<2560xf32> to vector<128xf32>
    %slice3A_436 = vector.extract_strided_slice %squeeze3A_9 {offsets = [2432], sizes = [128], strides = [1]} : vector<2560xf32> to vector<128xf32>
    %slice3A_437 = vector.extract_strided_slice %squeeze3A_11 {offsets = [2432], sizes = [128], strides = [1]} : vector<2560xf32> to vector<128xf32>
    %slice3A_438 = vector.extract_strided_slice %squeeze3A_13 {offsets = [2432], sizes = [128], strides = [1]} : vector<2560xf32> to vector<128xf32>
    %stack3A_439 = vector.shape_cast %slice3A_434 : vector<128xf32> to vector<1x128xf32>
    %stack3A_440 = vector.shape_cast %slice3A_435 : vector<128xf32> to vector<1x128xf32>
    %stack3A_441 = vector.shape_cast %slice3A_436 : vector<128xf32> to vector<1x128xf32>
    %stack3A_442 = vector.shape_cast %slice3A_437 : vector<128xf32> to vector<1x128xf32>
    %stack3A_443 = vector.shape_cast %slice3A_438 : vector<128xf32> to vector<1x128xf32>
    %stack3A_444 = tpu.concatenate %stack3A_439, %stack3A_440, %stack3A_441, %stack3A_442, %stack3A_443 in 0 : vector<1x128xf32>, vector<1x128xf32>, vector<1x128xf32>, vector<1x128xf32>, vector<1x128xf32> -> vector<5x128xf32>
    %broadcast_in_dim3A_445 = vector.shape_cast %stack3A_444 : vector<5x128xf32> to vector<5x1x128xf32>
    %broadcast_in_dim3A_446 = vector.broadcast %broadcast_in_dim3A_445 : vector<5x1x128xf32> to vector<5x4x128xf32>
    %reshape3A_447 = vector.shape_cast %broadcast_in_dim3A_446 : vector<5x4x128xf32> to vector<20x128xf32>
    %jit3A_448 = arith.constant 0.000000e+00 : f32
    %broadcast_in_dim3A_449 = vector.broadcast %jit3A_448 : f32 to vector<20x128xf32>
    %select_n3A_450 = arith.select %eq3A_57, %reshape3A_447, %broadcast_in_dim3A_449 : vector<20x128xi1>, vector<20x128xf32>
    %slice3A_451 = vector.extract_strided_slice %get3A_1 {offsets = [2432, 0], sizes = [128, 64], strides = [1, 1]} : vector<2560x64xf32> to vector<128x64xf32>
    %dot_general3A_452 = arith.constant dense<0.000000e+00> : vector<20x64xf32>
    %dot_general3A_453 = tpu.matmul %select_n3A_450, %slice3A_451, %dot_general3A_452 {dimension_numbers = #tpu.dot_dimension_numbers<[1], [0], [0], [1], [0, 0, 1, 1], [], []>, transpose_lhs_hint = false} : vector<20x128xf32>, vector<128x64xf32>, vector<20x64xf32> -> vector<20x64xf32>
    %stack3A_454 = vector.shape_cast %dot_general3A_73 : vector<20x64xf32> to vector<1x20x64xf32>
    %stack3A_455 = vector.shape_cast %dot_general3A_93 : vector<20x64xf32> to vector<1x20x64xf32>
    %stack3A_456 = vector.shape_cast %dot_general3A_113 : vector<20x64xf32> to vector<1x20x64xf32>
    %stack3A_457 = vector.shape_cast %dot_general3A_133 : vector<20x64xf32> to vector<1x20x64xf32>
    %stack3A_458 = vector.shape_cast %dot_general3A_153 : vector<20x64xf32> to vector<1x20x64xf32>
    %stack3A_459 = vector.shape_cast %dot_general3A_173 : vector<20x64xf32> to vector<1x20x64xf32>
    %stack3A_460 = vector.shape_cast %dot_general3A_193 : vector<20x64xf32> to vector<1x20x64xf32>
    %stack3A_461 = vector.shape_cast %dot_general3A_213 : vector<20x64xf32> to vector<1x20x64xf32>
    %stack3A_462 = vector.shape_cast %dot_general3A_233 : vector<20x64xf32> to vector<1x20x64xf32>
    %stack3A_463 = vector.shape_cast %dot_general3A_253 : vector<20x64xf32> to vector<1x20x64xf32>
    %stack3A_464 = vector.shape_cast %dot_general3A_273 : vector<20x64xf32> to vector<1x20x64xf32>
    %stack3A_465 = vector.shape_cast %dot_general3A_293 : vector<20x64xf32> to vector<1x20x64xf32>
    %stack3A_466 = vector.shape_cast %dot_general3A_313 : vector<20x64xf32> to vector<1x20x64xf32>
    %stack3A_467 = vector.shape_cast %dot_general3A_333 : vector<20x64xf32> to vector<1x20x64xf32>
    %stack3A_468 = vector.shape_cast %dot_general3A_353 : vector<20x64xf32> to vector<1x20x64xf32>
    %stack3A_469 = vector.shape_cast %dot_general3A_373 : vector<20x64xf32> to vector<1x20x64xf32>
    %stack3A_470 = vector.shape_cast %dot_general3A_393 : vector<20x64xf32> to vector<1x20x64xf32>
    %stack3A_471 = vector.shape_cast %dot_general3A_413 : vector<20x64xf32> to vector<1x20x64xf32>
    %stack3A_472 = vector.shape_cast %dot_general3A_433 : vector<20x64xf32> to vector<1x20x64xf32>
    %stack3A_473 = vector.shape_cast %dot_general3A_453 : vector<20x64xf32> to vector<1x20x64xf32>
    %stack3A_474 = tpu.concatenate %stack3A_454, %stack3A_455, %stack3A_456, %stack3A_457, %stack3A_458, %stack3A_459, %stack3A_460, %stack3A_461, %stack3A_462, %stack3A_463, %stack3A_464, %stack3A_465, %stack3A_466, %stack3A_467, %stack3A_468, %stack3A_469, %stack3A_470, %stack3A_471, %stack3A_472, %stack3A_473 in 0 : vector<1x20x64xf32>, vector<1x20x64xf32>, vector<1x20x64xf32>, vector<1x20x64xf32>, vector<1x20x64xf32>, vector<1x20x64xf32>, vector<1x20x64xf32>, vector<1x20x64xf32>, vector<1x20x64xf32>, vector<1x20x64xf32>, vector<1x20x64xf32>, vector<1x20x64xf32>, vector<1x20x64xf32>, vector<1x20x64xf32>, vector<1x20x64xf32>, vector<1x20x64xf32>, vector<1x20x64xf32>, vector<1x20x64xf32>, vector<1x20x64xf32>, vector<1x20x64xf32> -> vector<20x20x64xf32>
    %slice3A_475 = vector.extract_strided_slice %stack3A_474 {offsets = [0, 0, 0], sizes = [20, 4, 64], strides = [1, 1, 1]} : vector<20x20x64xf32> to vector<20x4x64xf32>
    %reshape3A_476 = vector.shape_cast %slice3A_475 : vector<20x4x64xf32> to vector<80x64xf32>
    %slice3A_477 = vector.extract_strided_slice %stack3A_474 {offsets = [0, 4, 0], sizes = [20, 4, 64], strides = [1, 1, 1]} : vector<20x20x64xf32> to vector<20x4x64xf32>
    %reshape3A_478 = vector.shape_cast %slice3A_477 : vector<20x4x64xf32> to vector<80x64xf32>
    %slice3A_479 = vector.extract_strided_slice %stack3A_474 {offsets = [0, 8, 0], sizes = [20, 4, 64], strides = [1, 1, 1]} : vector<20x20x64xf32> to vector<20x4x64xf32>
    %reshape3A_480 = vector.shape_cast %slice3A_479 : vector<20x4x64xf32> to vector<80x64xf32>
    %slice3A_481 = vector.extract_strided_slice %stack3A_474 {offsets = [0, 12, 0], sizes = [20, 4, 64], strides = [1, 1, 1]} : vector<20x20x64xf32> to vector<20x4x64xf32>
    %reshape3A_482 = vector.shape_cast %slice3A_481 : vector<20x4x64xf32> to vector<80x64xf32>
    %slice3A_483 = vector.extract_strided_slice %stack3A_474 {offsets = [0, 16, 0], sizes = [20, 4, 64], strides = [1, 1, 1]} : vector<20x20x64xf32> to vector<20x4x64xf32>
    %reshape3A_484 = vector.shape_cast %slice3A_483 : vector<20x4x64xf32> to vector<80x64xf32>
    %mul3A = arith.constant 3.125000e-02 : f32
    %mul3A_485 = vector.broadcast %mul3A : f32 to vector<80x64xf32>
    %mul3A_486 = arith.mulf %reshape3A_476, %mul3A_485 : vector<80x64xf32>
    %mul3A_487 = arith.constant 3.125000e-02 : f32
    %mul3A_488 = vector.broadcast %mul3A_487 : f32 to vector<80x64xf32>
    %mul3A_489 = arith.mulf %reshape3A_478, %mul3A_488 : vector<80x64xf32>
    %mul3A_490 = arith.constant 3.125000e-02 : f32
    %mul3A_491 = vector.broadcast %mul3A_490 : f32 to vector<80x64xf32>
    %mul3A_492 = arith.mulf %reshape3A_480, %mul3A_491 : vector<80x64xf32>
    %mul3A_493 = arith.constant 3.125000e-02 : f32
    %mul3A_494 = vector.broadcast %mul3A_493 : f32 to vector<80x64xf32>
    %mul3A_495 = arith.mulf %reshape3A_482, %mul3A_494 : vector<80x64xf32>
    %mul3A_496 = arith.constant 3.125000e-02 : f32
    %mul3A_497 = vector.broadcast %mul3A_496 : f32 to vector<80x64xf32>
    %mul3A_498 = arith.mulf %reshape3A_484, %mul3A_497 : vector<80x64xf32>
    %iota3A_499 = tpu.iota {dimensions = array<i32: 0>} : vector<64x64xi32>
    %eq3A_500 = arith.constant 0 : i32
    %eq3A_501 = vector.broadcast %eq3A_500 : i32 to vector<64x64xi32>
    %eq3A_502 = arith.cmpi eq, %iota3A_499, %eq3A_501 : vector<64x64xi32>
    %convert_element_type3A = arith.extui %eq3A_502 : vector<64x64xi1> to vector<64x64xi32>
    %convert_element_type3A_503 = arith.sitofp %convert_element_type3A : vector<64x64xi32> to vector<64x64xf32>
    %dot_general3A_504 = arith.constant dense<0.000000e+00> : vector<80x64xf32>
    %dot_general3A_505 = tpu.matmul %mul3A_489, %convert_element_type3A_503, %dot_general3A_504 {dimension_numbers = #tpu.dot_dimension_numbers<[1], [0], [0], [1], [0, 0, 1, 1], [], []>, transpose_lhs_hint = false} : vector<80x64xf32>, vector<64x64xf32>, vector<80x64xf32> -> vector<80x64xf32>
    %mul3A_506 = arith.mulf %dot_general3A_505, %mul3A_489 : vector<80x64xf32>
    %dot_general3A_507 = arith.constant dense<0.000000e+00> : vector<80x64xf32>
    %dot_general3A_508 = tpu.matmul %mul3A_492, %convert_element_type3A_503, %dot_general3A_507 {dimension_numbers = #tpu.dot_dimension_numbers<[1], [0], [0], [1], [0, 0, 1, 1], [], []>, transpose_lhs_hint = false} : vector<80x64xf32>, vector<64x64xf32>, vector<80x64xf32> -> vector<80x64xf32>
    %mul3A_509 = arith.mulf %dot_general3A_508, %mul3A_492 : vector<80x64xf32>
    %add3A_510 = arith.addf %mul3A_506, %mul3A_509 : vector<80x64xf32>
    %dot_general3A_511 = arith.constant dense<0.000000e+00> : vector<80x64xf32>
    %dot_general3A_512 = tpu.matmul %mul3A_495, %convert_element_type3A_503, %dot_general3A_511 {dimension_numbers = #tpu.dot_dimension_numbers<[1], [0], [0], [1], [0, 0, 1, 1], [], []>, transpose_lhs_hint = false} : vector<80x64xf32>, vector<64x64xf32>, vector<80x64xf32> -> vector<80x64xf32>
    %mul3A_513 = arith.mulf %dot_general3A_512, %mul3A_495 : vector<80x64xf32>
    %add3A_514 = arith.addf %add3A_510, %mul3A_513 : vector<80x64xf32>
    %dot_general3A_515 = arith.constant dense<0.000000e+00> : vector<80x64xf32>
    %dot_general3A_516 = tpu.matmul %mul3A_498, %convert_element_type3A_503, %dot_general3A_515 {dimension_numbers = #tpu.dot_dimension_numbers<[1], [0], [0], [1], [0, 0, 1, 1], [], []>, transpose_lhs_hint = false} : vector<80x64xf32>, vector<64x64xf32>, vector<80x64xf32> -> vector<80x64xf32>
    %mul3A_517 = arith.mulf %dot_general3A_516, %mul3A_498 : vector<80x64xf32>
    %add3A_518 = arith.addf %add3A_514, %mul3A_517 : vector<80x64xf32>
    %iota3A_519 = tpu.iota {dimensions = array<i32: 0>} : vector<64x64xi32>
    %eq3A_520 = arith.constant 1 : i32
    %eq3A_521 = vector.broadcast %eq3A_520 : i32 to vector<64x64xi32>
    %eq3A_522 = arith.cmpi eq, %iota3A_519, %eq3A_521 : vector<64x64xi32>
    %convert_element_type3A_523 = arith.extui %eq3A_522 : vector<64x64xi1> to vector<64x64xi32>
    %convert_element_type3A_524 = arith.sitofp %convert_element_type3A_523 : vector<64x64xi32> to vector<64x64xf32>
    %dot_general3A_525 = arith.constant dense<0.000000e+00> : vector<80x64xf32>
    %dot_general3A_526 = tpu.matmul %mul3A_489, %convert_element_type3A_524, %dot_general3A_525 {dimension_numbers = #tpu.dot_dimension_numbers<[1], [0], [0], [1], [0, 0, 1, 1], [], []>, transpose_lhs_hint = false} : vector<80x64xf32>, vector<64x64xf32>, vector<80x64xf32> -> vector<80x64xf32>
    %mul3A_527 = arith.mulf %dot_general3A_526, %mul3A_489 : vector<80x64xf32>
    %dot_general3A_528 = arith.constant dense<0.000000e+00> : vector<80x64xf32>
    %dot_general3A_529 = tpu.matmul %mul3A_492, %convert_element_type3A_524, %dot_general3A_528 {dimension_numbers = #tpu.dot_dimension_numbers<[1], [0], [0], [1], [0, 0, 1, 1], [], []>, transpose_lhs_hint = false} : vector<80x64xf32>, vector<64x64xf32>, vector<80x64xf32> -> vector<80x64xf32>
    %mul3A_530 = arith.mulf %dot_general3A_529, %mul3A_492 : vector<80x64xf32>
    %add3A_531 = arith.addf %mul3A_527, %mul3A_530 : vector<80x64xf32>
    %dot_general3A_532 = arith.constant dense<0.000000e+00> : vector<80x64xf32>
    %dot_general3A_533 = tpu.matmul %mul3A_495, %convert_element_type3A_524, %dot_general3A_532 {dimension_numbers = #tpu.dot_dimension_numbers<[1], [0], [0], [1], [0, 0, 1, 1], [], []>, transpose_lhs_hint = false} : vector<80x64xf32>, vector<64x64xf32>, vector<80x64xf32> -> vector<80x64xf32>
    %mul3A_534 = arith.mulf %dot_general3A_533, %mul3A_495 : vector<80x64xf32>
    %add3A_535 = arith.addf %add3A_531, %mul3A_534 : vector<80x64xf32>
    %dot_general3A_536 = arith.constant dense<0.000000e+00> : vector<80x64xf32>
    %dot_general3A_537 = tpu.matmul %mul3A_498, %convert_element_type3A_524, %dot_general3A_536 {dimension_numbers = #tpu.dot_dimension_numbers<[1], [0], [0], [1], [0, 0, 1, 1], [], []>, transpose_lhs_hint = false} : vector<80x64xf32>, vector<64x64xf32>, vector<80x64xf32> -> vector<80x64xf32>
    %mul3A_538 = arith.mulf %dot_general3A_537, %mul3A_498 : vector<80x64xf32>
    %add3A_539 = arith.addf %add3A_535, %mul3A_538 : vector<80x64xf32>
    %iota3A_540 = tpu.iota {dimensions = array<i32: 0>} : vector<64x64xi32>
    %eq3A_541 = arith.constant 2 : i32
    %eq3A_542 = vector.broadcast %eq3A_541 : i32 to vector<64x64xi32>
    %eq3A_543 = arith.cmpi eq, %iota3A_540, %eq3A_542 : vector<64x64xi32>
    %convert_element_type3A_544 = arith.extui %eq3A_543 : vector<64x64xi1> to vector<64x64xi32>
    %convert_element_type3A_545 = arith.sitofp %convert_element_type3A_544 : vector<64x64xi32> to vector<64x64xf32>
    %dot_general3A_546 = arith.constant dense<0.000000e+00> : vector<80x64xf32>
    %dot_general3A_547 = tpu.matmul %mul3A_489, %convert_element_type3A_545, %dot_general3A_546 {dimension_numbers = #tpu.dot_dimension_numbers<[1], [0], [0], [1], [0, 0, 1, 1], [], []>, transpose_lhs_hint = false} : vector<80x64xf32>, vector<64x64xf32>, vector<80x64xf32> -> vector<80x64xf32>
    %mul3A_548 = arith.mulf %dot_general3A_547, %mul3A_489 : vector<80x64xf32>
    %dot_general3A_549 = arith.constant dense<0.000000e+00> : vector<80x64xf32>
    %dot_general3A_550 = tpu.matmul %mul3A_492, %convert_element_type3A_545, %dot_general3A_549 {dimension_numbers = #tpu.dot_dimension_numbers<[1], [0], [0], [1], [0, 0, 1, 1], [], []>, transpose_lhs_hint = false} : vector<80x64xf32>, vector<64x64xf32>, vector<80x64xf32> -> vector<80x64xf32>
    %mul3A_551 = arith.mulf %dot_general3A_550, %mul3A_492 : vector<80x64xf32>
    %add3A_552 = arith.addf %mul3A_548, %mul3A_551 : vector<80x64xf32>
    %dot_general3A_553 = arith.constant dense<0.000000e+00> : vector<80x64xf32>
    %dot_general3A_554 = tpu.matmul %mul3A_495, %convert_element_type3A_545, %dot_general3A_553 {dimension_numbers = #tpu.dot_dimension_numbers<[1], [0], [0], [1], [0, 0, 1, 1], [], []>, transpose_lhs_hint = false} : vector<80x64xf32>, vector<64x64xf32>, vector<80x64xf32> -> vector<80x64xf32>
    %mul3A_555 = arith.mulf %dot_general3A_554, %mul3A_495 : vector<80x64xf32>
    %add3A_556 = arith.addf %add3A_552, %mul3A_555 : vector<80x64xf32>
    %dot_general3A_557 = arith.constant dense<0.000000e+00> : vector<80x64xf32>
    %dot_general3A_558 = tpu.matmul %mul3A_498, %convert_element_type3A_545, %dot_general3A_557 {dimension_numbers = #tpu.dot_dimension_numbers<[1], [0], [0], [1], [0, 0, 1, 1], [], []>, transpose_lhs_hint = false} : vector<80x64xf32>, vector<64x64xf32>, vector<80x64xf32> -> vector<80x64xf32>
    %mul3A_559 = arith.mulf %dot_general3A_558, %mul3A_498 : vector<80x64xf32>
    %add3A_560 = arith.addf %add3A_556, %mul3A_559 : vector<80x64xf32>
    %iota3A_561 = tpu.iota {dimensions = array<i32: 0>} : vector<64x64xi32>
    %eq3A_562 = arith.constant 3 : i32
    %eq3A_563 = vector.broadcast %eq3A_562 : i32 to vector<64x64xi32>
    %eq3A_564 = arith.cmpi eq, %iota3A_561, %eq3A_563 : vector<64x64xi32>
    %convert_element_type3A_565 = arith.extui %eq3A_564 : vector<64x64xi1> to vector<64x64xi32>
    %convert_element_type3A_566 = arith.sitofp %convert_element_type3A_565 : vector<64x64xi32> to vector<64x64xf32>
    %dot_general3A_567 = arith.constant dense<0.000000e+00> : vector<80x64xf32>
    %dot_general3A_568 = tpu.matmul %mul3A_489, %convert_element_type3A_566, %dot_general3A_567 {dimension_numbers = #tpu.dot_dimension_numbers<[1], [0], [0], [1], [0, 0, 1, 1], [], []>, transpose_lhs_hint = false} : vector<80x64xf32>, vector<64x64xf32>, vector<80x64xf32> -> vector<80x64xf32>
    %mul3A_569 = arith.mulf %dot_general3A_568, %mul3A_489 : vector<80x64xf32>
    %dot_general3A_570 = arith.constant dense<0.000000e+00> : vector<80x64xf32>
    %dot_general3A_571 = tpu.matmul %mul3A_492, %convert_element_type3A_566, %dot_general3A_570 {dimension_numbers = #tpu.dot_dimension_numbers<[1], [0], [0], [1], [0, 0, 1, 1], [], []>, transpose_lhs_hint = false} : vector<80x64xf32>, vector<64x64xf32>, vector<80x64xf32> -> vector<80x64xf32>
    %mul3A_572 = arith.mulf %dot_general3A_571, %mul3A_492 : vector<80x64xf32>
    %add3A_573 = arith.addf %mul3A_569, %mul3A_572 : vector<80x64xf32>
    %dot_general3A_574 = arith.constant dense<0.000000e+00> : vector<80x64xf32>
    %dot_general3A_575 = tpu.matmul %mul3A_495, %convert_element_type3A_566, %dot_general3A_574 {dimension_numbers = #tpu.dot_dimension_numbers<[1], [0], [0], [1], [0, 0, 1, 1], [], []>, transpose_lhs_hint = false} : vector<80x64xf32>, vector<64x64xf32>, vector<80x64xf32> -> vector<80x64xf32>
    %mul3A_576 = arith.mulf %dot_general3A_575, %mul3A_495 : vector<80x64xf32>
    %add3A_577 = arith.addf %add3A_573, %mul3A_576 : vector<80x64xf32>
    %dot_general3A_578 = arith.constant dense<0.000000e+00> : vector<80x64xf32>
    %dot_general3A_579 = tpu.matmul %mul3A_498, %convert_element_type3A_566, %dot_general3A_578 {dimension_numbers = #tpu.dot_dimension_numbers<[1], [0], [0], [1], [0, 0, 1, 1], [], []>, transpose_lhs_hint = false} : vector<80x64xf32>, vector<64x64xf32>, vector<80x64xf32> -> vector<80x64xf32>
    %mul3A_580 = arith.mulf %dot_general3A_579, %mul3A_498 : vector<80x64xf32>
    %add3A_581 = arith.addf %add3A_577, %mul3A_580 : vector<80x64xf32>
    %concatenate3A = tpu.concatenate %add3A_518, %add3A_539, %add3A_560, %add3A_581 in 1 : vector<80x64xf32>, vector<80x64xf32>, vector<80x64xf32>, vector<80x64xf32> -> vector<80x256xf32>
    %get3A_582 = arith.constant 0 : index
    %get3A_583 = arith.constant 0 : index
    %get3A_584 = vector.load %arg4[%get3A_582, %get3A_583] : memref<80x128xf32, #tpu.memory_space<vmem>>, vector<80x128xf32>
    %get3A_585 = arith.constant 0 : index
    %get3A_586 = arith.constant 0 : index
    %get3A_587 = vector.load %arg5[%get3A_585, %get3A_586] : memref<128x128xf32, #tpu.memory_space<vmem>>, vector<128x128xf32>
    %dot_general3A_588 = arith.constant dense<0.000000e+00> : vector<80x128xf32>
    %dot_general3A_589 = tpu.matmul %get3A_584, %get3A_587, %dot_general3A_588 {dimension_numbers = #tpu.dot_dimension_numbers<[1], [0], [0], [1], [0, 0, 1, 1], [], []>, transpose_lhs_hint = false} : vector<80x128xf32>, vector<128x128xf32>, vector<80x128xf32> -> vector<80x128xf32>
    %get3A_590 = arith.constant 0 : index
    %get3A_591 = arith.constant 0 : index
    %get3A_592 = vector.load %arg6[%get3A_590, %get3A_591] : memref<64x128xf32, #tpu.memory_space<vmem>>, vector<64x128xf32>
    %dot_general3A_593 = arith.constant dense<0.000000e+00> : vector<80x128xf32>
    %dot_general3A_594 = tpu.matmul %mul3A_486, %get3A_592, %dot_general3A_593 {dimension_numbers = #tpu.dot_dimension_numbers<[1], [0], [0], [1], [0, 0, 1, 1], [], []>, transpose_lhs_hint = false} : vector<80x64xf32>, vector<64x128xf32>, vector<80x128xf32> -> vector<80x128xf32>
    %add3A_595 = arith.addf %dot_general3A_589, %dot_general3A_594 : vector<80x128xf32>
    %get3A_596 = arith.constant 0 : index
    %get3A_597 = arith.constant 0 : index
    %get3A_598 = vector.load %arg7[%get3A_596, %get3A_597] : memref<256x128xf32, #tpu.memory_space<vmem>>, vector<256x128xf32>
    %dot_general3A_599 = arith.constant dense<0.000000e+00> : vector<80x128xf32>
    %dot_general3A_600 = tpu.matmul %concatenate3A, %get3A_598, %dot_general3A_599 {dimension_numbers = #tpu.dot_dimension_numbers<[1], [0], [0], [1], [0, 0, 1, 1], [], []>, transpose_lhs_hint = false} : vector<80x256xf32>, vector<256x128xf32>, vector<80x128xf32> -> vector<80x128xf32>
    %add3A_601 = arith.addf %add3A_595, %dot_general3A_600 : vector<80x128xf32>
    %neg3A = arith.constant 0.000000e+00 : f32
    %neg3A_602 = vector.broadcast %neg3A : f32 to vector<80x128xf32>
    %neg3A_603 = arith.subf %neg3A_602, %add3A_601 : vector<80x128xf32>
    %exp3A = math.exp %neg3A_603 : vector<80x128xf32>
    %add3A_604 = arith.constant 1.000000e+00 : f32
    %add3A_605 = vector.broadcast %add3A_604 : f32 to vector<80x128xf32>
    %add3A_606 = arith.addf %add3A_605, %exp3A : vector<80x128xf32>
    %div3A_607 = arith.constant 1.000000e+00 : f32
    %div3A_608 = vector.broadcast %div3A_607 : f32 to vector<80x128xf32>
    %div3A_609 = arith.divf %div3A_608, %add3A_606 : vector<80x128xf32>
    %mul3A_610 = arith.mulf %add3A_601, %div3A_609 : vector<80x128xf32>
    %add3A_611 = arith.addf %get3A_584, %mul3A_610 : vector<80x128xf32>
    %swap3A = arith.constant 0 : index
    %swap3A_612 = arith.constant 0 : index
    %swap3A_613 = vector.load %arg12[%swap3A, %swap3A_612] : memref<80x128xf32, #tpu.memory_space<vmem>>, vector<80x128xf32>
    tpu.vector_store %arg12[%swap3A, %swap3A_612], %add3A_611 {strides = array<i32>} : memref<80x128xf32, #tpu.memory_space<vmem>>, vector<80x128xf32>,
    %get3A_614 = arith.constant 0 : index
    %get3A_615 = arith.constant 0 : index
    %get3A_616 = vector.load %arg8[%get3A_614, %get3A_615] : memref<64x64xf32, #tpu.memory_space<vmem>>, vector<64x64xf32>
    %dot_general3A_617 = arith.constant dense<0.000000e+00> : vector<2560x64xf32>
    %dot_general3A_618 = tpu.matmul %get3A_1, %get3A_616, %dot_general3A_617 {dimension_numbers = #tpu.dot_dimension_numbers<[1], [0], [0], [1], [0, 0, 1, 1], [], []>, transpose_lhs_hint = false} : vector<2560x64xf32>, vector<64x64xf32>, vector<2560x64xf32> -> vector<2560x64xf32>
    %get3A_619 = arith.constant 0 : index
    %get3A_620 = arith.constant 0 : index
    %get3A_621 = vector.load %arg9[%get3A_619, %get3A_620] : memref<128x64xf32, #tpu.memory_space<vmem>>, vector<128x64xf32>
    %dot_general3A_622 = arith.constant dense<0.000000e+00> : vector<80x64xf32>
    %dot_general3A_623 = tpu.matmul %add3A_611, %get3A_621, %dot_general3A_622 {dimension_numbers = #tpu.dot_dimension_numbers<[1], [0], [0], [1], [0, 0, 1, 1], [], []>, transpose_lhs_hint = false} : vector<80x128xf32>, vector<128x64xf32>, vector<80x64xf32> -> vector<80x64xf32>
    %broadcast_in_dim3A_624 = vector.shape_cast %dot_general3A_623 : vector<80x64xf32> to vector<80x1x64xf32>
    %broadcast_in_dim3A_625 = vector.broadcast %broadcast_in_dim3A_624 : vector<80x1x64xf32> to vector<80x32x64xf32>
    %reshape3A_626 = vector.shape_cast %broadcast_in_dim3A_625 : vector<80x32x64xf32> to vector<2560x64xf32>
    %add3A_627 = arith.addf %dot_general3A_618, %reshape3A_626 : vector<2560x64xf32>
    %get3A_628 = arith.constant 0 : index
    %get3A_629 = arith.constant 0 : index
    %get3A_630 = vector.load %arg2[%get3A_628, %get3A_629] : memref<2560x64xf32, #tpu.memory_space<vmem>>, vector<2560x64xf32>
    %add3A_631 = arith.addf %add3A_627, %get3A_630 : vector<2560x64xf32>
    %neg3A_632 = arith.constant 0.000000e+00 : f32
    %neg3A_633 = vector.broadcast %neg3A_632 : f32 to vector<2560x64xf32>
    %neg3A_634 = arith.subf %neg3A_633, %add3A_631 : vector<2560x64xf32>
    %exp3A_635 = math.exp %neg3A_634 : vector<2560x64xf32>
    %add3A_636 = arith.constant 1.000000e+00 : f32
    %add3A_637 = vector.broadcast %add3A_636 : f32 to vector<2560x64xf32>
    %add3A_638 = arith.addf %add3A_637, %exp3A_635 : vector<2560x64xf32>
    %div3A_639 = arith.constant 1.000000e+00 : f32
    %div3A_640 = vector.broadcast %div3A_639 : f32 to vector<2560x64xf32>
    %div3A_641 = arith.divf %div3A_640, %add3A_638 : vector<2560x64xf32>
    %mul3A_642 = arith.mulf %add3A_631, %div3A_641 : vector<2560x64xf32>
    %add3A_643 = arith.addf %get3A_1, %mul3A_642 : vector<2560x64xf32>
    %reshape3A_644 = vector.shape_cast %add3A_643 : vector<2560x64xf32> to vector<80x32x64xf32>
    %swap3A_645 = arith.constant 0 : index
    %swap3A_646 = arith.constant 0 : index
    %swap3A_647 = arith.constant 0 : index
    %swap3A_648 = vector.load %arg11[%swap3A_645, %swap3A_646, %swap3A_647] : memref<80x32x64xf32, #tpu.memory_space<vmem>>, vector<80x32x64xf32>
    tpu.vector_store %arg11[%swap3A_645, %swap3A_646, %swap3A_647], %reshape3A_644 {strides = array<i32>} : memref<80x32x64xf32, #tpu.memory_space<vmem>>, vector<80x32x64xf32>,
    %iota3A_649 = tpu.iota {dimensions = array<i32: 0>} : vector<12x128xi32>
    %iota3A_650 = tpu.iota {dimensions = array<i32: 1>} : vector<12x128xi32>
    %jit3A_651 = arith.constant 32 : i32
    %div3A_652 = vector.broadcast %jit3A_651 : i32 to vector<12x128xi32>
    %div3A_653 = arith.divsi %iota3A_650, %div3A_652 : vector<12x128xi32>
    %sign3A_654 = arith.constant 0 : i32
    %sign3A_655 = vector.broadcast %sign3A_654 : i32 to vector<12x128xi32>
    %sign3A_656 = arith.cmpi sgt, %iota3A_650, %sign3A_655 : vector<12x128xi32>
    %sign3A_657 = arith.extui %sign3A_656 : vector<12x128xi1> to vector<12x128xi32>
    %sign3A_658 = arith.constant 0 : i32
    %sign3A_659 = vector.broadcast %sign3A_658 : i32 to vector<12x128xi32>
    %sign3A_660 = arith.cmpi slt, %iota3A_650, %sign3A_659 : vector<12x128xi32>
    %sign3A_661 = arith.extui %sign3A_660 : vector<12x128xi1> to vector<12x128xi32>
    %sign3A_662 = arith.subi %sign3A_657, %sign3A_661 : vector<12x128xi32>
    %sign3A_663 = arith.constant 0 : i32
    %sign3A_664 = arith.cmpi sgt, %jit3A_651, %sign3A_663 : i32
    %sign3A_665 = arith.extui %sign3A_664 : i1 to i32
    %sign3A_666 = arith.constant 0 : i32
    %sign3A_667 = arith.cmpi slt, %jit3A_651, %sign3A_666 : i32
    %sign3A_668 = arith.extui %sign3A_667 : i1 to i32
    %sign3A_669 = arith.subi %sign3A_665, %sign3A_668 : i32
    %ne3A_670 = vector.broadcast %sign3A_669 : i32 to vector<12x128xi32>
    %ne3A_671 = arith.cmpi ne, %sign3A_662, %ne3A_670 : vector<12x128xi32>
    %rem3A_672 = vector.broadcast %jit3A_651 : i32 to vector<12x128xi32>
    %rem3A_673 = arith.remsi %iota3A_650, %rem3A_672 : vector<12x128xi32>
    %ne3A_674 = arith.constant 0 : i32
    %ne3A_675 = vector.broadcast %ne3A_674 : i32 to vector<12x128xi32>
    %ne3A_676 = arith.cmpi ne, %rem3A_673, %ne3A_675 : vector<12x128xi32>
    %and3A_677 = arith.andi %ne3A_671, %ne3A_676 : vector<12x128xi1>
    %sub3A_678 = arith.constant 1 : i32
    %sub3A_679 = vector.broadcast %sub3A_678 : i32 to vector<12x128xi32>
    %sub3A_680 = arith.subi %div3A_653, %sub3A_679 : vector<12x128xi32>
    %select_n3A_681 = arith.select %and3A_677, %sub3A_680, %div3A_653 : vector<12x128xi1>, vector<12x128xi32>
    %jit3A_682 = arith.constant 4 : i32
    %eq3A_683 = arith.constant 0 : i32
    %eq3A_684 = arith.cmpi eq, %jit3A_682, %eq3A_683 : i32
    %jit3A_685 = arith.constant 1 : i32
    %select_n3A_686 = arith.select %eq3A_684, %jit3A_685, %jit3A_682 : i32
    %rem3A_687 = vector.broadcast %select_n3A_686 : i32 to vector<12x128xi32>
    %rem3A_688 = arith.remsi %iota3A_649, %rem3A_687 : vector<12x128xi32>
    %ne3A_689 = arith.constant 0 : i32
    %ne3A_690 = vector.broadcast %ne3A_689 : i32 to vector<12x128xi32>
    %ne3A_691 = arith.cmpi ne, %rem3A_688, %ne3A_690 : vector<12x128xi32>
    %lt3A_692 = arith.constant 0 : i32
    %lt3A_693 = vector.broadcast %lt3A_692 : i32 to vector<12x128xi32>
    %lt3A_694 = arith.cmpi slt, %rem3A_688, %lt3A_693 : vector<12x128xi32>
    %lt3A_695 = arith.constant 0 : i32
    %lt3A_696 = arith.cmpi slt, %select_n3A_686, %lt3A_695 : i32
    %ne3A_697 = vector.broadcast %lt3A_696 : i1 to vector<12x128xi1>
    %ne3A_698 = vector.broadcast %ne3A_697 : vector<12x128xi1> to vector<12x128xi1>
    %ne3A_699 = arith.xori %lt3A_694, %ne3A_698 : vector<12x128xi1>
    %and3A_700 = arith.andi %ne3A_699, %ne3A_691 : vector<12x128xi1>
    %add3A_701 = vector.broadcast %select_n3A_686 : i32 to vector<12x128xi32>
    %add3A_702 = arith.addi %rem3A_688, %add3A_701 : vector<12x128xi32>
    %select_n3A_703 = arith.select %and3A_700, %add3A_702, %rem3A_688 : vector<12x128xi1>, vector<12x128xi32>
    %eq3A_704 = arith.cmpi eq, %select_n3A_681, %select_n3A_703 : vector<12x128xi32>
    %slice3A_705 = vector.extract_strided_slice %squeeze3A_9 {offsets = [0], sizes = [128], strides = [1]} : vector<2560xf32> to vector<128xf32>
    %slice3A_706 = vector.extract_strided_slice %squeeze3A_11 {offsets = [0], sizes = [128], strides = [1]} : vector<2560xf32> to vector<128xf32>
    %slice3A_707 = vector.extract_strided_slice %squeeze3A_13 {offsets = [0], sizes = [128], strides = [1]} : vector<2560xf32> to vector<128xf32>
    %stack3A_708 = vector.shape_cast %slice3A_705 : vector<128xf32> to vector<1x128xf32>
    %stack3A_709 = vector.shape_cast %slice3A_706 : vector<128xf32> to vector<1x128xf32>
    %stack3A_710 = vector.shape_cast %slice3A_707 : vector<128xf32> to vector<1x128xf32>
    %stack3A_711 = tpu.concatenate %stack3A_708, %stack3A_709, %stack3A_710 in 0 : vector<1x128xf32>, vector<1x128xf32>, vector<1x128xf32> -> vector<3x128xf32>
    %broadcast_in_dim3A_712 = vector.shape_cast %stack3A_711 : vector<3x128xf32> to vector<3x1x128xf32>
    %broadcast_in_dim3A_713 = vector.broadcast %broadcast_in_dim3A_712 : vector<3x1x128xf32> to vector<3x4x128xf32>
    %reshape3A_714 = vector.shape_cast %broadcast_in_dim3A_713 : vector<3x4x128xf32> to vector<12x128xf32>
    %jit3A_715 = arith.constant 0.000000e+00 : f32
    %broadcast_in_dim3A_716 = vector.broadcast %jit3A_715 : f32 to vector<12x128xf32>
    %select_n3A_717 = arith.select %eq3A_704, %reshape3A_714, %broadcast_in_dim3A_716 : vector<12x128xi1>, vector<12x128xf32>
    %slice3A_718 = vector.extract_strided_slice %add3A_643 {offsets = [0, 0], sizes = [128, 64], strides = [1, 1]} : vector<2560x64xf32> to vector<128x64xf32>
    %dot_general3A_719 = arith.constant dense<0.000000e+00> : vector<12x64xf32>
    %dot_general3A_720 = tpu.matmul %select_n3A_717, %slice3A_718, %dot_general3A_719 {dimension_numbers = #tpu.dot_dimension_numbers<[1], [0], [0], [1], [0, 0, 1, 1], [], []>, transpose_lhs_hint = false} : vector<12x128xf32>, vector<128x64xf32>, vector<12x64xf32> -> vector<12x64xf32>
    %slice3A_721 = vector.extract_strided_slice %squeeze3A_9 {offsets = [128], sizes = [128], strides = [1]} : vector<2560xf32> to vector<128xf32>
    %slice3A_722 = vector.extract_strided_slice %squeeze3A_11 {offsets = [128], sizes = [128], strides = [1]} : vector<2560xf32> to vector<128xf32>
    %slice3A_723 = vector.extract_strided_slice %squeeze3A_13 {offsets = [128], sizes = [128], strides = [1]} : vector<2560xf32> to vector<128xf32>
    %stack3A_724 = vector.shape_cast %slice3A_721 : vector<128xf32> to vector<1x128xf32>
    %stack3A_725 = vector.shape_cast %slice3A_722 : vector<128xf32> to vector<1x128xf32>
    %stack3A_726 = vector.shape_cast %slice3A_723 : vector<128xf32> to vector<1x128xf32>
    %stack3A_727 = tpu.concatenate %stack3A_724, %stack3A_725, %stack3A_726 in 0 : vector<1x128xf32>, vector<1x128xf32>, vector<1x128xf32> -> vector<3x128xf32>
    %broadcast_in_dim3A_728 = vector.shape_cast %stack3A_727 : vector<3x128xf32> to vector<3x1x128xf32>
    %broadcast_in_dim3A_729 = vector.broadcast %broadcast_in_dim3A_728 : vector<3x1x128xf32> to vector<3x4x128xf32>
    %reshape3A_730 = vector.shape_cast %broadcast_in_dim3A_729 : vector<3x4x128xf32> to vector<12x128xf32>
    %jit3A_731 = arith.constant 0.000000e+00 : f32
    %broadcast_in_dim3A_732 = vector.broadcast %jit3A_731 : f32 to vector<12x128xf32>
    %select_n3A_733 = arith.select %eq3A_704, %reshape3A_730, %broadcast_in_dim3A_732 : vector<12x128xi1>, vector<12x128xf32>
    %slice3A_734 = vector.extract_strided_slice %add3A_643 {offsets = [128, 0], sizes = [128, 64], strides = [1, 1]} : vector<2560x64xf32> to vector<128x64xf32>
    %dot_general3A_735 = arith.constant dense<0.000000e+00> : vector<12x64xf32>
    %dot_general3A_736 = tpu.matmul %select_n3A_733, %slice3A_734, %dot_general3A_735 {dimension_numbers = #tpu.dot_dimension_numbers<[1], [0], [0], [1], [0, 0, 1, 1], [], []>, transpose_lhs_hint = false} : vector<12x128xf32>, vector<128x64xf32>, vector<12x64xf32> -> vector<12x64xf32>
    %slice3A_737 = vector.extract_strided_slice %squeeze3A_9 {offsets = [256], sizes = [128], strides = [1]} : vector<2560xf32> to vector<128xf32>
    %slice3A_738 = vector.extract_strided_slice %squeeze3A_11 {offsets = [256], sizes = [128], strides = [1]} : vector<2560xf32> to vector<128xf32>
    %slice3A_739 = vector.extract_strided_slice %squeeze3A_13 {offsets = [256], sizes = [128], strides = [1]} : vector<2560xf32> to vector<128xf32>
    %stack3A_740 = vector.shape_cast %slice3A_737 : vector<128xf32> to vector<1x128xf32>
    %stack3A_741 = vector.shape_cast %slice3A_738 : vector<128xf32> to vector<1x128xf32>
    %stack3A_742 = vector.shape_cast %slice3A_739 : vector<128xf32> to vector<1x128xf32>
    %stack3A_743 = tpu.concatenate %stack3A_740, %stack3A_741, %stack3A_742 in 0 : vector<1x128xf32>, vector<1x128xf32>, vector<1x128xf32> -> vector<3x128xf32>
    %broadcast_in_dim3A_744 = vector.shape_cast %stack3A_743 : vector<3x128xf32> to vector<3x1x128xf32>
    %broadcast_in_dim3A_745 = vector.broadcast %broadcast_in_dim3A_744 : vector<3x1x128xf32> to vector<3x4x128xf32>
    %reshape3A_746 = vector.shape_cast %broadcast_in_dim3A_745 : vector<3x4x128xf32> to vector<12x128xf32>
    %jit3A_747 = arith.constant 0.000000e+00 : f32
    %broadcast_in_dim3A_748 = vector.broadcast %jit3A_747 : f32 to vector<12x128xf32>
    %select_n3A_749 = arith.select %eq3A_704, %reshape3A_746, %broadcast_in_dim3A_748 : vector<12x128xi1>, vector<12x128xf32>
    %slice3A_750 = vector.extract_strided_slice %add3A_643 {offsets = [256, 0], sizes = [128, 64], strides = [1, 1]} : vector<2560x64xf32> to vector<128x64xf32>
    %dot_general3A_751 = arith.constant dense<0.000000e+00> : vector<12x64xf32>
    %dot_general3A_752 = tpu.matmul %select_n3A_749, %slice3A_750, %dot_general3A_751 {dimension_numbers = #tpu.dot_dimension_numbers<[1], [0], [0], [1], [0, 0, 1, 1], [], []>, transpose_lhs_hint = false} : vector<12x128xf32>, vector<128x64xf32>, vector<12x64xf32> -> vector<12x64xf32>
    %slice3A_753 = vector.extract_strided_slice %squeeze3A_9 {offsets = [384], sizes = [128], strides = [1]} : vector<2560xf32> to vector<128xf32>
    %slice3A_754 = vector.extract_strided_slice %squeeze3A_11 {offsets = [384], sizes = [128], strides = [1]} : vector<2560xf32> to vector<128xf32>
    %slice3A_755 = vector.extract_strided_slice %squeeze3A_13 {offsets = [384], sizes = [128], strides = [1]} : vector<2560xf32> to vector<128xf32>
    %stack3A_756 = vector.shape_cast %slice3A_753 : vector<128xf32> to vector<1x128xf32>
    %stack3A_757 = vector.shape_cast %slice3A_754 : vector<128xf32> to vector<1x128xf32>
    %stack3A_758 = vector.shape_cast %slice3A_755 : vector<128xf32> to vector<1x128xf32>
    %stack3A_759 = tpu.concatenate %stack3A_756, %stack3A_757, %stack3A_758 in 0 : vector<1x128xf32>, vector<1x128xf32>, vector<1x128xf32> -> vector<3x128xf32>
    %broadcast_in_dim3A_760 = vector.shape_cast %stack3A_759 : vector<3x128xf32> to vector<3x1x128xf32>
    %broadcast_in_dim3A_761 = vector.broadcast %broadcast_in_dim3A_760 : vector<3x1x128xf32> to vector<3x4x128xf32>
    %reshape3A_762 = vector.shape_cast %broadcast_in_dim3A_761 : vector<3x4x128xf32> to vector<12x128xf32>
    %jit3A_763 = arith.constant 0.000000e+00 : f32
    %broadcast_in_dim3A_764 = vector.broadcast %jit3A_763 : f32 to vector<12x128xf32>
    %select_n3A_765 = arith.select %eq3A_704, %reshape3A_762, %broadcast_in_dim3A_764 : vector<12x128xi1>, vector<12x128xf32>
    %slice3A_766 = vector.extract_strided_slice %add3A_643 {offsets = [384, 0], sizes = [128, 64], strides = [1, 1]} : vector<2560x64xf32> to vector<128x64xf32>
    %dot_general3A_767 = arith.constant dense<0.000000e+00> : vector<12x64xf32>
    %dot_general3A_768 = tpu.matmul %select_n3A_765, %slice3A_766, %dot_general3A_767 {dimension_numbers = #tpu.dot_dimension_numbers<[1], [0], [0], [1], [0, 0, 1, 1], [], []>, transpose_lhs_hint = false} : vector<12x128xf32>, vector<128x64xf32>, vector<12x64xf32> -> vector<12x64xf32>
    %slice3A_769 = vector.extract_strided_slice %squeeze3A_9 {offsets = [512], sizes = [128], strides = [1]} : vector<2560xf32> to vector<128xf32>
    %slice3A_770 = vector.extract_strided_slice %squeeze3A_11 {offsets = [512], sizes = [128], strides = [1]} : vector<2560xf32> to vector<128xf32>
    %slice3A_771 = vector.extract_strided_slice %squeeze3A_13 {offsets = [512], sizes = [128], strides = [1]} : vector<2560xf32> to vector<128xf32>
    %stack3A_772 = vector.shape_cast %slice3A_769 : vector<128xf32> to vector<1x128xf32>
    %stack3A_773 = vector.shape_cast %slice3A_770 : vector<128xf32> to vector<1x128xf32>
    %stack3A_774 = vector.shape_cast %slice3A_771 : vector<128xf32> to vector<1x128xf32>
    %stack3A_775 = tpu.concatenate %stack3A_772, %stack3A_773, %stack3A_774 in 0 : vector<1x128xf32>, vector<1x128xf32>, vector<1x128xf32> -> vector<3x128xf32>
    %broadcast_in_dim3A_776 = vector.shape_cast %stack3A_775 : vector<3x128xf32> to vector<3x1x128xf32>
    %broadcast_in_dim3A_777 = vector.broadcast %broadcast_in_dim3A_776 : vector<3x1x128xf32> to vector<3x4x128xf32>
    %reshape3A_778 = vector.shape_cast %broadcast_in_dim3A_777 : vector<3x4x128xf32> to vector<12x128xf32>
    %jit3A_779 = arith.constant 0.000000e+00 : f32
    %broadcast_in_dim3A_780 = vector.broadcast %jit3A_779 : f32 to vector<12x128xf32>
    %select_n3A_781 = arith.select %eq3A_704, %reshape3A_778, %broadcast_in_dim3A_780 : vector<12x128xi1>, vector<12x128xf32>
    %slice3A_782 = vector.extract_strided_slice %add3A_643 {offsets = [512, 0], sizes = [128, 64], strides = [1, 1]} : vector<2560x64xf32> to vector<128x64xf32>
    %dot_general3A_783 = arith.constant dense<0.000000e+00> : vector<12x64xf32>
    %dot_general3A_784 = tpu.matmul %select_n3A_781, %slice3A_782, %dot_general3A_783 {dimension_numbers = #tpu.dot_dimension_numbers<[1], [0], [0], [1], [0, 0, 1, 1], [], []>, transpose_lhs_hint = false} : vector<12x128xf32>, vector<128x64xf32>, vector<12x64xf32> -> vector<12x64xf32>
    %slice3A_785 = vector.extract_strided_slice %squeeze3A_9 {offsets = [640], sizes = [128], strides = [1]} : vector<2560xf32> to vector<128xf32>
    %slice3A_786 = vector.extract_strided_slice %squeeze3A_11 {offsets = [640], sizes = [128], strides = [1]} : vector<2560xf32> to vector<128xf32>
    %slice3A_787 = vector.extract_strided_slice %squeeze3A_13 {offsets = [640], sizes = [128], strides = [1]} : vector<2560xf32> to vector<128xf32>
    %stack3A_788 = vector.shape_cast %slice3A_785 : vector<128xf32> to vector<1x128xf32>
    %stack3A_789 = vector.shape_cast %slice3A_786 : vector<128xf32> to vector<1x128xf32>
    %stack3A_790 = vector.shape_cast %slice3A_787 : vector<128xf32> to vector<1x128xf32>
    %stack3A_791 = tpu.concatenate %stack3A_788, %stack3A_789, %stack3A_790 in 0 : vector<1x128xf32>, vector<1x128xf32>, vector<1x128xf32> -> vector<3x128xf32>
    %broadcast_in_dim3A_792 = vector.shape_cast %stack3A_791 : vector<3x128xf32> to vector<3x1x128xf32>
    %broadcast_in_dim3A_793 = vector.broadcast %broadcast_in_dim3A_792 : vector<3x1x128xf32> to vector<3x4x128xf32>
    %reshape3A_794 = vector.shape_cast %broadcast_in_dim3A_793 : vector<3x4x128xf32> to vector<12x128xf32>
    %jit3A_795 = arith.constant 0.000000e+00 : f32
    %broadcast_in_dim3A_796 = vector.broadcast %jit3A_795 : f32 to vector<12x128xf32>
    %select_n3A_797 = arith.select %eq3A_704, %reshape3A_794, %broadcast_in_dim3A_796 : vector<12x128xi1>, vector<12x128xf32>
    %slice3A_798 = vector.extract_strided_slice %add3A_643 {offsets = [640, 0], sizes = [128, 64], strides = [1, 1]} : vector<2560x64xf32> to vector<128x64xf32>
    %dot_general3A_799 = arith.constant dense<0.000000e+00> : vector<12x64xf32>
    %dot_general3A_800 = tpu.matmul %select_n3A_797, %slice3A_798, %dot_general3A_799 {dimension_numbers = #tpu.dot_dimension_numbers<[1], [0], [0], [1], [0, 0, 1, 1], [], []>, transpose_lhs_hint = false} : vector<12x128xf32>, vector<128x64xf32>, vector<12x64xf32> -> vector<12x64xf32>
    %slice3A_801 = vector.extract_strided_slice %squeeze3A_9 {offsets = [768], sizes = [128], strides = [1]} : vector<2560xf32> to vector<128xf32>
    %slice3A_802 = vector.extract_strided_slice %squeeze3A_11 {offsets = [768], sizes = [128], strides = [1]} : vector<2560xf32> to vector<128xf32>
    %slice3A_803 = vector.extract_strided_slice %squeeze3A_13 {offsets = [768], sizes = [128], strides = [1]} : vector<2560xf32> to vector<128xf32>
    %stack3A_804 = vector.shape_cast %slice3A_801 : vector<128xf32> to vector<1x128xf32>
    %stack3A_805 = vector.shape_cast %slice3A_802 : vector<128xf32> to vector<1x128xf32>
    %stack3A_806 = vector.shape_cast %slice3A_803 : vector<128xf32> to vector<1x128xf32>
    %stack3A_807 = tpu.concatenate %stack3A_804, %stack3A_805, %stack3A_806 in 0 : vector<1x128xf32>, vector<1x128xf32>, vector<1x128xf32> -> vector<3x128xf32>
    %broadcast_in_dim3A_808 = vector.shape_cast %stack3A_807 : vector<3x128xf32> to vector<3x1x128xf32>
    %broadcast_in_dim3A_809 = vector.broadcast %broadcast_in_dim3A_808 : vector<3x1x128xf32> to vector<3x4x128xf32>
    %reshape3A_810 = vector.shape_cast %broadcast_in_dim3A_809 : vector<3x4x128xf32> to vector<12x128xf32>
    %jit3A_811 = arith.constant 0.000000e+00 : f32
    %broadcast_in_dim3A_812 = vector.broadcast %jit3A_811 : f32 to vector<12x128xf32>
    %select_n3A_813 = arith.select %eq3A_704, %reshape3A_810, %broadcast_in_dim3A_812 : vector<12x128xi1>, vector<12x128xf32>
    %slice3A_814 = vector.extract_strided_slice %add3A_643 {offsets = [768, 0], sizes = [128, 64], strides = [1, 1]} : vector<2560x64xf32> to vector<128x64xf32>
    %dot_general3A_815 = arith.constant dense<0.000000e+00> : vector<12x64xf32>
    %dot_general3A_816 = tpu.matmul %select_n3A_813, %slice3A_814, %dot_general3A_815 {dimension_numbers = #tpu.dot_dimension_numbers<[1], [0], [0], [1], [0, 0, 1, 1], [], []>, transpose_lhs_hint = false} : vector<12x128xf32>, vector<128x64xf32>, vector<12x64xf32> -> vector<12x64xf32>
    %slice3A_817 = vector.extract_strided_slice %squeeze3A_9 {offsets = [896], sizes = [128], strides = [1]} : vector<2560xf32> to vector<128xf32>
    %slice3A_818 = vector.extract_strided_slice %squeeze3A_11 {offsets = [896], sizes = [128], strides = [1]} : vector<2560xf32> to vector<128xf32>
    %slice3A_819 = vector.extract_strided_slice %squeeze3A_13 {offsets = [896], sizes = [128], strides = [1]} : vector<2560xf32> to vector<128xf32>
    %stack3A_820 = vector.shape_cast %slice3A_817 : vector<128xf32> to vector<1x128xf32>
    %stack3A_821 = vector.shape_cast %slice3A_818 : vector<128xf32> to vector<1x128xf32>
    %stack3A_822 = vector.shape_cast %slice3A_819 : vector<128xf32> to vector<1x128xf32>
    %stack3A_823 = tpu.concatenate %stack3A_820, %stack3A_821, %stack3A_822 in 0 : vector<1x128xf32>, vector<1x128xf32>, vector<1x128xf32> -> vector<3x128xf32>
    %broadcast_in_dim3A_824 = vector.shape_cast %stack3A_823 : vector<3x128xf32> to vector<3x1x128xf32>
    %broadcast_in_dim3A_825 = vector.broadcast %broadcast_in_dim3A_824 : vector<3x1x128xf32> to vector<3x4x128xf32>
    %reshape3A_826 = vector.shape_cast %broadcast_in_dim3A_825 : vector<3x4x128xf32> to vector<12x128xf32>
    %jit3A_827 = arith.constant 0.000000e+00 : f32
    %broadcast_in_dim3A_828 = vector.broadcast %jit3A_827 : f32 to vector<12x128xf32>
    %select_n3A_829 = arith.select %eq3A_704, %reshape3A_826, %broadcast_in_dim3A_828 : vector<12x128xi1>, vector<12x128xf32>
    %slice3A_830 = vector.extract_strided_slice %add3A_643 {offsets = [896, 0], sizes = [128, 64], strides = [1, 1]} : vector<2560x64xf32> to vector<128x64xf32>
    %dot_general3A_831 = arith.constant dense<0.000000e+00> : vector<12x64xf32>
    %dot_general3A_832 = tpu.matmul %select_n3A_829, %slice3A_830, %dot_general3A_831 {dimension_numbers = #tpu.dot_dimension_numbers<[1], [0], [0], [1], [0, 0, 1, 1], [], []>, transpose_lhs_hint = false} : vector<12x128xf32>, vector<128x64xf32>, vector<12x64xf32> -> vector<12x64xf32>
    %slice3A_833 = vector.extract_strided_slice %squeeze3A_9 {offsets = [1024], sizes = [128], strides = [1]} : vector<2560xf32> to vector<128xf32>
    %slice3A_834 = vector.extract_strided_slice %squeeze3A_11 {offsets = [1024], sizes = [128], strides = [1]} : vector<2560xf32> to vector<128xf32>
    %slice3A_835 = vector.extract_strided_slice %squeeze3A_13 {offsets = [1024], sizes = [128], strides = [1]} : vector<2560xf32> to vector<128xf32>
    %stack3A_836 = vector.shape_cast %slice3A_833 : vector<128xf32> to vector<1x128xf32>
    %stack3A_837 = vector.shape_cast %slice3A_834 : vector<128xf32> to vector<1x128xf32>
    %stack3A_838 = vector.shape_cast %slice3A_835 : vector<128xf32> to vector<1x128xf32>
    %stack3A_839 = tpu.concatenate %stack3A_836, %stack3A_837, %stack3A_838 in 0 : vector<1x128xf32>, vector<1x128xf32>, vector<1x128xf32> -> vector<3x128xf32>
    %broadcast_in_dim3A_840 = vector.shape_cast %stack3A_839 : vector<3x128xf32> to vector<3x1x128xf32>
    %broadcast_in_dim3A_841 = vector.broadcast %broadcast_in_dim3A_840 : vector<3x1x128xf32> to vector<3x4x128xf32>
    %reshape3A_842 = vector.shape_cast %broadcast_in_dim3A_841 : vector<3x4x128xf32> to vector<12x128xf32>
    %jit3A_843 = arith.constant 0.000000e+00 : f32
    %broadcast_in_dim3A_844 = vector.broadcast %jit3A_843 : f32 to vector<12x128xf32>
    %select_n3A_845 = arith.select %eq3A_704, %reshape3A_842, %broadcast_in_dim3A_844 : vector<12x128xi1>, vector<12x128xf32>
    %slice3A_846 = vector.extract_strided_slice %add3A_643 {offsets = [1024, 0], sizes = [128, 64], strides = [1, 1]} : vector<2560x64xf32> to vector<128x64xf32>
    %dot_general3A_847 = arith.constant dense<0.000000e+00> : vector<12x64xf32>
    %dot_general3A_848 = tpu.matmul %select_n3A_845, %slice3A_846, %dot_general3A_847 {dimension_numbers = #tpu.dot_dimension_numbers<[1], [0], [0], [1], [0, 0, 1, 1], [], []>, transpose_lhs_hint = false} : vector<12x128xf32>, vector<128x64xf32>, vector<12x64xf32> -> vector<12x64xf32>
    %slice3A_849 = vector.extract_strided_slice %squeeze3A_9 {offsets = [1152], sizes = [128], strides = [1]} : vector<2560xf32> to vector<128xf32>
    %slice3A_850 = vector.extract_strided_slice %squeeze3A_11 {offsets = [1152], sizes = [128], strides = [1]} : vector<2560xf32> to vector<128xf32>
    %slice3A_851 = vector.extract_strided_slice %squeeze3A_13 {offsets = [1152], sizes = [128], strides = [1]} : vector<2560xf32> to vector<128xf32>
    %stack3A_852 = vector.shape_cast %slice3A_849 : vector<128xf32> to vector<1x128xf32>
    %stack3A_853 = vector.shape_cast %slice3A_850 : vector<128xf32> to vector<1x128xf32>
    %stack3A_854 = vector.shape_cast %slice3A_851 : vector<128xf32> to vector<1x128xf32>
    %stack3A_855 = tpu.concatenate %stack3A_852, %stack3A_853, %stack3A_854 in 0 : vector<1x128xf32>, vector<1x128xf32>, vector<1x128xf32> -> vector<3x128xf32>
    %broadcast_in_dim3A_856 = vector.shape_cast %stack3A_855 : vector<3x128xf32> to vector<3x1x128xf32>
    %broadcast_in_dim3A_857 = vector.broadcast %broadcast_in_dim3A_856 : vector<3x1x128xf32> to vector<3x4x128xf32>
    %reshape3A_858 = vector.shape_cast %broadcast_in_dim3A_857 : vector<3x4x128xf32> to vector<12x128xf32>
    %jit3A_859 = arith.constant 0.000000e+00 : f32
    %broadcast_in_dim3A_860 = vector.broadcast %jit3A_859 : f32 to vector<12x128xf32>
    %select_n3A_861 = arith.select %eq3A_704, %reshape3A_858, %broadcast_in_dim3A_860 : vector<12x128xi1>, vector<12x128xf32>
    %slice3A_862 = vector.extract_strided_slice %add3A_643 {offsets = [1152, 0], sizes = [128, 64], strides = [1, 1]} : vector<2560x64xf32> to vector<128x64xf32>
    %dot_general3A_863 = arith.constant dense<0.000000e+00> : vector<12x64xf32>
    %dot_general3A_864 = tpu.matmul %select_n3A_861, %slice3A_862, %dot_general3A_863 {dimension_numbers = #tpu.dot_dimension_numbers<[1], [0], [0], [1], [0, 0, 1, 1], [], []>, transpose_lhs_hint = false} : vector<12x128xf32>, vector<128x64xf32>, vector<12x64xf32> -> vector<12x64xf32>
    %slice3A_865 = vector.extract_strided_slice %squeeze3A_9 {offsets = [1280], sizes = [128], strides = [1]} : vector<2560xf32> to vector<128xf32>
    %slice3A_866 = vector.extract_strided_slice %squeeze3A_11 {offsets = [1280], sizes = [128], strides = [1]} : vector<2560xf32> to vector<128xf32>
    %slice3A_867 = vector.extract_strided_slice %squeeze3A_13 {offsets = [1280], sizes = [128], strides = [1]} : vector<2560xf32> to vector<128xf32>
    %stack3A_868 = vector.shape_cast %slice3A_865 : vector<128xf32> to vector<1x128xf32>
    %stack3A_869 = vector.shape_cast %slice3A_866 : vector<128xf32> to vector<1x128xf32>
    %stack3A_870 = vector.shape_cast %slice3A_867 : vector<128xf32> to vector<1x128xf32>
    %stack3A_871 = tpu.concatenate %stack3A_868, %stack3A_869, %stack3A_870 in 0 : vector<1x128xf32>, vector<1x128xf32>, vector<1x128xf32> -> vector<3x128xf32>
    %broadcast_in_dim3A_872 = vector.shape_cast %stack3A_871 : vector<3x128xf32> to vector<3x1x128xf32>
    %broadcast_in_dim3A_873 = vector.broadcast %broadcast_in_dim3A_872 : vector<3x1x128xf32> to vector<3x4x128xf32>
    %reshape3A_874 = vector.shape_cast %broadcast_in_dim3A_873 : vector<3x4x128xf32> to vector<12x128xf32>
    %jit3A_875 = arith.constant 0.000000e+00 : f32
    %broadcast_in_dim3A_876 = vector.broadcast %jit3A_875 : f32 to vector<12x128xf32>
    %select_n3A_877 = arith.select %eq3A_704, %reshape3A_874, %broadcast_in_dim3A_876 : vector<12x128xi1>, vector<12x128xf32>
    %slice3A_878 = vector.extract_strided_slice %add3A_643 {offsets = [1280, 0], sizes = [128, 64], strides = [1, 1]} : vector<2560x64xf32> to vector<128x64xf32>
    %dot_general3A_879 = arith.constant dense<0.000000e+00> : vector<12x64xf32>
    %dot_general3A_880 = tpu.matmul %select_n3A_877, %slice3A_878, %dot_general3A_879 {dimension_numbers = #tpu.dot_dimension_numbers<[1], [0], [0], [1], [0, 0, 1, 1], [], []>, transpose_lhs_hint = false} : vector<12x128xf32>, vector<128x64xf32>, vector<12x64xf32> -> vector<12x64xf32>
    %slice3A_881 = vector.extract_strided_slice %squeeze3A_9 {offsets = [1408], sizes = [128], strides = [1]} : vector<2560xf32> to vector<128xf32>
    %slice3A_882 = vector.extract_strided_slice %squeeze3A_11 {offsets = [1408], sizes = [128], strides = [1]} : vector<2560xf32> to vector<128xf32>
    %slice3A_883 = vector.extract_strided_slice %squeeze3A_13 {offsets = [1408], sizes = [128], strides = [1]} : vector<2560xf32> to vector<128xf32>
    %stack3A_884 = vector.shape_cast %slice3A_881 : vector<128xf32> to vector<1x128xf32>
    %stack3A_885 = vector.shape_cast %slice3A_882 : vector<128xf32> to vector<1x128xf32>
    %stack3A_886 = vector.shape_cast %slice3A_883 : vector<128xf32> to vector<1x128xf32>
    %stack3A_887 = tpu.concatenate %stack3A_884, %stack3A_885, %stack3A_886 in 0 : vector<1x128xf32>, vector<1x128xf32>, vector<1x128xf32> -> vector<3x128xf32>
    %broadcast_in_dim3A_888 = vector.shape_cast %stack3A_887 : vector<3x128xf32> to vector<3x1x128xf32>
    %broadcast_in_dim3A_889 = vector.broadcast %broadcast_in_dim3A_888 : vector<3x1x128xf32> to vector<3x4x128xf32>
    %reshape3A_890 = vector.shape_cast %broadcast_in_dim3A_889 : vector<3x4x128xf32> to vector<12x128xf32>
    %jit3A_891 = arith.constant 0.000000e+00 : f32
    %broadcast_in_dim3A_892 = vector.broadcast %jit3A_891 : f32 to vector<12x128xf32>
    %select_n3A_893 = arith.select %eq3A_704, %reshape3A_890, %broadcast_in_dim3A_892 : vector<12x128xi1>, vector<12x128xf32>
    %slice3A_894 = vector.extract_strided_slice %add3A_643 {offsets = [1408, 0], sizes = [128, 64], strides = [1, 1]} : vector<2560x64xf32> to vector<128x64xf32>
    %dot_general3A_895 = arith.constant dense<0.000000e+00> : vector<12x64xf32>
    %dot_general3A_896 = tpu.matmul %select_n3A_893, %slice3A_894, %dot_general3A_895 {dimension_numbers = #tpu.dot_dimension_numbers<[1], [0], [0], [1], [0, 0, 1, 1], [], []>, transpose_lhs_hint = false} : vector<12x128xf32>, vector<128x64xf32>, vector<12x64xf32> -> vector<12x64xf32>
    %slice3A_897 = vector.extract_strided_slice %squeeze3A_9 {offsets = [1536], sizes = [128], strides = [1]} : vector<2560xf32> to vector<128xf32>
    %slice3A_898 = vector.extract_strided_slice %squeeze3A_11 {offsets = [1536], sizes = [128], strides = [1]} : vector<2560xf32> to vector<128xf32>
    %slice3A_899 = vector.extract_strided_slice %squeeze3A_13 {offsets = [1536], sizes = [128], strides = [1]} : vector<2560xf32> to vector<128xf32>
    %stack3A_900 = vector.shape_cast %slice3A_897 : vector<128xf32> to vector<1x128xf32>
    %stack3A_901 = vector.shape_cast %slice3A_898 : vector<128xf32> to vector<1x128xf32>
    %stack3A_902 = vector.shape_cast %slice3A_899 : vector<128xf32> to vector<1x128xf32>
    %stack3A_903 = tpu.concatenate %stack3A_900, %stack3A_901, %stack3A_902 in 0 : vector<1x128xf32>, vector<1x128xf32>, vector<1x128xf32> -> vector<3x128xf32>
    %broadcast_in_dim3A_904 = vector.shape_cast %stack3A_903 : vector<3x128xf32> to vector<3x1x128xf32>
    %broadcast_in_dim3A_905 = vector.broadcast %broadcast_in_dim3A_904 : vector<3x1x128xf32> to vector<3x4x128xf32>
    %reshape3A_906 = vector.shape_cast %broadcast_in_dim3A_905 : vector<3x4x128xf32> to vector<12x128xf32>
    %jit3A_907 = arith.constant 0.000000e+00 : f32
    %broadcast_in_dim3A_908 = vector.broadcast %jit3A_907 : f32 to vector<12x128xf32>
    %select_n3A_909 = arith.select %eq3A_704, %reshape3A_906, %broadcast_in_dim3A_908 : vector<12x128xi1>, vector<12x128xf32>
    %slice3A_910 = vector.extract_strided_slice %add3A_643 {offsets = [1536, 0], sizes = [128, 64], strides = [1, 1]} : vector<2560x64xf32> to vector<128x64xf32>
    %dot_general3A_911 = arith.constant dense<0.000000e+00> : vector<12x64xf32>
    %dot_general3A_912 = tpu.matmul %select_n3A_909, %slice3A_910, %dot_general3A_911 {dimension_numbers = #tpu.dot_dimension_numbers<[1], [0], [0], [1], [0, 0, 1, 1], [], []>, transpose_lhs_hint = false} : vector<12x128xf32>, vector<128x64xf32>, vector<12x64xf32> -> vector<12x64xf32>
    %slice3A_913 = vector.extract_strided_slice %squeeze3A_9 {offsets = [1664], sizes = [128], strides = [1]} : vector<2560xf32> to vector<128xf32>
    %slice3A_914 = vector.extract_strided_slice %squeeze3A_11 {offsets = [1664], sizes = [128], strides = [1]} : vector<2560xf32> to vector<128xf32>
    %slice3A_915 = vector.extract_strided_slice %squeeze3A_13 {offsets = [1664], sizes = [128], strides = [1]} : vector<2560xf32> to vector<128xf32>
    %stack3A_916 = vector.shape_cast %slice3A_913 : vector<128xf32> to vector<1x128xf32>
    %stack3A_917 = vector.shape_cast %slice3A_914 : vector<128xf32> to vector<1x128xf32>
    %stack3A_918 = vector.shape_cast %slice3A_915 : vector<128xf32> to vector<1x128xf32>
    %stack3A_919 = tpu.concatenate %stack3A_916, %stack3A_917, %stack3A_918 in 0 : vector<1x128xf32>, vector<1x128xf32>, vector<1x128xf32> -> vector<3x128xf32>
    %broadcast_in_dim3A_920 = vector.shape_cast %stack3A_919 : vector<3x128xf32> to vector<3x1x128xf32>
    %broadcast_in_dim3A_921 = vector.broadcast %broadcast_in_dim3A_920 : vector<3x1x128xf32> to vector<3x4x128xf32>
    %reshape3A_922 = vector.shape_cast %broadcast_in_dim3A_921 : vector<3x4x128xf32> to vector<12x128xf32>
    %jit3A_923 = arith.constant 0.000000e+00 : f32
    %broadcast_in_dim3A_924 = vector.broadcast %jit3A_923 : f32 to vector<12x128xf32>
    %select_n3A_925 = arith.select %eq3A_704, %reshape3A_922, %broadcast_in_dim3A_924 : vector<12x128xi1>, vector<12x128xf32>
    %slice3A_926 = vector.extract_strided_slice %add3A_643 {offsets = [1664, 0], sizes = [128, 64], strides = [1, 1]} : vector<2560x64xf32> to vector<128x64xf32>
    %dot_general3A_927 = arith.constant dense<0.000000e+00> : vector<12x64xf32>
    %dot_general3A_928 = tpu.matmul %select_n3A_925, %slice3A_926, %dot_general3A_927 {dimension_numbers = #tpu.dot_dimension_numbers<[1], [0], [0], [1], [0, 0, 1, 1], [], []>, transpose_lhs_hint = false} : vector<12x128xf32>, vector<128x64xf32>, vector<12x64xf32> -> vector<12x64xf32>
    %slice3A_929 = vector.extract_strided_slice %squeeze3A_9 {offsets = [1792], sizes = [128], strides = [1]} : vector<2560xf32> to vector<128xf32>
    %slice3A_930 = vector.extract_strided_slice %squeeze3A_11 {offsets = [1792], sizes = [128], strides = [1]} : vector<2560xf32> to vector<128xf32>
    %slice3A_931 = vector.extract_strided_slice %squeeze3A_13 {offsets = [1792], sizes = [128], strides = [1]} : vector<2560xf32> to vector<128xf32>
    %stack3A_932 = vector.shape_cast %slice3A_929 : vector<128xf32> to vector<1x128xf32>
    %stack3A_933 = vector.shape_cast %slice3A_930 : vector<128xf32> to vector<1x128xf32>
    %stack3A_934 = vector.shape_cast %slice3A_931 : vector<128xf32> to vector<1x128xf32>
    %stack3A_935 = tpu.concatenate %stack3A_932, %stack3A_933, %stack3A_934 in 0 : vector<1x128xf32>, vector<1x128xf32>, vector<1x128xf32> -> vector<3x128xf32>
    %broadcast_in_dim3A_936 = vector.shape_cast %stack3A_935 : vector<3x128xf32> to vector<3x1x128xf32>
    %broadcast_in_dim3A_937 = vector.broadcast %broadcast_in_dim3A_936 : vector<3x1x128xf32> to vector<3x4x128xf32>
    %reshape3A_938 = vector.shape_cast %broadcast_in_dim3A_937 : vector<3x4x128xf32> to vector<12x128xf32>
    %jit3A_939 = arith.constant 0.000000e+00 : f32
    %broadcast_in_dim3A_940 = vector.broadcast %jit3A_939 : f32 to vector<12x128xf32>
    %select_n3A_941 = arith.select %eq3A_704, %reshape3A_938, %broadcast_in_dim3A_940 : vector<12x128xi1>, vector<12x128xf32>
    %slice3A_942 = vector.extract_strided_slice %add3A_643 {offsets = [1792, 0], sizes = [128, 64], strides = [1, 1]} : vector<2560x64xf32> to vector<128x64xf32>
    %dot_general3A_943 = arith.constant dense<0.000000e+00> : vector<12x64xf32>
    %dot_general3A_944 = tpu.matmul %select_n3A_941, %slice3A_942, %dot_general3A_943 {dimension_numbers = #tpu.dot_dimension_numbers<[1], [0], [0], [1], [0, 0, 1, 1], [], []>, transpose_lhs_hint = false} : vector<12x128xf32>, vector<128x64xf32>, vector<12x64xf32> -> vector<12x64xf32>
    %slice3A_945 = vector.extract_strided_slice %squeeze3A_9 {offsets = [1920], sizes = [128], strides = [1]} : vector<2560xf32> to vector<128xf32>
    %slice3A_946 = vector.extract_strided_slice %squeeze3A_11 {offsets = [1920], sizes = [128], strides = [1]} : vector<2560xf32> to vector<128xf32>
    %slice3A_947 = vector.extract_strided_slice %squeeze3A_13 {offsets = [1920], sizes = [128], strides = [1]} : vector<2560xf32> to vector<128xf32>
    %stack3A_948 = vector.shape_cast %slice3A_945 : vector<128xf32> to vector<1x128xf32>
    %stack3A_949 = vector.shape_cast %slice3A_946 : vector<128xf32> to vector<1x128xf32>
    %stack3A_950 = vector.shape_cast %slice3A_947 : vector<128xf32> to vector<1x128xf32>
    %stack3A_951 = tpu.concatenate %stack3A_948, %stack3A_949, %stack3A_950 in 0 : vector<1x128xf32>, vector<1x128xf32>, vector<1x128xf32> -> vector<3x128xf32>
    %broadcast_in_dim3A_952 = vector.shape_cast %stack3A_951 : vector<3x128xf32> to vector<3x1x128xf32>
    %broadcast_in_dim3A_953 = vector.broadcast %broadcast_in_dim3A_952 : vector<3x1x128xf32> to vector<3x4x128xf32>
    %reshape3A_954 = vector.shape_cast %broadcast_in_dim3A_953 : vector<3x4x128xf32> to vector<12x128xf32>
    %jit3A_955 = arith.constant 0.000000e+00 : f32
    %broadcast_in_dim3A_956 = vector.broadcast %jit3A_955 : f32 to vector<12x128xf32>
    %select_n3A_957 = arith.select %eq3A_704, %reshape3A_954, %broadcast_in_dim3A_956 : vector<12x128xi1>, vector<12x128xf32>
    %slice3A_958 = vector.extract_strided_slice %add3A_643 {offsets = [1920, 0], sizes = [128, 64], strides = [1, 1]} : vector<2560x64xf32> to vector<128x64xf32>
    %dot_general3A_959 = arith.constant dense<0.000000e+00> : vector<12x64xf32>
    %dot_general3A_960 = tpu.matmul %select_n3A_957, %slice3A_958, %dot_general3A_959 {dimension_numbers = #tpu.dot_dimension_numbers<[1], [0], [0], [1], [0, 0, 1, 1], [], []>, transpose_lhs_hint = false} : vector<12x128xf32>, vector<128x64xf32>, vector<12x64xf32> -> vector<12x64xf32>
    %slice3A_961 = vector.extract_strided_slice %squeeze3A_9 {offsets = [2048], sizes = [128], strides = [1]} : vector<2560xf32> to vector<128xf32>
    %slice3A_962 = vector.extract_strided_slice %squeeze3A_11 {offsets = [2048], sizes = [128], strides = [1]} : vector<2560xf32> to vector<128xf32>
    %slice3A_963 = vector.extract_strided_slice %squeeze3A_13 {offsets = [2048], sizes = [128], strides = [1]} : vector<2560xf32> to vector<128xf32>
    %stack3A_964 = vector.shape_cast %slice3A_961 : vector<128xf32> to vector<1x128xf32>
    %stack3A_965 = vector.shape_cast %slice3A_962 : vector<128xf32> to vector<1x128xf32>
    %stack3A_966 = vector.shape_cast %slice3A_963 : vector<128xf32> to vector<1x128xf32>
    %stack3A_967 = tpu.concatenate %stack3A_964, %stack3A_965, %stack3A_966 in 0 : vector<1x128xf32>, vector<1x128xf32>, vector<1x128xf32> -> vector<3x128xf32>
    %broadcast_in_dim3A_968 = vector.shape_cast %stack3A_967 : vector<3x128xf32> to vector<3x1x128xf32>
    %broadcast_in_dim3A_969 = vector.broadcast %broadcast_in_dim3A_968 : vector<3x1x128xf32> to vector<3x4x128xf32>
    %reshape3A_970 = vector.shape_cast %broadcast_in_dim3A_969 : vector<3x4x128xf32> to vector<12x128xf32>
    %jit3A_971 = arith.constant 0.000000e+00 : f32
    %broadcast_in_dim3A_972 = vector.broadcast %jit3A_971 : f32 to vector<12x128xf32>
    %select_n3A_973 = arith.select %eq3A_704, %reshape3A_970, %broadcast_in_dim3A_972 : vector<12x128xi1>, vector<12x128xf32>
    %slice3A_974 = vector.extract_strided_slice %add3A_643 {offsets = [2048, 0], sizes = [128, 64], strides = [1, 1]} : vector<2560x64xf32> to vector<128x64xf32>
    %dot_general3A_975 = arith.constant dense<0.000000e+00> : vector<12x64xf32>
    %dot_general3A_976 = tpu.matmul %select_n3A_973, %slice3A_974, %dot_general3A_975 {dimension_numbers = #tpu.dot_dimension_numbers<[1], [0], [0], [1], [0, 0, 1, 1], [], []>, transpose_lhs_hint = false} : vector<12x128xf32>, vector<128x64xf32>, vector<12x64xf32> -> vector<12x64xf32>
    %slice3A_977 = vector.extract_strided_slice %squeeze3A_9 {offsets = [2176], sizes = [128], strides = [1]} : vector<2560xf32> to vector<128xf32>
    %slice3A_978 = vector.extract_strided_slice %squeeze3A_11 {offsets = [2176], sizes = [128], strides = [1]} : vector<2560xf32> to vector<128xf32>
    %slice3A_979 = vector.extract_strided_slice %squeeze3A_13 {offsets = [2176], sizes = [128], strides = [1]} : vector<2560xf32> to vector<128xf32>
    %stack3A_980 = vector.shape_cast %slice3A_977 : vector<128xf32> to vector<1x128xf32>
    %stack3A_981 = vector.shape_cast %slice3A_978 : vector<128xf32> to vector<1x128xf32>
    %stack3A_982 = vector.shape_cast %slice3A_979 : vector<128xf32> to vector<1x128xf32>
    %stack3A_983 = tpu.concatenate %stack3A_980, %stack3A_981, %stack3A_982 in 0 : vector<1x128xf32>, vector<1x128xf32>, vector<1x128xf32> -> vector<3x128xf32>
    %broadcast_in_dim3A_984 = vector.shape_cast %stack3A_983 : vector<3x128xf32> to vector<3x1x128xf32>
    %broadcast_in_dim3A_985 = vector.broadcast %broadcast_in_dim3A_984 : vector<3x1x128xf32> to vector<3x4x128xf32>
    %reshape3A_986 = vector.shape_cast %broadcast_in_dim3A_985 : vector<3x4x128xf32> to vector<12x128xf32>
    %jit3A_987 = arith.constant 0.000000e+00 : f32
    %broadcast_in_dim3A_988 = vector.broadcast %jit3A_987 : f32 to vector<12x128xf32>
    %select_n3A_989 = arith.select %eq3A_704, %reshape3A_986, %broadcast_in_dim3A_988 : vector<12x128xi1>, vector<12x128xf32>
    %slice3A_990 = vector.extract_strided_slice %add3A_643 {offsets = [2176, 0], sizes = [128, 64], strides = [1, 1]} : vector<2560x64xf32> to vector<128x64xf32>
    %dot_general3A_991 = arith.constant dense<0.000000e+00> : vector<12x64xf32>
    %dot_general3A_992 = tpu.matmul %select_n3A_989, %slice3A_990, %dot_general3A_991 {dimension_numbers = #tpu.dot_dimension_numbers<[1], [0], [0], [1], [0, 0, 1, 1], [], []>, transpose_lhs_hint = false} : vector<12x128xf32>, vector<128x64xf32>, vector<12x64xf32> -> vector<12x64xf32>
    %slice3A_993 = vector.extract_strided_slice %squeeze3A_9 {offsets = [2304], sizes = [128], strides = [1]} : vector<2560xf32> to vector<128xf32>
    %slice3A_994 = vector.extract_strided_slice %squeeze3A_11 {offsets = [2304], sizes = [128], strides = [1]} : vector<2560xf32> to vector<128xf32>
    %slice3A_995 = vector.extract_strided_slice %squeeze3A_13 {offsets = [2304], sizes = [128], strides = [1]} : vector<2560xf32> to vector<128xf32>
    %stack3A_996 = vector.shape_cast %slice3A_993 : vector<128xf32> to vector<1x128xf32>
    %stack3A_997 = vector.shape_cast %slice3A_994 : vector<128xf32> to vector<1x128xf32>
    %stack3A_998 = vector.shape_cast %slice3A_995 : vector<128xf32> to vector<1x128xf32>
    %stack3A_999 = tpu.concatenate %stack3A_996, %stack3A_997, %stack3A_998 in 0 : vector<1x128xf32>, vector<1x128xf32>, vector<1x128xf32> -> vector<3x128xf32>
    %broadcast_in_dim3A_1000 = vector.shape_cast %stack3A_999 : vector<3x128xf32> to vector<3x1x128xf32>
    %broadcast_in_dim3A_1001 = vector.broadcast %broadcast_in_dim3A_1000 : vector<3x1x128xf32> to vector<3x4x128xf32>
    %reshape3A_1002 = vector.shape_cast %broadcast_in_dim3A_1001 : vector<3x4x128xf32> to vector<12x128xf32>
    %jit3A_1003 = arith.constant 0.000000e+00 : f32
    %broadcast_in_dim3A_1004 = vector.broadcast %jit3A_1003 : f32 to vector<12x128xf32>
    %select_n3A_1005 = arith.select %eq3A_704, %reshape3A_1002, %broadcast_in_dim3A_1004 : vector<12x128xi1>, vector<12x128xf32>
    %slice3A_1006 = vector.extract_strided_slice %add3A_643 {offsets = [2304, 0], sizes = [128, 64], strides = [1, 1]} : vector<2560x64xf32> to vector<128x64xf32>
    %dot_general3A_1007 = arith.constant dense<0.000000e+00> : vector<12x64xf32>
    %dot_general3A_1008 = tpu.matmul %select_n3A_1005, %slice3A_1006, %dot_general3A_1007 {dimension_numbers = #tpu.dot_dimension_numbers<[1], [0], [0], [1], [0, 0, 1, 1], [], []>, transpose_lhs_hint = false} : vector<12x128xf32>, vector<128x64xf32>, vector<12x64xf32> -> vector<12x64xf32>
    %slice3A_1009 = vector.extract_strided_slice %squeeze3A_9 {offsets = [2432], sizes = [128], strides = [1]} : vector<2560xf32> to vector<128xf32>
    %slice3A_1010 = vector.extract_strided_slice %squeeze3A_11 {offsets = [2432], sizes = [128], strides = [1]} : vector<2560xf32> to vector<128xf32>
    %slice3A_1011 = vector.extract_strided_slice %squeeze3A_13 {offsets = [2432], sizes = [128], strides = [1]} : vector<2560xf32> to vector<128xf32>
    %stack3A_1012 = vector.shape_cast %slice3A_1009 : vector<128xf32> to vector<1x128xf32>
    %stack3A_1013 = vector.shape_cast %slice3A_1010 : vector<128xf32> to vector<1x128xf32>
    %stack3A_1014 = vector.shape_cast %slice3A_1011 : vector<128xf32> to vector<1x128xf32>
    %stack3A_1015 = tpu.concatenate %stack3A_1012, %stack3A_1013, %stack3A_1014 in 0 : vector<1x128xf32>, vector<1x128xf32>, vector<1x128xf32> -> vector<3x128xf32>
    %broadcast_in_dim3A_1016 = vector.shape_cast %stack3A_1015 : vector<3x128xf32> to vector<3x1x128xf32>
    %broadcast_in_dim3A_1017 = vector.broadcast %broadcast_in_dim3A_1016 : vector<3x1x128xf32> to vector<3x4x128xf32>
    %reshape3A_1018 = vector.shape_cast %broadcast_in_dim3A_1017 : vector<3x4x128xf32> to vector<12x128xf32>
    %jit3A_1019 = arith.constant 0.000000e+00 : f32
    %broadcast_in_dim3A_1020 = vector.broadcast %jit3A_1019 : f32 to vector<12x128xf32>
    %select_n3A_1021 = arith.select %eq3A_704, %reshape3A_1018, %broadcast_in_dim3A_1020 : vector<12x128xi1>, vector<12x128xf32>
    %slice3A_1022 = vector.extract_strided_slice %add3A_643 {offsets = [2432, 0], sizes = [128, 64], strides = [1, 1]} : vector<2560x64xf32> to vector<128x64xf32>
    %dot_general3A_1023 = arith.constant dense<0.000000e+00> : vector<12x64xf32>
    %dot_general3A_1024 = tpu.matmul %select_n3A_1021, %slice3A_1022, %dot_general3A_1023 {dimension_numbers = #tpu.dot_dimension_numbers<[1], [0], [0], [1], [0, 0, 1, 1], [], []>, transpose_lhs_hint = false} : vector<12x128xf32>, vector<128x64xf32>, vector<12x64xf32> -> vector<12x64xf32>
    %stack3A_1025 = vector.shape_cast %dot_general3A_720 : vector<12x64xf32> to vector<1x12x64xf32>
    %stack3A_1026 = vector.shape_cast %dot_general3A_736 : vector<12x64xf32> to vector<1x12x64xf32>
    %stack3A_1027 = vector.shape_cast %dot_general3A_752 : vector<12x64xf32> to vector<1x12x64xf32>
    %stack3A_1028 = vector.shape_cast %dot_general3A_768 : vector<12x64xf32> to vector<1x12x64xf32>
    %stack3A_1029 = vector.shape_cast %dot_general3A_784 : vector<12x64xf32> to vector<1x12x64xf32>
    %stack3A_1030 = vector.shape_cast %dot_general3A_800 : vector<12x64xf32> to vector<1x12x64xf32>
    %stack3A_1031 = vector.shape_cast %dot_general3A_816 : vector<12x64xf32> to vector<1x12x64xf32>
    %stack3A_1032 = vector.shape_cast %dot_general3A_832 : vector<12x64xf32> to vector<1x12x64xf32>
    %stack3A_1033 = vector.shape_cast %dot_general3A_848 : vector<12x64xf32> to vector<1x12x64xf32>
    %stack3A_1034 = vector.shape_cast %dot_general3A_864 : vector<12x64xf32> to vector<1x12x64xf32>
    %stack3A_1035 = vector.shape_cast %dot_general3A_880 : vector<12x64xf32> to vector<1x12x64xf32>
    %stack3A_1036 = vector.shape_cast %dot_general3A_896 : vector<12x64xf32> to vector<1x12x64xf32>
    %stack3A_1037 = vector.shape_cast %dot_general3A_912 : vector<12x64xf32> to vector<1x12x64xf32>
    %stack3A_1038 = vector.shape_cast %dot_general3A_928 : vector<12x64xf32> to vector<1x12x64xf32>
    %stack3A_1039 = vector.shape_cast %dot_general3A_944 : vector<12x64xf32> to vector<1x12x64xf32>
    %stack3A_1040 = vector.shape_cast %dot_general3A_960 : vector<12x64xf32> to vector<1x12x64xf32>
    %stack3A_1041 = vector.shape_cast %dot_general3A_976 : vector<12x64xf32> to vector<1x12x64xf32>
    %stack3A_1042 = vector.shape_cast %dot_general3A_992 : vector<12x64xf32> to vector<1x12x64xf32>
    %stack3A_1043 = vector.shape_cast %dot_general3A_1008 : vector<12x64xf32> to vector<1x12x64xf32>
    %stack3A_1044 = vector.shape_cast %dot_general3A_1024 : vector<12x64xf32> to vector<1x12x64xf32>
    %stack3A_1045 = tpu.concatenate %stack3A_1025, %stack3A_1026, %stack3A_1027, %stack3A_1028, %stack3A_1029, %stack3A_1030, %stack3A_1031, %stack3A_1032, %stack3A_1033, %stack3A_1034, %stack3A_1035, %stack3A_1036, %stack3A_1037, %stack3A_1038, %stack3A_1039, %stack3A_1040, %stack3A_1041, %stack3A_1042, %stack3A_1043, %stack3A_1044 in 0 : vector<1x12x64xf32>, vector<1x12x64xf32>, vector<1x12x64xf32>, vector<1x12x64xf32>, vector<1x12x64xf32>, vector<1x12x64xf32>, vector<1x12x64xf32>, vector<1x12x64xf32>, vector<1x12x64xf32>, vector<1x12x64xf32>, vector<1x12x64xf32>, vector<1x12x64xf32>, vector<1x12x64xf32>, vector<1x12x64xf32>, vector<1x12x64xf32>, vector<1x12x64xf32>, vector<1x12x64xf32>, vector<1x12x64xf32>, vector<1x12x64xf32>, vector<1x12x64xf32> -> vector<20x12x64xf32>
    %slice3A_1046 = vector.extract_strided_slice %stack3A_1045 {offsets = [0, 0, 0], sizes = [20, 4, 64], strides = [1, 1, 1]} : vector<20x12x64xf32> to vector<20x4x64xf32>
    %reshape3A_1047 = vector.shape_cast %slice3A_1046 : vector<20x4x64xf32> to vector<80x64xf32>
    %slice3A_1048 = vector.extract_strided_slice %stack3A_1045 {offsets = [0, 4, 0], sizes = [20, 4, 64], strides = [1, 1, 1]} : vector<20x12x64xf32> to vector<20x4x64xf32>
    %reshape3A_1049 = vector.shape_cast %slice3A_1048 : vector<20x4x64xf32> to vector<80x64xf32>
    %slice3A_1050 = vector.extract_strided_slice %stack3A_1045 {offsets = [0, 8, 0], sizes = [20, 4, 64], strides = [1, 1, 1]} : vector<20x12x64xf32> to vector<20x4x64xf32>
    %reshape3A_1051 = vector.shape_cast %slice3A_1050 : vector<20x4x64xf32> to vector<80x64xf32>
    %mul3A_1052 = arith.constant 3.125000e-02 : f32
    %mul3A_1053 = vector.broadcast %mul3A_1052 : f32 to vector<80x64xf32>
    %mul3A_1054 = arith.mulf %reshape3A_1047, %mul3A_1053 : vector<80x64xf32>
    %swap3A_1055 = arith.constant 0 : index
    %swap3A_1056 = arith.constant 0 : index
    %swap3A_1057 = vector.load %arg13[%swap3A_1055, %swap3A_1056] : memref<80x64xf32, #tpu.memory_space<vmem>>, vector<80x64xf32>
    tpu.vector_store %arg13[%swap3A_1055, %swap3A_1056], %mul3A_1054 {strides = array<i32>} : memref<80x64xf32, #tpu.memory_space<vmem>>, vector<80x64xf32>,
    %mul3A_1058 = arith.constant 3.125000e-02 : f32
    %mul3A_1059 = vector.broadcast %mul3A_1058 : f32 to vector<80x64xf32>
    %mul3A_1060 = arith.mulf %reshape3A_1049, %mul3A_1059 : vector<80x64xf32>
    %swap3A_1061 = arith.constant 0 : index
    %swap3A_1062 = arith.constant 0 : index
    %swap3A_1063 = vector.load %arg14[%swap3A_1061, %swap3A_1062] : memref<80x64xf32, #tpu.memory_space<vmem>>, vector<80x64xf32>
    tpu.vector_store %arg14[%swap3A_1061, %swap3A_1062], %mul3A_1060 {strides = array<i32>} : memref<80x64xf32, #tpu.memory_space<vmem>>, vector<80x64xf32>,
    %mul3A_1064 = arith.constant 3.125000e-02 : f32
    %mul3A_1065 = vector.broadcast %mul3A_1064 : f32 to vector<80x64xf32>
    %mul3A_1066 = arith.mulf %reshape3A_1051, %mul3A_1065 : vector<80x64xf32>
    %swap3A_1067 = arith.constant 0 : index
    %swap3A_1068 = arith.constant 0 : index
    %swap3A_1069 = vector.load %arg15[%swap3A_1067, %swap3A_1068] : memref<80x64xf32, #tpu.memory_space<vmem>>, vector<80x64xf32>
    tpu.vector_store %arg15[%swap3A_1067, %swap3A_1068], %mul3A_1066 {strides = array<i32>} : memref<80x64xf32, #tpu.memory_space<vmem>>, vector<80x64xf32>,
    return
  }
  func.func @transform_0(%arg0: i32) -> (i32, i32) {
    %c0_i32 = arith.constant 0 : i32
    %c0_i32_0 = arith.constant 0 : i32
    return %arg0, %c0_i32 : i32, i32
  }
  func.func @transform_1(%arg0: i32) -> (i32, i32) {
    %c0_i32 = arith.constant 0 : i32
    %c0_i32_0 = arith.constant 0 : i32
    return %arg0, %c0_i32 : i32, i32
  }
  func.func @transform_2(%arg0: i32) -> (i32, i32, i32) {
    %c0_i32 = arith.constant 0 : i32
    %c0_i32_0 = arith.constant 0 : i32
    %c0_i32_1 = arith.constant 0 : i32
    return %arg0, %c0_i32, %c0_i32_0 : i32, i32, i32
  }
  func.func @transform_3(%arg0: i32) -> (i32, i32) {
    %c0_i32 = arith.constant 0 : i32
    %c0_i32_0 = arith.constant 0 : i32
    return %arg0, %c0_i32 : i32, i32
  }
  func.func @transform_4(%arg0: i32) -> (i32, i32) {
    %c0_i32 = arith.constant 0 : i32
    %c0_i32_0 = arith.constant 0 : i32
    %c0_i32_1 = arith.constant 0 : i32
    return %c0_i32, %c0_i32_0 : i32, i32
  }
  func.func @transform_5(%arg0: i32) -> (i32, i32) {
    %c0_i32 = arith.constant 0 : i32
    %c0_i32_0 = arith.constant 0 : i32
    %c0_i32_1 = arith.constant 0 : i32
    return %c0_i32, %c0_i32_0 : i32, i32
  }
  func.func @transform_6(%arg0: i32) -> (i32, i32) {
    %c0_i32 = arith.constant 0 : i32
    %c0_i32_0 = arith.constant 0 : i32
    %c0_i32_1 = arith.constant 0 : i32
    return %c0_i32, %c0_i32_0 : i32, i32
  }
  func.func @transform_7(%arg0: i32) -> (i32, i32) {
    %c0_i32 = arith.constant 0 : i32
    %c0_i32_0 = arith.constant 0 : i32
    %c0_i32_1 = arith.constant 0 : i32
    return %c0_i32, %c0_i32_0 : i32, i32
  }
  func.func @transform_8(%arg0: i32) -> (i32, i32) {
    %c0_i32 = arith.constant 0 : i32
    %c0_i32_0 = arith.constant 0 : i32
    %c0_i32_1 = arith.constant 0 : i32
    return %c0_i32, %c0_i32_0 : i32, i32
  }
  func.func @transform_9(%arg0: i32) -> (i32, i32) {
    %c0_i32 = arith.constant 0 : i32
    %c0_i32_0 = arith.constant 0 : i32
    %c0_i32_1 = arith.constant 0 : i32
    return %c0_i32, %c0_i32_0 : i32, i32
  }
  func.func @transform_10(%arg0: i32) -> (i32, i32, i32) {
    %c0_i32 = arith.constant 0 : i32
    %c0_i32_0 = arith.constant 0 : i32
    %c0_i32_1 = arith.constant 0 : i32
    return %arg0, %c0_i32, %c0_i32_0 : i32, i32, i32
  }
  func.func @transform_11(%arg0: i32) -> (i32, i32) {
    %c0_i32 = arith.constant 0 : i32
    %c0_i32_0 = arith.constant 0 : i32
    return %arg0, %c0_i32 : i32, i32
  }
  func.func @transform_12(%arg0: i32) -> (i32, i32) {
    %c0_i32 = arith.constant 0 : i32
    %c0_i32_0 = arith.constant 0 : i32
    return %arg0, %c0_i32 : i32, i32
  }
  func.func @transform_13(%arg0: i32) -> (i32, i32) {
    %c0_i32 = arith.constant 0 : i32
    %c0_i32_0 = arith.constant 0 : i32
    return %arg0, %c0_i32 : i32, i32
  }
  func.func @transform_14(%arg0: i32) -> (i32, i32) {
    %c0_i32 = arith.constant 0 : i32
    %c0_i32_0 = arith.constant 0 : i32
    return %arg0, %c0_i32 : i32, i32
  }
}

</mosaic_0001>

<sc_bundles>
// kernel: kernel.10.cloned.1.call-start
scs
__scs_entry_jumppad:
0x0: {  	(pc) =	sbr.rel $0x88, $3  }
0x1: {  	(tag) =	ssettag $0x0;
	lr =	simm.s32 $0x1  }
0x2: {  	[smem:$0x3F99] =	sst lr;
	_ =	strace $0xD0000000  }
0x3: {  	_ = 	snop  }
0x4: {  	_ = 	snop  }
0x5: {  	_ = 	snop  }
0x6: {  	_ = 	snop  }
0x7: {  	_ = 	snop  }
__scs_overlays_trampoline_lowered:
0x8: {  	[smem:$0x3FA8] =	sst s0  }
0x9: {  	[smem:$0x3FA9] =	sst s1  }
0xa: {  	[smem:$0x3FAA] =	sst s2  }
0xb: {  	[smem:$0x3FAB] =	sst s3  }
0xc: {  	[smem:$0x3FAC] =	sst s4  }
0xd: {  	[smem:$0x3FAD] =	sst s5  }
0xe: {  	[smem:$0x3FAE] =	sst s6  }
0xf: {  	[smem:$0x3FAF] =	sst s7  }
0x10: {  	[smem:$0x3FB0] =	sst s8  }
0x11: {  	[smem:$0x3FB1] =	sst s9;
	s0 =	simm.s32 @!p0 $0x0  }
0x12: {  	s1 =	sld [smem:$0x3F97];
	s0 =	simm.s32 @p0 $0x1  }
0x13: {  	[smem:$0x3FB2] =	sst s0;
	s0 =	simm.s32 @!p1 $0x0  }
0x14: {  	s2 =	sld [smem:$0x3F96];
	s0 =	simm.s32 @p1 $0x1  }
0x15: {  	[smem:$0x3FB3] =	sst s0;
	s0 =	simm.s32 @!p2 $0x0  }
0x16: {  	s3 =	sld [smem:$0x3FDB];
	s0 =	simm.s32 @p2 $0x1  }
0x17: {  	s4 =	simm.s32 $0x1BF5;
	[smem:$0x3FB5] =	sst s0  }
0x18: {  	s0 =	sld [smem:$0x3F98];
	_ =	swait.ge [sflag:s4], $0x0  }
0x19: {  	s7 =	sld [smem:$0x3F99]  }
0x1a: {  	s8 =	sadd.s32 $0xFFFFE003, lr  }
0x1b: {  	s9 =	sadd.s32 $0xFFFFFEF7, lr;
	s5 =	simm.s32 $0xFFFFFFFF;
	p2 =	slt.u32 s8, $0xFFFFF086  }
0x1c: {  	p1 =	slt.u32 s9, $0xF7A;
	s5 =	simm.s32 @!p2 $0x0  }
0x1d: {  	s5 =	simm.s32 @p1 $0x1;
	p0 =	seq.s32 s7, s2  }
0x1e: {  	s7 =	smul.u32 @!p0 $0xF7A, s2;
	p2 =	seq.s32 @!p0 s5, $0x0  }
0x1f: {  	s9 =	smul.u32 $0xF7A, s1;
	s8 =	simm.s32 @!p0 $0x1BF5;
	p2 =	por !p2, p0  }
0x20: {  	[sflag:s8] =	ssyncset.s32 @!p0 $0xFFFFF086;
	s6 =	sadd.s32 @!p0 s3, s7;
	s7 =	simm.s32 @!p0 $0x108  }
0x21: {  	s3 =	sadd.s32 s3, s9;
	s6 =	sadd.s32 @!p0 $0x88, s6;
	s7 =	simm.s32 @p2 $0x1082  }
0x22: {  	[simem:s7], [sflag:s8] =	dma.local @!p0 [hbm:s6], $0xF7A  }
0x23: {  	s9 =	sor.u32 $0xD0000000, s2;
	s6 =	simm.s32 $0x108;
	_ =	swait.ge @!p0 [sflag:s8], $0x0  }
0x24: {  	s3 =	sadd.s32 $0x88, s3;
	s6 =	simm.s32 @!p1 $0x1082;
	[sflag:s4] =	ssyncset.s32 $0xFFFFF086  }
0x25: {  	[simem:s6], [sflag:s4] =	dma.local [hbm:s3], $0xF7A  }
0x26: {  	[smem:$0x3F99] =	sst s1;
	(tag) =	ssettag s2;
	_ =	strace s9  }
0x27: {  	s1 =	sld [smem:$0x3FA9]  }
0x28: {  	s2 =	sld [smem:$0x3FAA]  }
0x29: {  	s4 =	sld [smem:$0x3FAC]  }
0x2a: {  	p0 =	seq.s32 s5, $0x0;
	s5 =	sld [smem:$0x3FAD]  }
0x2b: {  	s6 =	sld [smem:$0x3FAE]  }
0x2c: {  	s7 =	sld [smem:$0x3FAF]  }
0x2d: {  	s3 =	simm.s32 $0x108;
	s8 =	sld [smem:$0x3FB0]  }
0x2e: {  	s3 =	simm.s32 @!p0 $0x1082;
	s9 =	sld [smem:$0x3FB1]  }
0x2f: {  	lr =	sadd.s32 s0, s3;
	s0 =	sld [smem:$0x3FA8]  }
0x30: {  	s3 =	sld [smem:$0x3FAB]  }
0x31: {  	[smem:$0x3FB4] =	sst s10  }
0x32: {  	s10 =	sld [smem:$0x3FB2];
	_ =	sdelay $0x3  }
0x33: {  	p0 =	seq.s32 s10, $0x1;
	s10 =	sld [smem:$0x3FB4];
	_ =	sdelay $0x3  }
0x34: {  	[smem:$0x3FB4] =	sst s10  }
0x35: {  	s10 =	sld [smem:$0x3FB3];
	_ =	sdelay $0x3  }
0x36: {  	p1 =	seq.s32 s10, $0x1;
	s10 =	sld [smem:$0x3FB4];
	_ =	sdelay $0x3  }
0x37: {  	[smem:$0x3FB4] =	sst s10  }
0x38: {  	s10 =	sld [smem:$0x3FB5]  }
0x39: {  	_ = 	snop;
	(pc) =	sbr.ind lr, $3  }
0x3a: {  	_ = 	snop  }
0x3b: {  	_ = 	snop  }
0x3c: {  	p2 =	seq.s32 s10, $0x1;
	s10 =	sld [smem:$0x3FB4]  }
0x3d: {  	_ =	shalt  }
0x3e: {  	_ =	shalt  }
0x3f: {  	_ =	shalt  }
0x40: {  	_ =	shalt  }
0x41: {  	_ =	shalt  }
0x42: {  	_ =	shalt  }
0x43: {  	_ =	shalt  }
0x44: {  	_ =	shalt  }
0x45: {  	_ =	shalt  }
0x46: {  	_ =	shalt  }
0x47: {  	_ =	shalt  }
0x48: {  	_ =	shalt  }
0x49: {  	_ =	shalt  }
0x4a: {  	_ =	shalt  }
0x4b: {  	_ =	shalt  }
0x4c: {  	_ =	shalt  }
0x4d: {  	_ =	shalt  }
0x4e: {  	_ =	shalt  }
0x4f: {  	_ =	shalt  }
0x50: {  	_ =	shalt  }
0x51: {  	_ =	shalt  }
0x52: {  	_ =	shalt  }
0x53: {  	_ =	shalt  }
0x54: {  	_ =	shalt  }
0x55: {  	_ =	shalt  }
0x56: {  	_ =	shalt  }
0x57: {  	_ =	shalt  }
0x58: {  	_ =	shalt  }
0x59: {  	_ =	shalt  }
0x5a: {  	_ =	shalt  }
0x5b: {  	_ =	shalt  }
0x5c: {  	_ =	shalt  }
0x5d: {  	_ =	shalt  }
0x5e: {  	_ =	shalt  }
0x5f: {  	_ =	shalt  }
0x60: {  	_ =	shalt  }
0x61: {  	_ =	shalt  }
0x62: {  	_ =	shalt  }
0x63: {  	_ =	shalt  }
0x64: {  	_ =	shalt  }
0x65: {  	_ =	shalt  }
0x66: {  	_ =	shalt  }
0x67: {  	_ =	shalt  }
0x68: {  	_ =	shalt  }
0x69: {  	_ =	shalt  }
0x6a: {  	_ =	shalt  }
0x6b: {  	_ =	shalt  }
0x6c: {  	_ =	shalt  }
0x6d: {  	_ =	shalt  }
0x6e: {  	_ =	shalt  }
0x6f: {  	_ =	shalt  }
0x70: {  	_ =	shalt  }
0x71: {  	_ =	shalt  }
0x72: {  	_ =	shalt  }
0x73: {  	_ =	shalt  }
0x74: {  	_ =	shalt  }
0x75: {  	_ =	shalt  }
0x76: {  	_ =	shalt  }
0x77: {  	_ =	shalt  }
0x78: {  	_ =	shalt  }
0x79: {  	_ =	shalt  }
0x7a: {  	_ =	shalt  }
0x7b: {  	_ =	shalt  }
0x7c: {  	_ =	shalt  }
0x7d: {  	_ =	shalt  }
0x7e: {  	_ =	shalt  }
0x7f: {  	_ =	shalt  }
0x80: {  	_ =	shalt  }
0x81: {  	_ =	shalt  }
0x82: {  	_ =	shalt  }
0x83: {  	_ =	shalt  }
0x84: {  	_ =	shalt  }
0x85: {  	_ =	shalt  }
0x86: {  	_ =	shalt  }
0x87: {  	_ =	shalt  }
.Lfunc_end0:
.L_simem_size_0:
called_computation.1_lowered:
.L_overlay_start_0:
0x88: {  	s2 =	sld [smem:$0x3FD9]  }
0x89: {  	s3 =	sld [smem:$0x3FFE];
	_ =	sdelay $0x1  }
0x8a: {  	s1 =	srdreg.scid  }
0x8b: {  	s0 =	sand.u32 $0x1, s1  }
0x8c: {  	s15 =	sshll.u32 s0, $0xA;
	s2 =	sadd.s32 s3, s2  }
0x8d: {  	s2 =	sadd.s32 s2, s15  }
0x8e: {  	[smem:$0x3FC0] =	sst s2  }
0x8f: {  	_ = 	snop  }
0x90: {  	s2 =	sld [smem:$0x3FD0];
	_ =	sdelay $0x2  }
0x91: {  	s16 =	simm.s32 $0xA;
	s4 =	simm.s32 $0x10  }
0x92: {  	[smem:s4], [sflag:s16] =	dma.local [hbm:s2], $0x1  }
0x93: {  	_ =	swait.eq [sflag:s16], $0x1  }
0x94: {  	s17 =	sld [smem:$0x11];
	[sflag:s16] =	ssyncset.done $0x0  }
0x95: {  	s18 =	sld [smem:$0x12];
	[sflag:s16] =	ssyncadd.s32 $0xFFFFFFFF  }
0x96: {  	s19 =	sld [smem:$0x14];
	(tm) =	ssettm $0x1  }
0x97: {  	s5 =	sld [smem:$0x3FFB];
	_ =	sdelay $0x3  }
0x98: {  	_ =	strace s5  }
0x99: {  	s5 =	sld [smem:$0x3FFC];
	_ =	sdelay $0x3  }
0x9a: {  	_ =	strace s5  }
0x9b: {  	s5 =	sld [smem:$0x3FFD];
	_ =	sdelay $0x3  }
0x9c: {  	_ =	strace s5  }
0x9d: {  	_ =	strace $0x8FFFFFFF  }
0x9e: {  	s20 =	sld [smem:$0x3FDB];
	_ =	sdelay $0x1  }
0x9f: {  	s6 =	simm.s32 $_scs_section_size  }
0xa0: {  	s7 =	simm.s32 $_size__tile_overlayer_lowered;
	s8 =	simm.s32 $_tile_overlayer_lowered  }
0xa1: {  	s23 =	simm.s32 $0x1BFF;
	s22 =	sshll.u32 s8, $0x1;
	s5 =	sadd.s32 s6, s20  }
0xa2: {  	s9 =	simm.s32 $0x0;
	s21 =	sshll.u32 s7, $0x1;
	s7 =	sadd.s32 s22, s5  }
0xa3: {  	[timem:s9], [sflag:s23] =	dma.local [hbm:s7], s21  }
0xa4: {  	_ =	swait.ge [sflag:s23], s21  }
0xa5: {  	s6 =	ssub.s32 $0x0, s21;
	[sflag:s23] =	ssyncset.done $0x0  }
0xa6: {  	[sflag:s23] =	ssyncadd.s32 s6;
	_ =	sdelay $0x1  }
0xa7: {  	s24 =	simm.s32 $0x1B8B  }
0xa8: {  	_ =	swait.ge [sflag:s24], $0x1  }
0xa9: {  	[sflag:s24] =	ssyncset.done $0x0  }
0xaa: {  	s25 =	simm.s32 $0x1B8E;
	[sflag:s24] =	ssyncadd.s32 $0xFFFFFFFF  }
0xab: {  	s26 =	simm.s32 $execute0_lowered;
	[smem:$0x3FD2] =	sst s25  }
0xac: {  	s6 =	sshll.u32 s26, $0x1;
	_ =	strace $0x80000046;
	[dreg:$0x1] =	wrdreg $0xFFFFFFFF  }
0xad: {  	s28 =	simm.s32 $_size_execute0_lowered;
	s5 =	sadd.s32 s5, s6;
	[dreg:$0x0] =	wrdreg $0x0  }
0xae: {  	s6 =	sshll.u32 s28, $0x1;
	[dreg:$0x2] =	wrdreg s5  }
0xaf: {  	[dreg:$0x3] =	wrdreg s6  }
0xb0: {  	[dreg:$0x4] =	wrdreg $0xC0  }
0xb1: {  	_ =	task [dreg:s9], $0x5FFFF  }
0xb2: {  	[dreg:$0x1] =	wrdreg $0xFFFFFFFF  }
0xb3: {  	[dreg:$0x0] =	wrdreg $0x60  }
0xb4: {  	[dreg:$0x2] =	wrdreg s18  }
0xb5: {  	[dreg:$0x3] =	wrdreg s19  }
0xb6: {  	[dreg:$0x4] =	wrdreg s17  }
0xb7: {  	[dreg:$0x5] =	wrdreg $0x9  }
0xb8: {  	_ =	task.clear_ibuf [dreg:s9], $0x6FFFF;
	_ =	strace $0x90000046  }
0xb9: {  	s29 =	simm.s32 $0x9;
	_ =	strace $0x80000048  }
0xba: {  	_ =	swait.ge [sflag:s29], $0x1  }
0xbb: {  	[sflag:s29] =	ssyncadd.s32 $0xFFFFFFFF  }
0xbc: {  	_ =	strace $0x90000048  }
0xbd: {  	_ =	sfence  }
0xbe: {  	s30 =	sld [smem:$0x0];
	_ =	sdelay $0x2  }
0xbf: {  	s31 =	sshll.u32 s1, $0xD;
	s1 =	sshrl.u32 s1, $0x2  }
0xc0: {  	s3 =	sand.u32 $0x4000, s31;
	s1 =	sadd.s32 s1, s30  }
0xc1: {  	s0 =	sor.u32 s3, s0;
	s1 =	sshll.u32 s1, $0x11  }
0xc2: {  	s0 =	sor.u32 s1, s0  }
0xc3: {  	s0 =	sadd.s32 $0x8F2B, s0  }
0xc4: {  	[sflag:s0] =	ssyncadd.remote.s32 $0x1  }
0xc5: {  	_ =	sfence.sel $0xFFFF  }
0xc6: {  	[dreg:$0x0] =	wrdreg $0xFFFFFFFF;
	(pc) =	sbr.abs _section_cstart, $3  }
0xc7: {  	[dreg:$0x1] =	wrdreg $0xFFFFFFFF  }
0xc8: {  	_ =	task.clear_ibuf [dreg:s9], $0x2FFFF;
	_ =	strace $0x9FFFFFFF  }
0xc9: {  	(tm) =	ssettm $0x7FFFFFFF  }
tec
execute0_lowered:
.L_overlay_start_1:
0x0: {  	(tag) =	ssettag $0x1  }
0x1: {  	s1 =	rddreg [dreg:$0x0]  }
0x2: {  	s0 =	rddreg [dreg:$0x1]  }
0x3: {  	s9 =	rddreg [dreg:$0x2]  }
0x4: {  	s3 =	srdreg.scid;
	s2 =	stileid.u32  }
0x5: {  	s12 =	simm.s32 $0x50;
	s13 =	simm.s32 $0x2710;
	s14 =	simm.s32 $0x2C10  }
0x6: {  	s15 =	simm.s32 $0x3110;
	s16 =	simm.s32 $0x3610;
	s17 =	simm.s32 $0x3B10  }
0x7: {  	s18 =	simm.s32 $0x1;
	s19 =	simm.s32 $0x2;
	s20 =	simm.s32 $0x3  }
0x8: {  	s21 =	simm.s32 $0x4;
	s22 =	simm.s32 $0x5;
	s5 =	smul.u32 $0x4E20, s2  }
0x9: {  	s23 =	simm.s32 $0x0;
	s7 =	sand.u32 $0x1, s3;
	s31 =	smul.u32 $0x9C40, s2  }
0xa: {  	s4 =	sshll.u32 s2, $0x1;
	s3 =	simm.s32 $0x0;
	s6 =	smul.u32 $0x2710, s7  }
0xb: {  	s4 =	sor.u32 s7, s4;
	s8 =	ssub.s32 $0x2, s7;
	s11 =	smul.u32 $0x4E20, s7  }
0xc: {  	[smem:$0x7FF] =	sst s3;
	s4 =	smul.u32 $0x2710, s4;
	s10 =	sshrl.u32 s8, $0x1  }
0xd: {  	_ =	strace $0x80000047;
	s5 =	sadd.s32 s6, s5;
	s29 =	ssub.s32 s8, s10  }
0xe: {  	s10 =	sadd.s32 s31, s9;
	s4 =	sshrl.u32 s4, $0x3;
	s5 =	sshll.u32 s5, $0x1  }
0xf: {  	s10 =	sadd.s32 s11, s10;
	s11 =	simm.s32 $0x6;
	s30 =	sadd.s32 s9, s5  }
0x10: {  	s4 =	sadd.s32 s0, s4;
	s5 =	smax.u32 s29, $0x1;
	s6 =	sadd.s32 $0x280, s30  }
0x11: {  	s7 =	sadd.s32 $0x1E0, s30;
	s8 =	sadd.s32 $0x140, s30;
	s9 =	sadd.s32 $0xA0, s30  }
.LBB2_1:
0x12: {  	[tilespmem:s3], [sflag:$0x6] =	stream.linear.gather [hbm4b:s4+s3], $0x2710, $0x38;
	[tilespmem:$0x4010] =	vst v63  }
0x13: {  	_ =	swait.ge [sflag:s11], $0x2710  }
0x14: {  	[sflag:s11] =	ssyncset.done $0x0  }
0x15: {  	s0 =	simm.s32 $0x0;
	[sflag:s11] =	ssyncadd.s32 $0xFFFFD8F0  }
0x16: {  	[tilespmem:s13], [sflag:$0x1] =	stream.indirect.gather [hbm4b:s1+s12], $0x10, s0, s12, $0xb8;
	[tilespmem:$0x4010] =	vst v63  }
0x17: {  	s2 =	simm.s32 $0x50  }
0x18: {  	[tilespmem:s14], [sflag:$0x2] =	stream.indirect.gather [hbm4b:s1+s12], $0x10, s2, s12, $0xb8;
	[tilespmem:$0x4010] =	vst v63  }
0x19: {  	s24 =	simm.s32 $0xA0  }
0x1a: {  	[tilespmem:s15], [sflag:$0x3] =	stream.indirect.gather [hbm4b:s1+s12], $0x10, s24, s12, $0xb8;
	[tilespmem:$0x4010] =	vst v63  }
0x1b: {  	s25 =	simm.s32 $0xF0  }
0x1c: {  	[tilespmem:s16], [sflag:$0x4] =	stream.indirect.gather [hbm4b:s1+s12], $0x10, s25, s12, $0xb8;
	[tilespmem:$0x4010] =	vst v63  }
0x1d: {  	s26 =	simm.s32 $0x140  }
0x1e: {  	[tilespmem:s17], [sflag:$0x5] =	stream.indirect.gather [hbm4b:s1+s12], $0x10, s26, s12, $0xb8;
	[tilespmem:$0x4010] =	vst v63  }
0x1f: {  	_ =	swait.ge [sflag:s18], $0x500  }
0x20: {  	[sflag:s18] =	ssyncset.done $0x0  }
0x21: {  	[sflag:s18] =	ssyncadd.s32 $0xFFFFFB00  }
0x22: {  	[hbm4b:s10+s3] =	stream.linear.scatter [tilespmem:s13], [sflag:$0x6], $0x500, $0x38;
	[tilespmem:$0x4010] =	vst v63  }
0x23: {  	_ =	swait.ge [sflag:s11], $0x500  }
0x24: {  	[sflag:s11] =	ssyncset.done $0x0  }
0x25: {  	[sflag:s11] =	ssyncadd.s32 $0xFFFFFB00  }
0x26: {  	_ =	swait.ge [sflag:s19], $0x500  }
0x27: {  	[sflag:s19] =	ssyncset.done $0x0  }
0x28: {  	[sflag:s19] =	ssyncadd.s32 $0xFFFFFB00  }
0x29: {  	[hbm4b:s9+s3] =	stream.linear.scatter [tilespmem:s14], [sflag:$0x6], $0x500, $0x38;
	[tilespmem:$0x4010] =	vst v63  }
0x2a: {  	_ =	swait.ge [sflag:s11], $0x500  }
0x2b: {  	[sflag:s11] =	ssyncset.done $0x0  }
0x2c: {  	[sflag:s11] =	ssyncadd.s32 $0xFFFFFB00  }
0x2d: {  	_ =	swait.ge [sflag:s20], $0x500  }
0x2e: {  	[sflag:s20] =	ssyncset.done $0x0  }
0x2f: {  	[sflag:s20] =	ssyncadd.s32 $0xFFFFFB00  }
0x30: {  	[hbm4b:s8+s3] =	stream.linear.scatter [tilespmem:s15], [sflag:$0x6], $0x500, $0x38;
	[tilespmem:$0x4010] =	vst v63  }
0x31: {  	_ =	swait.ge [sflag:s11], $0x500  }
0x32: {  	[sflag:s11] =	ssyncset.done $0x0  }
0x33: {  	[sflag:s11] =	ssyncadd.s32 $0xFFFFFB00  }
0x34: {  	_ =	swait.ge [sflag:s21], $0x500  }
0x35: {  	[sflag:s21] =	ssyncset.done $0x0  }
0x36: {  	[sflag:s21] =	ssyncadd.s32 $0xFFFFFB00  }
0x37: {  	[hbm4b:s7+s3] =	stream.linear.scatter [tilespmem:s16], [sflag:$0x6], $0x500, $0x38;
	[tilespmem:$0x4010] =	vst v63  }
0x38: {  	_ =	swait.ge [sflag:s11], $0x500  }
0x39: {  	[sflag:s11] =	ssyncset.done $0x0  }
0x3a: {  	[sflag:s11] =	ssyncadd.s32 $0xFFFFFB00  }
0x3b: {  	_ =	swait.ge [sflag:s22], $0x500  }
0x3c: {  	s30 =	simm.s32 $0x640;
	[sflag:s22] =	ssyncset.done $0x0  }
0x3d: {  	s31 =	simm.s32 $0xC80;
	s29 =	sadd.s32 $0x320, s10;
	[sflag:s22] =	ssyncadd.s32 $0xFFFFFB00  }
0x3e: {  	[hbm4b:s6+s3] =	stream.linear.scatter [tilespmem:s17], [sflag:$0x6], $0x500, $0x38;
	[tilespmem:$0x4010] =	vst v63  }
0x3f: {  	s28 =	sadd.s32 $0x320, s9;
	s24 =	sadd.s32 $0x320, s6;
	_ =	swait.ge [sflag:s11], $0x500  }
0x40: {  	s25 =	sadd.s32 $0x320, s7;
	s26 =	sadd.s32 $0x320, s8;
	[sflag:s11] =	ssyncset.done $0x0  }
.LBB2_2:
0x41: {  	s2 =	sshra.s32 s30, $0x2  }
0x42: {  	[sflag:s11] =	ssyncadd.s32 $0xFFFFFB00;
	s30 =	smov.u32 s31;
	s0 =	sadd.s32 $0x640, s31  }
0x43: {  	[tilespmem:s13], [sflag:$0x1] =	stream.indirect.gather [hbm4b:s1+s12], $0x10, s2, s12, $0xb8;
	[tilespmem:$0x4010] =	vst v63  }
0x44: {  	p0 =	sne.s32 s31, $0x9600;
	s31 =	sadd.s32 $0x50, s2  }
0x45: {  	[tilespmem:s14], [sflag:$0x2] =	stream.indirect.gather [hbm4b:s1+s12], $0x10, s31, s12, $0xb8;
	[tilespmem:$0x4010] =	vst v63  }
0x46: {  	s31 =	sadd.s32 $0xA0, s2  }
0x47: {  	[tilespmem:s15], [sflag:$0x3] =	stream.indirect.gather [hbm4b:s1+s12], $0x10, s31, s12, $0xb8;
	[tilespmem:$0x4010] =	vst v63  }
0x48: {  	s31 =	sadd.s32 $0xF0, s2  }
0x49: {  	[tilespmem:s16], [sflag:$0x4] =	stream.indirect.gather [hbm4b:s1+s12], $0x10, s31, s12, $0xb8;
	[tilespmem:$0x4010] =	vst v63  }
0x4a: {  	s2 =	sadd.s32 $0x140, s2  }
0x4b: {  	[tilespmem:s17], [sflag:$0x5] =	stream.indirect.gather [hbm4b:s1+s12], $0x10, s2, s12, $0xb8;
	[tilespmem:$0x4010] =	vst v63  }
0x4c: {  	_ =	swait.ge [sflag:s18], $0x500  }
0x4d: {  	[sflag:s18] =	ssyncset.done $0x0  }
0x4e: {  	[sflag:s18] =	ssyncadd.s32 $0xFFFFFB00  }
0x4f: {  	[hbm4b:s29+s3] =	stream.linear.scatter [tilespmem:s13], [sflag:$0x6], $0x500, $0x38;
	[tilespmem:$0x4010] =	vst v63  }
0x50: {  	_ =	swait.ge [sflag:s11], $0x500  }
0x51: {  	[sflag:s11] =	ssyncset.done $0x0  }
0x52: {  	[sflag:s11] =	ssyncadd.s32 $0xFFFFFB00  }
0x53: {  	_ =	swait.ge [sflag:s19], $0x500  }
0x54: {  	[sflag:s19] =	ssyncset.done $0x0  }
0x55: {  	[sflag:s19] =	ssyncadd.s32 $0xFFFFFB00  }
0x56: {  	[hbm4b:s28+s3] =	stream.linear.scatter [tilespmem:s14], [sflag:$0x6], $0x500, $0x38;
	[tilespmem:$0x4010] =	vst v63  }
0x57: {  	_ =	swait.ge [sflag:s11], $0x500  }
0x58: {  	[sflag:s11] =	ssyncset.done $0x0  }
0x59: {  	[sflag:s11] =	ssyncadd.s32 $0xFFFFFB00  }
0x5a: {  	_ =	swait.ge [sflag:s20], $0x500  }
0x5b: {  	[sflag:s20] =	ssyncset.done $0x0  }
0x5c: {  	[sflag:s20] =	ssyncadd.s32 $0xFFFFFB00  }
0x5d: {  	[hbm4b:s26+s3] =	stream.linear.scatter [tilespmem:s15], [sflag:$0x6], $0x500, $0x38;
	[tilespmem:$0x4010] =	vst v63  }
0x5e: {  	_ =	swait.ge [sflag:s11], $0x500  }
0x5f: {  	[sflag:s11] =	ssyncset.done $0x0  }
0x60: {  	[sflag:s11] =	ssyncadd.s32 $0xFFFFFB00  }
0x61: {  	_ =	swait.ge [sflag:s21], $0x500  }
0x62: {  	[sflag:s21] =	ssyncset.done $0x0  }
0x63: {  	[sflag:s21] =	ssyncadd.s32 $0xFFFFFB00  }
0x64: {  	[hbm4b:s25+s3] =	stream.linear.scatter [tilespmem:s16], [sflag:$0x6], $0x500, $0x38;
	[tilespmem:$0x4010] =	vst v63  }
0x65: {  	_ =	swait.ge [sflag:s11], $0x500  }
0x66: {  	[sflag:s11] =	ssyncset.done $0x0  }
0x67: {  	[sflag:s11] =	ssyncadd.s32 $0xFFFFFB00  }
0x68: {  	_ =	swait.ge [sflag:s22], $0x500  }
.Ltmp0:
0x69: {  	[sflag:s22] =	ssyncset.done $0x0;
	(pc) =	sbr.rel @p0 .LBB2_2-.Ltmp0, $4  }
0x6a: {  	s31 =	smov.u32 s0;
	s29 =	sadd.s32 $0x320, s29;
	[sflag:s22] =	ssyncadd.s32 $0xFFFFFB00  }
0x6b: {  	[hbm4b:s24+s3] =	stream.linear.scatter [tilespmem:s17], [sflag:$0x6], $0x500, $0x38;
	[tilespmem:$0x4010] =	vst v63  }
0x6c: {  	s28 =	sadd.s32 $0x320, s28;
	s26 =	sadd.s32 $0x320, s26;
	_ =	swait.ge [sflag:s11], $0x500  }
0x6d: {  	s25 =	sadd.s32 $0x320, s25;
	s24 =	sadd.s32 $0x320, s24;
	[sflag:s11] =	ssyncset.done $0x0  }
0x6e: {  	s0 =	sshra.s32 s30, $0x2;
	[sflag:s11] =	ssyncadd.s32 $0xFFFFFB00  }
0x6f: {  	[tilespmem:s13], [sflag:$0x1] =	stream.indirect.gather [hbm4b:s1+s12], $0x10, s0, s12, $0xb8;
	[tilespmem:$0x4010] =	vst v63  }
0x70: {  	s2 =	sadd.s32 $0x50, s0  }
0x71: {  	[tilespmem:s14], [sflag:$0x2] =	stream.indirect.gather [hbm4b:s1+s12], $0x10, s2, s12, $0xb8;
	[tilespmem:$0x4010] =	vst v63  }
0x72: {  	s30 =	sadd.s32 $0xA0, s0  }
0x73: {  	[tilespmem:s15], [sflag:$0x3] =	stream.indirect.gather [hbm4b:s1+s12], $0x10, s30, s12, $0xb8;
	[tilespmem:$0x4010] =	vst v63  }
0x74: {  	s31 =	sadd.s32 $0xF0, s0  }
0x75: {  	[tilespmem:s16], [sflag:$0x4] =	stream.indirect.gather [hbm4b:s1+s12], $0x10, s31, s12, $0xb8;
	[tilespmem:$0x4010] =	vst v63  }
0x76: {  	s0 =	sadd.s32 $0x140, s0  }
0x77: {  	[tilespmem:s17], [sflag:$0x5] =	stream.indirect.gather [hbm4b:s1+s12], $0x10, s0, s12, $0xb8;
	[tilespmem:$0x4010] =	vst v63  }
0x78: {  	_ =	swait.ge [sflag:s18], $0x500  }
0x79: {  	[sflag:s18] =	ssyncset.done $0x0  }
0x7a: {  	[sflag:s18] =	ssyncadd.s32 $0xFFFFFB00  }
0x7b: {  	[hbm4b:s29+s3] =	stream.linear.scatter [tilespmem:s13], [sflag:$0x6], $0x500, $0x38;
	[tilespmem:$0x4010] =	vst v63  }
0x7c: {  	_ =	swait.ge [sflag:s11], $0x500  }
0x7d: {  	[sflag:s11] =	ssyncset.done $0x0  }
0x7e: {  	[sflag:s11] =	ssyncadd.s32 $0xFFFFFB00  }
0x7f: {  	_ =	swait.ge [sflag:s19], $0x500  }
0x80: {  	[sflag:s19] =	ssyncset.done $0x0  }
0x81: {  	[sflag:s19] =	ssyncadd.s32 $0xFFFFFB00  }
0x82: {  	[hbm4b:s28+s3] =	stream.linear.scatter [tilespmem:s14], [sflag:$0x6], $0x500, $0x38;
	[tilespmem:$0x4010] =	vst v63  }
0x83: {  	_ =	swait.ge [sflag:s11], $0x500  }
0x84: {  	[sflag:s11] =	ssyncset.done $0x0  }
0x85: {  	[sflag:s11] =	ssyncadd.s32 $0xFFFFFB00  }
0x86: {  	_ =	swait.ge [sflag:s20], $0x500  }
0x87: {  	[sflag:s20] =	ssyncset.done $0x0  }
0x88: {  	[sflag:s20] =	ssyncadd.s32 $0xFFFFFB00  }
0x89: {  	[hbm4b:s26+s3] =	stream.linear.scatter [tilespmem:s15], [sflag:$0x6], $0x500, $0x38;
	[tilespmem:$0x4010] =	vst v63  }
0x8a: {  	_ =	swait.ge [sflag:s11], $0x500  }
0x8b: {  	[sflag:s11] =	ssyncset.done $0x0  }
0x8c: {  	[sflag:s11] =	ssyncadd.s32 $0xFFFFFB00  }
0x8d: {  	_ =	swait.ge [sflag:s21], $0x500  }
0x8e: {  	[sflag:s21] =	ssyncset.done $0x0  }
0x8f: {  	[sflag:s21] =	ssyncadd.s32 $0xFFFFFB00  }
0x90: {  	[hbm4b:s25+s3] =	stream.linear.scatter [tilespmem:s16], [sflag:$0x6], $0x500, $0x38;
	[tilespmem:$0x4010] =	vst v63  }
0x91: {  	_ =	swait.ge [sflag:s11], $0x500  }
0x92: {  	[sflag:s11] =	ssyncset.done $0x0  }
0x93: {  	[sflag:s11] =	ssyncadd.s32 $0xFFFFFB00  }
0x94: {  	s23 =	sadd.s32 $0x1, s23;
	_ =	swait.ge [sflag:s22], $0x500  }
0x95: {  	p0 =	sne.s32 s23, s5;
	[sflag:s22] =	ssyncset.done $0x0  }
.Ltmp1:
0x96: {  	[sflag:s22] =	ssyncadd.s32 $0xFFFFFB00;
	(pc) =	sbr.rel @p0 .LBB2_1-.Ltmp1, $4  }
0x97: {  	[hbm4b:s24+s3] =	stream.linear.scatter [tilespmem:s17], [sflag:$0x6], $0x500, $0x38;
	[tilespmem:$0x4010] =	vst v63  }
0x98: {  	_ =	swait.ge [sflag:s11], $0x500  }
0x99: {  	[sflag:s11] =	ssyncset.done $0x0  }
0x9a: {  	[sflag:s11] =	ssyncadd.s32 $0xFFFFFB00  }
0x9b: {  	_ =	sfence.sel $0x180000  }
0x9c: {  	[bflag:$0x0] =	sbarrier.arrive $0xFFFF  }
0x9d: {  	_ =	strace $0x90000047  }
0x9e: {  	s0 =	stileid.u32;
	[bflag:$0x2] =	sbarrier.arrive $0xFFFF  }
0x9f: {  	p0 =	sne.s32 s0, $0x0;
	s0 =	rddreg [dreg:$0x3]  }
0xa0: {  	s0 =	sadd.s32 @!p0 $0x100000, s0  }
0xa1: {  	[sflag:s0] =	ssyncadd.tile.s32 @!p0 $0x1;
	_ =	shalt  }
.Lfunc_end2:
_tile_overlayer_lowered:
.L_overlay_start_2:
0xa2: {  	(tag) =	ssettag $0x2  }
0xa3: {  	s0 =	rddreg [dreg:$0x0];
	s2 =	stileid.u32  }
0xa4: {  	s1 =	rddreg [dreg:$0x1];
	p0 =	sne.s32 s2, $0x0  }
0xa5: {  	s3 =	rddreg [dreg:$0x2];
	[bflag:$0x3] =	sbarrier.arrive $0xFFFF;
	s2 =	simm.s32 @!p0 $0x1C06  }
0xa6: {  	[timem:s3], [sflag:s2] =	dma.local @!p0 [hbm:s0], s1  }
0xa7: {  	s0 =	simm.s32 @!p0 $0x6  }
0xa8: {  	_ =	swait.ge @!p0 [sflag:s0], s1  }
0xa9: {  	s1 =	ssub.s32 @!p0 $0x0, s1;
	[sflag:s0] =	ssyncset.done @!p0 $0x0  }
0xaa: {  	[sflag:s0] =	ssyncadd.s32 @!p0 s1  }
0xab: {  	[bflag:$0x3] =	sbarrier.arrive $0xFFFF  }
0xac: {  	_ =	shalt  }

// kernel: kernel.13.cloned.1.call-start
scs
__scs_entry_jumppad:
0x0: {  	(pc) =	sbr.rel $0x88, $3  }
0x1: {  	(tag) =	ssettag $0x0;
	lr =	simm.s32 $0x1  }
0x2: {  	[smem:$0x3F99] =	sst lr;
	_ =	strace $0xD0000000  }
0x3: {  	_ = 	snop  }
0x4: {  	_ = 	snop  }
0x5: {  	_ = 	snop  }
0x6: {  	_ = 	snop  }
0x7: {  	_ = 	snop  }
__scs_overlays_trampoline_lowered:
0x8: {  	[smem:$0x3FA8] =	sst s0  }
0x9: {  	[smem:$0x3FA9] =	sst s1  }
0xa: {  	[smem:$0x3FAA] =	sst s2  }
0xb: {  	[smem:$0x3FAB] =	sst s3  }
0xc: {  	[smem:$0x3FAC] =	sst s4  }
0xd: {  	[smem:$0x3FAD] =	sst s5  }
0xe: {  	[smem:$0x3FAE] =	sst s6  }
0xf: {  	[smem:$0x3FAF] =	sst s7  }
0x10: {  	[smem:$0x3FB0] =	sst s8  }
0x11: {  	[smem:$0x3FB1] =	sst s9;
	s0 =	simm.s32 @!p0 $0x0  }
0x12: {  	s1 =	sld [smem:$0x3F97];
	s0 =	simm.s32 @p0 $0x1  }
0x13: {  	[smem:$0x3FB2] =	sst s0;
	s0 =	simm.s32 @!p1 $0x0  }
0x14: {  	s2 =	sld [smem:$0x3F96];
	s0 =	simm.s32 @p1 $0x1  }
0x15: {  	[smem:$0x3FB3] =	sst s0;
	s0 =	simm.s32 @!p2 $0x0  }
0x16: {  	s3 =	sld [smem:$0x3FDB];
	s0 =	simm.s32 @p2 $0x1  }
0x17: {  	s4 =	simm.s32 $0x1BF5;
	[smem:$0x3FB5] =	sst s0  }
0x18: {  	s0 =	sld [smem:$0x3F98];
	_ =	swait.ge [sflag:s4], $0x0  }
0x19: {  	s7 =	sld [smem:$0x3F99]  }
0x1a: {  	s8 =	sadd.s32 $0xFFFFE003, lr  }
0x1b: {  	s9 =	sadd.s32 $0xFFFFFEF7, lr;
	s5 =	simm.s32 $0xFFFFFFFF;
	p2 =	slt.u32 s8, $0xFFFFF086  }
0x1c: {  	p1 =	slt.u32 s9, $0xF7A;
	s5 =	simm.s32 @!p2 $0x0  }
0x1d: {  	s5 =	simm.s32 @p1 $0x1;
	p0 =	seq.s32 s7, s2  }
0x1e: {  	s7 =	smul.u32 @!p0 $0xF7A, s2;
	p2 =	seq.s32 @!p0 s5, $0x0  }
0x1f: {  	s9 =	smul.u32 $0xF7A, s1;
	s8 =	simm.s32 @!p0 $0x1BF5;
	p2 =	por !p2, p0  }
0x20: {  	[sflag:s8] =	ssyncset.s32 @!p0 $0xFFFFF086;
	s6 =	sadd.s32 @!p0 s3, s7;
	s7 =	simm.s32 @!p0 $0x108  }
0x21: {  	s3 =	sadd.s32 s3, s9;
	s6 =	sadd.s32 @!p0 $0x88, s6;
	s7 =	simm.s32 @p2 $0x1082  }
0x22: {  	[simem:s7], [sflag:s8] =	dma.local @!p0 [hbm:s6], $0xF7A  }
0x23: {  	s9 =	sor.u32 $0xD0000000, s2;
	s6 =	simm.s32 $0x108;
	_ =	swait.ge @!p0 [sflag:s8], $0x0  }
0x24: {  	s3 =	sadd.s32 $0x88, s3;
	s6 =	simm.s32 @!p1 $0x1082;
	[sflag:s4] =	ssyncset.s32 $0xFFFFF086  }
0x25: {  	[simem:s6], [sflag:s4] =	dma.local [hbm:s3], $0xF7A  }
0x26: {  	[smem:$0x3F99] =	sst s1;
	(tag) =	ssettag s2;
	_ =	strace s9  }
0x27: {  	s1 =	sld [smem:$0x3FA9]  }
0x28: {  	s2 =	sld [smem:$0x3FAA]  }
0x29: {  	s4 =	sld [smem:$0x3FAC]  }
0x2a: {  	p0 =	seq.s32 s5, $0x0;
	s5 =	sld [smem:$0x3FAD]  }
0x2b: {  	s6 =	sld [smem:$0x3FAE]  }
0x2c: {  	s7 =	sld [smem:$0x3FAF]  }
0x2d: {  	s3 =	simm.s32 $0x108;
	s8 =	sld [smem:$0x3FB0]  }
0x2e: {  	s3 =	simm.s32 @!p0 $0x1082;
	s9 =	sld [smem:$0x3FB1]  }
0x2f: {  	lr =	sadd.s32 s0, s3;
	s0 =	sld [smem:$0x3FA8]  }
0x30: {  	s3 =	sld [smem:$0x3FAB]  }
0x31: {  	[smem:$0x3FB4] =	sst s10  }
0x32: {  	s10 =	sld [smem:$0x3FB2];
	_ =	sdelay $0x3  }
0x33: {  	p0 =	seq.s32 s10, $0x1;
	s10 =	sld [smem:$0x3FB4];
	_ =	sdelay $0x3  }
0x34: {  	[smem:$0x3FB4] =	sst s10  }
0x35: {  	s10 =	sld [smem:$0x3FB3];
	_ =	sdelay $0x3  }
0x36: {  	p1 =	seq.s32 s10, $0x1;
	s10 =	sld [smem:$0x3FB4];
	_ =	sdelay $0x3  }
0x37: {  	[smem:$0x3FB4] =	sst s10  }
0x38: {  	s10 =	sld [smem:$0x3FB5]  }
0x39: {  	_ = 	snop;
	(pc) =	sbr.ind lr, $3  }
0x3a: {  	_ = 	snop  }
0x3b: {  	_ = 	snop  }
0x3c: {  	p2 =	seq.s32 s10, $0x1;
	s10 =	sld [smem:$0x3FB4]  }
0x3d: {  	_ =	shalt  }
0x3e: {  	_ =	shalt  }
0x3f: {  	_ =	shalt  }
0x40: {  	_ =	shalt  }
0x41: {  	_ =	shalt  }
0x42: {  	_ =	shalt  }
0x43: {  	_ =	shalt  }
0x44: {  	_ =	shalt  }
0x45: {  	_ =	shalt  }
0x46: {  	_ =	shalt  }
0x47: {  	_ =	shalt  }
0x48: {  	_ =	shalt  }
0x49: {  	_ =	shalt  }
0x4a: {  	_ =	shalt  }
0x4b: {  	_ =	shalt  }
0x4c: {  	_ =	shalt  }
0x4d: {  	_ =	shalt  }
0x4e: {  	_ =	shalt  }
0x4f: {  	_ =	shalt  }
0x50: {  	_ =	shalt  }
0x51: {  	_ =	shalt  }
0x52: {  	_ =	shalt  }
0x53: {  	_ =	shalt  }
0x54: {  	_ =	shalt  }
0x55: {  	_ =	shalt  }
0x56: {  	_ =	shalt  }
0x57: {  	_ =	shalt  }
0x58: {  	_ =	shalt  }
0x59: {  	_ =	shalt  }
0x5a: {  	_ =	shalt  }
0x5b: {  	_ =	shalt  }
0x5c: {  	_ =	shalt  }
0x5d: {  	_ =	shalt  }
0x5e: {  	_ =	shalt  }
0x5f: {  	_ =	shalt  }
0x60: {  	_ =	shalt  }
0x61: {  	_ =	shalt  }
0x62: {  	_ =	shalt  }
0x63: {  	_ =	shalt  }
0x64: {  	_ =	shalt  }
0x65: {  	_ =	shalt  }
0x66: {  	_ =	shalt  }
0x67: {  	_ =	shalt  }
0x68: {  	_ =	shalt  }
0x69: {  	_ =	shalt  }
0x6a: {  	_ =	shalt  }
0x6b: {  	_ =	shalt  }
0x6c: {  	_ =	shalt  }
0x6d: {  	_ =	shalt  }
0x6e: {  	_ =	shalt  }
0x6f: {  	_ =	shalt  }
0x70: {  	_ =	shalt  }
0x71: {  	_ =	shalt  }
0x72: {  	_ =	shalt  }
0x73: {  	_ =	shalt  }
0x74: {  	_ =	shalt  }
0x75: {  	_ =	shalt  }
0x76: {  	_ =	shalt  }
0x77: {  	_ =	shalt  }
0x78: {  	_ =	shalt  }
0x79: {  	_ =	shalt  }
0x7a: {  	_ =	shalt  }
0x7b: {  	_ =	shalt  }
0x7c: {  	_ =	shalt  }
0x7d: {  	_ =	shalt  }
0x7e: {  	_ =	shalt  }
0x7f: {  	_ =	shalt  }
0x80: {  	_ =	shalt  }
0x81: {  	_ =	shalt  }
0x82: {  	_ =	shalt  }
0x83: {  	_ =	shalt  }
0x84: {  	_ =	shalt  }
0x85: {  	_ =	shalt  }
0x86: {  	_ =	shalt  }
0x87: {  	_ =	shalt  }
.Lfunc_end0:
.L_simem_size_0:
called_computation.2_lowered:
.L_overlay_start_0:
0x88: {  	s2 =	sld [smem:$0x3FD9]  }
0x89: {  	s3 =	sld [smem:$0x3FFE];
	_ =	sdelay $0x1  }
0x8a: {  	s1 =	srdreg.scid  }
0x8b: {  	s0 =	sand.u32 $0x1, s1  }
0x8c: {  	s15 =	sshll.u32 s0, $0xA;
	s2 =	sadd.s32 s3, s2  }
0x8d: {  	s2 =	sadd.s32 s2, s15  }
0x8e: {  	[smem:$0x3FC0] =	sst s2  }
0x8f: {  	_ = 	snop  }
0x90: {  	s2 =	sld [smem:$0x3FD0];
	_ =	sdelay $0x2  }
0x91: {  	s16 =	simm.s32 $0xA;
	s4 =	simm.s32 $0x10  }
0x92: {  	[smem:s4], [sflag:s16] =	dma.local [hbm:s2], $0x1  }
0x93: {  	_ =	swait.eq [sflag:s16], $0x1  }
0x94: {  	s17 =	sld [smem:$0x11];
	[sflag:s16] =	ssyncset.done $0x0  }
0x95: {  	s18 =	sld [smem:$0x12];
	[sflag:s16] =	ssyncadd.s32 $0xFFFFFFFF  }
0x96: {  	s19 =	sld [smem:$0x14];
	(tm) =	ssettm $0x1  }
0x97: {  	s5 =	sld [smem:$0x3FFB];
	_ =	sdelay $0x3  }
0x98: {  	_ =	strace s5  }
0x99: {  	s5 =	sld [smem:$0x3FFC];
	_ =	sdelay $0x3  }
0x9a: {  	_ =	strace s5  }
0x9b: {  	s5 =	sld [smem:$0x3FFD];
	_ =	sdelay $0x3  }
0x9c: {  	_ =	strace s5  }
0x9d: {  	_ =	strace $0x8FFFFFFF  }
0x9e: {  	s20 =	sld [smem:$0x3FDB];
	_ =	sdelay $0x1  }
0x9f: {  	s6 =	simm.s32 $_scs_section_size  }
0xa0: {  	s7 =	simm.s32 $_size__tile_overlayer_lowered;
	s8 =	simm.s32 $_tile_overlayer_lowered  }
0xa1: {  	s23 =	simm.s32 $0x1BFF;
	s22 =	sshll.u32 s8, $0x1;
	s5 =	sadd.s32 s6, s20  }
0xa2: {  	s9 =	simm.s32 $0x0;
	s21 =	sshll.u32 s7, $0x1;
	s7 =	sadd.s32 s22, s5  }
0xa3: {  	[timem:s9], [sflag:s23] =	dma.local [hbm:s7], s21  }
0xa4: {  	_ =	swait.ge [sflag:s23], s21  }
0xa5: {  	s6 =	ssub.s32 $0x0, s21;
	[sflag:s23] =	ssyncset.done $0x0  }
0xa6: {  	[sflag:s23] =	ssyncadd.s32 s6;
	_ =	sdelay $0x1  }
0xa7: {  	s24 =	simm.s32 $0x1B8B  }
0xa8: {  	_ =	swait.ge [sflag:s24], $0x1  }
0xa9: {  	[sflag:s24] =	ssyncset.done $0x0  }
0xaa: {  	s25 =	simm.s32 $0x1B8E;
	[sflag:s24] =	ssyncadd.s32 $0xFFFFFFFF  }
0xab: {  	s26 =	simm.s32 $execute0_lowered;
	[smem:$0x3FD2] =	sst s25  }
0xac: {  	s6 =	sshll.u32 s26, $0x1;
	_ =	strace $0x80000049;
	[dreg:$0x1] =	wrdreg $0xFFFFFFFF  }
0xad: {  	s28 =	simm.s32 $_size_execute0_lowered;
	s5 =	sadd.s32 s5, s6;
	[dreg:$0x0] =	wrdreg $0x0  }
0xae: {  	s6 =	sshll.u32 s28, $0x1;
	[dreg:$0x2] =	wrdreg s5  }
0xaf: {  	[dreg:$0x3] =	wrdreg s6  }
0xb0: {  	[dreg:$0x4] =	wrdreg $0xC0  }
0xb1: {  	_ =	task [dreg:s9], $0x5FFFF  }
0xb2: {  	[dreg:$0x1] =	wrdreg $0xFFFFFFFF  }
0xb3: {  	[dreg:$0x0] =	wrdreg $0x60  }
0xb4: {  	[dreg:$0x2] =	wrdreg s18  }
0xb5: {  	[dreg:$0x3] =	wrdreg s19  }
0xb6: {  	[dreg:$0x4] =	wrdreg s17  }
0xb7: {  	[dreg:$0x5] =	wrdreg $0x9  }
0xb8: {  	_ =	task.clear_ibuf [dreg:s9], $0x6FFFF;
	_ =	strace $0x90000049  }
0xb9: {  	s29 =	simm.s32 $0x9;
	_ =	strace $0x8000004B  }
0xba: {  	_ =	swait.ge [sflag:s29], $0x1  }
0xbb: {  	[sflag:s29] =	ssyncadd.s32 $0xFFFFFFFF  }
0xbc: {  	_ =	strace $0x9000004B  }
0xbd: {  	_ =	sfence  }
0xbe: {  	s30 =	sld [smem:$0x0];
	_ =	sdelay $0x2  }
0xbf: {  	s31 =	sshll.u32 s1, $0xD;
	s1 =	sshrl.u32 s1, $0x2  }
0xc0: {  	s3 =	sand.u32 $0x4000, s31;
	s1 =	sadd.s32 s1, s30  }
0xc1: {  	s0 =	sor.u32 s3, s0;
	s1 =	sshll.u32 s1, $0x11  }
0xc2: {  	s0 =	sor.u32 s1, s0  }
0xc3: {  	s0 =	sadd.s32 $0x8F2B, s0  }
0xc4: {  	[sflag:s0] =	ssyncadd.remote.s32 $0x1  }
0xc5: {  	_ =	sfence.sel $0xFFFF  }
0xc6: {  	[dreg:$0x0] =	wrdreg $0xFFFFFFFF;
	(pc) =	sbr.abs _section_cstart, $3  }
0xc7: {  	[dreg:$0x1] =	wrdreg $0xFFFFFFFF  }
0xc8: {  	_ =	task.clear_ibuf [dreg:s9], $0x2FFFF;
	_ =	strace $0x9FFFFFFF  }
0xc9: {  	(tm) =	ssettm $0x7FFFFFFF  }
tec
execute0_lowered:
.L_overlay_start_1:
0x0: {  	(tag) =	ssettag $0x1  }
0x1: {  	s1 =	rddreg [dreg:$0x0]  }
0x2: {  	s0 =	rddreg [dreg:$0x1]  }
0x3: {  	s9 =	rddreg [dreg:$0x2]  }
0x4: {  	s3 =	srdreg.scid;
	s2 =	stileid.u32  }
0x5: {  	s12 =	simm.s32 $0x50;
	s13 =	simm.s32 $0x2710;
	s14 =	simm.s32 $0x3B10  }
0x6: {  	s15 =	simm.s32 $0x4F10;
	s16 =	simm.s32 $0x6310;
	s17 =	simm.s32 $0x7710  }
0x7: {  	s18 =	simm.s32 $0x1;
	s19 =	simm.s32 $0x2;
	s20 =	simm.s32 $0x3  }
0x8: {  	s21 =	simm.s32 $0x4;
	s22 =	simm.s32 $0x5;
	s5 =	smul.u32 $0x4E20, s2  }
0x9: {  	s23 =	simm.s32 $0x0;
	s7 =	sand.u32 $0x1, s3;
	s31 =	smul.u32 $0x27100, s2  }
0xa: {  	s4 =	sshll.u32 s2, $0x1;
	s3 =	simm.s32 $0x0;
	s6 =	smul.u32 $0x2710, s7  }
0xb: {  	s4 =	sor.u32 s7, s4;
	s8 =	ssub.s32 $0x2, s7;
	s11 =	smul.u32 $0x13880, s7  }
0xc: {  	[smem:$0x7FF] =	sst s3;
	s4 =	smul.u32 $0x2710, s4;
	s10 =	sshrl.u32 s8, $0x1  }
0xd: {  	_ =	strace $0x8000004A;
	s5 =	sadd.s32 s6, s5;
	s29 =	ssub.s32 s8, s10  }
0xe: {  	s10 =	sadd.s32 s31, s9;
	s4 =	sshrl.u32 s4, $0x3;
	s5 =	sshll.u32 s5, $0x3  }
0xf: {  	s10 =	sadd.s32 s11, s10;
	s11 =	simm.s32 $0x6;
	s30 =	sadd.s32 s9, s5  }
0x10: {  	s4 =	sadd.s32 s0, s4;
	s5 =	smax.u32 s29, $0x1;
	s6 =	sadd.s32 $0xA00, s30  }
0x11: {  	s7 =	sadd.s32 $0x780, s30;
	s8 =	sadd.s32 $0x500, s30;
	s9 =	sadd.s32 $0x280, s30  }
.LBB2_1:
0x12: {  	[tilespmem:s3], [sflag:$0x6] =	stream.linear.gather [hbm4b:s4+s3], $0x2710, $0x38;
	[tilespmem:$0x8B10] =	vst v63  }
0x13: {  	_ =	swait.ge [sflag:s11], $0x2710  }
0x14: {  	[sflag:s11] =	ssyncset.done $0x0  }
0x15: {  	s0 =	simm.s32 $0x0;
	[sflag:s11] =	ssyncadd.s32 $0xFFFFD8F0  }
0x16: {  	[tilespmem:s13], [sflag:$0x1] =	stream.indirect.gather [hbm4b:s1+s12], $0x40, s0, s12, $0xb8;
	[tilespmem:$0x8B10] =	vst v63  }
0x17: {  	s2 =	simm.s32 $0x50  }
0x18: {  	[tilespmem:s14], [sflag:$0x2] =	stream.indirect.gather [hbm4b:s1+s12], $0x40, s2, s12, $0xb8;
	[tilespmem:$0x8B10] =	vst v63  }
0x19: {  	s24 =	simm.s32 $0xA0  }
0x1a: {  	[tilespmem:s15], [sflag:$0x3] =	stream.indirect.gather [hbm4b:s1+s12], $0x40, s24, s12, $0xb8;
	[tilespmem:$0x8B10] =	vst v63  }
0x1b: {  	s25 =	simm.s32 $0xF0  }
0x1c: {  	[tilespmem:s16], [sflag:$0x4] =	stream.indirect.gather [hbm4b:s1+s12], $0x40, s25, s12, $0xb8;
	[tilespmem:$0x8B10] =	vst v63  }
0x1d: {  	s26 =	simm.s32 $0x140  }
0x1e: {  	[tilespmem:s17], [sflag:$0x5] =	stream.indirect.gather [hbm4b:s1+s12], $0x40, s26, s12, $0xb8;
	[tilespmem:$0x8B10] =	vst v63  }
0x1f: {  	_ =	swait.ge [sflag:s18], $0x1400  }
0x20: {  	[sflag:s18] =	ssyncset.done $0x0  }
0x21: {  	[sflag:s18] =	ssyncadd.s32 $0xFFFFEC00  }
0x22: {  	[hbm4b:s10+s3] =	stream.linear.scatter [tilespmem:s13], [sflag:$0x6], $0x1400, $0x38;
	[tilespmem:$0x8B10] =	vst v63  }
0x23: {  	_ =	swait.ge [sflag:s11], $0x1400  }
0x24: {  	[sflag:s11] =	ssyncset.done $0x0  }
0x25: {  	[sflag:s11] =	ssyncadd.s32 $0xFFFFEC00  }
0x26: {  	_ =	swait.ge [sflag:s19], $0x1400  }
0x27: {  	[sflag:s19] =	ssyncset.done $0x0  }
0x28: {  	[sflag:s19] =	ssyncadd.s32 $0xFFFFEC00  }
0x29: {  	[hbm4b:s9+s3] =	stream.linear.scatter [tilespmem:s14], [sflag:$0x6], $0x1400, $0x38;
	[tilespmem:$0x8B10] =	vst v63  }
0x2a: {  	_ =	swait.ge [sflag:s11], $0x1400  }
0x2b: {  	[sflag:s11] =	ssyncset.done $0x0  }
0x2c: {  	[sflag:s11] =	ssyncadd.s32 $0xFFFFEC00  }
0x2d: {  	_ =	swait.ge [sflag:s20], $0x1400  }
0x2e: {  	[sflag:s20] =	ssyncset.done $0x0  }
0x2f: {  	[sflag:s20] =	ssyncadd.s32 $0xFFFFEC00  }
0x30: {  	[hbm4b:s8+s3] =	stream.linear.scatter [tilespmem:s15], [sflag:$0x6], $0x1400, $0x38;
	[tilespmem:$0x8B10] =	vst v63  }
0x31: {  	_ =	swait.ge [sflag:s11], $0x1400  }
0x32: {  	[sflag:s11] =	ssyncset.done $0x0  }
0x33: {  	[sflag:s11] =	ssyncadd.s32 $0xFFFFEC00  }
0x34: {  	_ =	swait.ge [sflag:s21], $0x1400  }
0x35: {  	[sflag:s21] =	ssyncset.done $0x0  }
0x36: {  	[sflag:s21] =	ssyncadd.s32 $0xFFFFEC00  }
0x37: {  	[hbm4b:s7+s3] =	stream.linear.scatter [tilespmem:s16], [sflag:$0x6], $0x1400, $0x38;
	[tilespmem:$0x8B10] =	vst v63  }
0x38: {  	_ =	swait.ge [sflag:s11], $0x1400  }
0x39: {  	[sflag:s11] =	ssyncset.done $0x0  }
0x3a: {  	[sflag:s11] =	ssyncadd.s32 $0xFFFFEC00  }
0x3b: {  	_ =	swait.ge [sflag:s22], $0x1400  }
0x3c: {  	s30 =	simm.s32 $0x640;
	[sflag:s22] =	ssyncset.done $0x0  }
0x3d: {  	s31 =	simm.s32 $0xC80;
	s29 =	sadd.s32 $0xC80, s10;
	[sflag:s22] =	ssyncadd.s32 $0xFFFFEC00  }
0x3e: {  	[hbm4b:s6+s3] =	stream.linear.scatter [tilespmem:s17], [sflag:$0x6], $0x1400, $0x38;
	[tilespmem:$0x8B10] =	vst v63  }
0x3f: {  	s28 =	sadd.s32 $0xC80, s9;
	s24 =	sadd.s32 $0xC80, s6;
	_ =	swait.ge [sflag:s11], $0x1400  }
0x40: {  	s25 =	sadd.s32 $0xC80, s7;
	s26 =	sadd.s32 $0xC80, s8;
	[sflag:s11] =	ssyncset.done $0x0  }
.LBB2_2:
0x41: {  	s2 =	sshra.s32 s30, $0x2  }
0x42: {  	[sflag:s11] =	ssyncadd.s32 $0xFFFFEC00;
	s30 =	smov.u32 s31;
	s0 =	sadd.s32 $0x640, s31  }
0x43: {  	[tilespmem:s13], [sflag:$0x1] =	stream.indirect.gather [hbm4b:s1+s12], $0x40, s2, s12, $0xb8;
	[tilespmem:$0x8B10] =	vst v63  }
0x44: {  	p0 =	sne.s32 s31, $0x9600;
	s31 =	sadd.s32 $0x50, s2  }
0x45: {  	[tilespmem:s14], [sflag:$0x2] =	stream.indirect.gather [hbm4b:s1+s12], $0x40, s31, s12, $0xb8;
	[tilespmem:$0x8B10] =	vst v63  }
0x46: {  	s31 =	sadd.s32 $0xA0, s2  }
0x47: {  	[tilespmem:s15], [sflag:$0x3] =	stream.indirect.gather [hbm4b:s1+s12], $0x40, s31, s12, $0xb8;
	[tilespmem:$0x8B10] =	vst v63  }
0x48: {  	s31 =	sadd.s32 $0xF0, s2  }
0x49: {  	[tilespmem:s16], [sflag:$0x4] =	stream.indirect.gather [hbm4b:s1+s12], $0x40, s31, s12, $0xb8;
	[tilespmem:$0x8B10] =	vst v63  }
0x4a: {  	s2 =	sadd.s32 $0x140, s2  }
0x4b: {  	[tilespmem:s17], [sflag:$0x5] =	stream.indirect.gather [hbm4b:s1+s12], $0x40, s2, s12, $0xb8;
	[tilespmem:$0x8B10] =	vst v63  }
0x4c: {  	_ =	swait.ge [sflag:s18], $0x1400  }
0x4d: {  	[sflag:s18] =	ssyncset.done $0x0  }
0x4e: {  	[sflag:s18] =	ssyncadd.s32 $0xFFFFEC00  }
0x4f: {  	[hbm4b:s29+s3] =	stream.linear.scatter [tilespmem:s13], [sflag:$0x6], $0x1400, $0x38;
	[tilespmem:$0x8B10] =	vst v63  }
0x50: {  	_ =	swait.ge [sflag:s11], $0x1400  }
0x51: {  	[sflag:s11] =	ssyncset.done $0x0  }
0x52: {  	[sflag:s11] =	ssyncadd.s32 $0xFFFFEC00  }
0x53: {  	_ =	swait.ge [sflag:s19], $0x1400  }
0x54: {  	[sflag:s19] =	ssyncset.done $0x0  }
0x55: {  	[sflag:s19] =	ssyncadd.s32 $0xFFFFEC00  }
0x56: {  	[hbm4b:s28+s3] =	stream.linear.scatter [tilespmem:s14], [sflag:$0x6], $0x1400, $0x38;
	[tilespmem:$0x8B10] =	vst v63  }
0x57: {  	_ =	swait.ge [sflag:s11], $0x1400  }
0x58: {  	[sflag:s11] =	ssyncset.done $0x0  }
0x59: {  	[sflag:s11] =	ssyncadd.s32 $0xFFFFEC00  }
0x5a: {  	_ =	swait.ge [sflag:s20], $0x1400  }
0x5b: {  	[sflag:s20] =	ssyncset.done $0x0  }
0x5c: {  	[sflag:s20] =	ssyncadd.s32 $0xFFFFEC00  }
0x5d: {  	[hbm4b:s26+s3] =	stream.linear.scatter [tilespmem:s15], [sflag:$0x6], $0x1400, $0x38;
	[tilespmem:$0x8B10] =	vst v63  }
0x5e: {  	_ =	swait.ge [sflag:s11], $0x1400  }
0x5f: {  	[sflag:s11] =	ssyncset.done $0x0  }
0x60: {  	[sflag:s11] =	ssyncadd.s32 $0xFFFFEC00  }
0x61: {  	_ =	swait.ge [sflag:s21], $0x1400  }
0x62: {  	[sflag:s21] =	ssyncset.done $0x0  }
0x63: {  	[sflag:s21] =	ssyncadd.s32 $0xFFFFEC00  }
0x64: {  	[hbm4b:s25+s3] =	stream.linear.scatter [tilespmem:s16], [sflag:$0x6], $0x1400, $0x38;
	[tilespmem:$0x8B10] =	vst v63  }
0x65: {  	_ =	swait.ge [sflag:s11], $0x1400  }
0x66: {  	[sflag:s11] =	ssyncset.done $0x0  }
0x67: {  	[sflag:s11] =	ssyncadd.s32 $0xFFFFEC00  }
0x68: {  	_ =	swait.ge [sflag:s22], $0x1400  }
.Ltmp0:
0x69: {  	[sflag:s22] =	ssyncset.done $0x0;
	(pc) =	sbr.rel @p0 .LBB2_2-.Ltmp0, $4  }
0x6a: {  	s31 =	smov.u32 s0;
	s29 =	sadd.s32 $0xC80, s29;
	[sflag:s22] =	ssyncadd.s32 $0xFFFFEC00  }
0x6b: {  	[hbm4b:s24+s3] =	stream.linear.scatter [tilespmem:s17], [sflag:$0x6], $0x1400, $0x38;
	[tilespmem:$0x8B10] =	vst v63  }
0x6c: {  	s28 =	sadd.s32 $0xC80, s28;
	s26 =	sadd.s32 $0xC80, s26;
	_ =	swait.ge [sflag:s11], $0x1400  }
0x6d: {  	s25 =	sadd.s32 $0xC80, s25;
	s24 =	sadd.s32 $0xC80, s24;
	[sflag:s11] =	ssyncset.done $0x0  }
0x6e: {  	s0 =	sshra.s32 s30, $0x2;
	[sflag:s11] =	ssyncadd.s32 $0xFFFFEC00  }
0x6f: {  	[tilespmem:s13], [sflag:$0x1] =	stream.indirect.gather [hbm4b:s1+s12], $0x40, s0, s12, $0xb8;
	[tilespmem:$0x8B10] =	vst v63  }
0x70: {  	s2 =	sadd.s32 $0x50, s0  }
0x71: {  	[tilespmem:s14], [sflag:$0x2] =	stream.indirect.gather [hbm4b:s1+s12], $0x40, s2, s12, $0xb8;
	[tilespmem:$0x8B10] =	vst v63  }
0x72: {  	s30 =	sadd.s32 $0xA0, s0  }
0x73: {  	[tilespmem:s15], [sflag:$0x3] =	stream.indirect.gather [hbm4b:s1+s12], $0x40, s30, s12, $0xb8;
	[tilespmem:$0x8B10] =	vst v63  }
0x74: {  	s31 =	sadd.s32 $0xF0, s0  }
0x75: {  	[tilespmem:s16], [sflag:$0x4] =	stream.indirect.gather [hbm4b:s1+s12], $0x40, s31, s12, $0xb8;
	[tilespmem:$0x8B10] =	vst v63  }
0x76: {  	s0 =	sadd.s32 $0x140, s0  }
0x77: {  	[tilespmem:s17], [sflag:$0x5] =	stream.indirect.gather [hbm4b:s1+s12], $0x40, s0, s12, $0xb8;
	[tilespmem:$0x8B10] =	vst v63  }
0x78: {  	_ =	swait.ge [sflag:s18], $0x1400  }
0x79: {  	[sflag:s18] =	ssyncset.done $0x0  }
0x7a: {  	[sflag:s18] =	ssyncadd.s32 $0xFFFFEC00  }
0x7b: {  	[hbm4b:s29+s3] =	stream.linear.scatter [tilespmem:s13], [sflag:$0x6], $0x1400, $0x38;
	[tilespmem:$0x8B10] =	vst v63  }
0x7c: {  	_ =	swait.ge [sflag:s11], $0x1400  }
0x7d: {  	[sflag:s11] =	ssyncset.done $0x0  }
0x7e: {  	[sflag:s11] =	ssyncadd.s32 $0xFFFFEC00  }
0x7f: {  	_ =	swait.ge [sflag:s19], $0x1400  }
0x80: {  	[sflag:s19] =	ssyncset.done $0x0  }
0x81: {  	[sflag:s19] =	ssyncadd.s32 $0xFFFFEC00  }
0x82: {  	[hbm4b:s28+s3] =	stream.linear.scatter [tilespmem:s14], [sflag:$0x6], $0x1400, $0x38;
	[tilespmem:$0x8B10] =	vst v63  }
0x83: {  	_ =	swait.ge [sflag:s11], $0x1400  }
0x84: {  	[sflag:s11] =	ssyncset.done $0x0  }
0x85: {  	[sflag:s11] =	ssyncadd.s32 $0xFFFFEC00  }
0x86: {  	_ =	swait.ge [sflag:s20], $0x1400  }
0x87: {  	[sflag:s20] =	ssyncset.done $0x0  }
0x88: {  	[sflag:s20] =	ssyncadd.s32 $0xFFFFEC00  }
0x89: {  	[hbm4b:s26+s3] =	stream.linear.scatter [tilespmem:s15], [sflag:$0x6], $0x1400, $0x38;
	[tilespmem:$0x8B10] =	vst v63  }
0x8a: {  	_ =	swait.ge [sflag:s11], $0x1400  }
0x8b: {  	[sflag:s11] =	ssyncset.done $0x0  }
0x8c: {  	[sflag:s11] =	ssyncadd.s32 $0xFFFFEC00  }
0x8d: {  	_ =	swait.ge [sflag:s21], $0x1400  }
0x8e: {  	[sflag:s21] =	ssyncset.done $0x0  }
0x8f: {  	[sflag:s21] =	ssyncadd.s32 $0xFFFFEC00  }
0x90: {  	[hbm4b:s25+s3] =	stream.linear.scatter [tilespmem:s16], [sflag:$0x6], $0x1400, $0x38;
	[tilespmem:$0x8B10] =	vst v63  }
0x91: {  	_ =	swait.ge [sflag:s11], $0x1400  }
0x92: {  	[sflag:s11] =	ssyncset.done $0x0  }
0x93: {  	[sflag:s11] =	ssyncadd.s32 $0xFFFFEC00  }
0x94: {  	s23 =	sadd.s32 $0x1, s23;
	_ =	swait.ge [sflag:s22], $0x1400  }
0x95: {  	p0 =	sne.s32 s23, s5;
	[sflag:s22] =	ssyncset.done $0x0  }
.Ltmp1:
0x96: {  	[sflag:s22] =	ssyncadd.s32 $0xFFFFEC00;
	(pc) =	sbr.rel @p0 .LBB2_1-.Ltmp1, $4  }
0x97: {  	[hbm4b:s24+s3] =	stream.linear.scatter [tilespmem:s17], [sflag:$0x6], $0x1400, $0x38;
	[tilespmem:$0x8B10] =	vst v63  }
0x98: {  	_ =	swait.ge [sflag:s11], $0x1400  }
0x99: {  	[sflag:s11] =	ssyncset.done $0x0  }
0x9a: {  	[sflag:s11] =	ssyncadd.s32 $0xFFFFEC00  }
0x9b: {  	_ =	sfence.sel $0x180000  }
0x9c: {  	[bflag:$0x0] =	sbarrier.arrive $0xFFFF  }
0x9d: {  	_ =	strace $0x9000004A  }
0x9e: {  	s0 =	stileid.u32;
	[bflag:$0x2] =	sbarrier.arrive $0xFFFF  }
0x9f: {  	p0 =	sne.s32 s0, $0x0;
	s0 =	rddreg [dreg:$0x3]  }
0xa0: {  	s0 =	sadd.s32 @!p0 $0x100000, s0  }
0xa1: {  	[sflag:s0] =	ssyncadd.tile.s32 @!p0 $0x1;
	_ =	shalt  }
.Lfunc_end2:
_tile_overlayer_lowered:
.L_overlay_start_2:
0xa2: {  	(tag) =	ssettag $0x2  }
0xa3: {  	s0 =	rddreg [dreg:$0x0];
	s2 =	stileid.u32  }
0xa4: {  	s1 =	rddreg [dreg:$0x1];
	p0 =	sne.s32 s2, $0x0  }
0xa5: {  	s3 =	rddreg [dreg:$0x2];
	[bflag:$0x3] =	sbarrier.arrive $0xFFFF;
	s2 =	simm.s32 @!p0 $0x1C06  }
0xa6: {  	[timem:s3], [sflag:s2] =	dma.local @!p0 [hbm:s0], s1  }
0xa7: {  	s0 =	simm.s32 @!p0 $0x6  }
0xa8: {  	_ =	swait.ge @!p0 [sflag:s0], s1  }
0xa9: {  	s1 =	ssub.s32 @!p0 $0x0, s1;
	[sflag:s0] =	ssyncset.done @!p0 $0x0  }
0xaa: {  	[sflag:s0] =	ssyncadd.s32 @!p0 s1  }
0xab: {  	[bflag:$0x3] =	sbarrier.arrive $0xFFFF  }
0xac: {  	_ =	shalt  }

// kernel: kernel.16.cloned.1.call-start
scs
__scs_entry_jumppad:
0x0: {  	(pc) =	sbr.rel $0x88, $3  }
0x1: {  	(tag) =	ssettag $0x0;
	lr =	simm.s32 $0x1  }
0x2: {  	[smem:$0x3F99] =	sst lr;
	_ =	strace $0xD0000000  }
0x3: {  	_ = 	snop  }
0x4: {  	_ = 	snop  }
0x5: {  	_ = 	snop  }
0x6: {  	_ = 	snop  }
0x7: {  	_ = 	snop  }
__scs_overlays_trampoline_lowered:
0x8: {  	[smem:$0x3FA8] =	sst s0  }
0x9: {  	[smem:$0x3FA9] =	sst s1  }
0xa: {  	[smem:$0x3FAA] =	sst s2  }
0xb: {  	[smem:$0x3FAB] =	sst s3  }
0xc: {  	[smem:$0x3FAC] =	sst s4  }
0xd: {  	[smem:$0x3FAD] =	sst s5  }
0xe: {  	[smem:$0x3FAE] =	sst s6  }
0xf: {  	[smem:$0x3FAF] =	sst s7  }
0x10: {  	[smem:$0x3FB0] =	sst s8  }
0x11: {  	[smem:$0x3FB1] =	sst s9;
	s0 =	simm.s32 @!p0 $0x0  }
0x12: {  	s1 =	sld [smem:$0x3F97];
	s0 =	simm.s32 @p0 $0x1  }
0x13: {  	[smem:$0x3FB2] =	sst s0;
	s0 =	simm.s32 @!p1 $0x0  }
0x14: {  	s2 =	sld [smem:$0x3F96];
	s0 =	simm.s32 @p1 $0x1  }
0x15: {  	[smem:$0x3FB3] =	sst s0;
	s0 =	simm.s32 @!p2 $0x0  }
0x16: {  	s3 =	sld [smem:$0x3FDB];
	s0 =	simm.s32 @p2 $0x1  }
0x17: {  	s4 =	simm.s32 $0x1BF5;
	[smem:$0x3FB5] =	sst s0  }
0x18: {  	s0 =	sld [smem:$0x3F98];
	_ =	swait.ge [sflag:s4], $0x0  }
0x19: {  	s7 =	sld [smem:$0x3F99]  }
0x1a: {  	s8 =	sadd.s32 $0xFFFFE003, lr  }
0x1b: {  	s9 =	sadd.s32 $0xFFFFFEF7, lr;
	s5 =	simm.s32 $0xFFFFFFFF;
	p2 =	slt.u32 s8, $0xFFFFF086  }
0x1c: {  	p1 =	slt.u32 s9, $0xF7A;
	s5 =	simm.s32 @!p2 $0x0  }
0x1d: {  	s5 =	simm.s32 @p1 $0x1;
	p0 =	seq.s32 s7, s2  }
0x1e: {  	s7 =	smul.u32 @!p0 $0xF7A, s2;
	p2 =	seq.s32 @!p0 s5, $0x0  }
0x1f: {  	s9 =	smul.u32 $0xF7A, s1;
	s8 =	simm.s32 @!p0 $0x1BF5;
	p2 =	por !p2, p0  }
0x20: {  	[sflag:s8] =	ssyncset.s32 @!p0 $0xFFFFF086;
	s6 =	sadd.s32 @!p0 s3, s7;
	s7 =	simm.s32 @!p0 $0x108  }
0x21: {  	s3 =	sadd.s32 s3, s9;
	s6 =	sadd.s32 @!p0 $0x88, s6;
	s7 =	simm.s32 @p2 $0x1082  }
0x22: {  	[simem:s7], [sflag:s8] =	dma.local @!p0 [hbm:s6], $0xF7A  }
0x23: {  	s9 =	sor.u32 $0xD0000000, s2;
	s6 =	simm.s32 $0x108;
	_ =	swait.ge @!p0 [sflag:s8], $0x0  }
0x24: {  	s3 =	sadd.s32 $0x88, s3;
	s6 =	simm.s32 @!p1 $0x1082;
	[sflag:s4] =	ssyncset.s32 $0xFFFFF086  }
0x25: {  	[simem:s6], [sflag:s4] =	dma.local [hbm:s3], $0xF7A  }
0x26: {  	[smem:$0x3F99] =	sst s1;
	(tag) =	ssettag s2;
	_ =	strace s9  }
0x27: {  	s1 =	sld [smem:$0x3FA9]  }
0x28: {  	s2 =	sld [smem:$0x3FAA]  }
0x29: {  	s4 =	sld [smem:$0x3FAC]  }
0x2a: {  	p0 =	seq.s32 s5, $0x0;
	s5 =	sld [smem:$0x3FAD]  }
0x2b: {  	s6 =	sld [smem:$0x3FAE]  }
0x2c: {  	s7 =	sld [smem:$0x3FAF]  }
0x2d: {  	s3 =	simm.s32 $0x108;
	s8 =	sld [smem:$0x3FB0]  }
0x2e: {  	s3 =	simm.s32 @!p0 $0x1082;
	s9 =	sld [smem:$0x3FB1]  }
0x2f: {  	lr =	sadd.s32 s0, s3;
	s0 =	sld [smem:$0x3FA8]  }
0x30: {  	s3 =	sld [smem:$0x3FAB]  }
0x31: {  	[smem:$0x3FB4] =	sst s10  }
0x32: {  	s10 =	sld [smem:$0x3FB2];
	_ =	sdelay $0x3  }
0x33: {  	p0 =	seq.s32 s10, $0x1;
	s10 =	sld [smem:$0x3FB4];
	_ =	sdelay $0x3  }
0x34: {  	[smem:$0x3FB4] =	sst s10  }
0x35: {  	s10 =	sld [smem:$0x3FB3];
	_ =	sdelay $0x3  }
0x36: {  	p1 =	seq.s32 s10, $0x1;
	s10 =	sld [smem:$0x3FB4];
	_ =	sdelay $0x3  }
0x37: {  	[smem:$0x3FB4] =	sst s10  }
0x38: {  	s10 =	sld [smem:$0x3FB5]  }
0x39: {  	_ = 	snop;
	(pc) =	sbr.ind lr, $3  }
0x3a: {  	_ = 	snop  }
0x3b: {  	_ = 	snop  }
0x3c: {  	p2 =	seq.s32 s10, $0x1;
	s10 =	sld [smem:$0x3FB4]  }
0x3d: {  	_ =	shalt  }
0x3e: {  	_ =	shalt  }
0x3f: {  	_ =	shalt  }
0x40: {  	_ =	shalt  }
0x41: {  	_ =	shalt  }
0x42: {  	_ =	shalt  }
0x43: {  	_ =	shalt  }
0x44: {  	_ =	shalt  }
0x45: {  	_ =	shalt  }
0x46: {  	_ =	shalt  }
0x47: {  	_ =	shalt  }
0x48: {  	_ =	shalt  }
0x49: {  	_ =	shalt  }
0x4a: {  	_ =	shalt  }
0x4b: {  	_ =	shalt  }
0x4c: {  	_ =	shalt  }
0x4d: {  	_ =	shalt  }
0x4e: {  	_ =	shalt  }
0x4f: {  	_ =	shalt  }
0x50: {  	_ =	shalt  }
0x51: {  	_ =	shalt  }
0x52: {  	_ =	shalt  }
0x53: {  	_ =	shalt  }
0x54: {  	_ =	shalt  }
0x55: {  	_ =	shalt  }
0x56: {  	_ =	shalt  }
0x57: {  	_ =	shalt  }
0x58: {  	_ =	shalt  }
0x59: {  	_ =	shalt  }
0x5a: {  	_ =	shalt  }
0x5b: {  	_ =	shalt  }
0x5c: {  	_ =	shalt  }
0x5d: {  	_ =	shalt  }
0x5e: {  	_ =	shalt  }
0x5f: {  	_ =	shalt  }
0x60: {  	_ =	shalt  }
0x61: {  	_ =	shalt  }
0x62: {  	_ =	shalt  }
0x63: {  	_ =	shalt  }
0x64: {  	_ =	shalt  }
0x65: {  	_ =	shalt  }
0x66: {  	_ =	shalt  }
0x67: {  	_ =	shalt  }
0x68: {  	_ =	shalt  }
0x69: {  	_ =	shalt  }
0x6a: {  	_ =	shalt  }
0x6b: {  	_ =	shalt  }
0x6c: {  	_ =	shalt  }
0x6d: {  	_ =	shalt  }
0x6e: {  	_ =	shalt  }
0x6f: {  	_ =	shalt  }
0x70: {  	_ =	shalt  }
0x71: {  	_ =	shalt  }
0x72: {  	_ =	shalt  }
0x73: {  	_ =	shalt  }
0x74: {  	_ =	shalt  }
0x75: {  	_ =	shalt  }
0x76: {  	_ =	shalt  }
0x77: {  	_ =	shalt  }
0x78: {  	_ =	shalt  }
0x79: {  	_ =	shalt  }
0x7a: {  	_ =	shalt  }
0x7b: {  	_ =	shalt  }
0x7c: {  	_ =	shalt  }
0x7d: {  	_ =	shalt  }
0x7e: {  	_ =	shalt  }
0x7f: {  	_ =	shalt  }
0x80: {  	_ =	shalt  }
0x81: {  	_ =	shalt  }
0x82: {  	_ =	shalt  }
0x83: {  	_ =	shalt  }
0x84: {  	_ =	shalt  }
0x85: {  	_ =	shalt  }
0x86: {  	_ =	shalt  }
0x87: {  	_ =	shalt  }
.Lfunc_end0:
.L_simem_size_0:
called_computation.3_lowered:
.L_overlay_start_0:
0x88: {  	s2 =	sld [smem:$0x3FD9]  }
0x89: {  	s3 =	sld [smem:$0x3FFE];
	_ =	sdelay $0x1  }
0x8a: {  	s1 =	srdreg.scid  }
0x8b: {  	s0 =	sand.u32 $0x1, s1  }
0x8c: {  	s15 =	sshll.u32 s0, $0xA;
	s2 =	sadd.s32 s3, s2  }
0x8d: {  	s2 =	sadd.s32 s2, s15  }
0x8e: {  	[smem:$0x3FC0] =	sst s2  }
0x8f: {  	_ = 	snop  }
0x90: {  	s2 =	sld [smem:$0x3FD0];
	_ =	sdelay $0x2  }
0x91: {  	s16 =	simm.s32 $0xA;
	s4 =	simm.s32 $0x10  }
0x92: {  	[smem:s4], [sflag:s16] =	dma.local [hbm:s2], $0x1  }
0x93: {  	_ =	swait.eq [sflag:s16], $0x1  }
0x94: {  	s17 =	sld [smem:$0x11];
	[sflag:s16] =	ssyncset.done $0x0  }
0x95: {  	s18 =	sld [smem:$0x12];
	[sflag:s16] =	ssyncadd.s32 $0xFFFFFFFF  }
0x96: {  	s19 =	sld [smem:$0x14];
	(tm) =	ssettm $0x1  }
0x97: {  	s5 =	sld [smem:$0x3FFB];
	_ =	sdelay $0x3  }
0x98: {  	_ =	strace s5  }
0x99: {  	s5 =	sld [smem:$0x3FFC];
	_ =	sdelay $0x3  }
0x9a: {  	_ =	strace s5  }
0x9b: {  	s5 =	sld [smem:$0x3FFD];
	_ =	sdelay $0x3  }
0x9c: {  	_ =	strace s5  }
0x9d: {  	_ =	strace $0x8FFFFFFF  }
0x9e: {  	s20 =	sld [smem:$0x3FDB];
	_ =	sdelay $0x1  }
0x9f: {  	s6 =	simm.s32 $_scs_section_size  }
0xa0: {  	s7 =	simm.s32 $_size__tile_overlayer_lowered;
	s8 =	simm.s32 $_tile_overlayer_lowered  }
0xa1: {  	s23 =	simm.s32 $0x1BFF;
	s22 =	sshll.u32 s8, $0x1;
	s5 =	sadd.s32 s6, s20  }
0xa2: {  	s9 =	simm.s32 $0x0;
	s21 =	sshll.u32 s7, $0x1;
	s7 =	sadd.s32 s22, s5  }
0xa3: {  	[timem:s9], [sflag:s23] =	dma.local [hbm:s7], s21  }
0xa4: {  	_ =	swait.ge [sflag:s23], s21  }
0xa5: {  	s6 =	ssub.s32 $0x0, s21;
	[sflag:s23] =	ssyncset.done $0x0  }
0xa6: {  	[sflag:s23] =	ssyncadd.s32 s6;
	_ =	sdelay $0x1  }
0xa7: {  	s24 =	simm.s32 $0x1B8B  }
0xa8: {  	_ =	swait.ge [sflag:s24], $0x1  }
0xa9: {  	[sflag:s24] =	ssyncset.done $0x0  }
0xaa: {  	s25 =	simm.s32 $0x1B8E;
	[sflag:s24] =	ssyncadd.s32 $0xFFFFFFFF  }
0xab: {  	s26 =	simm.s32 $execute0_lowered;
	[smem:$0x3FD2] =	sst s25  }
0xac: {  	s6 =	sshll.u32 s26, $0x1;
	_ =	strace $0x8000004C;
	[dreg:$0x1] =	wrdreg $0xFFFFFFFF  }
0xad: {  	s28 =	simm.s32 $_size_execute0_lowered;
	s5 =	sadd.s32 s5, s6;
	[dreg:$0x0] =	wrdreg $0x0  }
0xae: {  	s6 =	sshll.u32 s28, $0x1;
	[dreg:$0x2] =	wrdreg s5  }
0xaf: {  	[dreg:$0x3] =	wrdreg s6  }
0xb0: {  	[dreg:$0x4] =	wrdreg $0xC0  }
0xb1: {  	_ =	task [dreg:s9], $0x5FFFF  }
0xb2: {  	[dreg:$0x1] =	wrdreg $0xFFFFFFFF  }
0xb3: {  	[dreg:$0x0] =	wrdreg $0x60  }
0xb4: {  	[dreg:$0x2] =	wrdreg s18  }
0xb5: {  	[dreg:$0x3] =	wrdreg s19  }
0xb6: {  	[dreg:$0x4] =	wrdreg s17  }
0xb7: {  	[dreg:$0x5] =	wrdreg $0x9  }
0xb8: {  	_ =	task.clear_ibuf [dreg:s9], $0x6FFFF;
	_ =	strace $0x9000004C  }
0xb9: {  	s29 =	simm.s32 $0x9;
	_ =	strace $0x8000004E  }
0xba: {  	_ =	swait.ge [sflag:s29], $0x1  }
0xbb: {  	[sflag:s29] =	ssyncadd.s32 $0xFFFFFFFF  }
0xbc: {  	_ =	strace $0x9000004E  }
0xbd: {  	_ =	sfence  }
0xbe: {  	s30 =	sld [smem:$0x0];
	_ =	sdelay $0x2  }
0xbf: {  	s31 =	sshll.u32 s1, $0xD;
	s1 =	sshrl.u32 s1, $0x2  }
0xc0: {  	s3 =	sand.u32 $0x4000, s31;
	s1 =	sadd.s32 s1, s30  }
0xc1: {  	s0 =	sor.u32 s3, s0;
	s1 =	sshll.u32 s1, $0x11  }
0xc2: {  	s0 =	sor.u32 s1, s0  }
0xc3: {  	s0 =	sadd.s32 $0x8F2B, s0  }
0xc4: {  	[sflag:s0] =	ssyncadd.remote.s32 $0x1  }
0xc5: {  	_ =	sfence.sel $0xFFFF  }
0xc6: {  	[dreg:$0x0] =	wrdreg $0xFFFFFFFF;
	(pc) =	sbr.abs _section_cstart, $3  }
0xc7: {  	[dreg:$0x1] =	wrdreg $0xFFFFFFFF  }
0xc8: {  	_ =	task.clear_ibuf [dreg:s9], $0x2FFFF;
	_ =	strace $0x9FFFFFFF  }
0xc9: {  	(tm) =	ssettm $0x7FFFFFFF  }
tec
execute0_lowered:
.L_overlay_start_1:
0x0: {  	(tag) =	ssettag $0x1  }
0x1: {  	s1 =	rddreg [dreg:$0x0]  }
0x2: {  	s0 =	rddreg [dreg:$0x1]  }
0x3: {  	s9 =	rddreg [dreg:$0x2]  }
0x4: {  	s3 =	srdreg.scid;
	s2 =	stileid.u32  }
0x5: {  	s12 =	simm.s32 $0x50;
	s13 =	simm.s32 $0x2710;
	s14 =	simm.s32 $0x3B10  }
0x6: {  	s15 =	simm.s32 $0x4F10;
	s16 =	simm.s32 $0x6310;
	s17 =	simm.s32 $0x7710  }
0x7: {  	s18 =	simm.s32 $0x1;
	s19 =	simm.s32 $0x2;
	s20 =	simm.s32 $0x3  }
0x8: {  	s21 =	simm.s32 $0x4;
	s22 =	simm.s32 $0x5;
	s5 =	smul.u32 $0x4E20, s2  }
0x9: {  	s23 =	simm.s32 $0x0;
	s7 =	sand.u32 $0x1, s3;
	s31 =	smul.u32 $0x27100, s2  }
0xa: {  	s4 =	sshll.u32 s2, $0x1;
	s3 =	simm.s32 $0x0;
	s6 =	smul.u32 $0x2710, s7  }
0xb: {  	s4 =	sor.u32 s7, s4;
	s8 =	ssub.s32 $0x2, s7;
	s11 =	smul.u32 $0x13880, s7  }
0xc: {  	[smem:$0x7FF] =	sst s3;
	s4 =	smul.u32 $0x2710, s4;
	s10 =	sshrl.u32 s8, $0x1  }
0xd: {  	_ =	strace $0x8000004D;
	s5 =	sadd.s32 s6, s5;
	s29 =	ssub.s32 s8, s10  }
0xe: {  	s10 =	sadd.s32 s31, s9;
	s4 =	sshrl.u32 s4, $0x3;
	s5 =	sshll.u32 s5, $0x3  }
0xf: {  	s10 =	sadd.s32 s11, s10;
	s11 =	simm.s32 $0x6;
	s30 =	sadd.s32 s9, s5  }
0x10: {  	s4 =	sadd.s32 s0, s4;
	s5 =	smax.u32 s29, $0x1;
	s6 =	sadd.s32 $0xA00, s30  }
0x11: {  	s7 =	sadd.s32 $0x780, s30;
	s8 =	sadd.s32 $0x500, s30;
	s9 =	sadd.s32 $0x280, s30  }
.LBB2_1:
0x12: {  	[tilespmem:s3], [sflag:$0x6] =	stream.linear.gather [hbm4b:s4+s3], $0x2710, $0x38;
	[tilespmem:$0x8B10] =	vst v63  }
0x13: {  	_ =	swait.ge [sflag:s11], $0x2710  }
0x14: {  	[sflag:s11] =	ssyncset.done $0x0  }
0x15: {  	s0 =	simm.s32 $0x0;
	[sflag:s11] =	ssyncadd.s32 $0xFFFFD8F0  }
0x16: {  	[tilespmem:s13], [sflag:$0x1] =	stream.indirect.gather [hbm4b:s1+s12], $0x40, s0, s12, $0xb8;
	[tilespmem:$0x8B10] =	vst v63  }
0x17: {  	s2 =	simm.s32 $0x50  }
0x18: {  	[tilespmem:s14], [sflag:$0x2] =	stream.indirect.gather [hbm4b:s1+s12], $0x40, s2, s12, $0xb8;
	[tilespmem:$0x8B10] =	vst v63  }
0x19: {  	s24 =	simm.s32 $0xA0  }
0x1a: {  	[tilespmem:s15], [sflag:$0x3] =	stream.indirect.gather [hbm4b:s1+s12], $0x40, s24, s12, $0xb8;
	[tilespmem:$0x8B10] =	vst v63  }
0x1b: {  	s25 =	simm.s32 $0xF0  }
0x1c: {  	[tilespmem:s16], [sflag:$0x4] =	stream.indirect.gather [hbm4b:s1+s12], $0x40, s25, s12, $0xb8;
	[tilespmem:$0x8B10] =	vst v63  }
0x1d: {  	s26 =	simm.s32 $0x140  }
0x1e: {  	[tilespmem:s17], [sflag:$0x5] =	stream.indirect.gather [hbm4b:s1+s12], $0x40, s26, s12, $0xb8;
	[tilespmem:$0x8B10] =	vst v63  }
0x1f: {  	_ =	swait.ge [sflag:s18], $0x1400  }
0x20: {  	[sflag:s18] =	ssyncset.done $0x0  }
0x21: {  	[sflag:s18] =	ssyncadd.s32 $0xFFFFEC00  }
0x22: {  	[hbm4b:s10+s3] =	stream.linear.scatter [tilespmem:s13], [sflag:$0x6], $0x1400, $0x38;
	[tilespmem:$0x8B10] =	vst v63  }
0x23: {  	_ =	swait.ge [sflag:s11], $0x1400  }
0x24: {  	[sflag:s11] =	ssyncset.done $0x0  }
0x25: {  	[sflag:s11] =	ssyncadd.s32 $0xFFFFEC00  }
0x26: {  	_ =	swait.ge [sflag:s19], $0x1400  }
0x27: {  	[sflag:s19] =	ssyncset.done $0x0  }
0x28: {  	[sflag:s19] =	ssyncadd.s32 $0xFFFFEC00  }
0x29: {  	[hbm4b:s9+s3] =	stream.linear.scatter [tilespmem:s14], [sflag:$0x6], $0x1400, $0x38;
	[tilespmem:$0x8B10] =	vst v63  }
0x2a: {  	_ =	swait.ge [sflag:s11], $0x1400  }
0x2b: {  	[sflag:s11] =	ssyncset.done $0x0  }
0x2c: {  	[sflag:s11] =	ssyncadd.s32 $0xFFFFEC00  }
0x2d: {  	_ =	swait.ge [sflag:s20], $0x1400  }
0x2e: {  	[sflag:s20] =	ssyncset.done $0x0  }
0x2f: {  	[sflag:s20] =	ssyncadd.s32 $0xFFFFEC00  }
0x30: {  	[hbm4b:s8+s3] =	stream.linear.scatter [tilespmem:s15], [sflag:$0x6], $0x1400, $0x38;
	[tilespmem:$0x8B10] =	vst v63  }
0x31: {  	_ =	swait.ge [sflag:s11], $0x1400  }
0x32: {  	[sflag:s11] =	ssyncset.done $0x0  }
0x33: {  	[sflag:s11] =	ssyncadd.s32 $0xFFFFEC00  }
0x34: {  	_ =	swait.ge [sflag:s21], $0x1400  }
0x35: {  	[sflag:s21] =	ssyncset.done $0x0  }
0x36: {  	[sflag:s21] =	ssyncadd.s32 $0xFFFFEC00  }
0x37: {  	[hbm4b:s7+s3] =	stream.linear.scatter [tilespmem:s16], [sflag:$0x6], $0x1400, $0x38;
	[tilespmem:$0x8B10] =	vst v63  }
0x38: {  	_ =	swait.ge [sflag:s11], $0x1400  }
0x39: {  	[sflag:s11] =	ssyncset.done $0x0  }
0x3a: {  	[sflag:s11] =	ssyncadd.s32 $0xFFFFEC00  }
0x3b: {  	_ =	swait.ge [sflag:s22], $0x1400  }
0x3c: {  	s30 =	simm.s32 $0x640;
	[sflag:s22] =	ssyncset.done $0x0  }
0x3d: {  	s31 =	simm.s32 $0xC80;
	s29 =	sadd.s32 $0xC80, s10;
	[sflag:s22] =	ssyncadd.s32 $0xFFFFEC00  }
0x3e: {  	[hbm4b:s6+s3] =	stream.linear.scatter [tilespmem:s17], [sflag:$0x6], $0x1400, $0x38;
	[tilespmem:$0x8B10] =	vst v63  }
0x3f: {  	s28 =	sadd.s32 $0xC80, s9;
	s24 =	sadd.s32 $0xC80, s6;
	_ =	swait.ge [sflag:s11], $0x1400  }
0x40: {  	s25 =	sadd.s32 $0xC80, s7;
	s26 =	sadd.s32 $0xC80, s8;
	[sflag:s11] =	ssyncset.done $0x0  }
.LBB2_2:
0x41: {  	s2 =	sshra.s32 s30, $0x2  }
0x42: {  	[sflag:s11] =	ssyncadd.s32 $0xFFFFEC00;
	s30 =	smov.u32 s31;
	s0 =	sadd.s32 $0x640, s31  }
0x43: {  	[tilespmem:s13], [sflag:$0x1] =	stream.indirect.gather [hbm4b:s1+s12], $0x40, s2, s12, $0xb8;
	[tilespmem:$0x8B10] =	vst v63  }
0x44: {  	p0 =	sne.s32 s31, $0x9600;
	s31 =	sadd.s32 $0x50, s2  }
0x45: {  	[tilespmem:s14], [sflag:$0x2] =	stream.indirect.gather [hbm4b:s1+s12], $0x40, s31, s12, $0xb8;
	[tilespmem:$0x8B10] =	vst v63  }
0x46: {  	s31 =	sadd.s32 $0xA0, s2  }
0x47: {  	[tilespmem:s15], [sflag:$0x3] =	stream.indirect.gather [hbm4b:s1+s12], $0x40, s31, s12, $0xb8;
	[tilespmem:$0x8B10] =	vst v63  }
0x48: {  	s31 =	sadd.s32 $0xF0, s2  }
0x49: {  	[tilespmem:s16], [sflag:$0x4] =	stream.indirect.gather [hbm4b:s1+s12], $0x40, s31, s12, $0xb8;
	[tilespmem:$0x8B10] =	vst v63  }
0x4a: {  	s2 =	sadd.s32 $0x140, s2  }
0x4b: {  	[tilespmem:s17], [sflag:$0x5] =	stream.indirect.gather [hbm4b:s1+s12], $0x40, s2, s12, $0xb8;
	[tilespmem:$0x8B10] =	vst v63  }
0x4c: {  	_ =	swait.ge [sflag:s18], $0x1400  }
0x4d: {  	[sflag:s18] =	ssyncset.done $0x0  }
0x4e: {  	[sflag:s18] =	ssyncadd.s32 $0xFFFFEC00  }
0x4f: {  	[hbm4b:s29+s3] =	stream.linear.scatter [tilespmem:s13], [sflag:$0x6], $0x1400, $0x38;
	[tilespmem:$0x8B10] =	vst v63  }
0x50: {  	_ =	swait.ge [sflag:s11], $0x1400  }
0x51: {  	[sflag:s11] =	ssyncset.done $0x0  }
0x52: {  	[sflag:s11] =	ssyncadd.s32 $0xFFFFEC00  }
0x53: {  	_ =	swait.ge [sflag:s19], $0x1400  }
0x54: {  	[sflag:s19] =	ssyncset.done $0x0  }
0x55: {  	[sflag:s19] =	ssyncadd.s32 $0xFFFFEC00  }
0x56: {  	[hbm4b:s28+s3] =	stream.linear.scatter [tilespmem:s14], [sflag:$0x6], $0x1400, $0x38;
	[tilespmem:$0x8B10] =	vst v63  }
0x57: {  	_ =	swait.ge [sflag:s11], $0x1400  }
0x58: {  	[sflag:s11] =	ssyncset.done $0x0  }
0x59: {  	[sflag:s11] =	ssyncadd.s32 $0xFFFFEC00  }
0x5a: {  	_ =	swait.ge [sflag:s20], $0x1400  }
0x5b: {  	[sflag:s20] =	ssyncset.done $0x0  }
0x5c: {  	[sflag:s20] =	ssyncadd.s32 $0xFFFFEC00  }
0x5d: {  	[hbm4b:s26+s3] =	stream.linear.scatter [tilespmem:s15], [sflag:$0x6], $0x1400, $0x38;
	[tilespmem:$0x8B10] =	vst v63  }
0x5e: {  	_ =	swait.ge [sflag:s11], $0x1400  }
0x5f: {  	[sflag:s11] =	ssyncset.done $0x0  }
0x60: {  	[sflag:s11] =	ssyncadd.s32 $0xFFFFEC00  }
0x61: {  	_ =	swait.ge [sflag:s21], $0x1400  }
0x62: {  	[sflag:s21] =	ssyncset.done $0x0  }
0x63: {  	[sflag:s21] =	ssyncadd.s32 $0xFFFFEC00  }
0x64: {  	[hbm4b:s25+s3] =	stream.linear.scatter [tilespmem:s16], [sflag:$0x6], $0x1400, $0x38;
	[tilespmem:$0x8B10] =	vst v63  }
0x65: {  	_ =	swait.ge [sflag:s11], $0x1400  }
0x66: {  	[sflag:s11] =	ssyncset.done $0x0  }
0x67: {  	[sflag:s11] =	ssyncadd.s32 $0xFFFFEC00  }
0x68: {  	_ =	swait.ge [sflag:s22], $0x1400  }
.Ltmp0:
0x69: {  	[sflag:s22] =	ssyncset.done $0x0;
	(pc) =	sbr.rel @p0 .LBB2_2-.Ltmp0, $4  }
0x6a: {  	s31 =	smov.u32 s0;
	s29 =	sadd.s32 $0xC80, s29;
	[sflag:s22] =	ssyncadd.s32 $0xFFFFEC00  }
0x6b: {  	[hbm4b:s24+s3] =	stream.linear.scatter [tilespmem:s17], [sflag:$0x6], $0x1400, $0x38;
	[tilespmem:$0x8B10] =	vst v63  }
0x6c: {  	s28 =	sadd.s32 $0xC80, s28;
	s26 =	sadd.s32 $0xC80, s26;
	_ =	swait.ge [sflag:s11], $0x1400  }
0x6d: {  	s25 =	sadd.s32 $0xC80, s25;
	s24 =	sadd.s32 $0xC80, s24;
	[sflag:s11] =	ssyncset.done $0x0  }
0x6e: {  	s0 =	sshra.s32 s30, $0x2;
	[sflag:s11] =	ssyncadd.s32 $0xFFFFEC00  }
0x6f: {  	[tilespmem:s13], [sflag:$0x1] =	stream.indirect.gather [hbm4b:s1+s12], $0x40, s0, s12, $0xb8;
	[tilespmem:$0x8B10] =	vst v63  }
0x70: {  	s2 =	sadd.s32 $0x50, s0  }
0x71: {  	[tilespmem:s14], [sflag:$0x2] =	stream.indirect.gather [hbm4b:s1+s12], $0x40, s2, s12, $0xb8;
	[tilespmem:$0x8B10] =	vst v63  }
0x72: {  	s30 =	sadd.s32 $0xA0, s0  }
0x73: {  	[tilespmem:s15], [sflag:$0x3] =	stream.indirect.gather [hbm4b:s1+s12], $0x40, s30, s12, $0xb8;
	[tilespmem:$0x8B10] =	vst v63  }
0x74: {  	s31 =	sadd.s32 $0xF0, s0  }
0x75: {  	[tilespmem:s16], [sflag:$0x4] =	stream.indirect.gather [hbm4b:s1+s12], $0x40, s31, s12, $0xb8;
	[tilespmem:$0x8B10] =	vst v63  }
0x76: {  	s0 =	sadd.s32 $0x140, s0  }
0x77: {  	[tilespmem:s17], [sflag:$0x5] =	stream.indirect.gather [hbm4b:s1+s12], $0x40, s0, s12, $0xb8;
	[tilespmem:$0x8B10] =	vst v63  }
0x78: {  	_ =	swait.ge [sflag:s18], $0x1400  }
0x79: {  	[sflag:s18] =	ssyncset.done $0x0  }
0x7a: {  	[sflag:s18] =	ssyncadd.s32 $0xFFFFEC00  }
0x7b: {  	[hbm4b:s29+s3] =	stream.linear.scatter [tilespmem:s13], [sflag:$0x6], $0x1400, $0x38;
	[tilespmem:$0x8B10] =	vst v63  }
0x7c: {  	_ =	swait.ge [sflag:s11], $0x1400  }
0x7d: {  	[sflag:s11] =	ssyncset.done $0x0  }
0x7e: {  	[sflag:s11] =	ssyncadd.s32 $0xFFFFEC00  }
0x7f: {  	_ =	swait.ge [sflag:s19], $0x1400  }
0x80: {  	[sflag:s19] =	ssyncset.done $0x0  }
0x81: {  	[sflag:s19] =	ssyncadd.s32 $0xFFFFEC00  }
0x82: {  	[hbm4b:s28+s3] =	stream.linear.scatter [tilespmem:s14], [sflag:$0x6], $0x1400, $0x38;
	[tilespmem:$0x8B10] =	vst v63  }
0x83: {  	_ =	swait.ge [sflag:s11], $0x1400  }
0x84: {  	[sflag:s11] =	ssyncset.done $0x0  }
0x85: {  	[sflag:s11] =	ssyncadd.s32 $0xFFFFEC00  }
0x86: {  	_ =	swait.ge [sflag:s20], $0x1400  }
0x87: {  	[sflag:s20] =	ssyncset.done $0x0  }
0x88: {  	[sflag:s20] =	ssyncadd.s32 $0xFFFFEC00  }
0x89: {  	[hbm4b:s26+s3] =	stream.linear.scatter [tilespmem:s15], [sflag:$0x6], $0x1400, $0x38;
	[tilespmem:$0x8B10] =	vst v63  }
0x8a: {  	_ =	swait.ge [sflag:s11], $0x1400  }
0x8b: {  	[sflag:s11] =	ssyncset.done $0x0  }
0x8c: {  	[sflag:s11] =	ssyncadd.s32 $0xFFFFEC00  }
0x8d: {  	_ =	swait.ge [sflag:s21], $0x1400  }
0x8e: {  	[sflag:s21] =	ssyncset.done $0x0  }
0x8f: {  	[sflag:s21] =	ssyncadd.s32 $0xFFFFEC00  }
0x90: {  	[hbm4b:s25+s3] =	stream.linear.scatter [tilespmem:s16], [sflag:$0x6], $0x1400, $0x38;
	[tilespmem:$0x8B10] =	vst v63  }
0x91: {  	_ =	swait.ge [sflag:s11], $0x1400  }
0x92: {  	[sflag:s11] =	ssyncset.done $0x0  }
0x93: {  	[sflag:s11] =	ssyncadd.s32 $0xFFFFEC00  }
0x94: {  	s23 =	sadd.s32 $0x1, s23;
	_ =	swait.ge [sflag:s22], $0x1400  }
0x95: {  	p0 =	sne.s32 s23, s5;
	[sflag:s22] =	ssyncset.done $0x0  }
.Ltmp1:
0x96: {  	[sflag:s22] =	ssyncadd.s32 $0xFFFFEC00;
	(pc) =	sbr.rel @p0 .LBB2_1-.Ltmp1, $4  }
0x97: {  	[hbm4b:s24+s3] =	stream.linear.scatter [tilespmem:s17], [sflag:$0x6], $0x1400, $0x38;
	[tilespmem:$0x8B10] =	vst v63  }
0x98: {  	_ =	swait.ge [sflag:s11], $0x1400  }
0x99: {  	[sflag:s11] =	ssyncset.done $0x0  }
0x9a: {  	[sflag:s11] =	ssyncadd.s32 $0xFFFFEC00  }
0x9b: {  	_ =	sfence.sel $0x180000  }
0x9c: {  	[bflag:$0x0] =	sbarrier.arrive $0xFFFF  }
0x9d: {  	_ =	strace $0x9000004D  }
0x9e: {  	s0 =	stileid.u32;
	[bflag:$0x2] =	sbarrier.arrive $0xFFFF  }
0x9f: {  	p0 =	sne.s32 s0, $0x0;
	s0 =	rddreg [dreg:$0x3]  }
0xa0: {  	s0 =	sadd.s32 @!p0 $0x100000, s0  }
0xa1: {  	[sflag:s0] =	ssyncadd.tile.s32 @!p0 $0x1;
	_ =	shalt  }
.Lfunc_end2:
_tile_overlayer_lowered:
.L_overlay_start_2:
0xa2: {  	(tag) =	ssettag $0x2  }
0xa3: {  	s0 =	rddreg [dreg:$0x0];
	s2 =	stileid.u32  }
0xa4: {  	s1 =	rddreg [dreg:$0x1];
	p0 =	sne.s32 s2, $0x0  }
0xa5: {  	s3 =	rddreg [dreg:$0x2];
	[bflag:$0x3] =	sbarrier.arrive $0xFFFF;
	s2 =	simm.s32 @!p0 $0x1C06  }
0xa6: {  	[timem:s3], [sflag:s2] =	dma.local @!p0 [hbm:s0], s1  }
0xa7: {  	s0 =	simm.s32 @!p0 $0x6  }
0xa8: {  	_ =	swait.ge @!p0 [sflag:s0], s1  }
0xa9: {  	s1 =	ssub.s32 @!p0 $0x0, s1;
	[sflag:s0] =	ssyncset.done @!p0 $0x0  }
0xaa: {  	[sflag:s0] =	ssyncadd.s32 @!p0 s1  }
0xab: {  	[bflag:$0x3] =	sbarrier.arrive $0xFFFF  }
0xac: {  	_ =	shalt  }

// kernel: kernel.19.cloned.1.call-start
scs
__scs_entry_jumppad:
0x0: {  	(pc) =	sbr.rel $0x88, $3  }
0x1: {  	(tag) =	ssettag $0x0;
	lr =	simm.s32 $0x1  }
0x2: {  	[smem:$0x3F99] =	sst lr;
	_ =	strace $0xD0000000  }
0x3: {  	_ = 	snop  }
0x4: {  	_ = 	snop  }
0x5: {  	_ = 	snop  }
0x6: {  	_ = 	snop  }
0x7: {  	_ = 	snop  }
__scs_overlays_trampoline_lowered:
0x8: {  	[smem:$0x3FA8] =	sst s0  }
0x9: {  	[smem:$0x3FA9] =	sst s1  }
0xa: {  	[smem:$0x3FAA] =	sst s2  }
0xb: {  	[smem:$0x3FAB] =	sst s3  }
0xc: {  	[smem:$0x3FAC] =	sst s4  }
0xd: {  	[smem:$0x3FAD] =	sst s5  }
0xe: {  	[smem:$0x3FAE] =	sst s6  }
0xf: {  	[smem:$0x3FAF] =	sst s7  }
0x10: {  	[smem:$0x3FB0] =	sst s8  }
0x11: {  	[smem:$0x3FB1] =	sst s9;
	s0 =	simm.s32 @!p0 $0x0  }
0x12: {  	s1 =	sld [smem:$0x3F97];
	s0 =	simm.s32 @p0 $0x1  }
0x13: {  	[smem:$0x3FB2] =	sst s0;
	s0 =	simm.s32 @!p1 $0x0  }
0x14: {  	s2 =	sld [smem:$0x3F96];
	s0 =	simm.s32 @p1 $0x1  }
0x15: {  	[smem:$0x3FB3] =	sst s0;
	s0 =	simm.s32 @!p2 $0x0  }
0x16: {  	s3 =	sld [smem:$0x3FDB];
	s0 =	simm.s32 @p2 $0x1  }
0x17: {  	s4 =	simm.s32 $0x1BF5;
	[smem:$0x3FB5] =	sst s0  }
0x18: {  	s0 =	sld [smem:$0x3F98];
	_ =	swait.ge [sflag:s4], $0x0  }
0x19: {  	s7 =	sld [smem:$0x3F99]  }
0x1a: {  	s8 =	sadd.s32 $0xFFFFE003, lr  }
0x1b: {  	s9 =	sadd.s32 $0xFFFFFEF7, lr;
	s5 =	simm.s32 $0xFFFFFFFF;
	p2 =	slt.u32 s8, $0xFFFFF086  }
0x1c: {  	p1 =	slt.u32 s9, $0xF7A;
	s5 =	simm.s32 @!p2 $0x0  }
0x1d: {  	s5 =	simm.s32 @p1 $0x1;
	p0 =	seq.s32 s7, s2  }
0x1e: {  	s7 =	smul.u32 @!p0 $0xF7A, s2;
	p2 =	seq.s32 @!p0 s5, $0x0  }
0x1f: {  	s9 =	smul.u32 $0xF7A, s1;
	s8 =	simm.s32 @!p0 $0x1BF5;
	p2 =	por !p2, p0  }
0x20: {  	[sflag:s8] =	ssyncset.s32 @!p0 $0xFFFFF086;
	s6 =	sadd.s32 @!p0 s3, s7;
	s7 =	simm.s32 @!p0 $0x108  }
0x21: {  	s3 =	sadd.s32 s3, s9;
	s6 =	sadd.s32 @!p0 $0x88, s6;
	s7 =	simm.s32 @p2 $0x1082  }
0x22: {  	[simem:s7], [sflag:s8] =	dma.local @!p0 [hbm:s6], $0xF7A  }
0x23: {  	s9 =	sor.u32 $0xD0000000, s2;
	s6 =	simm.s32 $0x108;
	_ =	swait.ge @!p0 [sflag:s8], $0x0  }
0x24: {  	s3 =	sadd.s32 $0x88, s3;
	s6 =	simm.s32 @!p1 $0x1082;
	[sflag:s4] =	ssyncset.s32 $0xFFFFF086  }
0x25: {  	[simem:s6], [sflag:s4] =	dma.local [hbm:s3], $0xF7A  }
0x26: {  	[smem:$0x3F99] =	sst s1;
	(tag) =	ssettag s2;
	_ =	strace s9  }
0x27: {  	s1 =	sld [smem:$0x3FA9]  }
0x28: {  	s2 =	sld [smem:$0x3FAA]  }
0x29: {  	s4 =	sld [smem:$0x3FAC]  }
0x2a: {  	p0 =	seq.s32 s5, $0x0;
	s5 =	sld [smem:$0x3FAD]  }
0x2b: {  	s6 =	sld [smem:$0x3FAE]  }
0x2c: {  	s7 =	sld [smem:$0x3FAF]  }
0x2d: {  	s3 =	simm.s32 $0x108;
	s8 =	sld [smem:$0x3FB0]  }
0x2e: {  	s3 =	simm.s32 @!p0 $0x1082;
	s9 =	sld [smem:$0x3FB1]  }
0x2f: {  	lr =	sadd.s32 s0, s3;
	s0 =	sld [smem:$0x3FA8]  }
0x30: {  	s3 =	sld [smem:$0x3FAB]  }
0x31: {  	[smem:$0x3FB4] =	sst s10  }
0x32: {  	s10 =	sld [smem:$0x3FB2];
	_ =	sdelay $0x3  }
0x33: {  	p0 =	seq.s32 s10, $0x1;
	s10 =	sld [smem:$0x3FB4];
	_ =	sdelay $0x3  }
0x34: {  	[smem:$0x3FB4] =	sst s10  }
0x35: {  	s10 =	sld [smem:$0x3FB3];
	_ =	sdelay $0x3  }
0x36: {  	p1 =	seq.s32 s10, $0x1;
	s10 =	sld [smem:$0x3FB4];
	_ =	sdelay $0x3  }
0x37: {  	[smem:$0x3FB4] =	sst s10  }
0x38: {  	s10 =	sld [smem:$0x3FB5]  }
0x39: {  	_ = 	snop;
	(pc) =	sbr.ind lr, $3  }
0x3a: {  	_ = 	snop  }
0x3b: {  	_ = 	snop  }
0x3c: {  	p2 =	seq.s32 s10, $0x1;
	s10 =	sld [smem:$0x3FB4]  }
0x3d: {  	_ =	shalt  }
0x3e: {  	_ =	shalt  }
0x3f: {  	_ =	shalt  }
0x40: {  	_ =	shalt  }
0x41: {  	_ =	shalt  }
0x42: {  	_ =	shalt  }
0x43: {  	_ =	shalt  }
0x44: {  	_ =	shalt  }
0x45: {  	_ =	shalt  }
0x46: {  	_ =	shalt  }
0x47: {  	_ =	shalt  }
0x48: {  	_ =	shalt  }
0x49: {  	_ =	shalt  }
0x4a: {  	_ =	shalt  }
0x4b: {  	_ =	shalt  }
0x4c: {  	_ =	shalt  }
0x4d: {  	_ =	shalt  }
0x4e: {  	_ =	shalt  }
0x4f: {  	_ =	shalt  }
0x50: {  	_ =	shalt  }
0x51: {  	_ =	shalt  }
0x52: {  	_ =	shalt  }
0x53: {  	_ =	shalt  }
0x54: {  	_ =	shalt  }
0x55: {  	_ =	shalt  }
0x56: {  	_ =	shalt  }
0x57: {  	_ =	shalt  }
0x58: {  	_ =	shalt  }
0x59: {  	_ =	shalt  }
0x5a: {  	_ =	shalt  }
0x5b: {  	_ =	shalt  }
0x5c: {  	_ =	shalt  }
0x5d: {  	_ =	shalt  }
0x5e: {  	_ =	shalt  }
0x5f: {  	_ =	shalt  }
0x60: {  	_ =	shalt  }
0x61: {  	_ =	shalt  }
0x62: {  	_ =	shalt  }
0x63: {  	_ =	shalt  }
0x64: {  	_ =	shalt  }
0x65: {  	_ =	shalt  }
0x66: {  	_ =	shalt  }
0x67: {  	_ =	shalt  }
0x68: {  	_ =	shalt  }
0x69: {  	_ =	shalt  }
0x6a: {  	_ =	shalt  }
0x6b: {  	_ =	shalt  }
0x6c: {  	_ =	shalt  }
0x6d: {  	_ =	shalt  }
0x6e: {  	_ =	shalt  }
0x6f: {  	_ =	shalt  }
0x70: {  	_ =	shalt  }
0x71: {  	_ =	shalt  }
0x72: {  	_ =	shalt  }
0x73: {  	_ =	shalt  }
0x74: {  	_ =	shalt  }
0x75: {  	_ =	shalt  }
0x76: {  	_ =	shalt  }
0x77: {  	_ =	shalt  }
0x78: {  	_ =	shalt  }
0x79: {  	_ =	shalt  }
0x7a: {  	_ =	shalt  }
0x7b: {  	_ =	shalt  }
0x7c: {  	_ =	shalt  }
0x7d: {  	_ =	shalt  }
0x7e: {  	_ =	shalt  }
0x7f: {  	_ =	shalt  }
0x80: {  	_ =	shalt  }
0x81: {  	_ =	shalt  }
0x82: {  	_ =	shalt  }
0x83: {  	_ =	shalt  }
0x84: {  	_ =	shalt  }
0x85: {  	_ =	shalt  }
0x86: {  	_ =	shalt  }
0x87: {  	_ =	shalt  }
.Lfunc_end0:
.L_simem_size_0:
called_computation.4_lowered:
.L_overlay_start_0:
0x88: {  	s2 =	sld [smem:$0x3FD9]  }
0x89: {  	s3 =	sld [smem:$0x3FFE];
	_ =	sdelay $0x1  }
0x8a: {  	s1 =	srdreg.scid  }
0x8b: {  	s0 =	sand.u32 $0x1, s1  }
0x8c: {  	s15 =	sshll.u32 s0, $0xA;
	s2 =	sadd.s32 s3, s2  }
0x8d: {  	s2 =	sadd.s32 s2, s15  }
0x8e: {  	[smem:$0x3FC0] =	sst s2  }
0x8f: {  	_ = 	snop  }
0x90: {  	s2 =	sld [smem:$0x3FD0];
	_ =	sdelay $0x2  }
0x91: {  	s16 =	simm.s32 $0xA;
	s4 =	simm.s32 $0x10  }
0x92: {  	[smem:s4], [sflag:s16] =	dma.local [hbm:s2], $0x1  }
0x93: {  	_ =	swait.eq [sflag:s16], $0x1  }
0x94: {  	s17 =	sld [smem:$0x11];
	[sflag:s16] =	ssyncset.done $0x0  }
0x95: {  	s18 =	sld [smem:$0x12];
	[sflag:s16] =	ssyncadd.s32 $0xFFFFFFFF  }
0x96: {  	s19 =	sld [smem:$0x14];
	(tm) =	ssettm $0x1  }
0x97: {  	s5 =	sld [smem:$0x3FFB];
	_ =	sdelay $0x3  }
0x98: {  	_ =	strace s5  }
0x99: {  	s5 =	sld [smem:$0x3FFC];
	_ =	sdelay $0x3  }
0x9a: {  	_ =	strace s5  }
0x9b: {  	s5 =	sld [smem:$0x3FFD];
	_ =	sdelay $0x3  }
0x9c: {  	_ =	strace s5  }
0x9d: {  	_ =	strace $0x8FFFFFFF  }
0x9e: {  	s20 =	sld [smem:$0x3FDB];
	_ =	sdelay $0x1  }
0x9f: {  	s6 =	simm.s32 $_scs_section_size  }
0xa0: {  	s7 =	simm.s32 $_size__tile_overlayer_lowered;
	s8 =	simm.s32 $_tile_overlayer_lowered  }
0xa1: {  	s23 =	simm.s32 $0x1BFF;
	s22 =	sshll.u32 s8, $0x1;
	s5 =	sadd.s32 s6, s20  }
0xa2: {  	s9 =	simm.s32 $0x0;
	s21 =	sshll.u32 s7, $0x1;
	s7 =	sadd.s32 s22, s5  }
0xa3: {  	[timem:s9], [sflag:s23] =	dma.local [hbm:s7], s21  }
0xa4: {  	_ =	swait.ge [sflag:s23], s21  }
0xa5: {  	s6 =	ssub.s32 $0x0, s21;
	[sflag:s23] =	ssyncset.done $0x0  }
0xa6: {  	[sflag:s23] =	ssyncadd.s32 s6;
	_ =	sdelay $0x1  }
0xa7: {  	s24 =	simm.s32 $0x1B8B  }
0xa8: {  	_ =	swait.ge [sflag:s24], $0x1  }
0xa9: {  	[sflag:s24] =	ssyncset.done $0x0  }
0xaa: {  	s25 =	simm.s32 $0x1B8E;
	[sflag:s24] =	ssyncadd.s32 $0xFFFFFFFF  }
0xab: {  	s26 =	simm.s32 $execute0_lowered;
	[smem:$0x3FD2] =	sst s25  }
0xac: {  	s6 =	sshll.u32 s26, $0x1;
	_ =	strace $0x8000004F;
	[dreg:$0x1] =	wrdreg $0xFFFFFFFF  }
0xad: {  	s28 =	simm.s32 $_size_execute0_lowered;
	s5 =	sadd.s32 s5, s6;
	[dreg:$0x0] =	wrdreg $0x0  }
0xae: {  	s6 =	sshll.u32 s28, $0x1;
	[dreg:$0x2] =	wrdreg s5  }
0xaf: {  	[dreg:$0x3] =	wrdreg s6  }
0xb0: {  	[dreg:$0x4] =	wrdreg $0xC0  }
0xb1: {  	_ =	task [dreg:s9], $0x5FFFF  }
0xb2: {  	[dreg:$0x1] =	wrdreg $0xFFFFFFFF  }
0xb3: {  	[dreg:$0x0] =	wrdreg $0x60  }
0xb4: {  	[dreg:$0x2] =	wrdreg s18  }
0xb5: {  	[dreg:$0x3] =	wrdreg s19  }
0xb6: {  	[dreg:$0x4] =	wrdreg s17  }
0xb7: {  	[dreg:$0x5] =	wrdreg $0x9  }
0xb8: {  	_ =	task.clear_ibuf [dreg:s9], $0x6FFFF;
	_ =	strace $0x9000004F  }
0xb9: {  	s29 =	simm.s32 $0x9;
	_ =	strace $0x80000051  }
0xba: {  	_ =	swait.ge [sflag:s29], $0x1  }
0xbb: {  	[sflag:s29] =	ssyncadd.s32 $0xFFFFFFFF  }
0xbc: {  	_ =	strace $0x90000051  }
0xbd: {  	_ =	sfence  }
0xbe: {  	s30 =	sld [smem:$0x0];
	_ =	sdelay $0x2  }
0xbf: {  	s31 =	sshll.u32 s1, $0xD;
	s1 =	sshrl.u32 s1, $0x2  }
0xc0: {  	s3 =	sand.u32 $0x4000, s31;
	s1 =	sadd.s32 s1, s30  }
0xc1: {  	s0 =	sor.u32 s3, s0;
	s1 =	sshll.u32 s1, $0x11  }
0xc2: {  	s0 =	sor.u32 s1, s0  }
0xc3: {  	s0 =	sadd.s32 $0x8F2B, s0  }
0xc4: {  	[sflag:s0] =	ssyncadd.remote.s32 $0x1  }
0xc5: {  	_ =	sfence.sel $0xFFFF  }
0xc6: {  	[dreg:$0x0] =	wrdreg $0xFFFFFFFF;
	(pc) =	sbr.abs _section_cstart, $3  }
0xc7: {  	[dreg:$0x1] =	wrdreg $0xFFFFFFFF  }
0xc8: {  	_ =	task.clear_ibuf [dreg:s9], $0x2FFFF;
	_ =	strace $0x9FFFFFFF  }
0xc9: {  	(tm) =	ssettm $0x7FFFFFFF  }
tec
execute0_lowered:
.L_overlay_start_1:
0x0: {  	(tag) =	ssettag $0x1  }
0x1: {  	s1 =	rddreg [dreg:$0x0]  }
0x2: {  	s0 =	rddreg [dreg:$0x1]  }
0x3: {  	s9 =	rddreg [dreg:$0x2]  }
0x4: {  	s3 =	srdreg.scid;
	s2 =	stileid.u32  }
0x5: {  	s12 =	simm.s32 $0x50;
	s13 =	simm.s32 $0x2710;
	s14 =	simm.s32 $0x3B10  }
0x6: {  	s15 =	simm.s32 $0x4F10;
	s16 =	simm.s32 $0x6310;
	s17 =	simm.s32 $0x7710  }
0x7: {  	s18 =	simm.s32 $0x1;
	s19 =	simm.s32 $0x2;
	s20 =	simm.s32 $0x3  }
0x8: {  	s21 =	simm.s32 $0x4;
	s22 =	simm.s32 $0x5;
	s5 =	smul.u32 $0x4E20, s2  }
0x9: {  	s23 =	simm.s32 $0x0;
	s7 =	sand.u32 $0x1, s3;
	s31 =	smul.u32 $0x27100, s2  }
0xa: {  	s4 =	sshll.u32 s2, $0x1;
	s3 =	simm.s32 $0x0;
	s6 =	smul.u32 $0x2710, s7  }
0xb: {  	s4 =	sor.u32 s7, s4;
	s8 =	ssub.s32 $0x2, s7;
	s11 =	smul.u32 $0x13880, s7  }
0xc: {  	[smem:$0x7FF] =	sst s3;
	s4 =	smul.u32 $0x2710, s4;
	s10 =	sshrl.u32 s8, $0x1  }
0xd: {  	_ =	strace $0x80000050;
	s5 =	sadd.s32 s6, s5;
	s29 =	ssub.s32 s8, s10  }
0xe: {  	s10 =	sadd.s32 s31, s9;
	s4 =	sshrl.u32 s4, $0x3;
	s5 =	sshll.u32 s5, $0x3  }
0xf: {  	s10 =	sadd.s32 s11, s10;
	s11 =	simm.s32 $0x6;
	s30 =	sadd.s32 s9, s5  }
0x10: {  	s4 =	sadd.s32 s0, s4;
	s5 =	smax.u32 s29, $0x1;
	s6 =	sadd.s32 $0xA00, s30  }
0x11: {  	s7 =	sadd.s32 $0x780, s30;
	s8 =	sadd.s32 $0x500, s30;
	s9 =	sadd.s32 $0x280, s30  }
.LBB2_1:
0x12: {  	[tilespmem:s3], [sflag:$0x6] =	stream.linear.gather [hbm4b:s4+s3], $0x2710, $0x38;
	[tilespmem:$0x8B10] =	vst v63  }
0x13: {  	_ =	swait.ge [sflag:s11], $0x2710  }
0x14: {  	[sflag:s11] =	ssyncset.done $0x0  }
0x15: {  	s0 =	simm.s32 $0x0;
	[sflag:s11] =	ssyncadd.s32 $0xFFFFD8F0  }
0x16: {  	[tilespmem:s13], [sflag:$0x1] =	stream.indirect.gather [hbm4b:s1+s12], $0x40, s0, s12, $0xb8;
	[tilespmem:$0x8B10] =	vst v63  }
0x17: {  	s2 =	simm.s32 $0x50  }
0x18: {  	[tilespmem:s14], [sflag:$0x2] =	stream.indirect.gather [hbm4b:s1+s12], $0x40, s2, s12, $0xb8;
	[tilespmem:$0x8B10] =	vst v63  }
0x19: {  	s24 =	simm.s32 $0xA0  }
0x1a: {  	[tilespmem:s15], [sflag:$0x3] =	stream.indirect.gather [hbm4b:s1+s12], $0x40, s24, s12, $0xb8;
	[tilespmem:$0x8B10] =	vst v63  }
0x1b: {  	s25 =	simm.s32 $0xF0  }
0x1c: {  	[tilespmem:s16], [sflag:$0x4] =	stream.indirect.gather [hbm4b:s1+s12], $0x40, s25, s12, $0xb8;
	[tilespmem:$0x8B10] =	vst v63  }
0x1d: {  	s26 =	simm.s32 $0x140  }
0x1e: {  	[tilespmem:s17], [sflag:$0x5] =	stream.indirect.gather [hbm4b:s1+s12], $0x40, s26, s12, $0xb8;
	[tilespmem:$0x8B10] =	vst v63  }
0x1f: {  	_ =	swait.ge [sflag:s18], $0x1400  }
0x20: {  	[sflag:s18] =	ssyncset.done $0x0  }
0x21: {  	[sflag:s18] =	ssyncadd.s32 $0xFFFFEC00  }
0x22: {  	[hbm4b:s10+s3] =	stream.linear.scatter [tilespmem:s13], [sflag:$0x6], $0x1400, $0x38;
	[tilespmem:$0x8B10] =	vst v63  }
0x23: {  	_ =	swait.ge [sflag:s11], $0x1400  }
0x24: {  	[sflag:s11] =	ssyncset.done $0x0  }
0x25: {  	[sflag:s11] =	ssyncadd.s32 $0xFFFFEC00  }
0x26: {  	_ =	swait.ge [sflag:s19], $0x1400  }
0x27: {  	[sflag:s19] =	ssyncset.done $0x0  }
0x28: {  	[sflag:s19] =	ssyncadd.s32 $0xFFFFEC00  }
0x29: {  	[hbm4b:s9+s3] =	stream.linear.scatter [tilespmem:s14], [sflag:$0x6], $0x1400, $0x38;
	[tilespmem:$0x8B10] =	vst v63  }
0x2a: {  	_ =	swait.ge [sflag:s11], $0x1400  }
0x2b: {  	[sflag:s11] =	ssyncset.done $0x0  }
0x2c: {  	[sflag:s11] =	ssyncadd.s32 $0xFFFFEC00  }
0x2d: {  	_ =	swait.ge [sflag:s20], $0x1400  }
0x2e: {  	[sflag:s20] =	ssyncset.done $0x0  }
0x2f: {  	[sflag:s20] =	ssyncadd.s32 $0xFFFFEC00  }
0x30: {  	[hbm4b:s8+s3] =	stream.linear.scatter [tilespmem:s15], [sflag:$0x6], $0x1400, $0x38;
	[tilespmem:$0x8B10] =	vst v63  }
0x31: {  	_ =	swait.ge [sflag:s11], $0x1400  }
0x32: {  	[sflag:s11] =	ssyncset.done $0x0  }
0x33: {  	[sflag:s11] =	ssyncadd.s32 $0xFFFFEC00  }
0x34: {  	_ =	swait.ge [sflag:s21], $0x1400  }
0x35: {  	[sflag:s21] =	ssyncset.done $0x0  }
0x36: {  	[sflag:s21] =	ssyncadd.s32 $0xFFFFEC00  }
0x37: {  	[hbm4b:s7+s3] =	stream.linear.scatter [tilespmem:s16], [sflag:$0x6], $0x1400, $0x38;
	[tilespmem:$0x8B10] =	vst v63  }
0x38: {  	_ =	swait.ge [sflag:s11], $0x1400  }
0x39: {  	[sflag:s11] =	ssyncset.done $0x0  }
0x3a: {  	[sflag:s11] =	ssyncadd.s32 $0xFFFFEC00  }
0x3b: {  	_ =	swait.ge [sflag:s22], $0x1400  }
0x3c: {  	s30 =	simm.s32 $0x640;
	[sflag:s22] =	ssyncset.done $0x0  }
0x3d: {  	s31 =	simm.s32 $0xC80;
	s29 =	sadd.s32 $0xC80, s10;
	[sflag:s22] =	ssyncadd.s32 $0xFFFFEC00  }
0x3e: {  	[hbm4b:s6+s3] =	stream.linear.scatter [tilespmem:s17], [sflag:$0x6], $0x1400, $0x38;
	[tilespmem:$0x8B10] =	vst v63  }
0x3f: {  	s28 =	sadd.s32 $0xC80, s9;
	s24 =	sadd.s32 $0xC80, s6;
	_ =	swait.ge [sflag:s11], $0x1400  }
0x40: {  	s25 =	sadd.s32 $0xC80, s7;
	s26 =	sadd.s32 $0xC80, s8;
	[sflag:s11] =	ssyncset.done $0x0  }
.LBB2_2:
0x41: {  	s2 =	sshra.s32 s30, $0x2  }
0x42: {  	[sflag:s11] =	ssyncadd.s32 $0xFFFFEC00;
	s30 =	smov.u32 s31;
	s0 =	sadd.s32 $0x640, s31  }
0x43: {  	[tilespmem:s13], [sflag:$0x1] =	stream.indirect.gather [hbm4b:s1+s12], $0x40, s2, s12, $0xb8;
	[tilespmem:$0x8B10] =	vst v63  }
0x44: {  	p0 =	sne.s32 s31, $0x9600;
	s31 =	sadd.s32 $0x50, s2  }
0x45: {  	[tilespmem:s14], [sflag:$0x2] =	stream.indirect.gather [hbm4b:s1+s12], $0x40, s31, s12, $0xb8;
	[tilespmem:$0x8B10] =	vst v63  }
0x46: {  	s31 =	sadd.s32 $0xA0, s2  }
0x47: {  	[tilespmem:s15], [sflag:$0x3] =	stream.indirect.gather [hbm4b:s1+s12], $0x40, s31, s12, $0xb8;
	[tilespmem:$0x8B10] =	vst v63  }
0x48: {  	s31 =	sadd.s32 $0xF0, s2  }
0x49: {  	[tilespmem:s16], [sflag:$0x4] =	stream.indirect.gather [hbm4b:s1+s12], $0x40, s31, s12, $0xb8;
	[tilespmem:$0x8B10] =	vst v63  }
0x4a: {  	s2 =	sadd.s32 $0x140, s2  }
0x4b: {  	[tilespmem:s17], [sflag:$0x5] =	stream.indirect.gather [hbm4b:s1+s12], $0x40, s2, s12, $0xb8;
	[tilespmem:$0x8B10] =	vst v63  }
0x4c: {  	_ =	swait.ge [sflag:s18], $0x1400  }
0x4d: {  	[sflag:s18] =	ssyncset.done $0x0  }
0x4e: {  	[sflag:s18] =	ssyncadd.s32 $0xFFFFEC00  }
0x4f: {  	[hbm4b:s29+s3] =	stream.linear.scatter [tilespmem:s13], [sflag:$0x6], $0x1400, $0x38;
	[tilespmem:$0x8B10] =	vst v63  }
0x50: {  	_ =	swait.ge [sflag:s11], $0x1400  }
0x51: {  	[sflag:s11] =	ssyncset.done $0x0  }
0x52: {  	[sflag:s11] =	ssyncadd.s32 $0xFFFFEC00  }
0x53: {  	_ =	swait.ge [sflag:s19], $0x1400  }
0x54: {  	[sflag:s19] =	ssyncset.done $0x0  }
0x55: {  	[sflag:s19] =	ssyncadd.s32 $0xFFFFEC00  }
0x56: {  	[hbm4b:s28+s3] =	stream.linear.scatter [tilespmem:s14], [sflag:$0x6], $0x1400, $0x38;
	[tilespmem:$0x8B10] =	vst v63  }
0x57: {  	_ =	swait.ge [sflag:s11], $0x1400  }
0x58: {  	[sflag:s11] =	ssyncset.done $0x0  }
0x59: {  	[sflag:s11] =	ssyncadd.s32 $0xFFFFEC00  }
0x5a: {  	_ =	swait.ge [sflag:s20], $0x1400  }
0x5b: {  	[sflag:s20] =	ssyncset.done $0x0  }
0x5c: {  	[sflag:s20] =	ssyncadd.s32 $0xFFFFEC00  }
0x5d: {  	[hbm4b:s26+s3] =	stream.linear.scatter [tilespmem:s15], [sflag:$0x6], $0x1400, $0x38;
	[tilespmem:$0x8B10] =	vst v63  }
0x5e: {  	_ =	swait.ge [sflag:s11], $0x1400  }
0x5f: {  	[sflag:s11] =	ssyncset.done $0x0  }
0x60: {  	[sflag:s11] =	ssyncadd.s32 $0xFFFFEC00  }
0x61: {  	_ =	swait.ge [sflag:s21], $0x1400  }
0x62: {  	[sflag:s21] =	ssyncset.done $0x0  }
0x63: {  	[sflag:s21] =	ssyncadd.s32 $0xFFFFEC00  }
0x64: {  	[hbm4b:s25+s3] =	stream.linear.scatter [tilespmem:s16], [sflag:$0x6], $0x1400, $0x38;
	[tilespmem:$0x8B10] =	vst v63  }
0x65: {  	_ =	swait.ge [sflag:s11], $0x1400  }
0x66: {  	[sflag:s11] =	ssyncset.done $0x0  }
0x67: {  	[sflag:s11] =	ssyncadd.s32 $0xFFFFEC00  }
0x68: {  	_ =	swait.ge [sflag:s22], $0x1400  }
.Ltmp0:
0x69: {  	[sflag:s22] =	ssyncset.done $0x0;
	(pc) =	sbr.rel @p0 .LBB2_2-.Ltmp0, $4  }
0x6a: {  	s31 =	smov.u32 s0;
	s29 =	sadd.s32 $0xC80, s29;
	[sflag:s22] =	ssyncadd.s32 $0xFFFFEC00  }
0x6b: {  	[hbm4b:s24+s3] =	stream.linear.scatter [tilespmem:s17], [sflag:$0x6], $0x1400, $0x38;
	[tilespmem:$0x8B10] =	vst v63  }
0x6c: {  	s28 =	sadd.s32 $0xC80, s28;
	s26 =	sadd.s32 $0xC80, s26;
	_ =	swait.ge [sflag:s11], $0x1400  }
0x6d: {  	s25 =	sadd.s32 $0xC80, s25;
	s24 =	sadd.s32 $0xC80, s24;
	[sflag:s11] =	ssyncset.done $0x0  }
0x6e: {  	s0 =	sshra.s32 s30, $0x2;
	[sflag:s11] =	ssyncadd.s32 $0xFFFFEC00  }
0x6f: {  	[tilespmem:s13], [sflag:$0x1] =	stream.indirect.gather [hbm4b:s1+s12], $0x40, s0, s12, $0xb8;
	[tilespmem:$0x8B10] =	vst v63  }
0x70: {  	s2 =	sadd.s32 $0x50, s0  }
0x71: {  	[tilespmem:s14], [sflag:$0x2] =	stream.indirect.gather [hbm4b:s1+s12], $0x40, s2, s12, $0xb8;
	[tilespmem:$0x8B10] =	vst v63  }
0x72: {  	s30 =	sadd.s32 $0xA0, s0  }
0x73: {  	[tilespmem:s15], [sflag:$0x3] =	stream.indirect.gather [hbm4b:s1+s12], $0x40, s30, s12, $0xb8;
	[tilespmem:$0x8B10] =	vst v63  }
0x74: {  	s31 =	sadd.s32 $0xF0, s0  }
0x75: {  	[tilespmem:s16], [sflag:$0x4] =	stream.indirect.gather [hbm4b:s1+s12], $0x40, s31, s12, $0xb8;
	[tilespmem:$0x8B10] =	vst v63  }
0x76: {  	s0 =	sadd.s32 $0x140, s0  }
0x77: {  	[tilespmem:s17], [sflag:$0x5] =	stream.indirect.gather [hbm4b:s1+s12], $0x40, s0, s12, $0xb8;
	[tilespmem:$0x8B10] =	vst v63  }
0x78: {  	_ =	swait.ge [sflag:s18], $0x1400  }
0x79: {  	[sflag:s18] =	ssyncset.done $0x0  }
0x7a: {  	[sflag:s18] =	ssyncadd.s32 $0xFFFFEC00  }
0x7b: {  	[hbm4b:s29+s3] =	stream.linear.scatter [tilespmem:s13], [sflag:$0x6], $0x1400, $0x38;
	[tilespmem:$0x8B10] =	vst v63  }
0x7c: {  	_ =	swait.ge [sflag:s11], $0x1400  }
0x7d: {  	[sflag:s11] =	ssyncset.done $0x0  }
0x7e: {  	[sflag:s11] =	ssyncadd.s32 $0xFFFFEC00  }
0x7f: {  	_ =	swait.ge [sflag:s19], $0x1400  }
0x80: {  	[sflag:s19] =	ssyncset.done $0x0  }
0x81: {  	[sflag:s19] =	ssyncadd.s32 $0xFFFFEC00  }
0x82: {  	[hbm4b:s28+s3] =	stream.linear.scatter [tilespmem:s14], [sflag:$0x6], $0x1400, $0x38;
	[tilespmem:$0x8B10] =	vst v63  }
0x83: {  	_ =	swait.ge [sflag:s11], $0x1400  }
0x84: {  	[sflag:s11] =	ssyncset.done $0x0  }
0x85: {  	[sflag:s11] =	ssyncadd.s32 $0xFFFFEC00  }
0x86: {  	_ =	swait.ge [sflag:s20], $0x1400  }
0x87: {  	[sflag:s20] =	ssyncset.done $0x0  }
0x88: {  	[sflag:s20] =	ssyncadd.s32 $0xFFFFEC00  }
0x89: {  	[hbm4b:s26+s3] =	stream.linear.scatter [tilespmem:s15], [sflag:$0x6], $0x1400, $0x38;
	[tilespmem:$0x8B10] =	vst v63  }
0x8a: {  	_ =	swait.ge [sflag:s11], $0x1400  }
0x8b: {  	[sflag:s11] =	ssyncset.done $0x0  }
0x8c: {  	[sflag:s11] =	ssyncadd.s32 $0xFFFFEC00  }
0x8d: {  	_ =	swait.ge [sflag:s21], $0x1400  }
0x8e: {  	[sflag:s21] =	ssyncset.done $0x0  }
0x8f: {  	[sflag:s21] =	ssyncadd.s32 $0xFFFFEC00  }
0x90: {  	[hbm4b:s25+s3] =	stream.linear.scatter [tilespmem:s16], [sflag:$0x6], $0x1400, $0x38;
	[tilespmem:$0x8B10] =	vst v63  }
0x91: {  	_ =	swait.ge [sflag:s11], $0x1400  }
0x92: {  	[sflag:s11] =	ssyncset.done $0x0  }
0x93: {  	[sflag:s11] =	ssyncadd.s32 $0xFFFFEC00  }
0x94: {  	s23 =	sadd.s32 $0x1, s23;
	_ =	swait.ge [sflag:s22], $0x1400  }
0x95: {  	p0 =	sne.s32 s23, s5;
	[sflag:s22] =	ssyncset.done $0x0  }
.Ltmp1:
0x96: {  	[sflag:s22] =	ssyncadd.s32 $0xFFFFEC00;
	(pc) =	sbr.rel @p0 .LBB2_1-.Ltmp1, $4  }
0x97: {  	[hbm4b:s24+s3] =	stream.linear.scatter [tilespmem:s17], [sflag:$0x6], $0x1400, $0x38;
	[tilespmem:$0x8B10] =	vst v63  }
0x98: {  	_ =	swait.ge [sflag:s11], $0x1400  }
0x99: {  	[sflag:s11] =	ssyncset.done $0x0  }
0x9a: {  	[sflag:s11] =	ssyncadd.s32 $0xFFFFEC00  }
0x9b: {  	_ =	sfence.sel $0x180000  }
0x9c: {  	[bflag:$0x0] =	sbarrier.arrive $0xFFFF  }
0x9d: {  	_ =	strace $0x90000050  }
0x9e: {  	s0 =	stileid.u32;
	[bflag:$0x2] =	sbarrier.arrive $0xFFFF  }
0x9f: {  	p0 =	sne.s32 s0, $0x0;
	s0 =	rddreg [dreg:$0x3]  }
0xa0: {  	s0 =	sadd.s32 @!p0 $0x100000, s0  }
0xa1: {  	[sflag:s0] =	ssyncadd.tile.s32 @!p0 $0x1;
	_ =	shalt  }
.Lfunc_end2:
_tile_overlayer_lowered:
.L_overlay_start_2:
0xa2: {  	(tag) =	ssettag $0x2  }
0xa3: {  	s0 =	rddreg [dreg:$0x0];
	s2 =	stileid.u32  }
0xa4: {  	s1 =	rddreg [dreg:$0x1];
	p0 =	sne.s32 s2, $0x0  }
0xa5: {  	s3 =	rddreg [dreg:$0x2];
	[bflag:$0x3] =	sbarrier.arrive $0xFFFF;
	s2 =	simm.s32 @!p0 $0x1C06  }
0xa6: {  	[timem:s3], [sflag:s2] =	dma.local @!p0 [hbm:s0], s1  }
0xa7: {  	s0 =	simm.s32 @!p0 $0x6  }
0xa8: {  	_ =	swait.ge @!p0 [sflag:s0], s1  }
0xa9: {  	s1 =	ssub.s32 @!p0 $0x0, s1;
	[sflag:s0] =	ssyncset.done @!p0 $0x0  }
0xaa: {  	[sflag:s0] =	ssyncadd.s32 @!p0 s1  }
0xab: {  	[bflag:$0x3] =	sbarrier.arrive $0xFFFF  }
0xac: {  	_ =	shalt  }

// kernel: sparse-core-data-format-call.cloned.1.call-start
scs
called_computation_lowered:
.L_overlay_start_0:
0x0: {  	s2 =	sld [smem:$0x3FD9]  }
0x1: {  	s3 =	sld [smem:$0x3FFE];
	_ =	sdelay $0x1  }
0x2: {  	s1 =	srdreg.scid  }
0x3: {  	s0 =	sand.u32 $0x1, s1  }
0x4: {  	s15 =	sshll.u32 s0, $0xA;
	s2 =	sadd.s32 s3, s2  }
0x5: {  	s2 =	sadd.s32 s2, s15  }
0x6: {  	[smem:$0x3FC0] =	sst s2  }
0x7: {  	_ = 	snop  }
0x8: {  	s2 =	sld [smem:$0x3FD0];
	_ =	sdelay $0x2  }
0x9: {  	s16 =	simm.s32 $0xA;
	s4 =	simm.s32 $0x10  }
0xa: {  	[smem:s4], [sflag:s16] =	dma.local [hbm:s2], $0x1  }
0xb: {  	_ =	swait.eq [sflag:s16], $0x1  }
0xc: {  	[sflag:s16] =	ssyncset.done $0x0  }
0xd: {  	[sflag:s16] =	ssyncadd.s32 $0xFFFFFFFF  }
0xe: {  	s17 =	sld [smem:$0x11];
	(tm) =	ssettm $0x1  }
0xf: {  	s18 =	sld [smem:$0x3FFB];
	_ =	sdelay $0x3  }
0x10: {  	_ =	strace s18  }
0x11: {  	s3 =	sld [smem:$0x3FFC];
	_ =	sdelay $0x3  }
0x12: {  	_ =	strace s3  }
0x13: {  	s3 =	sld [smem:$0x3FFD];
	_ =	sdelay $0x3  }
0x14: {  	_ =	strace s3  }
0x15: {  	_ =	strace $0x8FFFFFFF  }
0x16: {  	s19 =	sld [smem:$0x3FDB];
	_ =	sdelay $0x1  }
0x17: {  	s20 =	simm.s32 $_scs_section_size  }
0x18: {  	s5 =	simm.s32 $_size__tile_overlayer_lowered;
	s6 =	simm.s32 $_tile_overlayer_lowered  }
0x19: {  	s23 =	simm.s32 $0x1BFF;
	s22 =	sshll.u32 s6, $0x1;
	s3 =	sadd.s32 s20, s19  }
0x1a: {  	s7 =	simm.s32 $0x0;
	s21 =	sshll.u32 s5, $0x1;
	s5 =	sadd.s32 s22, s3  }
0x1b: {  	[timem:s7], [sflag:s23] =	dma.local [hbm:s5], s21  }
0x1c: {  	_ =	swait.ge [sflag:s23], s21  }
0x1d: {  	s4 =	ssub.s32 $0x0, s21;
	[sflag:s23] =	ssyncset.done $0x0  }
0x1e: {  	[sflag:s23] =	ssyncadd.s32 s4;
	_ =	sdelay $0x1  }
0x1f: {  	s24 =	simm.s32 $0x1B8B  }
0x20: {  	_ =	swait.ge [sflag:s24], $0x1  }
0x21: {  	[sflag:s24] =	ssyncset.done $0x0  }
0x22: {  	s26 =	simm.s32 $0x1B8E;
	s25 =	sld [smem:$0x3FFE];
	[sflag:s24] =	ssyncadd.s32 $0xFFFFFFFF  }
0x23: {  	s27 =	simm.s32 $execute0_lowered;
	[smem:$0x3FD2] =	sst s26  }
0x24: {  	s5 =	sshll.u32 s27, $0x1;
	_ =	strace $0x80000052;
	[dreg:$0x1] =	wrdreg $0xFFFFFFFF  }
0x25: {  	s28 =	simm.s32 $_size_execute0_lowered;
	s3 =	sadd.s32 s3, s5;
	[dreg:$0x0] =	wrdreg $0x0  }
0x26: {  	s5 =	sshll.u32 s28, $0x1;
	[dreg:$0x2] =	wrdreg s3  }
0x27: {  	[dreg:$0x3] =	wrdreg s5  }
0x28: {  	[dreg:$0x4] =	wrdreg $0xC0  }
0x29: {  	_ =	task [dreg:s7], $0x5FFFF  }
0x2a: {  	[dreg:$0x1] =	wrdreg $0xFFFFFFFF  }
0x2b: {  	[dreg:$0x0] =	wrdreg $0x60  }
0x2c: {  	[dreg:$0x2] =	wrdreg s25  }
0x2d: {  	[dreg:$0x3] =	wrdreg s17  }
0x2e: {  	[dreg:$0x4] =	wrdreg $0x9  }
0x2f: {  	_ =	task.clear_ibuf [dreg:s7], $0x5FFFF;
	_ =	strace $0x90000052  }
0x30: {  	s29 =	simm.s32 $0x9;
	_ =	strace $0x80000054  }
0x31: {  	_ =	swait.ge [sflag:s29], $0x1  }
0x32: {  	[sflag:s29] =	ssyncadd.s32 $0xFFFFFFFF  }
0x33: {  	_ =	strace $0x90000054  }
0x34: {  	_ =	sfence  }
0x35: {  	s30 =	sld [smem:$0x0];
	_ =	sdelay $0x2  }
0x36: {  	s31 =	sshll.u32 s1, $0xD;
	s1 =	sshrl.u32 s1, $0x2  }
0x37: {  	s3 =	sand.u32 $0x4000, s31;
	s1 =	sadd.s32 s1, s30  }
0x38: {  	s0 =	sor.u32 s3, s0;
	s1 =	sshll.u32 s1, $0x11  }
0x39: {  	s0 =	sor.u32 s1, s0  }
0x3a: {  	s0 =	sadd.s32 $0x8F2B, s0  }
0x3b: {  	[sflag:s0] =	ssyncadd.remote.s32 $0x1  }
0x3c: {  	_ =	sfence.sel $0xFFFF  }
0x3d: {  	[dreg:$0x0] =	wrdreg $0xFFFFFFFF;
	(pc) =	sbr.abs _section_cstart, $3  }
0x3e: {  	[dreg:$0x1] =	wrdreg $0xFFFFFFFF  }
0x3f: {  	_ =	task.clear_ibuf [dreg:s7], $0x2FFFF;
	_ =	strace $0x9FFFFFFF  }
0x40: {  	(tm) =	ssettm $0x7FFFFFFF  }
0x41: {  	_ =	shalt  }
tec
execute0_lowered:
.L_overlay_start_1:
0x0: {  	(tag) =	ssettag $0x1  }
0x1: {  	s0 =	srdreg.scid;
	s5 =	rddreg [dreg:$0x0]  }
0x2: {  	s2 =	rddreg [dreg:$0x1];
	s1 =	stileid.u32;
	s4 =	simm.s32 $0x1  }
0x3: {  	s31 =	simm.s32 $0x2;
	s9 =	simm.s32 $0x0;
	s0 =	sshll.u32 s0, $0x4  }
.Ltmp0:
0x4: {  	p0 =	por $0x0, $0x0;
	s3 =	sand.u32 $0x10, s0;
	(pc) =	sbr.rel .LBB1_1-.Ltmp0, $4  }
0x5: {  	s10 =	simm.s32 $0x0;
	s8 =	simm.s32 $0x0;
	s3 =	sor.u32 s1, s3  }
0x6: {  	s0 =	rddreg [dreg:$0x2];
	_ =	strace $0x80000053;
	s6 =	sshll.u32 s3, $0x4  }
0x7: {  	s7 =	simm.s32 $0x0;
	[sflag:s4] =	ssyncpa.u1 $0x0;
	s5 =	sadd.s32 s6, s5  }
0x8: {  	[sflag:s31] =	ssyncpa.u1 $0x0;
	s6 =	simm.s32 $0x13C00;
	s5 =	sadd.s32 $0xEFE400, s5  }
.LBB1_5:
0x9: {  	s11 =	sadd.s32 $0x80, s8  }
0xa: {  	p1 =	slt.u32 s7, $0x2;
	s7 =	sadd.s32 $0x1, s7;
	p2 =	sgt.s32 s11, $0x270F  }
0xb: {  	s11 =	simm.s32 @p2 $0x0;
	p2 =	sne.s32 s7, $0x51  }
.Ltmp1:
0xc: {  	_ = 	snop;
	(pc) =	sbr.rel @!p2 .LBB1_6-.Ltmp1, $4  }
0xd: {  	s9 =	simm.s32 @!p1 $0x2  }
0xe: {  	_ =	swait.ge @!p1 [sflag:s9], $0x2000  }
0xf: {  	s10 =	smov.u32 s8;
	p0 =	por !p0, !p0;
	[sflag:s9] =	ssyncset.done @!p1 $0x0  }
0x10: {  	s8 =	smov.u32 s11;
	[sflag:s9] =	ssyncadd.s32 @!p1 $0xFFFFE000;
	s9 =	smov.u32 s3  }
.LBB1_1:
0x11: {  	p1 =	sgt.u32 s7, $0x4E  }
0x12: {  	p2 =	sgt.s32 @!p1 s8, $0x2690  }
0x13: {  	s11 =	smov.u32 s8;
	s12 =	sshra.s32 @!p1 s8, $0x1F;
	p2 =	por !p2, p1  }
0x14: {  	s12 =	sand.u32 @!p1 s12, s8;
	s11 =	simm.s32 @p2 $0x2690  }
0x15: {  	s11 =	ssub.s32 @!p1 s11, s12  }
0x16: {  	s13 =	sxor.u32 @!p1 $0xFFFFFFFF, s7;
	s11 =	sadd.s32 @!p1 $0xFFFFD970, s11  }
0x17: {  	s14 =	simm.s32 @!p1 $0x40;
	s15 =	simm.s32 @!p1 $0x1000;
	s12 =	sshll.u32 @!p1 s11, $0x6  }
0x18: {  	p2 =	sgt.s32 @!p1 s11, $0x7F;
	s11 =	ssub.s32 @!p1 $0x2000, s12;
	s12 =	sshll.u32 @!p1 s13, $0xD  }
0x19: {  	p2 =	por !p2, p1;
	s13 =	sshll.u32 @!p1 s8, $0x9;
	s11 =	sand.u32 @!p1 $0x3FFFFFC0, s11  }
0x1a: {  	s12 =	sand.u32 @!p1 $0x2000, s12;
	s13 =	sadd.s32 @!p1 s13, s5;
	s11 =	simm.s32 @!p2 $0x0  }
0x1b: {  	[tilespmem:s12], [sflag:$0x1] =	stream.strided.gather @!p1 [hbm4b:s13+s14], s11, s15, s14, $0x38;
	[tilespmem:$0x8080] =	vst v63  }
0x1c: {  	p1 =	seq.s32 s7, $0x0  }
0x1d: {  	p2 =	seq.s32 @!p1 s7, $0x50  }
0x1e: {  	p1 =	por p1, p2  }
.Ltmp2:
0x1f: {  	_ = 	snop;
	(pc) =	sbr.rel @p1 .LBB1_5-.Ltmp2, $1  }
0x20: {  	_ =	sdelay $0x3  }
0x21: {  	p1 =	sgt.s32 s10, $0x2690;
	s11 =	smov.u32 s10;
	s12 =	sshra.s32 s10, $0x1F  }
0x22: {  	s11 =	simm.s32 @!p1 $0x2690;
	s12 =	sand.u32 s12, s10  }
0x23: {  	s11 =	ssub.s32 s11, s12  }
0x24: {  	s11 =	sadd.s32 $0xFFFFD970, s11  }
0x25: {  	s28 =	sshll.u32 s11, $0x6  }
0x26: {  	s12 =	ssub.s32 $0x2000, s28  }
0x27: {  	p1 =	sgt.s32 s11, $0x7F;
	s11 =	sand.u32 $0x3FFFFFC0, s12  }
0x28: {  	s12 =	simm.s32 $0x1;
	s11 =	simm.s32 @p1 $0x0  }
0x29: {  	s12 =	simm.s32 @!p0 $0x0;
	_ =	swait.ge [sflag:s4], s11  }
0x2a: {  	s13 =	sshll.u32 s12, $0xD;
	s11 =	ssub.s32 $0x0, s11;
	[sflag:s4] =	ssyncset.done $0x0  }
0x2b: {  	s15 =	sor.u32 $0x20, s13;
	[sflag:s4] =	ssyncadd.s32 s11  }
0x2c: {  	s29 =	smul.u32 $0x8100, s12;
	v3 =	vld [tilespmem:s15+$0x10]  }
0x2d: {  	s30 =	sand.u32 $0x1, s7;
	v2 =	vld [tilespmem:s15+$0xFFFFFFF0]  }
0x2e: {  	s12 =	smul.u32 $0x8100, s30;
	s11 =	sshrl.u32 s29, $0x2;
	v0 =	vld [tilespmem:s15+$0x0]  }
0x2f: {  	s13 =	sor.u32 $0x4000, s11;
	v1 =	vld [tilespmem:s15+$0xFFFFFFE0]  }
0x30: {  	s31 =	sshrl.u32 s12, $0x2;
	s12 =	sadd.s32 $0x0, s13  }
0x31: {  	s14 =	simm.s32 $0x4;
	s11 =	sor.u32 $0x4000, s31;
	s15 =	sadd.s32 $0x40, s15;
	[tilespmem:s12+$0x1830 ss:$0x81] =	vst.msk $0xffff, v3  }
.LBB1_3:
0x32: {  	v3 =	vld [tilespmem:s15+$0x10];
	p1 =	sne.s32 s14, $0x1FC;
	[tilespmem:s12+$0x810 ss:$0x81] =	vst.msk $0xffff, v2;
	s16 =	smov.u32 s14;
	s14 =	sadd.s32 $0x4, s14  }
.Ltmp3:
0x33: {  	v2 =	vld [tilespmem:s15+$0xFFFFFFF0];
	[tilespmem:s12+$0x1020 ss:$0x81] =	vst.msk $0xffff, v0;
	(pc) =	sbr.rel @p1 .LBB1_3-.Ltmp3, $4  }
0x34: {  	v0 =	vld [tilespmem:s15+$0x0];
	[tilespmem:s12+$0x0 ss:$0x81] =	vst.msk $0xffff, v1  }
0x35: {  	s12 =	sshra.s32 s16, $0x2;
	v1 =	vld [tilespmem:s15+$0xFFFFFFE0]  }
0x36: {  	s12 =	sadd.s32 s12, s13  }
0x37: {  	s15 =	sadd.s32 $0x40, s15;
	[tilespmem:s12+$0x1830 ss:$0x81] =	vst.msk $0xffff, v3  }
0x38: {  	s13 =	sshll.u32 s10, $0x3  }
0x39: {  	s29 =	sand.u32 $0x7F, s10;
	s13 =	sand.u32 $0xFFFFFC00, s13  }
0x3a: {  	s10 =	sor.u32 s29, s13;
	s13 =	smulhi.u32 $0xCF6474A9, s13  }
0x3b: {  	s14 =	smulhi.u32 $0xCF6474A9, s10;
	_ =	sdelay $0x1  }
0x3c: {  	s9 =	smul.u32 $0x13C00, s9;
	s13 =	sshrl.u32 s13, $0xD;
	s14 =	sshrl.u32 s14, $0xD  }
0x3d: {  	s13 =	sand.u32 $0x3F, s13;
	s14 =	smul.u32 $0x2780, s14  }
0x3e: {  	s13 =	smul.u32 $0x4F0, s13  }
.Ltmp4:
0x3f: {  	s10 =	ssub.s32 s10, s14;
	(pc) =	sbr.rel .LBB1_5-.Ltmp4, $4  }
0x40: {  	[tilespmem:s12+$0x810 ss:$0x81] =	vst.msk $0xffff, v2;
	s9 =	sadd.s32 s2, s9;
	s14 =	sand.u32 $0x7, s10  }
0x41: {  	[tilespmem:s12+$0x1020 ss:$0x81] =	vst.msk $0xffff, v0;
	s9 =	sadd.s32 s13, s9;
	s10 =	sshrl.u32 s10, $0x3;
	s30 =	sshll.u32 s14, $0x12  }
0x42: {  	[tilespmem:s12+$0x0 ss:$0x81] =	vst.msk $0xffff, v1;
	s9 =	sadd.s32 s10, s9;
	s31 =	sor.u32 $0x400, s30  }
0x43: {  	[hbm4b:s9+s31] =	stream.strided.scatter [tilespmem:s11], [sflag:$0x2], $0x2000, s6, s31, $0x20;
	[tilespmem:$0x8080] =	vst v63  }
.LBB1_6:
0x44: {  	_ =	sfence.sel $0x180000  }
0x45: {  	s2 =	simm.s32 $0x1;
	[bflag:$0x0] =	sbarrier.arrive $0xFFFF  }
0x46: {  	s31 =	simm.s32 $0x2;
	[sflag:s2] =	ssyncpa.u1 $0x1  }
0x47: {  	[sflag:s31] =	ssyncpa.u1 $0x1  }
0x48: {  	p0 =	sne.s32 s1, $0x0;
	_ =	strace $0x90000053  }
0x49: {  	s0 =	sadd.s32 @!p0 $0x100000, s0;
	[bflag:$0x2] =	sbarrier.arrive $0xFFFF  }
0x4a: {  	[sflag:s0] =	ssyncadd.tile.s32 @!p0 $0x1;
	_ =	shalt  }
.Lfunc_end1:
_tile_overlayer_lowered:
.L_overlay_start_2:
0x4b: {  	(tag) =	ssettag $0x2  }
0x4c: {  	s0 =	rddreg [dreg:$0x0];
	s2 =	stileid.u32  }
0x4d: {  	s1 =	rddreg [dreg:$0x1];
	p0 =	sne.s32 s2, $0x0  }
0x4e: {  	s3 =	rddreg [dreg:$0x2];
	[bflag:$0x3] =	sbarrier.arrive $0xFFFF;
	s2 =	simm.s32 @!p0 $0x1C01  }
0x4f: {  	[timem:s3], [sflag:s2] =	dma.local @!p0 [hbm:s0], s1  }
0x50: {  	s0 =	simm.s32 @!p0 $0x1  }
0x51: {  	_ =	swait.ge @!p0 [sflag:s0], s1  }
0x52: {  	s1 =	ssub.s32 @!p0 $0x0, s1;
	[sflag:s0] =	ssyncset.done @!p0 $0x0  }
0x53: {  	[sflag:s0] =	ssyncadd.s32 @!p0 s1  }
0x54: {  	[bflag:$0x3] =	sbarrier.arrive $0xFFFF  }
0x55: {  	_ =	shalt  }

</sc_bundles>
